<compile_context>
chip_gen: v7x
topology: tpu7x:2x2x1
jax: 0.10.2.dev20260603
libtpu: 0.0.44.dev20260713+nightly
codegen_flags: <defaults>
</compile_context>

<pallas_src>
import functools

import jax
import jax.numpy as jnp
from jax import lax
from jax.experimental import pallas as pl
from jax.experimental.pallas import tpu as pltpu
from jax.experimental.pallas import tpu_sc as plsc

_NC = 2
_NS = 16
_NW = _NC * _NS
_IDX_CHUNK = 128
_CH = 64
_F = 256


def _sc_gather(table, idx3):
    nw, k, ck = idx3.shape
    rows_per_w = k * ck
    n_rows = nw * rows_per_w
    G = table.shape[1]
    mesh = plsc.VectorSubcoreMesh(core_axis_name="c", subcore_axis_name="s")

    @functools.partial(
        pl.kernel,
        out_type=jax.ShapeDtypeStruct((n_rows, G), jnp.float32),
        mesh=mesh,
        scratch_types=[
            pltpu.VMEM((k, ck), jnp.int32),
            pltpu.VMEM((rows_per_w, G), jnp.float32),
            pltpu.SemaphoreType.DMA,
        ],
    )
    def gather_kernel(table_hbm, idx_hbm, out_hbm, idx_v, rows_v, sem):
        wid = lax.axis_index("s") * _NC + lax.axis_index("c")
        base = wid * rows_per_w
        pltpu.sync_copy(idx_hbm.at[wid], idx_v)
        copies = []
        for j in range(k):
            copies.append(
                pltpu.async_copy(
                    table_hbm.at[idx_v.at[j]],
                    rows_v.at[pl.ds(j * ck, ck)],
                    sem,
                )
            )
        for c in copies:
            c.wait()
        pltpu.sync_copy(rows_v, out_hbm.at[pl.ds(base, rows_per_w)])

    return gather_kernel(table, idx3)


def _gru_weights(wih_ref, bih_ref, whh_ref, bhh_ref, d):
    wihT = jnp.swapaxes(wih_ref[...], 0, 1)
    whhT = jnp.swapaxes(whh_ref[...], 0, 1).astype(jnp.bfloat16)
    wrz_bf = whhT[:, :2 * d]
    wn_bf = whhT[:, 2 * d:]
    bih = bih_ref[...].reshape(1, 3 * d)
    bhh = bhh_ref[...].reshape(1, 3 * d)
    bias = jnp.concatenate(
        [bih[:, :2 * d] + bhh[:, :2 * d], bih[:, 2 * d:]], axis=1)
    bhhn = bhh[:, 2 * d:]
    return wihT, bias, wrz_bf, wn_bf, bhhn


def _gru_chunk(gi_ref, wrz_bf, wn_bf, bhhn, pf_ref, pf_base, h, d, n_steps):
    def step(t, h):
        g = gi_ref[t]
        hb = h.astype(jnp.bfloat16)
        mm_rz = jnp.dot(hb, wrz_bf, preferred_element_type=jnp.float32)
        mm_n = jnp.dot(hb, wn_bf, preferred_element_type=jnp.float32)
        r = jax.nn.sigmoid(g[:, :d] + mm_rz[:, :d])
        z = jax.nn.sigmoid(g[:, d:2 * d] + mm_rz[:, d:])
        n = jnp.tanh(g[:, 2 * d:] + r * (mm_n + bhhn))
        h_new = n + z * (h - n)
        pf_ref[pf_base + t] = h_new
        return h_new
    return lax.fori_loop(0, n_steps, step, h, unroll=8)


def _scan1_body(xcol_ref, soma_ref, wih_ref, bih_ref, whh_ref, bhh_ref,
                h0_ref, pf1_ref, hmid_ref, gi_ref):
    F, Bp, d = pf1_ref.shape
    V = soma_ref.shape[0]
    R = _CH * Bp

    wihT, bias, wrz_bf, wn_bf, bhhn = _gru_weights(
        wih_ref, bih_ref, whh_ref, bhh_ref, d)
    E = (
        jnp.dot(soma_ref[...], wihT, preferred_element_type=jnp.float32)
        + bias
    ).astype(jnp.bfloat16)

    B = h0_ref.shape[1]
    h = jnp.concatenate(
        [h0_ref[0], jnp.zeros((Bp - B, d), jnp.float32)], axis=0)
    for c in range(F // _CH):
        xb = xcol_ref[pl.ds(c * R, R)]
        iot = lax.broadcasted_iota(jnp.int32, (R, V), 1)
        oh = jnp.where(xb == iot, 1.0, 0.0).astype(jnp.bfloat16)
        gi2 = jnp.dot(oh, E, preferred_element_type=jnp.float32)
        gi_ref[...] = gi2.reshape(_CH, Bp, 3 * d)
        h = _gru_chunk(gi_ref, wrz_bf, wn_bf, bhhn, pf1_ref, c * _CH, h,
                       d, _CH)
    hmid_ref[...] = h


def _run_scan1(xcol, soma_W, wih, bih, whh, bhh, h_f, Bp):
    d = soma_W.shape[1]
    return pl.pallas_call(
        _scan1_body,
        out_shape=(
            jax.ShapeDtypeStruct((_F, Bp, d), jnp.float32),
            jax.ShapeDtypeStruct((Bp, d), jnp.float32),
        ),
        scratch_shapes=[pltpu.VMEM((_CH, Bp, 3 * d), jnp.float32)],
    )(xcol, soma_W, wih, bih, whh, bhh, h_f)


def _main_body(
    emb_ref, pf1_ref, hmid_ref, wih_ref, bih_ref, whh_ref, bhh_ref,
    mk_ref, mv_ref, hard_ref, cwih_ref, cwhh_ref, cbih_ref, cbhh_ref,
    hm0_ref, pfcw_ref, pfcb_ref, pfcg_ref, pfcbeta_ref,
    ong_ref, onb_ref, gg_ref,
    out_ref, hf_ref, hm_ref, pf2_ref, gi_ref,
):
    T2, Bp, d = emb_ref.shape
    F = pf1_ref.shape[0]
    T = F + T2
    G = 3 * d
    R = _CH * Bp
    NCH = T // _CH

    ones_d = jnp.ones((d, d), jnp.float32)

    wihT, bias, wrz_bf, wn_bf, bhhn = _gru_weights(
        wih_ref, bih_ref, whh_ref, bhh_ref, d)
    wihT_bf = wihT.astype(jnp.bfloat16)

    h = hmid_ref[...]
    for c in range(T2 // _CH):
        emb2 = emb_ref[pl.ds(c * _CH, _CH)].reshape(R, d)
        gi2 = (
            jnp.dot(emb2.astype(jnp.bfloat16), wihT_bf,
                    preferred_element_type=jnp.float32)
            + bias
        )
        gi_ref[...] = gi2.reshape(_CH, Bp, G)
        h = _gru_chunk(gi_ref, wrz_bf, wn_bf, bhhn, pf2_ref, c * _CH, h,
                       d, _CH)
    hf_ref[...] = h

    mk = mk_ref[...]
    knorm = jnp.sqrt(jnp.sum(mk * mk, axis=1, keepdims=True))
    kn = mk / jnp.maximum(knorm, 1e-12)
    K2 = kn * (hard_ref[...] * 10.0)

    pfcw = pfcw_ref[...]
    w1T = jnp.swapaxes(pfcw[:, :d], 0, 1)
    w2T = jnp.swapaxes(pfcw[:, d:], 0, 1)
    gate0 = gg_ref[0, 0]
    mvw = jnp.dot(mv_ref[...], w2T * gate0,
                  preferred_element_type=jnp.float32)
    mv_ext = jnp.concatenate(
        [mvw, jnp.ones((mvw.shape[0], d), jnp.float32)], axis=1)
    pfcb = pfcb_ref[...].reshape(1, d)
    pfcg = pfcg_ref[...].reshape(1, d)
    pfcbeta = pfcbeta_ref[...].reshape(1, d)
    ong = ong_ref[...].reshape(1, d)
    onb = onb_ref[...].reshape(1, d)
    gate = gg_ref[0, 0]
    gain = gg_ref[0, 1]

    inv_sqrt2 = 0.7071067811865476
    pooled = jnp.zeros((Bp, d), jnp.float32)
    for c in range(NCH):
        t0 = c * _CH
        if t0 < F:
            pf3 = pf1_ref[pl.ds(t0, _CH)]
        else:
            pf3 = pf2_ref[pl.ds(t0 - F, _CH)]
        pf2 = pf3.reshape(R, d)
        sq = jnp.dot(pf2 * pf2, ones_d, preferred_element_type=jnp.float32)
        q = pf2 / jnp.maximum(jnp.sqrt(sq), 1e-12)
        s = lax.dot_general(
            q, K2, (((1,), (1,)), ((), ())),
            preferred_element_type=jnp.float32,
        )
        e = jnp.exp(s)
        rs = jnp.dot(e, mv_ext, preferred_element_type=jnp.float32)
        lin = (
            jnp.dot(pf2, w1T, preferred_element_type=jnp.float32)
            + rs[:, :d] / rs[:, d:]
            + pfcb
        )
        st = jnp.dot(
            jnp.concatenate([lin, lin * lin], axis=0), ones_d,
            preferred_element_type=jnp.float32,
        ) * (1.0 / d)
        m = st[:R]
        v = st[R:] - m * m
        y = (lin - m) / jnp.sqrt(v + 1e-5) * pfcg + pfcbeta
        comb = y * 0.5 * (1.0 + lax.erf(y * inv_sqrt2))
        comb3 = comb.reshape(_CH, Bp, d)
        out_ref[pl.ds(t0, _CH)] = comb3
        pooled = pooled + jnp.sum(comb3, axis=0)
    pooled = pooled * (1.0 / T)

    B = hm0_ref.shape[0]
    hm0 = jnp.concatenate(
        [hm0_ref[...], jnp.zeros((Bp - B, d), jnp.float32)], axis=0)
    gi2 = lax.dot_general(
        pooled, cwih_ref[...], (((1,), (1,)), ((), ())),
        preferred_element_type=jnp.float32,
    ) + cbih_ref[...].reshape(1, G)
    gh2 = lax.dot_general(
        hm0, cwhh_ref[...], (((1,), (1,)), ((), ())),
        preferred_element_type=jnp.float32,
    ) + cbhh_ref[...].reshape(1, G)
    r2 = jax.nn.sigmoid(gi2[:, :d] + gh2[:, :d])
    z2 = jax.nn.sigmoid(gi2[:, d:2 * d] + gh2[:, d:2 * d])
    n2 = jnp.tanh(gi2[:, 2 * d:] + r2 * gh2[:, 2 * d:])
    hm = n2 + z2 * (hm0 - n2)
    hm_ref[...] = hm

    for c in range(NCH):
        xb = (out_ref[pl.ds(c * _CH, _CH)] + hm).reshape(R, d)
        st = jnp.dot(
            jnp.concatenate([xb, xb * xb], axis=0), ones_d,
            preferred_element_type=jnp.float32,
        ) * (1.0 / d)
        m = st[:R]
        v = st[R:] - m * m
        y = (xb - m) / jnp.sqrt(v + 1e-5) * ong + onb
        out_ref[pl.ds(c * _CH, _CH)] = (y * gain).reshape(_CH, Bp, d)


def _run_main(emb3, pf1, hmid, *rest):
    T2, Bp, d = emb3.shape
    T = _F + T2
    return pl.pallas_call(
        _main_body,
        out_shape=(
            jax.ShapeDtypeStruct((T, Bp, d), jnp.float32),
            jax.ShapeDtypeStruct((Bp, d), jnp.float32),
            jax.ShapeDtypeStruct((Bp, d), jnp.float32),
        ),
        scratch_shapes=[
            pltpu.VMEM((T2, Bp, d), jnp.float32),
            pltpu.VMEM((_CH, Bp, 3 * d), jnp.float32),
        ],
    )(emb3, pf1, hmid, *rest)


def kernel(x, h_f, h_mono, surprise_score, soma_W, gru_Wih, gru_Whh, gru_bih,
           gru_bhh, cell_Wih, cell_Whh, cell_bih, cell_bhh, mem_keys, mem_vals,
           mem_hardness, thal_Wc, thal_bc, thal_Ws, thal_bs, pfc_W, pfc_b,
           pfc_g, pfc_beta, on_g, on_b, gain):
    B, T = x.shape
    d = soma_W.shape[1]
    Bp = ((B + 7) // 8) * 8

    x_pad = jnp.pad(x.T, ((0, 0), (0, Bp - B)))
    xcol = x_pad[:_F].reshape(_F * Bp, 1)
    n2 = (T - _F) * Bp
    idx3 = x_pad[_F:].reshape(_NW, n2 // (_NW * _IDX_CHUNK), _IDX_CHUNK)
    emb_flat = _sc_gather(soma_W, idx3)
    emb3 = emb_flat.reshape(T - _F, Bp, d)

    gate = 0.4 + 0.2 * jax.nn.sigmoid(jnp.asarray(surprise_score, jnp.float32))
    gg = jnp.stack([gate, gain.astype(jnp.float32).reshape(())]).reshape(1, 2)

    pf1, hmid = _run_scan1(
        xcol, soma_W, gru_Wih, gru_bih, gru_Whh, gru_bhh, h_f, Bp)

    out3, hf_new, hm_new = _run_main(
        emb3, pf1, hmid, gru_Wih, gru_bih, gru_Whh, gru_bhh, mem_keys,
        mem_vals, mem_hardness.reshape(-1, 1), cell_Wih, cell_Whh,
        cell_bih, cell_bhh,
        h_mono, pfc_W, pfc_b, pfc_g, pfc_beta, on_g, on_b, gg,
    )

    out = jnp.swapaxes(out3[:, :B, :], 0, 1)
    return out, hf_new[:B][None], hm_new[:B]

# --- scband reference (transcript-rebuilt; emitter-appended) ---
"""Pipeline reference for scband-metabolic-brain-64613488001032 (READ-ONLY COPY).

The authoritative reference and input builder live on the scoring server;
editing this copy changes nothing except your own understanding.
"""

import jax, jax.numpy as jnp
import numpy as np


def _ln(x, g, b, eps=1e-5):
    m = jnp.mean(x, axis=-1, keepdims=True)
    v = jnp.var(x, axis=-1, keepdims=True)
    return (x - m) / jnp.sqrt(v + eps) * g + b


def _gelu(x):
    return jax.nn.gelu(x, approximate=False)


def _normalize(x, eps=1e-12):
    n = jnp.linalg.norm(x, axis=-1, keepdims=True)
    return x / jnp.maximum(n, eps)


def _gru_cell(x, h, Wih, Whh, bih, bhh):
    gi = x @ Wih.T + bih
    gh = h @ Whh.T + bhh
    i_r, i_z, i_n = jnp.split(gi, 3, axis=-1)
    h_r, h_z, h_n = jnp.split(gh, 3, axis=-1)
    r = jax.nn.sigmoid(i_r + h_r)
    z = jax.nn.sigmoid(i_z + h_z)
    n = jnp.tanh(i_n + r * h_n)
    return (1.0 - z) * n + z * h


def _gru(emb, h0, Wih, Whh, bih, bhh):
    def step(h, x_t):
        h_new = _gru_cell(x_t, h, Wih, Whh, bih, bhh)
        return h_new, h_new
    xs = jnp.swapaxes(emb, 0, 1)
    h_last, ys = jax.lax.scan(step, h0[0], xs)
    return jnp.swapaxes(ys, 0, 1), h_last[None, :, :]


def _forward(x, surprise_score, h_f, h_mono, soma_W, gru_Wih, gru_Whh, gru_bih, gru_bhh, cell_Wih, cell_Whh, cell_bih, cell_bhh, mem_keys, mem_vals, mem_hardness, thal_Wc, thal_bc, thal_Ws, thal_bs, pfc_W, pfc_b, pfc_g, pfc_beta, on_g, on_b, gain):
    # soma embedding lookup (gather)
    emb = jnp.take(soma_W, x, axis=0)
    # fast GRU over the sequence
    p_f, h_f_new = _gru(emb, h_f, gru_Wih, gru_Whh, gru_bih, gru_bhh)
    dopamine = 1.0  # Striatum dopamine buffer initial value
    # RelationalMemory.recall
    q = _normalize(p_f)
    kn = _normalize(mem_keys)
    scores = (q @ kn.T) * mem_hardness
    attn = jax.nn.softmax(scores / 0.1, axis=-1)
    recall = attn @ mem_vals
    # ThalamusGate
    feat = _gelu(p_f @ thal_Wc.T + thal_bc)
    imp = feat @ thal_Ws.T + thal_bs  # [B, T, 1]
    surprise = jnp.asarray(surprise_score, dtype=jnp.float32)
    gate_active = 0.4 + 0.2 * jax.nn.sigmoid(surprise)
    gated = recall * gate_active
    # pfc: Linear(2d -> d) + LayerNorm + GELU
    cat = jnp.concatenate([p_f, gated], axis=-1)
    combined = _gelu(_ln(cat @ pfc_W.T + pfc_b, pfc_g, pfc_beta))
    # workspace GRUCell on pooled representation
    pooled = jnp.mean(combined, axis=1)
    h_mono_new = _gru_cell(pooled, h_mono, cell_Wih, cell_Whh, cell_bih, cell_bhh)
    out = _ln(combined + h_mono_new[:, None, :], on_g, on_b) * gain
    return out, h_f_new, h_mono_new


def setup_inputs(seed: int = 0):
    key = jax.random.key(seed)
    ks = jax.random.split(key, 20)
    B, T, d, V, M = 12, 512, 128, 256, 256
    inp = {}
    inp["x"] = jax.random.randint(ks[0], (B, T), 0, V, dtype=jnp.int32)
    inp["h_f"] = jax.random.normal(ks[1], (1, B, d), dtype=jnp.float32)
    inp["h_mono"] = jax.random.normal(ks[2], (B, d), dtype=jnp.float32)
    inp["surprise_score"] = 1
    inp["soma_W"] = jax.random.normal(ks[3], (V, d), dtype=jnp.float32) * 0.05
    inp["gru_Wih"] = jax.random.normal(ks[4], (3 * d, d), dtype=jnp.float32) * 0.05
    inp["gru_Whh"] = jax.random.normal(ks[5], (3 * d, d), dtype=jnp.float32) * 0.05
    inp["gru_bih"] = jnp.zeros((3 * d,), dtype=jnp.float32)
    inp["gru_bhh"] = jnp.zeros((3 * d,), dtype=jnp.float32)
    inp["cell_Wih"] = jax.random.normal(ks[6], (3 * d, d), dtype=jnp.float32) * 0.05
    inp["cell_Whh"] = jax.random.normal(ks[7], (3 * d, d), dtype=jnp.float32) * 0.05
    inp["cell_bih"] = jnp.zeros((3 * d,), dtype=jnp.float32)
    inp["cell_bhh"] = jnp.zeros((3 * d,), dtype=jnp.float32)
    inp["mem_keys"] = jax.random.normal(ks[8], (M, d), dtype=jnp.float32) * 0.02
    inp["mem_vals"] = jax.random.normal(ks[9], (M, d), dtype=jnp.float32) * 0.02
    inp["mem_hardness"] = jax.random.uniform(ks[10], (M,), dtype=jnp.float32)
    inp["thal_Wc"] = jax.random.normal(ks[11], (d // 8, d), dtype=jnp.float32) * 0.05
    inp["thal_bc"] = jnp.zeros((d // 8,), dtype=jnp.float32)
    inp["thal_Ws"] = jax.random.normal(ks[12], (1, d // 8), dtype=jnp.float32) * 0.05
    inp["thal_bs"] = jnp.zeros((1,), dtype=jnp.float32)
    inp["pfc_W"] = jax.random.normal(ks[13], (d, 2 * d), dtype=jnp.float32) * 0.05
    inp["pfc_b"] = jnp.zeros((d,), dtype=jnp.float32)
    inp["pfc_g"] = jnp.ones((d,), dtype=jnp.float32)
    inp["pfc_beta"] = jnp.zeros((d,), dtype=jnp.float32)
    inp["on_g"] = jnp.ones((d,), dtype=jnp.float32)
    inp["on_b"] = jnp.zeros((d,), dtype=jnp.float32)
    inp["gain"] = jnp.ones((1,), dtype=jnp.float32)
    return inp


def reference(x, h_f, h_mono, surprise_score, soma_W, gru_Wih, gru_Whh, gru_bih, gru_bhh, cell_Wih, cell_Whh, cell_bih, cell_bhh, mem_keys, mem_vals, mem_hardness, thal_Wc, thal_bc, thal_Ws, thal_bs, pfc_W, pfc_b, pfc_g, pfc_beta, on_g, on_b, gain):
    return _forward(x, surprise_score, h_f, h_mono, soma_W, gru_Wih, gru_Whh, gru_bih, gru_bhh, cell_Wih, cell_Whh, cell_bih, cell_bhh, mem_keys, mem_vals, mem_hardness, thal_Wc, thal_bc, thal_Ws, thal_bs, pfc_W, pfc_b, pfc_g, pfc_beta, on_g, on_b, gain)

if __name__ == "__main__":
    import jax
    _d = setup_inputs()
    print(jax.jit(kernel)(*tuple(_d.values())))

</pallas_src>

<mosaic_0001>
#map = affine_map<(d0, d1) -> (0, 0)>
#map1 = affine_map<(d0, d1) -> (0, 0, 0)>
module attributes {stable_mosaic.version = 14 : i64} {
  func.func @gather_kernel(%arg0: i32, %arg1: i32, %arg2: memref<256x128xf32, #tpu.memory_space<hbm>>, %arg3: memref<32x1x128xi32, #tpu.memory_space<hbm>>, %arg4: memref<4096x128xf32, #tpu.memory_space<hbm>>, %arg5: memref<1x128xi32, #tpu.memory_space<vmem>>, %arg6: memref<128x128xf32, #tpu.memory_space<vmem>>, %arg7: memref<!tpu.dma_semaphore, #tpu.memory_space<semaphore_mem>>) attributes {dimension_semantics = [#tpu.dimension_semantics<core_parallel>, #tpu.dimension_semantics<subcore_parallel>], iteration_bounds = array<i64: 2, 16>, scalar_prefetch = 0 : i64, scratch_operands = 3 : i64, tpu.core_type = #tpu.core_type<sc_vector_subcore>, window_params = [{transform_indices = #map}, {transform_indices = #map1}, {transform_indices = #map}]} {
    %mul3A = arith.constant 2 : i32
    %mul3A_0 = arith.muli %arg1, %mul3A : i32
    %add3A = arith.addi %mul3A_0, %arg0 : i32
    %mul3A_1 = arith.constant 128 : i32
    %mul3A_2 = arith.muli %add3A, %mul3A_1 : i32
    "tpu.region"() ({
      %run_scoped3A = tpu.sem_alloc : memref<!tpu.dma_semaphore, #tpu.memory_space<semaphore_mem>>
      %dma_start3A_21 = arith.constant 0 : i32
      %dma_start3A_22 = arith.constant 0 : i32
      %dma_start3A_23 = tpu.memref_slice %arg3[%add3A, %dma_start3A_21, %dma_start3A_22] : memref<32x1x128xi32, #tpu.memory_space<hbm>> -> memref<1x1x128xi32, #tpu.memory_space<hbm>>
      %dma_start3A_24 = tpu.memref_squeeze %dma_start3A_23 : memref<1x1x128xi32, #tpu.memory_space<hbm>> -> memref<1x128xi32, #tpu.memory_space<hbm>>
      %dma_start3A_25 = arith.constant 0 : i32
      %dma_start3A_26 = arith.constant 0 : i32
      %dma_start3A_27 = tpu.memref_slice %arg3[%add3A, %dma_start3A_25, %dma_start3A_26] : memref<32x1x128xi32, #tpu.memory_space<hbm>> -> memref<1x1x128xi32, #tpu.memory_space<hbm>>
      %dma_start3A_28 = tpu.memref_squeeze %dma_start3A_27 : memref<1x1x128xi32, #tpu.memory_space<hbm>> -> memref<1x128xi32, #tpu.memory_space<hbm>>
      tpu.enqueue_dma source(%dma_start3A_28 : memref<1x128xi32, #tpu.memory_space<hbm>>) target(%arg5 : memref<1x128xi32, #tpu.memory_space<vmem>>) target_semaphore(%run_scoped3A : memref<!tpu.dma_semaphore, #tpu.memory_space<semaphore_mem>>)
      %dma_wait3A_29 = arith.constant 0 : i32
      %dma_wait3A_30 = arith.constant 0 : i32
      %dma_wait3A_31 = tpu.memref_slice %arg3[%add3A, %dma_wait3A_29, %dma_wait3A_30] : memref<32x1x128xi32, #tpu.memory_space<hbm>> -> memref<1x1x128xi32, #tpu.memory_space<hbm>>
      %dma_wait3A_32 = tpu.memref_squeeze %dma_wait3A_31 : memref<1x1x128xi32, #tpu.memory_space<hbm>> -> memref<1x128xi32, #tpu.memory_space<hbm>>
      %dma_wait3A_33 = arith.constant 0 : i32
      %dma_wait3A_34 = arith.constant 0 : i32
      %dma_wait3A_35 = tpu.memref_slice %arg3[%add3A, %dma_wait3A_33, %dma_wait3A_34] : memref<32x1x128xi32, #tpu.memory_space<hbm>> -> memref<1x1x128xi32, #tpu.memory_space<hbm>>
      %dma_wait3A_36 = tpu.memref_squeeze %dma_wait3A_35 : memref<1x1x128xi32, #tpu.memory_space<hbm>> -> memref<1x128xi32, #tpu.memory_space<hbm>>
      tpu.wait_dma2 semaphore(%run_scoped3A : memref<!tpu.dma_semaphore, #tpu.memory_space<semaphore_mem>>) src(%dma_wait3A_36 : memref<1x128xi32, #tpu.memory_space<hbm>>) dst(%arg5 : memref<1x128xi32, #tpu.memory_space<vmem>>)
      tpu.yield
    }) : () -> ()
    %dma_start3A = arith.constant 0 : i32
    %dma_start3A_3 = arith.constant 0 : i32
    %dma_start3A_4 = arith.constant 0 : i32
    %dma_start3A_5 = tpu.memref_slice %arg6[%dma_start3A_3, %dma_start3A_4] : memref<128x128xf32, #tpu.memory_space<vmem>> -> memref<128x128xf32, #tpu.memory_space<vmem>>
    %dma_start3A_6 = arith.constant 0 : i32
    %dma_start3A_7 = tpu.memref_slice %arg5[%dma_start3A, %dma_start3A_6] : memref<1x128xi32, #tpu.memory_space<vmem>> -> memref<1x128xi32, #tpu.memory_space<vmem>>
    %dma_start3A_8 = tpu.memref_squeeze %dma_start3A_7 : memref<1x128xi32, #tpu.memory_space<vmem>> -> memref<128xi32, #tpu.memory_space<vmem>>
    %dma_start3A_9 = arith.constant 0 : i32
    %dma_start3A_10 = arith.constant 0 : i32
    %dma_start3A_11 = tpu.memref_slice %arg2[%dma_start3A_9, %dma_start3A_10] : memref<256x128xf32, #tpu.memory_space<hbm>> -> memref<256x128xf32, #tpu.memory_space<hbm>>
    tpu.enqueue_indirect_dma source(%dma_start3A_11 : memref<256x128xf32, #tpu.memory_space<hbm>>) target(%dma_start3A_5 : memref<128x128xf32, #tpu.memory_space<vmem>>) offsets(%dma_start3A_8 : memref<128xi32, #tpu.memory_space<vmem>>) semaphore(%arg7 : memref<!tpu.dma_semaphore, #tpu.memory_space<semaphore_mem>>)
    %dma_wait3A = arith.constant 0 : i32
    %dma_wait3A_12 = arith.constant 0 : i32
    %dma_wait3A_13 = arith.constant 0 : i32
    %dma_wait3A_14 = tpu.memref_slice %arg6[%dma_wait3A_12, %dma_wait3A_13] : memref<128x128xf32, #tpu.memory_space<vmem>> -> memref<128x128xf32, #tpu.memory_space<vmem>>
    %dma_wait3A_15 = arith.constant 0 : i32
    %dma_wait3A_16 = tpu.memref_slice %arg5[%dma_wait3A, %dma_wait3A_15] : memref<1x128xi32, #tpu.memory_space<vmem>> -> memref<1x128xi32, #tpu.memory_space<vmem>>
    %dma_wait3A_17 = tpu.memref_squeeze %dma_wait3A_16 : memref<1x128xi32, #tpu.memory_space<vmem>> -> memref<128xi32, #tpu.memory_space<vmem>>
    %dma_wait3A_18 = arith.constant 0 : i32
    %dma_wait3A_19 = arith.constant 0 : i32
    %dma_wait3A_20 = tpu.memref_slice %arg2[%dma_wait3A_18, %dma_wait3A_19] : memref<256x128xf32, #tpu.memory_space<hbm>> -> memref<256x128xf32, #tpu.memory_space<hbm>>
    tpu.wait_indirect_dma semaphore(%arg7 : memref<!tpu.dma_semaphore, #tpu.memory_space<semaphore_mem>>) src(%dma_wait3A_20 : memref<256x128xf32, #tpu.memory_space<hbm>>) dst(%dma_wait3A_14 : memref<128x128xf32, #tpu.memory_space<vmem>>)
    "tpu.region"() ({
      %run_scoped3A = tpu.sem_alloc : memref<!tpu.dma_semaphore, #tpu.memory_space<semaphore_mem>>
      %dma_start3A_21 = arith.constant 0 : i32
      %dma_start3A_22 = tpu.memref_slice %arg4[%mul3A_2, %dma_start3A_21] : memref<4096x128xf32, #tpu.memory_space<hbm>> -> memref<128x128xf32, #tpu.memory_space<hbm>>
      %dma_start3A_23 = arith.constant 0 : i32
      %dma_start3A_24 = tpu.memref_slice %arg4[%mul3A_2, %dma_start3A_23] : memref<4096x128xf32, #tpu.memory_space<hbm>> -> memref<128x128xf32, #tpu.memory_space<hbm>>
      tpu.enqueue_dma source(%arg6 : memref<128x128xf32, #tpu.memory_space<vmem>>) target(%dma_start3A_24 : memref<128x128xf32, #tpu.memory_space<hbm>>) target_semaphore(%run_scoped3A : memref<!tpu.dma_semaphore, #tpu.memory_space<semaphore_mem>>)
      %dma_wait3A_25 = arith.constant 0 : i32
      %dma_wait3A_26 = tpu.memref_slice %arg4[%mul3A_2, %dma_wait3A_25] : memref<4096x128xf32, #tpu.memory_space<hbm>> -> memref<128x128xf32, #tpu.memory_space<hbm>>
      %dma_wait3A_27 = arith.constant 0 : i32
      %dma_wait3A_28 = tpu.memref_slice %arg4[%mul3A_2, %dma_wait3A_27] : memref<4096x128xf32, #tpu.memory_space<hbm>> -> memref<128x128xf32, #tpu.memory_space<hbm>>
      tpu.wait_dma2 semaphore(%run_scoped3A : memref<!tpu.dma_semaphore, #tpu.memory_space<semaphore_mem>>) src(%arg6 : memref<128x128xf32, #tpu.memory_space<vmem>>) dst(%dma_wait3A_28 : memref<128x128xf32, #tpu.memory_space<hbm>>)
      tpu.yield
    }) : () -> ()
    return
  }
}

module attributes {stable_mosaic.version = 14 : i64} {
  func.func @_scan1_body(%arg0: memref<4096x1xi32, #tpu.memory_space<vmem>>, %arg1: memref<256x128xf32, #tpu.memory_space<vmem>>, %arg2: memref<384x128xf32, #tpu.memory_space<vmem>>, %arg3: memref<384xf32, #tpu.memory_space<vmem>>, %arg4: memref<384x128xf32, #tpu.memory_space<vmem>>, %arg5: memref<384xf32, #tpu.memory_space<vmem>>, %arg6: memref<1x12x128xf32, #tpu.memory_space<vmem>>, %arg7: memref<256x16x128xf32, #tpu.memory_space<vmem>>, %arg8: memref<16x128xf32, #tpu.memory_space<vmem>>, %arg9: memref<64x16x384xf32, #tpu.memory_space<vmem>>) attributes {dimension_semantics = [], scalar_prefetch = 0 : i64, scratch_operands = 1 : i64, tpu.core_type = #tpu.core_type<tc>} {
    %get3A = arith.constant 0 : index
    %get3A_0 = arith.constant 0 : index
    %get3A_1 = vector.load %arg2[%get3A, %get3A_0] : memref<384x128xf32, #tpu.memory_space<vmem>>, vector<384x128xf32>
    %transpose3A = tpu.transpose %get3A_1, [1, 0] : vector<384x128xf32> -> vector<128x384xf32>
    %get3A_2 = arith.constant 0 : index
    %get3A_3 = arith.constant 0 : index
    %get3A_4 = vector.load %arg4[%get3A_2, %get3A_3] : memref<384x128xf32, #tpu.memory_space<vmem>>, vector<384x128xf32>
    %transpose3A_5 = tpu.transpose %get3A_4, [1, 0] : vector<384x128xf32> -> vector<128x384xf32>
    %convert_element_type3A = arith.truncf %transpose3A_5 : vector<128x384xf32> to vector<128x384xbf16>
    %slice3A = vector.extract_strided_slice %convert_element_type3A {offsets = [0, 0], sizes = [128, 256], strides = [1, 1]} : vector<128x384xbf16> to vector<128x256xbf16>
    %slice3A_6 = vector.extract_strided_slice %convert_element_type3A {offsets = [0, 256], sizes = [128, 128], strides = [1, 1]} : vector<128x384xbf16> to vector<128x128xbf16>
    %get3A_7 = arith.constant 0 : index
    %get3A_8 = vector.load %arg3[%get3A_7] : memref<384xf32, #tpu.memory_space<vmem>>, vector<384xf32>
    %reshape3A = vector.shape_cast %get3A_8 : vector<384xf32> to vector<1x384xf32>
    %get3A_9 = arith.constant 0 : index
    %get3A_10 = vector.load %arg5[%get3A_9] : memref<384xf32, #tpu.memory_space<vmem>>, vector<384xf32>
    %reshape3A_11 = vector.shape_cast %get3A_10 : vector<384xf32> to vector<1x384xf32>
    %slice3A_12 = vector.extract_strided_slice %reshape3A {offsets = [0, 0], sizes = [1, 256], strides = [1, 1]} : vector<1x384xf32> to vector<1x256xf32>
    %slice3A_13 = vector.extract_strided_slice %reshape3A_11 {offsets = [0, 0], sizes = [1, 256], strides = [1, 1]} : vector<1x384xf32> to vector<1x256xf32>
    %add3A = arith.addf %slice3A_12, %slice3A_13 : vector<1x256xf32>
    %slice3A_14 = vector.extract_strided_slice %reshape3A {offsets = [0, 256], sizes = [1, 128], strides = [1, 1]} : vector<1x384xf32> to vector<1x128xf32>
    %concatenate3A = tpu.concatenate %add3A, %slice3A_14 in 1 : vector<1x256xf32>, vector<1x128xf32> -> vector<1x384xf32>
    %slice3A_15 = vector.extract_strided_slice %reshape3A_11 {offsets = [0, 256], sizes = [1, 128], strides = [1, 1]} : vector<1x384xf32> to vector<1x128xf32>
    %get3A_16 = arith.constant 0 : index
    %get3A_17 = arith.constant 0 : index
    %get3A_18 = vector.load %arg1[%get3A_16, %get3A_17] : memref<256x128xf32, #tpu.memory_space<vmem>>, vector<256x128xf32>
    %dot_general3A = arith.constant dense<0.000000e+00> : vector<256x384xf32>
    %dot_general3A_19 = tpu.matmul %get3A_18, %transpose3A, %dot_general3A {dimension_numbers = #tpu.dot_dimension_numbers<[1], [0], [0], [1], [0, 0, 1, 1], [], []>, transpose_lhs_hint = false} : vector<256x128xf32>, vector<128x384xf32>, vector<256x384xf32> -> vector<256x384xf32>
    %add3A_20 = vector.broadcast %concatenate3A : vector<1x384xf32> to vector<256x384xf32>
    %add3A_21 = arith.addf %dot_general3A_19, %add3A_20 : vector<256x384xf32>
    %convert_element_type3A_22 = arith.truncf %add3A_21 : vector<256x384xf32> to vector<256x384xbf16>
    %get3A_23 = arith.constant 0 : index
    %get3A_24 = arith.constant 0 : index
    %get3A_25 = arith.constant 0 : index
    %get3A_26 = vector.load %arg6[%get3A_23, %get3A_24, %get3A_25] : memref<1x12x128xf32, #tpu.memory_space<vmem>>, vector<1x12x128xf32>
    %get3A_27 = vector.shape_cast %get3A_26 : vector<1x12x128xf32> to vector<12x128xf32>
    %broadcast_in_dim3A = arith.constant 0.000000e+00 : f32
    %broadcast_in_dim3A_28 = vector.broadcast %broadcast_in_dim3A : f32 to vector<4x128xf32>
    %concatenate3A_29 = tpu.concatenate %get3A_27, %broadcast_in_dim3A_28 in 0 : vector<12x128xf32>, vector<4x128xf32> -> vector<16x128xf32>
    %get3A_30 = arith.constant 0 : index
    %get3A_31 = arith.constant 0 : index
    %get3A_32 = vector.load %arg0[%get3A_30, %get3A_31] : memref<4096x1xi32, #tpu.memory_space<vmem>>, vector<1024x1xi32>
    %iota3A = tpu.iota {dimensions = array<i32: 1>} : vector<1024x256xi32>
    %eq3A = vector.broadcast %get3A_32 : vector<1024x1xi32> to vector<1024x256xi32>
    %eq3A_33 = arith.cmpi eq, %eq3A, %iota3A : vector<1024x256xi32>
    %jit3A = arith.constant 1.000000e+00 : f32
    %jit3A_34 = arith.constant 0.000000e+00 : f32
    %broadcast_in_dim3A_35 = vector.broadcast %jit3A : f32 to vector<1024x256xf32>
    %broadcast_in_dim3A_36 = vector.broadcast %jit3A_34 : f32 to vector<1024x256xf32>
    %select_n3A = arith.select %eq3A_33, %broadcast_in_dim3A_35, %broadcast_in_dim3A_36 : vector<1024x256xi1>, vector<1024x256xf32>
    %convert_element_type3A_37 = arith.truncf %select_n3A : vector<1024x256xf32> to vector<1024x256xbf16>
    %dot_general3A_38 = arith.constant dense<0.000000e+00> : vector<1024x384xf32>
    %dot_general3A_39 = tpu.matmul %convert_element_type3A_37, %convert_element_type3A_22, %dot_general3A_38 {dimension_numbers = #tpu.dot_dimension_numbers<[1], [0], [0], [1], [0, 0, 1, 1], [], []>, transpose_lhs_hint = false} : vector<1024x256xbf16>, vector<256x384xbf16>, vector<1024x384xf32> -> vector<1024x384xf32>
    %reshape3A_40 = vector.shape_cast %dot_general3A_39 : vector<1024x384xf32> to vector<64x16x384xf32>
    %swap3A = arith.constant 0 : index
    %swap3A_41 = arith.constant 0 : index
    %swap3A_42 = arith.constant 0 : index
    %swap3A_43 = vector.load %arg9[%swap3A, %swap3A_41, %swap3A_42] : memref<64x16x384xf32, #tpu.memory_space<vmem>>, vector<64x16x384xf32>
    tpu.vector_store %arg9[%swap3A, %swap3A_41, %swap3A_42], %reshape3A_40 {strides = array<i32>} : memref<64x16x384xf32, #tpu.memory_space<vmem>>, vector<64x16x384xf32>,
    %scan3A = arith.constant 0 : i32
    %scan3A_44 = arith.constant 64 : i32
    %scan3A_45 = arith.addi %scan3A, %scan3A_44 : i32
    %scan3A_46 = arith.constant 8 : i32
    %scan3A_47 = scf.for %scan3A_127 = %scan3A to %scan3A_45 step %scan3A_46 iter_args(%scan3A_128 = %concatenate3A_29) -> (vector<16x128xf32>)  : i32 {
      %get3A_129 = arith.index_cast %scan3A_127 : i32 to index
      %get3A_130 = arith.constant 0 : index
      %get3A_131 = arith.constant 0 : index
      %get3A_132 = vector.load %arg9[%get3A_129, %get3A_130, %get3A_131] : memref<64x16x384xf32, #tpu.memory_space<vmem>>, vector<1x16x384xf32>
      %get3A_133 = vector.shape_cast %get3A_132 : vector<1x16x384xf32> to vector<16x384xf32>
      %convert_element_type3A_134 = arith.truncf %scan3A_128 : vector<16x128xf32> to vector<16x128xbf16>
      %dot_general3A_135 = arith.constant dense<0.000000e+00> : vector<16x256xf32>
      %dot_general3A_136 = tpu.matmul %convert_element_type3A_134, %slice3A, %dot_general3A_135 {dimension_numbers = #tpu.dot_dimension_numbers<[1], [0], [0], [1], [0, 0, 1, 1], [], []>, transpose_lhs_hint = false} : vector<16x128xbf16>, vector<128x256xbf16>, vector<16x256xf32> -> vector<16x256xf32>
      %dot_general3A_137 = arith.constant dense<0.000000e+00> : vector<16x128xf32>
      %dot_general3A_138 = tpu.matmul %convert_element_type3A_134, %slice3A_6, %dot_general3A_137 {dimension_numbers = #tpu.dot_dimension_numbers<[1], [0], [0], [1], [0, 0, 1, 1], [], []>, transpose_lhs_hint = false} : vector<16x128xbf16>, vector<128x128xbf16>, vector<16x128xf32> -> vector<16x128xf32>
      %slice3A_139 = vector.extract_strided_slice %get3A_133 {offsets = [0, 0], sizes = [16, 128], strides = [1, 1]} : vector<16x384xf32> to vector<16x128xf32>
      %slice3A_140 = vector.extract_strided_slice %dot_general3A_136 {offsets = [0, 0], sizes = [16, 128], strides = [1, 1]} : vector<16x256xf32> to vector<16x128xf32>
      %add3A_141 = arith.addf %slice3A_139, %slice3A_140 : vector<16x128xf32>
      %logistic3A = arith.negf %add3A_141 : vector<16x128xf32>
      %logistic3A_142 = math.exp %logistic3A : vector<16x128xf32>
      %logistic3A_143 = arith.constant 1.000000e+00 : f32
      %logistic3A_144 = vector.broadcast %logistic3A_143 : f32 to vector<16x128xf32>
      %logistic3A_145 = arith.addf %logistic3A_144, %logistic3A_142 : vector<16x128xf32>
      %logistic3A_146 = arith.divf %logistic3A_144, %logistic3A_145 : vector<16x128xf32>
      %slice3A_147 = vector.extract_strided_slice %get3A_133 {offsets = [0, 128], sizes = [16, 128], strides = [1, 1]} : vector<16x384xf32> to vector<16x128xf32>
      %slice3A_148 = vector.extract_strided_slice %dot_general3A_136 {offsets = [0, 128], sizes = [16, 128], strides = [1, 1]} : vector<16x256xf32> to vector<16x128xf32>
      %add3A_149 = arith.addf %slice3A_147, %slice3A_148 : vector<16x128xf32>
      %logistic3A_150 = arith.negf %add3A_149 : vector<16x128xf32>
      %logistic3A_151 = math.exp %logistic3A_150 : vector<16x128xf32>
      %logistic3A_152 = arith.constant 1.000000e+00 : f32
      %logistic3A_153 = vector.broadcast %logistic3A_152 : f32 to vector<16x128xf32>
      %logistic3A_154 = arith.addf %logistic3A_153, %logistic3A_151 : vector<16x128xf32>
      %logistic3A_155 = arith.divf %logistic3A_153, %logistic3A_154 : vector<16x128xf32>
      %slice3A_156 = vector.extract_strided_slice %get3A_133 {offsets = [0, 256], sizes = [16, 128], strides = [1, 1]} : vector<16x384xf32> to vector<16x128xf32>
      %add3A_157 = vector.broadcast %slice3A_15 : vector<1x128xf32> to vector<16x128xf32>
      %add3A_158 = arith.addf %dot_general3A_138, %add3A_157 : vector<16x128xf32>
      %mul3A = arith.mulf %logistic3A_146, %add3A_158 : vector<16x128xf32>
      %add3A_159 = arith.addf %slice3A_156, %mul3A : vector<16x128xf32>
      %tanh3A = math.tanh %add3A_159 : vector<16x128xf32>
      %sub3A = arith.subf %scan3A_128, %tanh3A : vector<16x128xf32>
      %mul3A_160 = arith.mulf %logistic3A_155, %sub3A : vector<16x128xf32>
      %add3A_161 = arith.addf %tanh3A, %mul3A_160 : vector<16x128xf32>
      %add3A_162 = arith.constant 0 : i32
      %add3A_163 = arith.addi %add3A_162, %scan3A_127 : i32
      %swap3A_164 = arith.index_cast %add3A_163 : i32 to index
      %swap3A_165 = arith.constant 0 : index
      %swap3A_166 = arith.constant 0 : index
      %swap3A_167 = vector.load %arg7[%swap3A_164, %swap3A_165, %swap3A_166] : memref<256x16x128xf32, #tpu.memory_space<vmem>>, vector<1x16x128xf32>
      %swap3A_168 = vector.shape_cast %swap3A_167 : vector<1x16x128xf32> to vector<16x128xf32>
      %swap3A_169 = vector.shape_cast %add3A_161 : vector<16x128xf32> to vector<1x16x128xf32>
      tpu.vector_store %arg7[%swap3A_164, %swap3A_165, %swap3A_166], %swap3A_169 {strides = array<i32>} : memref<256x16x128xf32, #tpu.memory_space<vmem>>, vector<1x16x128xf32>,
      %scan3A_170 = arith.constant 1 : i32
      %scan3A_171 = arith.addi %scan3A_127, %scan3A_170 : i32
      %get3A_172 = arith.index_cast %scan3A_171 : i32 to index
      %get3A_173 = arith.constant 0 : index
      %get3A_174 = arith.constant 0 : index
      %get3A_175 = vector.load %arg9[%get3A_172, %get3A_173, %get3A_174] : memref<64x16x384xf32, #tpu.memory_space<vmem>>, vector<1x16x384xf32>
      %get3A_176 = vector.shape_cast %get3A_175 : vector<1x16x384xf32> to vector<16x384xf32>
      %convert_element_type3A_177 = arith.truncf %add3A_161 : vector<16x128xf32> to vector<16x128xbf16>
      %dot_general3A_178 = arith.constant dense<0.000000e+00> : vector<16x256xf32>
      %dot_general3A_179 = tpu.matmul %convert_element_type3A_177, %slice3A, %dot_general3A_178 {dimension_numbers = #tpu.dot_dimension_numbers<[1], [0], [0], [1], [0, 0, 1, 1], [], []>, transpose_lhs_hint = false} : vector<16x128xbf16>, vector<128x256xbf16>, vector<16x256xf32> -> vector<16x256xf32>
      %dot_general3A_180 = arith.constant dense<0.000000e+00> : vector<16x128xf32>
      %dot_general3A_181 = tpu.matmul %convert_element_type3A_177, %slice3A_6, %dot_general3A_180 {dimension_numbers = #tpu.dot_dimension_numbers<[1], [0], [0], [1], [0, 0, 1, 1], [], []>, transpose_lhs_hint = false} : vector<16x128xbf16>, vector<128x128xbf16>, vector<16x128xf32> -> vector<16x128xf32>
      %slice3A_182 = vector.extract_strided_slice %get3A_176 {offsets = [0, 0], sizes = [16, 128], strides = [1, 1]} : vector<16x384xf32> to vector<16x128xf32>
      %slice3A_183 = vector.extract_strided_slice %dot_general3A_179 {offsets = [0, 0], sizes = [16, 128], strides = [1, 1]} : vector<16x256xf32> to vector<16x128xf32>
      %add3A_184 = arith.addf %slice3A_182, %slice3A_183 : vector<16x128xf32>
      %logistic3A_185 = arith.negf %add3A_184 : vector<16x128xf32>
      %logistic3A_186 = math.exp %logistic3A_185 : vector<16x128xf32>
      %logistic3A_187 = arith.constant 1.000000e+00 : f32
      %logistic3A_188 = vector.broadcast %logistic3A_187 : f32 to vector<16x128xf32>
      %logistic3A_189 = arith.addf %logistic3A_188, %logistic3A_186 : vector<16x128xf32>
      %logistic3A_190 = arith.divf %logistic3A_188, %logistic3A_189 : vector<16x128xf32>
      %slice3A_191 = vector.extract_strided_slice %get3A_176 {offsets = [0, 128], sizes = [16, 128], strides = [1, 1]} : vector<16x384xf32> to vector<16x128xf32>
      %slice3A_192 = vector.extract_strided_slice %dot_general3A_179 {offsets = [0, 128], sizes = [16, 128], strides = [1, 1]} : vector<16x256xf32> to vector<16x128xf32>
      %add3A_193 = arith.addf %slice3A_191, %slice3A_192 : vector<16x128xf32>
      %logistic3A_194 = arith.negf %add3A_193 : vector<16x128xf32>
      %logistic3A_195 = math.exp %logistic3A_194 : vector<16x128xf32>
      %logistic3A_196 = arith.constant 1.000000e+00 : f32
      %logistic3A_197 = vector.broadcast %logistic3A_196 : f32 to vector<16x128xf32>
      %logistic3A_198 = arith.addf %logistic3A_197, %logistic3A_195 : vector<16x128xf32>
      %logistic3A_199 = arith.divf %logistic3A_197, %logistic3A_198 : vector<16x128xf32>
      %slice3A_200 = vector.extract_strided_slice %get3A_176 {offsets = [0, 256], sizes = [16, 128], strides = [1, 1]} : vector<16x384xf32> to vector<16x128xf32>
      %add3A_201 = vector.broadcast %slice3A_15 : vector<1x128xf32> to vector<16x128xf32>
      %add3A_202 = arith.addf %dot_general3A_181, %add3A_201 : vector<16x128xf32>
      %mul3A_203 = arith.mulf %logistic3A_190, %add3A_202 : vector<16x128xf32>
      %add3A_204 = arith.addf %slice3A_200, %mul3A_203 : vector<16x128xf32>
      %tanh3A_205 = math.tanh %add3A_204 : vector<16x128xf32>
      %sub3A_206 = arith.subf %add3A_161, %tanh3A_205 : vector<16x128xf32>
      %mul3A_207 = arith.mulf %logistic3A_199, %sub3A_206 : vector<16x128xf32>
      %add3A_208 = arith.addf %tanh3A_205, %mul3A_207 : vector<16x128xf32>
      %add3A_209 = arith.constant 0 : i32
      %add3A_210 = arith.addi %add3A_209, %scan3A_171 : i32
      %swap3A_211 = arith.index_cast %add3A_210 : i32 to index
      %swap3A_212 = arith.constant 0 : index
      %swap3A_213 = arith.constant 0 : index
      %swap3A_214 = vector.load %arg7[%swap3A_211, %swap3A_212, %swap3A_213] : memref<256x16x128xf32, #tpu.memory_space<vmem>>, vector<1x16x128xf32>
      %swap3A_215 = vector.shape_cast %swap3A_214 : vector<1x16x128xf32> to vector<16x128xf32>
      %swap3A_216 = vector.shape_cast %add3A_208 : vector<16x128xf32> to vector<1x16x128xf32>
      tpu.vector_store %arg7[%swap3A_211, %swap3A_212, %swap3A_213], %swap3A_216 {strides = array<i32>} : memref<256x16x128xf32, #tpu.memory_space<vmem>>, vector<1x16x128xf32>,
      %scan3A_217 = arith.constant 2 : i32
      %scan3A_218 = arith.addi %scan3A_127, %scan3A_217 : i32
      %get3A_219 = arith.index_cast %scan3A_218 : i32 to index
      %get3A_220 = arith.constant 0 : index
      %get3A_221 = arith.constant 0 : index
      %get3A_222 = vector.load %arg9[%get3A_219, %get3A_220, %get3A_221] : memref<64x16x384xf32, #tpu.memory_space<vmem>>, vector<1x16x384xf32>
      %get3A_223 = vector.shape_cast %get3A_222 : vector<1x16x384xf32> to vector<16x384xf32>
      %convert_element_type3A_224 = arith.truncf %add3A_208 : vector<16x128xf32> to vector<16x128xbf16>
      %dot_general3A_225 = arith.constant dense<0.000000e+00> : vector<16x256xf32>
      %dot_general3A_226 = tpu.matmul %convert_element_type3A_224, %slice3A, %dot_general3A_225 {dimension_numbers = #tpu.dot_dimension_numbers<[1], [0], [0], [1], [0, 0, 1, 1], [], []>, transpose_lhs_hint = false} : vector<16x128xbf16>, vector<128x256xbf16>, vector<16x256xf32> -> vector<16x256xf32>
      %dot_general3A_227 = arith.constant dense<0.000000e+00> : vector<16x128xf32>
      %dot_general3A_228 = tpu.matmul %convert_element_type3A_224, %slice3A_6, %dot_general3A_227 {dimension_numbers = #tpu.dot_dimension_numbers<[1], [0], [0], [1], [0, 0, 1, 1], [], []>, transpose_lhs_hint = false} : vector<16x128xbf16>, vector<128x128xbf16>, vector<16x128xf32> -> vector<16x128xf32>
      %slice3A_229 = vector.extract_strided_slice %get3A_223 {offsets = [0, 0], sizes = [16, 128], strides = [1, 1]} : vector<16x384xf32> to vector<16x128xf32>
      %slice3A_230 = vector.extract_strided_slice %dot_general3A_226 {offsets = [0, 0], sizes = [16, 128], strides = [1, 1]} : vector<16x256xf32> to vector<16x128xf32>
      %add3A_231 = arith.addf %slice3A_229, %slice3A_230 : vector<16x128xf32>
      %logistic3A_232 = arith.negf %add3A_231 : vector<16x128xf32>
      %logistic3A_233 = math.exp %logistic3A_232 : vector<16x128xf32>
      %logistic3A_234 = arith.constant 1.000000e+00 : f32
      %logistic3A_235 = vector.broadcast %logistic3A_234 : f32 to vector<16x128xf32>
      %logistic3A_236 = arith.addf %logistic3A_235, %logistic3A_233 : vector<16x128xf32>
      %logistic3A_237 = arith.divf %logistic3A_235, %logistic3A_236 : vector<16x128xf32>
      %slice3A_238 = vector.extract_strided_slice %get3A_223 {offsets = [0, 128], sizes = [16, 128], strides = [1, 1]} : vector<16x384xf32> to vector<16x128xf32>
      %slice3A_239 = vector.extract_strided_slice %dot_general3A_226 {offsets = [0, 128], sizes = [16, 128], strides = [1, 1]} : vector<16x256xf32> to vector<16x128xf32>
      %add3A_240 = arith.addf %slice3A_238, %slice3A_239 : vector<16x128xf32>
      %logistic3A_241 = arith.negf %add3A_240 : vector<16x128xf32>
      %logistic3A_242 = math.exp %logistic3A_241 : vector<16x128xf32>
      %logistic3A_243 = arith.constant 1.000000e+00 : f32
      %logistic3A_244 = vector.broadcast %logistic3A_243 : f32 to vector<16x128xf32>
      %logistic3A_245 = arith.addf %logistic3A_244, %logistic3A_242 : vector<16x128xf32>
      %logistic3A_246 = arith.divf %logistic3A_244, %logistic3A_245 : vector<16x128xf32>
      %slice3A_247 = vector.extract_strided_slice %get3A_223 {offsets = [0, 256], sizes = [16, 128], strides = [1, 1]} : vector<16x384xf32> to vector<16x128xf32>
      %add3A_248 = vector.broadcast %slice3A_15 : vector<1x128xf32> to vector<16x128xf32>
      %add3A_249 = arith.addf %dot_general3A_228, %add3A_248 : vector<16x128xf32>
      %mul3A_250 = arith.mulf %logistic3A_237, %add3A_249 : vector<16x128xf32>
      %add3A_251 = arith.addf %slice3A_247, %mul3A_250 : vector<16x128xf32>
      %tanh3A_252 = math.tanh %add3A_251 : vector<16x128xf32>
      %sub3A_253 = arith.subf %add3A_208, %tanh3A_252 : vector<16x128xf32>
      %mul3A_254 = arith.mulf %logistic3A_246, %sub3A_253 : vector<16x128xf32>
      %add3A_255 = arith.addf %tanh3A_252, %mul3A_254 : vector<16x128xf32>
      %add3A_256 = arith.constant 0 : i32
      %add3A_257 = arith.addi %add3A_256, %scan3A_218 : i32
      %swap3A_258 = arith.index_cast %add3A_257 : i32 to index
      %swap3A_259 = arith.constant 0 : index
      %swap3A_260 = arith.constant 0 : index
      %swap3A_261 = vector.load %arg7[%swap3A_258, %swap3A_259, %swap3A_260] : memref<256x16x128xf32, #tpu.memory_space<vmem>>, vector<1x16x128xf32>
      %swap3A_262 = vector.shape_cast %swap3A_261 : vector<1x16x128xf32> to vector<16x128xf32>
      %swap3A_263 = vector.shape_cast %add3A_255 : vector<16x128xf32> to vector<1x16x128xf32>
      tpu.vector_store %arg7[%swap3A_258, %swap3A_259, %swap3A_260], %swap3A_263 {strides = array<i32>} : memref<256x16x128xf32, #tpu.memory_space<vmem>>, vector<1x16x128xf32>,
      %scan3A_264 = arith.constant 3 : i32
      %scan3A_265 = arith.addi %scan3A_127, %scan3A_264 : i32
      %get3A_266 = arith.index_cast %scan3A_265 : i32 to index
      %get3A_267 = arith.constant 0 : index
      %get3A_268 = arith.constant 0 : index
      %get3A_269 = vector.load %arg9[%get3A_266, %get3A_267, %get3A_268] : memref<64x16x384xf32, #tpu.memory_space<vmem>>, vector<1x16x384xf32>
      %get3A_270 = vector.shape_cast %get3A_269 : vector<1x16x384xf32> to vector<16x384xf32>
      %convert_element_type3A_271 = arith.truncf %add3A_255 : vector<16x128xf32> to vector<16x128xbf16>
      %dot_general3A_272 = arith.constant dense<0.000000e+00> : vector<16x256xf32>
      %dot_general3A_273 = tpu.matmul %convert_element_type3A_271, %slice3A, %dot_general3A_272 {dimension_numbers = #tpu.dot_dimension_numbers<[1], [0], [0], [1], [0, 0, 1, 1], [], []>, transpose_lhs_hint = false} : vector<16x128xbf16>, vector<128x256xbf16>, vector<16x256xf32> -> vector<16x256xf32>
      %dot_general3A_274 = arith.constant dense<0.000000e+00> : vector<16x128xf32>
      %dot_general3A_275 = tpu.matmul %convert_element_type3A_271, %slice3A_6, %dot_general3A_274 {dimension_numbers = #tpu.dot_dimension_numbers<[1], [0], [0], [1], [0, 0, 1, 1], [], []>, transpose_lhs_hint = false} : vector<16x128xbf16>, vector<128x128xbf16>, vector<16x128xf32> -> vector<16x128xf32>
      %slice3A_276 = vector.extract_strided_slice %get3A_270 {offsets = [0, 0], sizes = [16, 128], strides = [1, 1]} : vector<16x384xf32> to vector<16x128xf32>
      %slice3A_277 = vector.extract_strided_slice %dot_general3A_273 {offsets = [0, 0], sizes = [16, 128], strides = [1, 1]} : vector<16x256xf32> to vector<16x128xf32>
      %add3A_278 = arith.addf %slice3A_276, %slice3A_277 : vector<16x128xf32>
      %logistic3A_279 = arith.negf %add3A_278 : vector<16x128xf32>
      %logistic3A_280 = math.exp %logistic3A_279 : vector<16x128xf32>
      %logistic3A_281 = arith.constant 1.000000e+00 : f32
      %logistic3A_282 = vector.broadcast %logistic3A_281 : f32 to vector<16x128xf32>
      %logistic3A_283 = arith.addf %logistic3A_282, %logistic3A_280 : vector<16x128xf32>
      %logistic3A_284 = arith.divf %logistic3A_282, %logistic3A_283 : vector<16x128xf32>
      %slice3A_285 = vector.extract_strided_slice %get3A_270 {offsets = [0, 128], sizes = [16, 128], strides = [1, 1]} : vector<16x384xf32> to vector<16x128xf32>
      %slice3A_286 = vector.extract_strided_slice %dot_general3A_273 {offsets = [0, 128], sizes = [16, 128], strides = [1, 1]} : vector<16x256xf32> to vector<16x128xf32>
      %add3A_287 = arith.addf %slice3A_285, %slice3A_286 : vector<16x128xf32>
      %logistic3A_288 = arith.negf %add3A_287 : vector<16x128xf32>
      %logistic3A_289 = math.exp %logistic3A_288 : vector<16x128xf32>
      %logistic3A_290 = arith.constant 1.000000e+00 : f32
      %logistic3A_291 = vector.broadcast %logistic3A_290 : f32 to vector<16x128xf32>
      %logistic3A_292 = arith.addf %logistic3A_291, %logistic3A_289 : vector<16x128xf32>
      %logistic3A_293 = arith.divf %logistic3A_291, %logistic3A_292 : vector<16x128xf32>
      %slice3A_294 = vector.extract_strided_slice %get3A_270 {offsets = [0, 256], sizes = [16, 128], strides = [1, 1]} : vector<16x384xf32> to vector<16x128xf32>
      %add3A_295 = vector.broadcast %slice3A_15 : vector<1x128xf32> to vector<16x128xf32>
      %add3A_296 = arith.addf %dot_general3A_275, %add3A_295 : vector<16x128xf32>
      %mul3A_297 = arith.mulf %logistic3A_284, %add3A_296 : vector<16x128xf32>
      %add3A_298 = arith.addf %slice3A_294, %mul3A_297 : vector<16x128xf32>
      %tanh3A_299 = math.tanh %add3A_298 : vector<16x128xf32>
      %sub3A_300 = arith.subf %add3A_255, %tanh3A_299 : vector<16x128xf32>
      %mul3A_301 = arith.mulf %logistic3A_293, %sub3A_300 : vector<16x128xf32>
      %add3A_302 = arith.addf %tanh3A_299, %mul3A_301 : vector<16x128xf32>
      %add3A_303 = arith.constant 0 : i32
      %add3A_304 = arith.addi %add3A_303, %scan3A_265 : i32
      %swap3A_305 = arith.index_cast %add3A_304 : i32 to index
      %swap3A_306 = arith.constant 0 : index
      %swap3A_307 = arith.constant 0 : index
      %swap3A_308 = vector.load %arg7[%swap3A_305, %swap3A_306, %swap3A_307] : memref<256x16x128xf32, #tpu.memory_space<vmem>>, vector<1x16x128xf32>
      %swap3A_309 = vector.shape_cast %swap3A_308 : vector<1x16x128xf32> to vector<16x128xf32>
      %swap3A_310 = vector.shape_cast %add3A_302 : vector<16x128xf32> to vector<1x16x128xf32>
      tpu.vector_store %arg7[%swap3A_305, %swap3A_306, %swap3A_307], %swap3A_310 {strides = array<i32>} : memref<256x16x128xf32, #tpu.memory_space<vmem>>, vector<1x16x128xf32>,
      %scan3A_311 = arith.constant 4 : i32
      %scan3A_312 = arith.addi %scan3A_127, %scan3A_311 : i32
      %get3A_313 = arith.index_cast %scan3A_312 : i32 to index
      %get3A_314 = arith.constant 0 : index
      %get3A_315 = arith.constant 0 : index
      %get3A_316 = vector.load %arg9[%get3A_313, %get3A_314, %get3A_315] : memref<64x16x384xf32, #tpu.memory_space<vmem>>, vector<1x16x384xf32>
      %get3A_317 = vector.shape_cast %get3A_316 : vector<1x16x384xf32> to vector<16x384xf32>
      %convert_element_type3A_318 = arith.truncf %add3A_302 : vector<16x128xf32> to vector<16x128xbf16>
      %dot_general3A_319 = arith.constant dense<0.000000e+00> : vector<16x256xf32>
      %dot_general3A_320 = tpu.matmul %convert_element_type3A_318, %slice3A, %dot_general3A_319 {dimension_numbers = #tpu.dot_dimension_numbers<[1], [0], [0], [1], [0, 0, 1, 1], [], []>, transpose_lhs_hint = false} : vector<16x128xbf16>, vector<128x256xbf16>, vector<16x256xf32> -> vector<16x256xf32>
      %dot_general3A_321 = arith.constant dense<0.000000e+00> : vector<16x128xf32>
      %dot_general3A_322 = tpu.matmul %convert_element_type3A_318, %slice3A_6, %dot_general3A_321 {dimension_numbers = #tpu.dot_dimension_numbers<[1], [0], [0], [1], [0, 0, 1, 1], [], []>, transpose_lhs_hint = false} : vector<16x128xbf16>, vector<128x128xbf16>, vector<16x128xf32> -> vector<16x128xf32>
      %slice3A_323 = vector.extract_strided_slice %get3A_317 {offsets = [0, 0], sizes = [16, 128], strides = [1, 1]} : vector<16x384xf32> to vector<16x128xf32>
      %slice3A_324 = vector.extract_strided_slice %dot_general3A_320 {offsets = [0, 0], sizes = [16, 128], strides = [1, 1]} : vector<16x256xf32> to vector<16x128xf32>
      %add3A_325 = arith.addf %slice3A_323, %slice3A_324 : vector<16x128xf32>
      %logistic3A_326 = arith.negf %add3A_325 : vector<16x128xf32>
      %logistic3A_327 = math.exp %logistic3A_326 : vector<16x128xf32>
      %logistic3A_328 = arith.constant 1.000000e+00 : f32
      %logistic3A_329 = vector.broadcast %logistic3A_328 : f32 to vector<16x128xf32>
      %logistic3A_330 = arith.addf %logistic3A_329, %logistic3A_327 : vector<16x128xf32>
      %logistic3A_331 = arith.divf %logistic3A_329, %logistic3A_330 : vector<16x128xf32>
      %slice3A_332 = vector.extract_strided_slice %get3A_317 {offsets = [0, 128], sizes = [16, 128], strides = [1, 1]} : vector<16x384xf32> to vector<16x128xf32>
      %slice3A_333 = vector.extract_strided_slice %dot_general3A_320 {offsets = [0, 128], sizes = [16, 128], strides = [1, 1]} : vector<16x256xf32> to vector<16x128xf32>
      %add3A_334 = arith.addf %slice3A_332, %slice3A_333 : vector<16x128xf32>
      %logistic3A_335 = arith.negf %add3A_334 : vector<16x128xf32>
      %logistic3A_336 = math.exp %logistic3A_335 : vector<16x128xf32>
      %logistic3A_337 = arith.constant 1.000000e+00 : f32
      %logistic3A_338 = vector.broadcast %logistic3A_337 : f32 to vector<16x128xf32>
      %logistic3A_339 = arith.addf %logistic3A_338, %logistic3A_336 : vector<16x128xf32>
      %logistic3A_340 = arith.divf %logistic3A_338, %logistic3A_339 : vector<16x128xf32>
      %slice3A_341 = vector.extract_strided_slice %get3A_317 {offsets = [0, 256], sizes = [16, 128], strides = [1, 1]} : vector<16x384xf32> to vector<16x128xf32>
      %add3A_342 = vector.broadcast %slice3A_15 : vector<1x128xf32> to vector<16x128xf32>
      %add3A_343 = arith.addf %dot_general3A_322, %add3A_342 : vector<16x128xf32>
      %mul3A_344 = arith.mulf %logistic3A_331, %add3A_343 : vector<16x128xf32>
      %add3A_345 = arith.addf %slice3A_341, %mul3A_344 : vector<16x128xf32>
      %tanh3A_346 = math.tanh %add3A_345 : vector<16x128xf32>
      %sub3A_347 = arith.subf %add3A_302, %tanh3A_346 : vector<16x128xf32>
      %mul3A_348 = arith.mulf %logistic3A_340, %sub3A_347 : vector<16x128xf32>
      %add3A_349 = arith.addf %tanh3A_346, %mul3A_348 : vector<16x128xf32>
      %add3A_350 = arith.constant 0 : i32
      %add3A_351 = arith.addi %add3A_350, %scan3A_312 : i32
      %swap3A_352 = arith.index_cast %add3A_351 : i32 to index
      %swap3A_353 = arith.constant 0 : index
      %swap3A_354 = arith.constant 0 : index
      %swap3A_355 = vector.load %arg7[%swap3A_352, %swap3A_353, %swap3A_354] : memref<256x16x128xf32, #tpu.memory_space<vmem>>, vector<1x16x128xf32>
      %swap3A_356 = vector.shape_cast %swap3A_355 : vector<1x16x128xf32> to vector<16x128xf32>
      %swap3A_357 = vector.shape_cast %add3A_349 : vector<16x128xf32> to vector<1x16x128xf32>
      tpu.vector_store %arg7[%swap3A_352, %swap3A_353, %swap3A_354], %swap3A_357 {strides = array<i32>} : memref<256x16x128xf32, #tpu.memory_space<vmem>>, vector<1x16x128xf32>,
      %scan3A_358 = arith.constant 5 : i32
      %scan3A_359 = arith.addi %scan3A_127, %scan3A_358 : i32
      %get3A_360 = arith.index_cast %scan3A_359 : i32 to index
      %get3A_361 = arith.constant 0 : index
      %get3A_362 = arith.constant 0 : index
      %get3A_363 = vector.load %arg9[%get3A_360, %get3A_361, %get3A_362] : memref<64x16x384xf32, #tpu.memory_space<vmem>>, vector<1x16x384xf32>
      %get3A_364 = vector.shape_cast %get3A_363 : vector<1x16x384xf32> to vector<16x384xf32>
      %convert_element_type3A_365 = arith.truncf %add3A_349 : vector<16x128xf32> to vector<16x128xbf16>
      %dot_general3A_366 = arith.constant dense<0.000000e+00> : vector<16x256xf32>
      %dot_general3A_367 = tpu.matmul %convert_element_type3A_365, %slice3A, %dot_general3A_366 {dimension_numbers = #tpu.dot_dimension_numbers<[1], [0], [0], [1], [0, 0, 1, 1], [], []>, transpose_lhs_hint = false} : vector<16x128xbf16>, vector<128x256xbf16>, vector<16x256xf32> -> vector<16x256xf32>
      %dot_general3A_368 = arith.constant dense<0.000000e+00> : vector<16x128xf32>
      %dot_general3A_369 = tpu.matmul %convert_element_type3A_365, %slice3A_6, %dot_general3A_368 {dimension_numbers = #tpu.dot_dimension_numbers<[1], [0], [0], [1], [0, 0, 1, 1], [], []>, transpose_lhs_hint = false} : vector<16x128xbf16>, vector<128x128xbf16>, vector<16x128xf32> -> vector<16x128xf32>
      %slice3A_370 = vector.extract_strided_slice %get3A_364 {offsets = [0, 0], sizes = [16, 128], strides = [1, 1]} : vector<16x384xf32> to vector<16x128xf32>
      %slice3A_371 = vector.extract_strided_slice %dot_general3A_367 {offsets = [0, 0], sizes = [16, 128], strides = [1, 1]} : vector<16x256xf32> to vector<16x128xf32>
      %add3A_372 = arith.addf %slice3A_370, %slice3A_371 : vector<16x128xf32>
      %logistic3A_373 = arith.negf %add3A_372 : vector<16x128xf32>
      %logistic3A_374 = math.exp %logistic3A_373 : vector<16x128xf32>
      %logistic3A_375 = arith.constant 1.000000e+00 : f32
      %logistic3A_376 = vector.broadcast %logistic3A_375 : f32 to vector<16x128xf32>
      %logistic3A_377 = arith.addf %logistic3A_376, %logistic3A_374 : vector<16x128xf32>
      %logistic3A_378 = arith.divf %logistic3A_376, %logistic3A_377 : vector<16x128xf32>
      %slice3A_379 = vector.extract_strided_slice %get3A_364 {offsets = [0, 128], sizes = [16, 128], strides = [1, 1]} : vector<16x384xf32> to vector<16x128xf32>
      %slice3A_380 = vector.extract_strided_slice %dot_general3A_367 {offsets = [0, 128], sizes = [16, 128], strides = [1, 1]} : vector<16x256xf32> to vector<16x128xf32>
      %add3A_381 = arith.addf %slice3A_379, %slice3A_380 : vector<16x128xf32>
      %logistic3A_382 = arith.negf %add3A_381 : vector<16x128xf32>
      %logistic3A_383 = math.exp %logistic3A_382 : vector<16x128xf32>
      %logistic3A_384 = arith.constant 1.000000e+00 : f32
      %logistic3A_385 = vector.broadcast %logistic3A_384 : f32 to vector<16x128xf32>
      %logistic3A_386 = arith.addf %logistic3A_385, %logistic3A_383 : vector<16x128xf32>
      %logistic3A_387 = arith.divf %logistic3A_385, %logistic3A_386 : vector<16x128xf32>
      %slice3A_388 = vector.extract_strided_slice %get3A_364 {offsets = [0, 256], sizes = [16, 128], strides = [1, 1]} : vector<16x384xf32> to vector<16x128xf32>
      %add3A_389 = vector.broadcast %slice3A_15 : vector<1x128xf32> to vector<16x128xf32>
      %add3A_390 = arith.addf %dot_general3A_369, %add3A_389 : vector<16x128xf32>
      %mul3A_391 = arith.mulf %logistic3A_378, %add3A_390 : vector<16x128xf32>
      %add3A_392 = arith.addf %slice3A_388, %mul3A_391 : vector<16x128xf32>
      %tanh3A_393 = math.tanh %add3A_392 : vector<16x128xf32>
      %sub3A_394 = arith.subf %add3A_349, %tanh3A_393 : vector<16x128xf32>
      %mul3A_395 = arith.mulf %logistic3A_387, %sub3A_394 : vector<16x128xf32>
      %add3A_396 = arith.addf %tanh3A_393, %mul3A_395 : vector<16x128xf32>
      %add3A_397 = arith.constant 0 : i32
      %add3A_398 = arith.addi %add3A_397, %scan3A_359 : i32
      %swap3A_399 = arith.index_cast %add3A_398 : i32 to index
      %swap3A_400 = arith.constant 0 : index
      %swap3A_401 = arith.constant 0 : index
      %swap3A_402 = vector.load %arg7[%swap3A_399, %swap3A_400, %swap3A_401] : memref<256x16x128xf32, #tpu.memory_space<vmem>>, vector<1x16x128xf32>
      %swap3A_403 = vector.shape_cast %swap3A_402 : vector<1x16x128xf32> to vector<16x128xf32>
      %swap3A_404 = vector.shape_cast %add3A_396 : vector<16x128xf32> to vector<1x16x128xf32>
      tpu.vector_store %arg7[%swap3A_399, %swap3A_400, %swap3A_401], %swap3A_404 {strides = array<i32>} : memref<256x16x128xf32, #tpu.memory_space<vmem>>, vector<1x16x128xf32>,
      %scan3A_405 = arith.constant 6 : i32
      %scan3A_406 = arith.addi %scan3A_127, %scan3A_405 : i32
      %get3A_407 = arith.index_cast %scan3A_406 : i32 to index
      %get3A_408 = arith.constant 0 : index
      %get3A_409 = arith.constant 0 : index
      %get3A_410 = vector.load %arg9[%get3A_407, %get3A_408, %get3A_409] : memref<64x16x384xf32, #tpu.memory_space<vmem>>, vector<1x16x384xf32>
      %get3A_411 = vector.shape_cast %get3A_410 : vector<1x16x384xf32> to vector<16x384xf32>
      %convert_element_type3A_412 = arith.truncf %add3A_396 : vector<16x128xf32> to vector<16x128xbf16>
      %dot_general3A_413 = arith.constant dense<0.000000e+00> : vector<16x256xf32>
      %dot_general3A_414 = tpu.matmul %convert_element_type3A_412, %slice3A, %dot_general3A_413 {dimension_numbers = #tpu.dot_dimension_numbers<[1], [0], [0], [1], [0, 0, 1, 1], [], []>, transpose_lhs_hint = false} : vector<16x128xbf16>, vector<128x256xbf16>, vector<16x256xf32> -> vector<16x256xf32>
      %dot_general3A_415 = arith.constant dense<0.000000e+00> : vector<16x128xf32>
      %dot_general3A_416 = tpu.matmul %convert_element_type3A_412, %slice3A_6, %dot_general3A_415 {dimension_numbers = #tpu.dot_dimension_numbers<[1], [0], [0], [1], [0, 0, 1, 1], [], []>, transpose_lhs_hint = false} : vector<16x128xbf16>, vector<128x128xbf16>, vector<16x128xf32> -> vector<16x128xf32>
      %slice3A_417 = vector.extract_strided_slice %get3A_411 {offsets = [0, 0], sizes = [16, 128], strides = [1, 1]} : vector<16x384xf32> to vector<16x128xf32>
      %slice3A_418 = vector.extract_strided_slice %dot_general3A_414 {offsets = [0, 0], sizes = [16, 128], strides = [1, 1]} : vector<16x256xf32> to vector<16x128xf32>
      %add3A_419 = arith.addf %slice3A_417, %slice3A_418 : vector<16x128xf32>
      %logistic3A_420 = arith.negf %add3A_419 : vector<16x128xf32>
      %logistic3A_421 = math.exp %logistic3A_420 : vector<16x128xf32>
      %logistic3A_422 = arith.constant 1.000000e+00 : f32
      %logistic3A_423 = vector.broadcast %logistic3A_422 : f32 to vector<16x128xf32>
      %logistic3A_424 = arith.addf %logistic3A_423, %logistic3A_421 : vector<16x128xf32>
      %logistic3A_425 = arith.divf %logistic3A_423, %logistic3A_424 : vector<16x128xf32>
      %slice3A_426 = vector.extract_strided_slice %get3A_411 {offsets = [0, 128], sizes = [16, 128], strides = [1, 1]} : vector<16x384xf32> to vector<16x128xf32>
      %slice3A_427 = vector.extract_strided_slice %dot_general3A_414 {offsets = [0, 128], sizes = [16, 128], strides = [1, 1]} : vector<16x256xf32> to vector<16x128xf32>
      %add3A_428 = arith.addf %slice3A_426, %slice3A_427 : vector<16x128xf32>
      %logistic3A_429 = arith.negf %add3A_428 : vector<16x128xf32>
      %logistic3A_430 = math.exp %logistic3A_429 : vector<16x128xf32>
      %logistic3A_431 = arith.constant 1.000000e+00 : f32
      %logistic3A_432 = vector.broadcast %logistic3A_431 : f32 to vector<16x128xf32>
      %logistic3A_433 = arith.addf %logistic3A_432, %logistic3A_430 : vector<16x128xf32>
      %logistic3A_434 = arith.divf %logistic3A_432, %logistic3A_433 : vector<16x128xf32>
      %slice3A_435 = vector.extract_strided_slice %get3A_411 {offsets = [0, 256], sizes = [16, 128], strides = [1, 1]} : vector<16x384xf32> to vector<16x128xf32>
      %add3A_436 = vector.broadcast %slice3A_15 : vector<1x128xf32> to vector<16x128xf32>
      %add3A_437 = arith.addf %dot_general3A_416, %add3A_436 : vector<16x128xf32>
      %mul3A_438 = arith.mulf %logistic3A_425, %add3A_437 : vector<16x128xf32>
      %add3A_439 = arith.addf %slice3A_435, %mul3A_438 : vector<16x128xf32>
      %tanh3A_440 = math.tanh %add3A_439 : vector<16x128xf32>
      %sub3A_441 = arith.subf %add3A_396, %tanh3A_440 : vector<16x128xf32>
      %mul3A_442 = arith.mulf %logistic3A_434, %sub3A_441 : vector<16x128xf32>
      %add3A_443 = arith.addf %tanh3A_440, %mul3A_442 : vector<16x128xf32>
      %add3A_444 = arith.constant 0 : i32
      %add3A_445 = arith.addi %add3A_444, %scan3A_406 : i32
      %swap3A_446 = arith.index_cast %add3A_445 : i32 to index
      %swap3A_447 = arith.constant 0 : index
      %swap3A_448 = arith.constant 0 : index
      %swap3A_449 = vector.load %arg7[%swap3A_446, %swap3A_447, %swap3A_448] : memref<256x16x128xf32, #tpu.memory_space<vmem>>, vector<1x16x128xf32>
      %swap3A_450 = vector.shape_cast %swap3A_449 : vector<1x16x128xf32> to vector<16x128xf32>
      %swap3A_451 = vector.shape_cast %add3A_443 : vector<16x128xf32> to vector<1x16x128xf32>
      tpu.vector_store %arg7[%swap3A_446, %swap3A_447, %swap3A_448], %swap3A_451 {strides = array<i32>} : memref<256x16x128xf32, #tpu.memory_space<vmem>>, vector<1x16x128xf32>,
      %scan3A_452 = arith.constant 7 : i32
      %scan3A_453 = arith.addi %scan3A_127, %scan3A_452 : i32
      %get3A_454 = arith.index_cast %scan3A_453 : i32 to index
      %get3A_455 = arith.constant 0 : index
      %get3A_456 = arith.constant 0 : index
      %get3A_457 = vector.load %arg9[%get3A_454, %get3A_455, %get3A_456] : memref<64x16x384xf32, #tpu.memory_space<vmem>>, vector<1x16x384xf32>
      %get3A_458 = vector.shape_cast %get3A_457 : vector<1x16x384xf32> to vector<16x384xf32>
      %convert_element_type3A_459 = arith.truncf %add3A_443 : vector<16x128xf32> to vector<16x128xbf16>
      %dot_general3A_460 = arith.constant dense<0.000000e+00> : vector<16x256xf32>
      %dot_general3A_461 = tpu.matmul %convert_element_type3A_459, %slice3A, %dot_general3A_460 {dimension_numbers = #tpu.dot_dimension_numbers<[1], [0], [0], [1], [0, 0, 1, 1], [], []>, transpose_lhs_hint = false} : vector<16x128xbf16>, vector<128x256xbf16>, vector<16x256xf32> -> vector<16x256xf32>
      %dot_general3A_462 = arith.constant dense<0.000000e+00> : vector<16x128xf32>
      %dot_general3A_463 = tpu.matmul %convert_element_type3A_459, %slice3A_6, %dot_general3A_462 {dimension_numbers = #tpu.dot_dimension_numbers<[1], [0], [0], [1], [0, 0, 1, 1], [], []>, transpose_lhs_hint = false} : vector<16x128xbf16>, vector<128x128xbf16>, vector<16x128xf32> -> vector<16x128xf32>
      %slice3A_464 = vector.extract_strided_slice %get3A_458 {offsets = [0, 0], sizes = [16, 128], strides = [1, 1]} : vector<16x384xf32> to vector<16x128xf32>
      %slice3A_465 = vector.extract_strided_slice %dot_general3A_461 {offsets = [0, 0], sizes = [16, 128], strides = [1, 1]} : vector<16x256xf32> to vector<16x128xf32>
      %add3A_466 = arith.addf %slice3A_464, %slice3A_465 : vector<16x128xf32>
      %logistic3A_467 = arith.negf %add3A_466 : vector<16x128xf32>
      %logistic3A_468 = math.exp %logistic3A_467 : vector<16x128xf32>
      %logistic3A_469 = arith.constant 1.000000e+00 : f32
      %logistic3A_470 = vector.broadcast %logistic3A_469 : f32 to vector<16x128xf32>
      %logistic3A_471 = arith.addf %logistic3A_470, %logistic3A_468 : vector<16x128xf32>
      %logistic3A_472 = arith.divf %logistic3A_470, %logistic3A_471 : vector<16x128xf32>
      %slice3A_473 = vector.extract_strided_slice %get3A_458 {offsets = [0, 128], sizes = [16, 128], strides = [1, 1]} : vector<16x384xf32> to vector<16x128xf32>
      %slice3A_474 = vector.extract_strided_slice %dot_general3A_461 {offsets = [0, 128], sizes = [16, 128], strides = [1, 1]} : vector<16x256xf32> to vector<16x128xf32>
      %add3A_475 = arith.addf %slice3A_473, %slice3A_474 : vector<16x128xf32>
      %logistic3A_476 = arith.negf %add3A_475 : vector<16x128xf32>
      %logistic3A_477 = math.exp %logistic3A_476 : vector<16x128xf32>
      %logistic3A_478 = arith.constant 1.000000e+00 : f32
      %logistic3A_479 = vector.broadcast %logistic3A_478 : f32 to vector<16x128xf32>
      %logistic3A_480 = arith.addf %logistic3A_479, %logistic3A_477 : vector<16x128xf32>
      %logistic3A_481 = arith.divf %logistic3A_479, %logistic3A_480 : vector<16x128xf32>
      %slice3A_482 = vector.extract_strided_slice %get3A_458 {offsets = [0, 256], sizes = [16, 128], strides = [1, 1]} : vector<16x384xf32> to vector<16x128xf32>
      %add3A_483 = vector.broadcast %slice3A_15 : vector<1x128xf32> to vector<16x128xf32>
      %add3A_484 = arith.addf %dot_general3A_463, %add3A_483 : vector<16x128xf32>
      %mul3A_485 = arith.mulf %logistic3A_472, %add3A_484 : vector<16x128xf32>
      %add3A_486 = arith.addf %slice3A_482, %mul3A_485 : vector<16x128xf32>
      %tanh3A_487 = math.tanh %add3A_486 : vector<16x128xf32>
      %sub3A_488 = arith.subf %add3A_443, %tanh3A_487 : vector<16x128xf32>
      %mul3A_489 = arith.mulf %logistic3A_481, %sub3A_488 : vector<16x128xf32>
      %add3A_490 = arith.addf %tanh3A_487, %mul3A_489 : vector<16x128xf32>
      %add3A_491 = arith.constant 0 : i32
      %add3A_492 = arith.addi %add3A_491, %scan3A_453 : i32
      %swap3A_493 = arith.index_cast %add3A_492 : i32 to index
      %swap3A_494 = arith.constant 0 : index
      %swap3A_495 = arith.constant 0 : index
      %swap3A_496 = vector.load %arg7[%swap3A_493, %swap3A_494, %swap3A_495] : memref<256x16x128xf32, #tpu.memory_space<vmem>>, vector<1x16x128xf32>
      %swap3A_497 = vector.shape_cast %swap3A_496 : vector<1x16x128xf32> to vector<16x128xf32>
      %swap3A_498 = vector.shape_cast %add3A_490 : vector<16x128xf32> to vector<1x16x128xf32>
      tpu.vector_store %arg7[%swap3A_493, %swap3A_494, %swap3A_495], %swap3A_498 {strides = array<i32>} : memref<256x16x128xf32, #tpu.memory_space<vmem>>, vector<1x16x128xf32>,
      scf.yield %add3A_490 : vector<16x128xf32>
    }
    %scan3A_48 = arith.constant 64 : i32
    %get3A_49 = arith.constant 1024 : index
    %get3A_50 = arith.constant 0 : index
    %get3A_51 = vector.load %arg0[%get3A_49, %get3A_50] : memref<4096x1xi32, #tpu.memory_space<vmem>>, vector<1024x1xi32>
    %iota3A_52 = tpu.iota {dimensions = array<i32: 1>} : vector<1024x256xi32>
    %eq3A_53 = vector.broadcast %get3A_51 : vector<1024x1xi32> to vector<1024x256xi32>
    %eq3A_54 = arith.cmpi eq, %eq3A_53, %iota3A_52 : vector<1024x256xi32>
    %jit3A_55 = arith.constant 1.000000e+00 : f32
    %jit3A_56 = arith.constant 0.000000e+00 : f32
    %broadcast_in_dim3A_57 = vector.broadcast %jit3A_55 : f32 to vector<1024x256xf32>
    %broadcast_in_dim3A_58 = vector.broadcast %jit3A_56 : f32 to vector<1024x256xf32>
    %select_n3A_59 = arith.select %eq3A_54, %broadcast_in_dim3A_57, %broadcast_in_dim3A_58 : vector<1024x256xi1>, vector<1024x256xf32>
    %convert_element_type3A_60 = arith.truncf %select_n3A_59 : vector<1024x256xf32> to vector<1024x256xbf16>
    %dot_general3A_61 = arith.constant dense<0.000000e+00> : vector<1024x384xf32>
    %dot_general3A_62 = tpu.matmul %convert_element_type3A_60, %convert_element_type3A_22, %dot_general3A_61 {dimension_numbers = #tpu.dot_dimension_numbers<[1], [0], [0], [1], [0, 0, 1, 1], [], []>, transpose_lhs_hint = false} : vector<1024x256xbf16>, vector<256x384xbf16>, vector<1024x384xf32> -> vector<1024x384xf32>
    %reshape3A_63 = vector.shape_cast %dot_general3A_62 : vector<1024x384xf32> to vector<64x16x384xf32>
    %swap3A_64 = arith.constant 0 : index
    %swap3A_65 = arith.constant 0 : index
    %swap3A_66 = arith.constant 0 : index
    %swap3A_67 = vector.load %arg9[%swap3A_64, %swap3A_65, %swap3A_66] : memref<64x16x384xf32, #tpu.memory_space<vmem>>, vector<64x16x384xf32>
    tpu.vector_store %arg9[%swap3A_64, %swap3A_65, %swap3A_66], %reshape3A_63 {strides = array<i32>} : memref<64x16x384xf32, #tpu.memory_space<vmem>>, vector<64x16x384xf32>,
    %scan3A_68 = arith.constant 0 : i32
    %scan3A_69 = arith.constant 64 : i32
    %scan3A_70 = arith.addi %scan3A_68, %scan3A_69 : i32
    %scan3A_71 = arith.constant 8 : i32
    %scan3A_72 = scf.for %scan3A_127 = %scan3A_68 to %scan3A_70 step %scan3A_71 iter_args(%scan3A_128 = %scan3A_47) -> (vector<16x128xf32>)  : i32 {
      %get3A_129 = arith.index_cast %scan3A_127 : i32 to index
      %get3A_130 = arith.constant 0 : index
      %get3A_131 = arith.constant 0 : index
      %get3A_132 = vector.load %arg9[%get3A_129, %get3A_130, %get3A_131] : memref<64x16x384xf32, #tpu.memory_space<vmem>>, vector<1x16x384xf32>
      %get3A_133 = vector.shape_cast %get3A_132 : vector<1x16x384xf32> to vector<16x384xf32>
      %convert_element_type3A_134 = arith.truncf %scan3A_128 : vector<16x128xf32> to vector<16x128xbf16>
      %dot_general3A_135 = arith.constant dense<0.000000e+00> : vector<16x256xf32>
      %dot_general3A_136 = tpu.matmul %convert_element_type3A_134, %slice3A, %dot_general3A_135 {dimension_numbers = #tpu.dot_dimension_numbers<[1], [0], [0], [1], [0, 0, 1, 1], [], []>, transpose_lhs_hint = false} : vector<16x128xbf16>, vector<128x256xbf16>, vector<16x256xf32> -> vector<16x256xf32>
      %dot_general3A_137 = arith.constant dense<0.000000e+00> : vector<16x128xf32>
      %dot_general3A_138 = tpu.matmul %convert_element_type3A_134, %slice3A_6, %dot_general3A_137 {dimension_numbers = #tpu.dot_dimension_numbers<[1], [0], [0], [1], [0, 0, 1, 1], [], []>, transpose_lhs_hint = false} : vector<16x128xbf16>, vector<128x128xbf16>, vector<16x128xf32> -> vector<16x128xf32>
      %slice3A_139 = vector.extract_strided_slice %get3A_133 {offsets = [0, 0], sizes = [16, 128], strides = [1, 1]} : vector<16x384xf32> to vector<16x128xf32>
      %slice3A_140 = vector.extract_strided_slice %dot_general3A_136 {offsets = [0, 0], sizes = [16, 128], strides = [1, 1]} : vector<16x256xf32> to vector<16x128xf32>
      %add3A_141 = arith.addf %slice3A_139, %slice3A_140 : vector<16x128xf32>
      %logistic3A = arith.negf %add3A_141 : vector<16x128xf32>
      %logistic3A_142 = math.exp %logistic3A : vector<16x128xf32>
      %logistic3A_143 = arith.constant 1.000000e+00 : f32
      %logistic3A_144 = vector.broadcast %logistic3A_143 : f32 to vector<16x128xf32>
      %logistic3A_145 = arith.addf %logistic3A_144, %logistic3A_142 : vector<16x128xf32>
      %logistic3A_146 = arith.divf %logistic3A_144, %logistic3A_145 : vector<16x128xf32>
      %slice3A_147 = vector.extract_strided_slice %get3A_133 {offsets = [0, 128], sizes = [16, 128], strides = [1, 1]} : vector<16x384xf32> to vector<16x128xf32>
      %slice3A_148 = vector.extract_strided_slice %dot_general3A_136 {offsets = [0, 128], sizes = [16, 128], strides = [1, 1]} : vector<16x256xf32> to vector<16x128xf32>
      %add3A_149 = arith.addf %slice3A_147, %slice3A_148 : vector<16x128xf32>
      %logistic3A_150 = arith.negf %add3A_149 : vector<16x128xf32>
      %logistic3A_151 = math.exp %logistic3A_150 : vector<16x128xf32>
      %logistic3A_152 = arith.constant 1.000000e+00 : f32
      %logistic3A_153 = vector.broadcast %logistic3A_152 : f32 to vector<16x128xf32>
      %logistic3A_154 = arith.addf %logistic3A_153, %logistic3A_151 : vector<16x128xf32>
      %logistic3A_155 = arith.divf %logistic3A_153, %logistic3A_154 : vector<16x128xf32>
      %slice3A_156 = vector.extract_strided_slice %get3A_133 {offsets = [0, 256], sizes = [16, 128], strides = [1, 1]} : vector<16x384xf32> to vector<16x128xf32>
      %add3A_157 = vector.broadcast %slice3A_15 : vector<1x128xf32> to vector<16x128xf32>
      %add3A_158 = arith.addf %dot_general3A_138, %add3A_157 : vector<16x128xf32>
      %mul3A = arith.mulf %logistic3A_146, %add3A_158 : vector<16x128xf32>
      %add3A_159 = arith.addf %slice3A_156, %mul3A : vector<16x128xf32>
      %tanh3A = math.tanh %add3A_159 : vector<16x128xf32>
      %sub3A = arith.subf %scan3A_128, %tanh3A : vector<16x128xf32>
      %mul3A_160 = arith.mulf %logistic3A_155, %sub3A : vector<16x128xf32>
      %add3A_161 = arith.addf %tanh3A, %mul3A_160 : vector<16x128xf32>
      %add3A_162 = arith.constant 64 : i32
      %add3A_163 = arith.addi %add3A_162, %scan3A_127 : i32
      %swap3A_164 = arith.index_cast %add3A_163 : i32 to index
      %swap3A_165 = arith.constant 0 : index
      %swap3A_166 = arith.constant 0 : index
      %swap3A_167 = vector.load %arg7[%swap3A_164, %swap3A_165, %swap3A_166] : memref<256x16x128xf32, #tpu.memory_space<vmem>>, vector<1x16x128xf32>
      %swap3A_168 = vector.shape_cast %swap3A_167 : vector<1x16x128xf32> to vector<16x128xf32>
      %swap3A_169 = vector.shape_cast %add3A_161 : vector<16x128xf32> to vector<1x16x128xf32>
      tpu.vector_store %arg7[%swap3A_164, %swap3A_165, %swap3A_166], %swap3A_169 {strides = array<i32>} : memref<256x16x128xf32, #tpu.memory_space<vmem>>, vector<1x16x128xf32>,
      %scan3A_170 = arith.constant 1 : i32
      %scan3A_171 = arith.addi %scan3A_127, %scan3A_170 : i32
      %get3A_172 = arith.index_cast %scan3A_171 : i32 to index
      %get3A_173 = arith.constant 0 : index
      %get3A_174 = arith.constant 0 : index
      %get3A_175 = vector.load %arg9[%get3A_172, %get3A_173, %get3A_174] : memref<64x16x384xf32, #tpu.memory_space<vmem>>, vector<1x16x384xf32>
      %get3A_176 = vector.shape_cast %get3A_175 : vector<1x16x384xf32> to vector<16x384xf32>
      %convert_element_type3A_177 = arith.truncf %add3A_161 : vector<16x128xf32> to vector<16x128xbf16>
      %dot_general3A_178 = arith.constant dense<0.000000e+00> : vector<16x256xf32>
      %dot_general3A_179 = tpu.matmul %convert_element_type3A_177, %slice3A, %dot_general3A_178 {dimension_numbers = #tpu.dot_dimension_numbers<[1], [0], [0], [1], [0, 0, 1, 1], [], []>, transpose_lhs_hint = false} : vector<16x128xbf16>, vector<128x256xbf16>, vector<16x256xf32> -> vector<16x256xf32>
      %dot_general3A_180 = arith.constant dense<0.000000e+00> : vector<16x128xf32>
      %dot_general3A_181 = tpu.matmul %convert_element_type3A_177, %slice3A_6, %dot_general3A_180 {dimension_numbers = #tpu.dot_dimension_numbers<[1], [0], [0], [1], [0, 0, 1, 1], [], []>, transpose_lhs_hint = false} : vector<16x128xbf16>, vector<128x128xbf16>, vector<16x128xf32> -> vector<16x128xf32>
      %slice3A_182 = vector.extract_strided_slice %get3A_176 {offsets = [0, 0], sizes = [16, 128], strides = [1, 1]} : vector<16x384xf32> to vector<16x128xf32>
      %slice3A_183 = vector.extract_strided_slice %dot_general3A_179 {offsets = [0, 0], sizes = [16, 128], strides = [1, 1]} : vector<16x256xf32> to vector<16x128xf32>
      %add3A_184 = arith.addf %slice3A_182, %slice3A_183 : vector<16x128xf32>
      %logistic3A_185 = arith.negf %add3A_184 : vector<16x128xf32>
      %logistic3A_186 = math.exp %logistic3A_185 : vector<16x128xf32>
      %logistic3A_187 = arith.constant 1.000000e+00 : f32
      %logistic3A_188 = vector.broadcast %logistic3A_187 : f32 to vector<16x128xf32>
      %logistic3A_189 = arith.addf %logistic3A_188, %logistic3A_186 : vector<16x128xf32>
      %logistic3A_190 = arith.divf %logistic3A_188, %logistic3A_189 : vector<16x128xf32>
      %slice3A_191 = vector.extract_strided_slice %get3A_176 {offsets = [0, 128], sizes = [16, 128], strides = [1, 1]} : vector<16x384xf32> to vector<16x128xf32>
      %slice3A_192 = vector.extract_strided_slice %dot_general3A_179 {offsets = [0, 128], sizes = [16, 128], strides = [1, 1]} : vector<16x256xf32> to vector<16x128xf32>
      %add3A_193 = arith.addf %slice3A_191, %slice3A_192 : vector<16x128xf32>
      %logistic3A_194 = arith.negf %add3A_193 : vector<16x128xf32>
      %logistic3A_195 = math.exp %logistic3A_194 : vector<16x128xf32>
      %logistic3A_196 = arith.constant 1.000000e+00 : f32
      %logistic3A_197 = vector.broadcast %logistic3A_196 : f32 to vector<16x128xf32>
      %logistic3A_198 = arith.addf %logistic3A_197, %logistic3A_195 : vector<16x128xf32>
      %logistic3A_199 = arith.divf %logistic3A_197, %logistic3A_198 : vector<16x128xf32>
      %slice3A_200 = vector.extract_strided_slice %get3A_176 {offsets = [0, 256], sizes = [16, 128], strides = [1, 1]} : vector<16x384xf32> to vector<16x128xf32>
      %add3A_201 = vector.broadcast %slice3A_15 : vector<1x128xf32> to vector<16x128xf32>
      %add3A_202 = arith.addf %dot_general3A_181, %add3A_201 : vector<16x128xf32>
      %mul3A_203 = arith.mulf %logistic3A_190, %add3A_202 : vector<16x128xf32>
      %add3A_204 = arith.addf %slice3A_200, %mul3A_203 : vector<16x128xf32>
      %tanh3A_205 = math.tanh %add3A_204 : vector<16x128xf32>
      %sub3A_206 = arith.subf %add3A_161, %tanh3A_205 : vector<16x128xf32>
      %mul3A_207 = arith.mulf %logistic3A_199, %sub3A_206 : vector<16x128xf32>
      %add3A_208 = arith.addf %tanh3A_205, %mul3A_207 : vector<16x128xf32>
      %add3A_209 = arith.constant 64 : i32
      %add3A_210 = arith.addi %add3A_209, %scan3A_171 : i32
      %swap3A_211 = arith.index_cast %add3A_210 : i32 to index
      %swap3A_212 = arith.constant 0 : index
      %swap3A_213 = arith.constant 0 : index
      %swap3A_214 = vector.load %arg7[%swap3A_211, %swap3A_212, %swap3A_213] : memref<256x16x128xf32, #tpu.memory_space<vmem>>, vector<1x16x128xf32>
      %swap3A_215 = vector.shape_cast %swap3A_214 : vector<1x16x128xf32> to vector<16x128xf32>
      %swap3A_216 = vector.shape_cast %add3A_208 : vector<16x128xf32> to vector<1x16x128xf32>
      tpu.vector_store %arg7[%swap3A_211, %swap3A_212, %swap3A_213], %swap3A_216 {strides = array<i32>} : memref<256x16x128xf32, #tpu.memory_space<vmem>>, vector<1x16x128xf32>,
      %scan3A_217 = arith.constant 2 : i32
      %scan3A_218 = arith.addi %scan3A_127, %scan3A_217 : i32
      %get3A_219 = arith.index_cast %scan3A_218 : i32 to index
      %get3A_220 = arith.constant 0 : index
      %get3A_221 = arith.constant 0 : index
      %get3A_222 = vector.load %arg9[%get3A_219, %get3A_220, %get3A_221] : memref<64x16x384xf32, #tpu.memory_space<vmem>>, vector<1x16x384xf32>
      %get3A_223 = vector.shape_cast %get3A_222 : vector<1x16x384xf32> to vector<16x384xf32>
      %convert_element_type3A_224 = arith.truncf %add3A_208 : vector<16x128xf32> to vector<16x128xbf16>
      %dot_general3A_225 = arith.constant dense<0.000000e+00> : vector<16x256xf32>
      %dot_general3A_226 = tpu.matmul %convert_element_type3A_224, %slice3A, %dot_general3A_225 {dimension_numbers = #tpu.dot_dimension_numbers<[1], [0], [0], [1], [0, 0, 1, 1], [], []>, transpose_lhs_hint = false} : vector<16x128xbf16>, vector<128x256xbf16>, vector<16x256xf32> -> vector<16x256xf32>
      %dot_general3A_227 = arith.constant dense<0.000000e+00> : vector<16x128xf32>
      %dot_general3A_228 = tpu.matmul %convert_element_type3A_224, %slice3A_6, %dot_general3A_227 {dimension_numbers = #tpu.dot_dimension_numbers<[1], [0], [0], [1], [0, 0, 1, 1], [], []>, transpose_lhs_hint = false} : vector<16x128xbf16>, vector<128x128xbf16>, vector<16x128xf32> -> vector<16x128xf32>
      %slice3A_229 = vector.extract_strided_slice %get3A_223 {offsets = [0, 0], sizes = [16, 128], strides = [1, 1]} : vector<16x384xf32> to vector<16x128xf32>
      %slice3A_230 = vector.extract_strided_slice %dot_general3A_226 {offsets = [0, 0], sizes = [16, 128], strides = [1, 1]} : vector<16x256xf32> to vector<16x128xf32>
      %add3A_231 = arith.addf %slice3A_229, %slice3A_230 : vector<16x128xf32>
      %logistic3A_232 = arith.negf %add3A_231 : vector<16x128xf32>
      %logistic3A_233 = math.exp %logistic3A_232 : vector<16x128xf32>
      %logistic3A_234 = arith.constant 1.000000e+00 : f32
      %logistic3A_235 = vector.broadcast %logistic3A_234 : f32 to vector<16x128xf32>
      %logistic3A_236 = arith.addf %logistic3A_235, %logistic3A_233 : vector<16x128xf32>
      %logistic3A_237 = arith.divf %logistic3A_235, %logistic3A_236 : vector<16x128xf32>
      %slice3A_238 = vector.extract_strided_slice %get3A_223 {offsets = [0, 128], sizes = [16, 128], strides = [1, 1]} : vector<16x384xf32> to vector<16x128xf32>
      %slice3A_239 = vector.extract_strided_slice %dot_general3A_226 {offsets = [0, 128], sizes = [16, 128], strides = [1, 1]} : vector<16x256xf32> to vector<16x128xf32>
      %add3A_240 = arith.addf %slice3A_238, %slice3A_239 : vector<16x128xf32>
      %logistic3A_241 = arith.negf %add3A_240 : vector<16x128xf32>
      %logistic3A_242 = math.exp %logistic3A_241 : vector<16x128xf32>
      %logistic3A_243 = arith.constant 1.000000e+00 : f32
      %logistic3A_244 = vector.broadcast %logistic3A_243 : f32 to vector<16x128xf32>
      %logistic3A_245 = arith.addf %logistic3A_244, %logistic3A_242 : vector<16x128xf32>
      %logistic3A_246 = arith.divf %logistic3A_244, %logistic3A_245 : vector<16x128xf32>
      %slice3A_247 = vector.extract_strided_slice %get3A_223 {offsets = [0, 256], sizes = [16, 128], strides = [1, 1]} : vector<16x384xf32> to vector<16x128xf32>
      %add3A_248 = vector.broadcast %slice3A_15 : vector<1x128xf32> to vector<16x128xf32>
      %add3A_249 = arith.addf %dot_general3A_228, %add3A_248 : vector<16x128xf32>
      %mul3A_250 = arith.mulf %logistic3A_237, %add3A_249 : vector<16x128xf32>
      %add3A_251 = arith.addf %slice3A_247, %mul3A_250 : vector<16x128xf32>
      %tanh3A_252 = math.tanh %add3A_251 : vector<16x128xf32>
      %sub3A_253 = arith.subf %add3A_208, %tanh3A_252 : vector<16x128xf32>
      %mul3A_254 = arith.mulf %logistic3A_246, %sub3A_253 : vector<16x128xf32>
      %add3A_255 = arith.addf %tanh3A_252, %mul3A_254 : vector<16x128xf32>
      %add3A_256 = arith.constant 64 : i32
      %add3A_257 = arith.addi %add3A_256, %scan3A_218 : i32
      %swap3A_258 = arith.index_cast %add3A_257 : i32 to index
      %swap3A_259 = arith.constant 0 : index
      %swap3A_260 = arith.constant 0 : index
      %swap3A_261 = vector.load %arg7[%swap3A_258, %swap3A_259, %swap3A_260] : memref<256x16x128xf32, #tpu.memory_space<vmem>>, vector<1x16x128xf32>
      %swap3A_262 = vector.shape_cast %swap3A_261 : vector<1x16x128xf32> to vector<16x128xf32>
      %swap3A_263 = vector.shape_cast %add3A_255 : vector<16x128xf32> to vector<1x16x128xf32>
      tpu.vector_store %arg7[%swap3A_258, %swap3A_259, %swap3A_260], %swap3A_263 {strides = array<i32>} : memref<256x16x128xf32, #tpu.memory_space<vmem>>, vector<1x16x128xf32>,
      %scan3A_264 = arith.constant 3 : i32
      %scan3A_265 = arith.addi %scan3A_127, %scan3A_264 : i32
      %get3A_266 = arith.index_cast %scan3A_265 : i32 to index
      %get3A_267 = arith.constant 0 : index
      %get3A_268 = arith.constant 0 : index
      %get3A_269 = vector.load %arg9[%get3A_266, %get3A_267, %get3A_268] : memref<64x16x384xf32, #tpu.memory_space<vmem>>, vector<1x16x384xf32>
      %get3A_270 = vector.shape_cast %get3A_269 : vector<1x16x384xf32> to vector<16x384xf32>
      %convert_element_type3A_271 = arith.truncf %add3A_255 : vector<16x128xf32> to vector<16x128xbf16>
      %dot_general3A_272 = arith.constant dense<0.000000e+00> : vector<16x256xf32>
      %dot_general3A_273 = tpu.matmul %convert_element_type3A_271, %slice3A, %dot_general3A_272 {dimension_numbers = #tpu.dot_dimension_numbers<[1], [0], [0], [1], [0, 0, 1, 1], [], []>, transpose_lhs_hint = false} : vector<16x128xbf16>, vector<128x256xbf16>, vector<16x256xf32> -> vector<16x256xf32>
      %dot_general3A_274 = arith.constant dense<0.000000e+00> : vector<16x128xf32>
      %dot_general3A_275 = tpu.matmul %convert_element_type3A_271, %slice3A_6, %dot_general3A_274 {dimension_numbers = #tpu.dot_dimension_numbers<[1], [0], [0], [1], [0, 0, 1, 1], [], []>, transpose_lhs_hint = false} : vector<16x128xbf16>, vector<128x128xbf16>, vector<16x128xf32> -> vector<16x128xf32>
      %slice3A_276 = vector.extract_strided_slice %get3A_270 {offsets = [0, 0], sizes = [16, 128], strides = [1, 1]} : vector<16x384xf32> to vector<16x128xf32>
      %slice3A_277 = vector.extract_strided_slice %dot_general3A_273 {offsets = [0, 0], sizes = [16, 128], strides = [1, 1]} : vector<16x256xf32> to vector<16x128xf32>
      %add3A_278 = arith.addf %slice3A_276, %slice3A_277 : vector<16x128xf32>
      %logistic3A_279 = arith.negf %add3A_278 : vector<16x128xf32>
      %logistic3A_280 = math.exp %logistic3A_279 : vector<16x128xf32>
      %logistic3A_281 = arith.constant 1.000000e+00 : f32
      %logistic3A_282 = vector.broadcast %logistic3A_281 : f32 to vector<16x128xf32>
      %logistic3A_283 = arith.addf %logistic3A_282, %logistic3A_280 : vector<16x128xf32>
      %logistic3A_284 = arith.divf %logistic3A_282, %logistic3A_283 : vector<16x128xf32>
      %slice3A_285 = vector.extract_strided_slice %get3A_270 {offsets = [0, 128], sizes = [16, 128], strides = [1, 1]} : vector<16x384xf32> to vector<16x128xf32>
      %slice3A_286 = vector.extract_strided_slice %dot_general3A_273 {offsets = [0, 128], sizes = [16, 128], strides = [1, 1]} : vector<16x256xf32> to vector<16x128xf32>
      %add3A_287 = arith.addf %slice3A_285, %slice3A_286 : vector<16x128xf32>
      %logistic3A_288 = arith.negf %add3A_287 : vector<16x128xf32>
      %logistic3A_289 = math.exp %logistic3A_288 : vector<16x128xf32>
      %logistic3A_290 = arith.constant 1.000000e+00 : f32
      %logistic3A_291 = vector.broadcast %logistic3A_290 : f32 to vector<16x128xf32>
      %logistic3A_292 = arith.addf %logistic3A_291, %logistic3A_289 : vector<16x128xf32>
      %logistic3A_293 = arith.divf %logistic3A_291, %logistic3A_292 : vector<16x128xf32>
      %slice3A_294 = vector.extract_strided_slice %get3A_270 {offsets = [0, 256], sizes = [16, 128], strides = [1, 1]} : vector<16x384xf32> to vector<16x128xf32>
      %add3A_295 = vector.broadcast %slice3A_15 : vector<1x128xf32> to vector<16x128xf32>
      %add3A_296 = arith.addf %dot_general3A_275, %add3A_295 : vector<16x128xf32>
      %mul3A_297 = arith.mulf %logistic3A_284, %add3A_296 : vector<16x128xf32>
      %add3A_298 = arith.addf %slice3A_294, %mul3A_297 : vector<16x128xf32>
      %tanh3A_299 = math.tanh %add3A_298 : vector<16x128xf32>
      %sub3A_300 = arith.subf %add3A_255, %tanh3A_299 : vector<16x128xf32>
      %mul3A_301 = arith.mulf %logistic3A_293, %sub3A_300 : vector<16x128xf32>
      %add3A_302 = arith.addf %tanh3A_299, %mul3A_301 : vector<16x128xf32>
      %add3A_303 = arith.constant 64 : i32
      %add3A_304 = arith.addi %add3A_303, %scan3A_265 : i32
      %swap3A_305 = arith.index_cast %add3A_304 : i32 to index
      %swap3A_306 = arith.constant 0 : index
      %swap3A_307 = arith.constant 0 : index
      %swap3A_308 = vector.load %arg7[%swap3A_305, %swap3A_306, %swap3A_307] : memref<256x16x128xf32, #tpu.memory_space<vmem>>, vector<1x16x128xf32>
      %swap3A_309 = vector.shape_cast %swap3A_308 : vector<1x16x128xf32> to vector<16x128xf32>
      %swap3A_310 = vector.shape_cast %add3A_302 : vector<16x128xf32> to vector<1x16x128xf32>
      tpu.vector_store %arg7[%swap3A_305, %swap3A_306, %swap3A_307], %swap3A_310 {strides = array<i32>} : memref<256x16x128xf32, #tpu.memory_space<vmem>>, vector<1x16x128xf32>,
      %scan3A_311 = arith.constant 4 : i32
      %scan3A_312 = arith.addi %scan3A_127, %scan3A_311 : i32
      %get3A_313 = arith.index_cast %scan3A_312 : i32 to index
      %get3A_314 = arith.constant 0 : index
      %get3A_315 = arith.constant 0 : index
      %get3A_316 = vector.load %arg9[%get3A_313, %get3A_314, %get3A_315] : memref<64x16x384xf32, #tpu.memory_space<vmem>>, vector<1x16x384xf32>
      %get3A_317 = vector.shape_cast %get3A_316 : vector<1x16x384xf32> to vector<16x384xf32>
      %convert_element_type3A_318 = arith.truncf %add3A_302 : vector<16x128xf32> to vector<16x128xbf16>
      %dot_general3A_319 = arith.constant dense<0.000000e+00> : vector<16x256xf32>
      %dot_general3A_320 = tpu.matmul %convert_element_type3A_318, %slice3A, %dot_general3A_319 {dimension_numbers = #tpu.dot_dimension_numbers<[1], [0], [0], [1], [0, 0, 1, 1], [], []>, transpose_lhs_hint = false} : vector<16x128xbf16>, vector<128x256xbf16>, vector<16x256xf32> -> vector<16x256xf32>
      %dot_general3A_321 = arith.constant dense<0.000000e+00> : vector<16x128xf32>
      %dot_general3A_322 = tpu.matmul %convert_element_type3A_318, %slice3A_6, %dot_general3A_321 {dimension_numbers = #tpu.dot_dimension_numbers<[1], [0], [0], [1], [0, 0, 1, 1], [], []>, transpose_lhs_hint = false} : vector<16x128xbf16>, vector<128x128xbf16>, vector<16x128xf32> -> vector<16x128xf32>
      %slice3A_323 = vector.extract_strided_slice %get3A_317 {offsets = [0, 0], sizes = [16, 128], strides = [1, 1]} : vector<16x384xf32> to vector<16x128xf32>
      %slice3A_324 = vector.extract_strided_slice %dot_general3A_320 {offsets = [0, 0], sizes = [16, 128], strides = [1, 1]} : vector<16x256xf32> to vector<16x128xf32>
      %add3A_325 = arith.addf %slice3A_323, %slice3A_324 : vector<16x128xf32>
      %logistic3A_326 = arith.negf %add3A_325 : vector<16x128xf32>
      %logistic3A_327 = math.exp %logistic3A_326 : vector<16x128xf32>
      %logistic3A_328 = arith.constant 1.000000e+00 : f32
      %logistic3A_329 = vector.broadcast %logistic3A_328 : f32 to vector<16x128xf32>
      %logistic3A_330 = arith.addf %logistic3A_329, %logistic3A_327 : vector<16x128xf32>
      %logistic3A_331 = arith.divf %logistic3A_329, %logistic3A_330 : vector<16x128xf32>
      %slice3A_332 = vector.extract_strided_slice %get3A_317 {offsets = [0, 128], sizes = [16, 128], strides = [1, 1]} : vector<16x384xf32> to vector<16x128xf32>
      %slice3A_333 = vector.extract_strided_slice %dot_general3A_320 {offsets = [0, 128], sizes = [16, 128], strides = [1, 1]} : vector<16x256xf32> to vector<16x128xf32>
      %add3A_334 = arith.addf %slice3A_332, %slice3A_333 : vector<16x128xf32>
      %logistic3A_335 = arith.negf %add3A_334 : vector<16x128xf32>
      %logistic3A_336 = math.exp %logistic3A_335 : vector<16x128xf32>
      %logistic3A_337 = arith.constant 1.000000e+00 : f32
      %logistic3A_338 = vector.broadcast %logistic3A_337 : f32 to vector<16x128xf32>
      %logistic3A_339 = arith.addf %logistic3A_338, %logistic3A_336 : vector<16x128xf32>
      %logistic3A_340 = arith.divf %logistic3A_338, %logistic3A_339 : vector<16x128xf32>
      %slice3A_341 = vector.extract_strided_slice %get3A_317 {offsets = [0, 256], sizes = [16, 128], strides = [1, 1]} : vector<16x384xf32> to vector<16x128xf32>
      %add3A_342 = vector.broadcast %slice3A_15 : vector<1x128xf32> to vector<16x128xf32>
      %add3A_343 = arith.addf %dot_general3A_322, %add3A_342 : vector<16x128xf32>
      %mul3A_344 = arith.mulf %logistic3A_331, %add3A_343 : vector<16x128xf32>
      %add3A_345 = arith.addf %slice3A_341, %mul3A_344 : vector<16x128xf32>
      %tanh3A_346 = math.tanh %add3A_345 : vector<16x128xf32>
      %sub3A_347 = arith.subf %add3A_302, %tanh3A_346 : vector<16x128xf32>
      %mul3A_348 = arith.mulf %logistic3A_340, %sub3A_347 : vector<16x128xf32>
      %add3A_349 = arith.addf %tanh3A_346, %mul3A_348 : vector<16x128xf32>
      %add3A_350 = arith.constant 64 : i32
      %add3A_351 = arith.addi %add3A_350, %scan3A_312 : i32
      %swap3A_352 = arith.index_cast %add3A_351 : i32 to index
      %swap3A_353 = arith.constant 0 : index
      %swap3A_354 = arith.constant 0 : index
      %swap3A_355 = vector.load %arg7[%swap3A_352, %swap3A_353, %swap3A_354] : memref<256x16x128xf32, #tpu.memory_space<vmem>>, vector<1x16x128xf32>
      %swap3A_356 = vector.shape_cast %swap3A_355 : vector<1x16x128xf32> to vector<16x128xf32>
      %swap3A_357 = vector.shape_cast %add3A_349 : vector<16x128xf32> to vector<1x16x128xf32>
      tpu.vector_store %arg7[%swap3A_352, %swap3A_353, %swap3A_354], %swap3A_357 {strides = array<i32>} : memref<256x16x128xf32, #tpu.memory_space<vmem>>, vector<1x16x128xf32>,
      %scan3A_358 = arith.constant 5 : i32
      %scan3A_359 = arith.addi %scan3A_127, %scan3A_358 : i32
      %get3A_360 = arith.index_cast %scan3A_359 : i32 to index
      %get3A_361 = arith.constant 0 : index
      %get3A_362 = arith.constant 0 : index
      %get3A_363 = vector.load %arg9[%get3A_360, %get3A_361, %get3A_362] : memref<64x16x384xf32, #tpu.memory_space<vmem>>, vector<1x16x384xf32>
      %get3A_364 = vector.shape_cast %get3A_363 : vector<1x16x384xf32> to vector<16x384xf32>
      %convert_element_type3A_365 = arith.truncf %add3A_349 : vector<16x128xf32> to vector<16x128xbf16>
      %dot_general3A_366 = arith.constant dense<0.000000e+00> : vector<16x256xf32>
      %dot_general3A_367 = tpu.matmul %convert_element_type3A_365, %slice3A, %dot_general3A_366 {dimension_numbers = #tpu.dot_dimension_numbers<[1], [0], [0], [1], [0, 0, 1, 1], [], []>, transpose_lhs_hint = false} : vector<16x128xbf16>, vector<128x256xbf16>, vector<16x256xf32> -> vector<16x256xf32>
      %dot_general3A_368 = arith.constant dense<0.000000e+00> : vector<16x128xf32>
      %dot_general3A_369 = tpu.matmul %convert_element_type3A_365, %slice3A_6, %dot_general3A_368 {dimension_numbers = #tpu.dot_dimension_numbers<[1], [0], [0], [1], [0, 0, 1, 1], [], []>, transpose_lhs_hint = false} : vector<16x128xbf16>, vector<128x128xbf16>, vector<16x128xf32> -> vector<16x128xf32>
      %slice3A_370 = vector.extract_strided_slice %get3A_364 {offsets = [0, 0], sizes = [16, 128], strides = [1, 1]} : vector<16x384xf32> to vector<16x128xf32>
      %slice3A_371 = vector.extract_strided_slice %dot_general3A_367 {offsets = [0, 0], sizes = [16, 128], strides = [1, 1]} : vector<16x256xf32> to vector<16x128xf32>
      %add3A_372 = arith.addf %slice3A_370, %slice3A_371 : vector<16x128xf32>
      %logistic3A_373 = arith.negf %add3A_372 : vector<16x128xf32>
      %logistic3A_374 = math.exp %logistic3A_373 : vector<16x128xf32>
      %logistic3A_375 = arith.constant 1.000000e+00 : f32
      %logistic3A_376 = vector.broadcast %logistic3A_375 : f32 to vector<16x128xf32>
      %logistic3A_377 = arith.addf %logistic3A_376, %logistic3A_374 : vector<16x128xf32>
      %logistic3A_378 = arith.divf %logistic3A_376, %logistic3A_377 : vector<16x128xf32>
      %slice3A_379 = vector.extract_strided_slice %get3A_364 {offsets = [0, 128], sizes = [16, 128], strides = [1, 1]} : vector<16x384xf32> to vector<16x128xf32>
      %slice3A_380 = vector.extract_strided_slice %dot_general3A_367 {offsets = [0, 128], sizes = [16, 128], strides = [1, 1]} : vector<16x256xf32> to vector<16x128xf32>
      %add3A_381 = arith.addf %slice3A_379, %slice3A_380 : vector<16x128xf32>
      %logistic3A_382 = arith.negf %add3A_381 : vector<16x128xf32>
      %logistic3A_383 = math.exp %logistic3A_382 : vector<16x128xf32>
      %logistic3A_384 = arith.constant 1.000000e+00 : f32
      %logistic3A_385 = vector.broadcast %logistic3A_384 : f32 to vector<16x128xf32>
      %logistic3A_386 = arith.addf %logistic3A_385, %logistic3A_383 : vector<16x128xf32>
      %logistic3A_387 = arith.divf %logistic3A_385, %logistic3A_386 : vector<16x128xf32>
      %slice3A_388 = vector.extract_strided_slice %get3A_364 {offsets = [0, 256], sizes = [16, 128], strides = [1, 1]} : vector<16x384xf32> to vector<16x128xf32>
      %add3A_389 = vector.broadcast %slice3A_15 : vector<1x128xf32> to vector<16x128xf32>
      %add3A_390 = arith.addf %dot_general3A_369, %add3A_389 : vector<16x128xf32>
      %mul3A_391 = arith.mulf %logistic3A_378, %add3A_390 : vector<16x128xf32>
      %add3A_392 = arith.addf %slice3A_388, %mul3A_391 : vector<16x128xf32>
      %tanh3A_393 = math.tanh %add3A_392 : vector<16x128xf32>
      %sub3A_394 = arith.subf %add3A_349, %tanh3A_393 : vector<16x128xf32>
      %mul3A_395 = arith.mulf %logistic3A_387, %sub3A_394 : vector<16x128xf32>
      %add3A_396 = arith.addf %tanh3A_393, %mul3A_395 : vector<16x128xf32>
      %add3A_397 = arith.constant 64 : i32
      %add3A_398 = arith.addi %add3A_397, %scan3A_359 : i32
      %swap3A_399 = arith.index_cast %add3A_398 : i32 to index
      %swap3A_400 = arith.constant 0 : index
      %swap3A_401 = arith.constant 0 : index
      %swap3A_402 = vector.load %arg7[%swap3A_399, %swap3A_400, %swap3A_401] : memref<256x16x128xf32, #tpu.memory_space<vmem>>, vector<1x16x128xf32>
      %swap3A_403 = vector.shape_cast %swap3A_402 : vector<1x16x128xf32> to vector<16x128xf32>
      %swap3A_404 = vector.shape_cast %add3A_396 : vector<16x128xf32> to vector<1x16x128xf32>
      tpu.vector_store %arg7[%swap3A_399, %swap3A_400, %swap3A_401], %swap3A_404 {strides = array<i32>} : memref<256x16x128xf32, #tpu.memory_space<vmem>>, vector<1x16x128xf32>,
      %scan3A_405 = arith.constant 6 : i32
      %scan3A_406 = arith.addi %scan3A_127, %scan3A_405 : i32
      %get3A_407 = arith.index_cast %scan3A_406 : i32 to index
      %get3A_408 = arith.constant 0 : index
      %get3A_409 = arith.constant 0 : index
      %get3A_410 = vector.load %arg9[%get3A_407, %get3A_408, %get3A_409] : memref<64x16x384xf32, #tpu.memory_space<vmem>>, vector<1x16x384xf32>
      %get3A_411 = vector.shape_cast %get3A_410 : vector<1x16x384xf32> to vector<16x384xf32>
      %convert_element_type3A_412 = arith.truncf %add3A_396 : vector<16x128xf32> to vector<16x128xbf16>
      %dot_general3A_413 = arith.constant dense<0.000000e+00> : vector<16x256xf32>
      %dot_general3A_414 = tpu.matmul %convert_element_type3A_412, %slice3A, %dot_general3A_413 {dimension_numbers = #tpu.dot_dimension_numbers<[1], [0], [0], [1], [0, 0, 1, 1], [], []>, transpose_lhs_hint = false} : vector<16x128xbf16>, vector<128x256xbf16>, vector<16x256xf32> -> vector<16x256xf32>
      %dot_general3A_415 = arith.constant dense<0.000000e+00> : vector<16x128xf32>
      %dot_general3A_416 = tpu.matmul %convert_element_type3A_412, %slice3A_6, %dot_general3A_415 {dimension_numbers = #tpu.dot_dimension_numbers<[1], [0], [0], [1], [0, 0, 1, 1], [], []>, transpose_lhs_hint = false} : vector<16x128xbf16>, vector<128x128xbf16>, vector<16x128xf32> -> vector<16x128xf32>
      %slice3A_417 = vector.extract_strided_slice %get3A_411 {offsets = [0, 0], sizes = [16, 128], strides = [1, 1]} : vector<16x384xf32> to vector<16x128xf32>
      %slice3A_418 = vector.extract_strided_slice %dot_general3A_414 {offsets = [0, 0], sizes = [16, 128], strides = [1, 1]} : vector<16x256xf32> to vector<16x128xf32>
      %add3A_419 = arith.addf %slice3A_417, %slice3A_418 : vector<16x128xf32>
      %logistic3A_420 = arith.negf %add3A_419 : vector<16x128xf32>
      %logistic3A_421 = math.exp %logistic3A_420 : vector<16x128xf32>
      %logistic3A_422 = arith.constant 1.000000e+00 : f32
      %logistic3A_423 = vector.broadcast %logistic3A_422 : f32 to vector<16x128xf32>
      %logistic3A_424 = arith.addf %logistic3A_423, %logistic3A_421 : vector<16x128xf32>
      %logistic3A_425 = arith.divf %logistic3A_423, %logistic3A_424 : vector<16x128xf32>
      %slice3A_426 = vector.extract_strided_slice %get3A_411 {offsets = [0, 128], sizes = [16, 128], strides = [1, 1]} : vector<16x384xf32> to vector<16x128xf32>
      %slice3A_427 = vector.extract_strided_slice %dot_general3A_414 {offsets = [0, 128], sizes = [16, 128], strides = [1, 1]} : vector<16x256xf32> to vector<16x128xf32>
      %add3A_428 = arith.addf %slice3A_426, %slice3A_427 : vector<16x128xf32>
      %logistic3A_429 = arith.negf %add3A_428 : vector<16x128xf32>
      %logistic3A_430 = math.exp %logistic3A_429 : vector<16x128xf32>
      %logistic3A_431 = arith.constant 1.000000e+00 : f32
      %logistic3A_432 = vector.broadcast %logistic3A_431 : f32 to vector<16x128xf32>
      %logistic3A_433 = arith.addf %logistic3A_432, %logistic3A_430 : vector<16x128xf32>
      %logistic3A_434 = arith.divf %logistic3A_432, %logistic3A_433 : vector<16x128xf32>
      %slice3A_435 = vector.extract_strided_slice %get3A_411 {offsets = [0, 256], sizes = [16, 128], strides = [1, 1]} : vector<16x384xf32> to vector<16x128xf32>
      %add3A_436 = vector.broadcast %slice3A_15 : vector<1x128xf32> to vector<16x128xf32>
      %add3A_437 = arith.addf %dot_general3A_416, %add3A_436 : vector<16x128xf32>
      %mul3A_438 = arith.mulf %logistic3A_425, %add3A_437 : vector<16x128xf32>
      %add3A_439 = arith.addf %slice3A_435, %mul3A_438 : vector<16x128xf32>
      %tanh3A_440 = math.tanh %add3A_439 : vector<16x128xf32>
      %sub3A_441 = arith.subf %add3A_396, %tanh3A_440 : vector<16x128xf32>
      %mul3A_442 = arith.mulf %logistic3A_434, %sub3A_441 : vector<16x128xf32>
      %add3A_443 = arith.addf %tanh3A_440, %mul3A_442 : vector<16x128xf32>
      %add3A_444 = arith.constant 64 : i32
      %add3A_445 = arith.addi %add3A_444, %scan3A_406 : i32
      %swap3A_446 = arith.index_cast %add3A_445 : i32 to index
      %swap3A_447 = arith.constant 0 : index
      %swap3A_448 = arith.constant 0 : index
      %swap3A_449 = vector.load %arg7[%swap3A_446, %swap3A_447, %swap3A_448] : memref<256x16x128xf32, #tpu.memory_space<vmem>>, vector<1x16x128xf32>
      %swap3A_450 = vector.shape_cast %swap3A_449 : vector<1x16x128xf32> to vector<16x128xf32>
      %swap3A_451 = vector.shape_cast %add3A_443 : vector<16x128xf32> to vector<1x16x128xf32>
      tpu.vector_store %arg7[%swap3A_446, %swap3A_447, %swap3A_448], %swap3A_451 {strides = array<i32>} : memref<256x16x128xf32, #tpu.memory_space<vmem>>, vector<1x16x128xf32>,
      %scan3A_452 = arith.constant 7 : i32
      %scan3A_453 = arith.addi %scan3A_127, %scan3A_452 : i32
      %get3A_454 = arith.index_cast %scan3A_453 : i32 to index
      %get3A_455 = arith.constant 0 : index
      %get3A_456 = arith.constant 0 : index
      %get3A_457 = vector.load %arg9[%get3A_454, %get3A_455, %get3A_456] : memref<64x16x384xf32, #tpu.memory_space<vmem>>, vector<1x16x384xf32>
      %get3A_458 = vector.shape_cast %get3A_457 : vector<1x16x384xf32> to vector<16x384xf32>
      %convert_element_type3A_459 = arith.truncf %add3A_443 : vector<16x128xf32> to vector<16x128xbf16>
      %dot_general3A_460 = arith.constant dense<0.000000e+00> : vector<16x256xf32>
      %dot_general3A_461 = tpu.matmul %convert_element_type3A_459, %slice3A, %dot_general3A_460 {dimension_numbers = #tpu.dot_dimension_numbers<[1], [0], [0], [1], [0, 0, 1, 1], [], []>, transpose_lhs_hint = false} : vector<16x128xbf16>, vector<128x256xbf16>, vector<16x256xf32> -> vector<16x256xf32>
      %dot_general3A_462 = arith.constant dense<0.000000e+00> : vector<16x128xf32>
      %dot_general3A_463 = tpu.matmul %convert_element_type3A_459, %slice3A_6, %dot_general3A_462 {dimension_numbers = #tpu.dot_dimension_numbers<[1], [0], [0], [1], [0, 0, 1, 1], [], []>, transpose_lhs_hint = false} : vector<16x128xbf16>, vector<128x128xbf16>, vector<16x128xf32> -> vector<16x128xf32>
      %slice3A_464 = vector.extract_strided_slice %get3A_458 {offsets = [0, 0], sizes = [16, 128], strides = [1, 1]} : vector<16x384xf32> to vector<16x128xf32>
      %slice3A_465 = vector.extract_strided_slice %dot_general3A_461 {offsets = [0, 0], sizes = [16, 128], strides = [1, 1]} : vector<16x256xf32> to vector<16x128xf32>
      %add3A_466 = arith.addf %slice3A_464, %slice3A_465 : vector<16x128xf32>
      %logistic3A_467 = arith.negf %add3A_466 : vector<16x128xf32>
      %logistic3A_468 = math.exp %logistic3A_467 : vector<16x128xf32>
      %logistic3A_469 = arith.constant 1.000000e+00 : f32
      %logistic3A_470 = vector.broadcast %logistic3A_469 : f32 to vector<16x128xf32>
      %logistic3A_471 = arith.addf %logistic3A_470, %logistic3A_468 : vector<16x128xf32>
      %logistic3A_472 = arith.divf %logistic3A_470, %logistic3A_471 : vector<16x128xf32>
      %slice3A_473 = vector.extract_strided_slice %get3A_458 {offsets = [0, 128], sizes = [16, 128], strides = [1, 1]} : vector<16x384xf32> to vector<16x128xf32>
      %slice3A_474 = vector.extract_strided_slice %dot_general3A_461 {offsets = [0, 128], sizes = [16, 128], strides = [1, 1]} : vector<16x256xf32> to vector<16x128xf32>
      %add3A_475 = arith.addf %slice3A_473, %slice3A_474 : vector<16x128xf32>
      %logistic3A_476 = arith.negf %add3A_475 : vector<16x128xf32>
      %logistic3A_477 = math.exp %logistic3A_476 : vector<16x128xf32>
      %logistic3A_478 = arith.constant 1.000000e+00 : f32
      %logistic3A_479 = vector.broadcast %logistic3A_478 : f32 to vector<16x128xf32>
      %logistic3A_480 = arith.addf %logistic3A_479, %logistic3A_477 : vector<16x128xf32>
      %logistic3A_481 = arith.divf %logistic3A_479, %logistic3A_480 : vector<16x128xf32>
      %slice3A_482 = vector.extract_strided_slice %get3A_458 {offsets = [0, 256], sizes = [16, 128], strides = [1, 1]} : vector<16x384xf32> to vector<16x128xf32>
      %add3A_483 = vector.broadcast %slice3A_15 : vector<1x128xf32> to vector<16x128xf32>
      %add3A_484 = arith.addf %dot_general3A_463, %add3A_483 : vector<16x128xf32>
      %mul3A_485 = arith.mulf %logistic3A_472, %add3A_484 : vector<16x128xf32>
      %add3A_486 = arith.addf %slice3A_482, %mul3A_485 : vector<16x128xf32>
      %tanh3A_487 = math.tanh %add3A_486 : vector<16x128xf32>
      %sub3A_488 = arith.subf %add3A_443, %tanh3A_487 : vector<16x128xf32>
      %mul3A_489 = arith.mulf %logistic3A_481, %sub3A_488 : vector<16x128xf32>
      %add3A_490 = arith.addf %tanh3A_487, %mul3A_489 : vector<16x128xf32>
      %add3A_491 = arith.constant 64 : i32
      %add3A_492 = arith.addi %add3A_491, %scan3A_453 : i32
      %swap3A_493 = arith.index_cast %add3A_492 : i32 to index
      %swap3A_494 = arith.constant 0 : index
      %swap3A_495 = arith.constant 0 : index
      %swap3A_496 = vector.load %arg7[%swap3A_493, %swap3A_494, %swap3A_495] : memref<256x16x128xf32, #tpu.memory_space<vmem>>, vector<1x16x128xf32>
      %swap3A_497 = vector.shape_cast %swap3A_496 : vector<1x16x128xf32> to vector<16x128xf32>
      %swap3A_498 = vector.shape_cast %add3A_490 : vector<16x128xf32> to vector<1x16x128xf32>
      tpu.vector_store %arg7[%swap3A_493, %swap3A_494, %swap3A_495], %swap3A_498 {strides = array<i32>} : memref<256x16x128xf32, #tpu.memory_space<vmem>>, vector<1x16x128xf32>,
      scf.yield %add3A_490 : vector<16x128xf32>
    }
    %scan3A_73 = arith.constant 64 : i32
    %get3A_74 = arith.constant 2048 : index
    %get3A_75 = arith.constant 0 : index
    %get3A_76 = vector.load %arg0[%get3A_74, %get3A_75] : memref<4096x1xi32, #tpu.memory_space<vmem>>, vector<1024x1xi32>
    %iota3A_77 = tpu.iota {dimensions = array<i32: 1>} : vector<1024x256xi32>
    %eq3A_78 = vector.broadcast %get3A_76 : vector<1024x1xi32> to vector<1024x256xi32>
    %eq3A_79 = arith.cmpi eq, %eq3A_78, %iota3A_77 : vector<1024x256xi32>
    %jit3A_80 = arith.constant 1.000000e+00 : f32
    %jit3A_81 = arith.constant 0.000000e+00 : f32
    %broadcast_in_dim3A_82 = vector.broadcast %jit3A_80 : f32 to vector<1024x256xf32>
    %broadcast_in_dim3A_83 = vector.broadcast %jit3A_81 : f32 to vector<1024x256xf32>
    %select_n3A_84 = arith.select %eq3A_79, %broadcast_in_dim3A_82, %broadcast_in_dim3A_83 : vector<1024x256xi1>, vector<1024x256xf32>
    %convert_element_type3A_85 = arith.truncf %select_n3A_84 : vector<1024x256xf32> to vector<1024x256xbf16>
    %dot_general3A_86 = arith.constant dense<0.000000e+00> : vector<1024x384xf32>
    %dot_general3A_87 = tpu.matmul %convert_element_type3A_85, %convert_element_type3A_22, %dot_general3A_86 {dimension_numbers = #tpu.dot_dimension_numbers<[1], [0], [0], [1], [0, 0, 1, 1], [], []>, transpose_lhs_hint = false} : vector<1024x256xbf16>, vector<256x384xbf16>, vector<1024x384xf32> -> vector<1024x384xf32>
    %reshape3A_88 = vector.shape_cast %dot_general3A_87 : vector<1024x384xf32> to vector<64x16x384xf32>
    %swap3A_89 = arith.constant 0 : index
    %swap3A_90 = arith.constant 0 : index
    %swap3A_91 = arith.constant 0 : index
    %swap3A_92 = vector.load %arg9[%swap3A_89, %swap3A_90, %swap3A_91] : memref<64x16x384xf32, #tpu.memory_space<vmem>>, vector<64x16x384xf32>
    tpu.vector_store %arg9[%swap3A_89, %swap3A_90, %swap3A_91], %reshape3A_88 {strides = array<i32>} : memref<64x16x384xf32, #tpu.memory_space<vmem>>, vector<64x16x384xf32>,
    %scan3A_93 = arith.constant 0 : i32
    %scan3A_94 = arith.constant 64 : i32
    %scan3A_95 = arith.addi %scan3A_93, %scan3A_94 : i32
    %scan3A_96 = arith.constant 8 : i32
    %scan3A_97 = scf.for %scan3A_127 = %scan3A_93 to %scan3A_95 step %scan3A_96 iter_args(%scan3A_128 = %scan3A_72) -> (vector<16x128xf32>)  : i32 {
      %get3A_129 = arith.index_cast %scan3A_127 : i32 to index
      %get3A_130 = arith.constant 0 : index
      %get3A_131 = arith.constant 0 : index
      %get3A_132 = vector.load %arg9[%get3A_129, %get3A_130, %get3A_131] : memref<64x16x384xf32, #tpu.memory_space<vmem>>, vector<1x16x384xf32>
      %get3A_133 = vector.shape_cast %get3A_132 : vector<1x16x384xf32> to vector<16x384xf32>
      %convert_element_type3A_134 = arith.truncf %scan3A_128 : vector<16x128xf32> to vector<16x128xbf16>
      %dot_general3A_135 = arith.constant dense<0.000000e+00> : vector<16x256xf32>
      %dot_general3A_136 = tpu.matmul %convert_element_type3A_134, %slice3A, %dot_general3A_135 {dimension_numbers = #tpu.dot_dimension_numbers<[1], [0], [0], [1], [0, 0, 1, 1], [], []>, transpose_lhs_hint = false} : vector<16x128xbf16>, vector<128x256xbf16>, vector<16x256xf32> -> vector<16x256xf32>
      %dot_general3A_137 = arith.constant dense<0.000000e+00> : vector<16x128xf32>
      %dot_general3A_138 = tpu.matmul %convert_element_type3A_134, %slice3A_6, %dot_general3A_137 {dimension_numbers = #tpu.dot_dimension_numbers<[1], [0], [0], [1], [0, 0, 1, 1], [], []>, transpose_lhs_hint = false} : vector<16x128xbf16>, vector<128x128xbf16>, vector<16x128xf32> -> vector<16x128xf32>
      %slice3A_139 = vector.extract_strided_slice %get3A_133 {offsets = [0, 0], sizes = [16, 128], strides = [1, 1]} : vector<16x384xf32> to vector<16x128xf32>
      %slice3A_140 = vector.extract_strided_slice %dot_general3A_136 {offsets = [0, 0], sizes = [16, 128], strides = [1, 1]} : vector<16x256xf32> to vector<16x128xf32>
      %add3A_141 = arith.addf %slice3A_139, %slice3A_140 : vector<16x128xf32>
      %logistic3A = arith.negf %add3A_141 : vector<16x128xf32>
      %logistic3A_142 = math.exp %logistic3A : vector<16x128xf32>
      %logistic3A_143 = arith.constant 1.000000e+00 : f32
      %logistic3A_144 = vector.broadcast %logistic3A_143 : f32 to vector<16x128xf32>
      %logistic3A_145 = arith.addf %logistic3A_144, %logistic3A_142 : vector<16x128xf32>
      %logistic3A_146 = arith.divf %logistic3A_144, %logistic3A_145 : vector<16x128xf32>
      %slice3A_147 = vector.extract_strided_slice %get3A_133 {offsets = [0, 128], sizes = [16, 128], strides = [1, 1]} : vector<16x384xf32> to vector<16x128xf32>
      %slice3A_148 = vector.extract_strided_slice %dot_general3A_136 {offsets = [0, 128], sizes = [16, 128], strides = [1, 1]} : vector<16x256xf32> to vector<16x128xf32>
      %add3A_149 = arith.addf %slice3A_147, %slice3A_148 : vector<16x128xf32>
      %logistic3A_150 = arith.negf %add3A_149 : vector<16x128xf32>
      %logistic3A_151 = math.exp %logistic3A_150 : vector<16x128xf32>
      %logistic3A_152 = arith.constant 1.000000e+00 : f32
      %logistic3A_153 = vector.broadcast %logistic3A_152 : f32 to vector<16x128xf32>
      %logistic3A_154 = arith.addf %logistic3A_153, %logistic3A_151 : vector<16x128xf32>
      %logistic3A_155 = arith.divf %logistic3A_153, %logistic3A_154 : vector<16x128xf32>
      %slice3A_156 = vector.extract_strided_slice %get3A_133 {offsets = [0, 256], sizes = [16, 128], strides = [1, 1]} : vector<16x384xf32> to vector<16x128xf32>
      %add3A_157 = vector.broadcast %slice3A_15 : vector<1x128xf32> to vector<16x128xf32>
      %add3A_158 = arith.addf %dot_general3A_138, %add3A_157 : vector<16x128xf32>
      %mul3A = arith.mulf %logistic3A_146, %add3A_158 : vector<16x128xf32>
      %add3A_159 = arith.addf %slice3A_156, %mul3A : vector<16x128xf32>
      %tanh3A = math.tanh %add3A_159 : vector<16x128xf32>
      %sub3A = arith.subf %scan3A_128, %tanh3A : vector<16x128xf32>
      %mul3A_160 = arith.mulf %logistic3A_155, %sub3A : vector<16x128xf32>
      %add3A_161 = arith.addf %tanh3A, %mul3A_160 : vector<16x128xf32>
      %add3A_162 = arith.constant 128 : i32
      %add3A_163 = arith.addi %add3A_162, %scan3A_127 : i32
      %swap3A_164 = arith.index_cast %add3A_163 : i32 to index
      %swap3A_165 = arith.constant 0 : index
      %swap3A_166 = arith.constant 0 : index
      %swap3A_167 = vector.load %arg7[%swap3A_164, %swap3A_165, %swap3A_166] : memref<256x16x128xf32, #tpu.memory_space<vmem>>, vector<1x16x128xf32>
      %swap3A_168 = vector.shape_cast %swap3A_167 : vector<1x16x128xf32> to vector<16x128xf32>
      %swap3A_169 = vector.shape_cast %add3A_161 : vector<16x128xf32> to vector<1x16x128xf32>
      tpu.vector_store %arg7[%swap3A_164, %swap3A_165, %swap3A_166], %swap3A_169 {strides = array<i32>} : memref<256x16x128xf32, #tpu.memory_space<vmem>>, vector<1x16x128xf32>,
      %scan3A_170 = arith.constant 1 : i32
      %scan3A_171 = arith.addi %scan3A_127, %scan3A_170 : i32
      %get3A_172 = arith.index_cast %scan3A_171 : i32 to index
      %get3A_173 = arith.constant 0 : index
      %get3A_174 = arith.constant 0 : index
      %get3A_175 = vector.load %arg9[%get3A_172, %get3A_173, %get3A_174] : memref<64x16x384xf32, #tpu.memory_space<vmem>>, vector<1x16x384xf32>
      %get3A_176 = vector.shape_cast %get3A_175 : vector<1x16x384xf32> to vector<16x384xf32>
      %convert_element_type3A_177 = arith.truncf %add3A_161 : vector<16x128xf32> to vector<16x128xbf16>
      %dot_general3A_178 = arith.constant dense<0.000000e+00> : vector<16x256xf32>
      %dot_general3A_179 = tpu.matmul %convert_element_type3A_177, %slice3A, %dot_general3A_178 {dimension_numbers = #tpu.dot_dimension_numbers<[1], [0], [0], [1], [0, 0, 1, 1], [], []>, transpose_lhs_hint = false} : vector<16x128xbf16>, vector<128x256xbf16>, vector<16x256xf32> -> vector<16x256xf32>
      %dot_general3A_180 = arith.constant dense<0.000000e+00> : vector<16x128xf32>
      %dot_general3A_181 = tpu.matmul %convert_element_type3A_177, %slice3A_6, %dot_general3A_180 {dimension_numbers = #tpu.dot_dimension_numbers<[1], [0], [0], [1], [0, 0, 1, 1], [], []>, transpose_lhs_hint = false} : vector<16x128xbf16>, vector<128x128xbf16>, vector<16x128xf32> -> vector<16x128xf32>
      %slice3A_182 = vector.extract_strided_slice %get3A_176 {offsets = [0, 0], sizes = [16, 128], strides = [1, 1]} : vector<16x384xf32> to vector<16x128xf32>
      %slice3A_183 = vector.extract_strided_slice %dot_general3A_179 {offsets = [0, 0], sizes = [16, 128], strides = [1, 1]} : vector<16x256xf32> to vector<16x128xf32>
      %add3A_184 = arith.addf %slice3A_182, %slice3A_183 : vector<16x128xf32>
      %logistic3A_185 = arith.negf %add3A_184 : vector<16x128xf32>
      %logistic3A_186 = math.exp %logistic3A_185 : vector<16x128xf32>
      %logistic3A_187 = arith.constant 1.000000e+00 : f32
      %logistic3A_188 = vector.broadcast %logistic3A_187 : f32 to vector<16x128xf32>
      %logistic3A_189 = arith.addf %logistic3A_188, %logistic3A_186 : vector<16x128xf32>
      %logistic3A_190 = arith.divf %logistic3A_188, %logistic3A_189 : vector<16x128xf32>
      %slice3A_191 = vector.extract_strided_slice %get3A_176 {offsets = [0, 128], sizes = [16, 128], strides = [1, 1]} : vector<16x384xf32> to vector<16x128xf32>
      %slice3A_192 = vector.extract_strided_slice %dot_general3A_179 {offsets = [0, 128], sizes = [16, 128], strides = [1, 1]} : vector<16x256xf32> to vector<16x128xf32>
      %add3A_193 = arith.addf %slice3A_191, %slice3A_192 : vector<16x128xf32>
      %logistic3A_194 = arith.negf %add3A_193 : vector<16x128xf32>
      %logistic3A_195 = math.exp %logistic3A_194 : vector<16x128xf32>
      %logistic3A_196 = arith.constant 1.000000e+00 : f32
      %logistic3A_197 = vector.broadcast %logistic3A_196 : f32 to vector<16x128xf32>
      %logistic3A_198 = arith.addf %logistic3A_197, %logistic3A_195 : vector<16x128xf32>
      %logistic3A_199 = arith.divf %logistic3A_197, %logistic3A_198 : vector<16x128xf32>
      %slice3A_200 = vector.extract_strided_slice %get3A_176 {offsets = [0, 256], sizes = [16, 128], strides = [1, 1]} : vector<16x384xf32> to vector<16x128xf32>
      %add3A_201 = vector.broadcast %slice3A_15 : vector<1x128xf32> to vector<16x128xf32>
      %add3A_202 = arith.addf %dot_general3A_181, %add3A_201 : vector<16x128xf32>
      %mul3A_203 = arith.mulf %logistic3A_190, %add3A_202 : vector<16x128xf32>
      %add3A_204 = arith.addf %slice3A_200, %mul3A_203 : vector<16x128xf32>
      %tanh3A_205 = math.tanh %add3A_204 : vector<16x128xf32>
      %sub3A_206 = arith.subf %add3A_161, %tanh3A_205 : vector<16x128xf32>
      %mul3A_207 = arith.mulf %logistic3A_199, %sub3A_206 : vector<16x128xf32>
      %add3A_208 = arith.addf %tanh3A_205, %mul3A_207 : vector<16x128xf32>
      %add3A_209 = arith.constant 128 : i32
      %add3A_210 = arith.addi %add3A_209, %scan3A_171 : i32
      %swap3A_211 = arith.index_cast %add3A_210 : i32 to index
      %swap3A_212 = arith.constant 0 : index
      %swap3A_213 = arith.constant 0 : index
      %swap3A_214 = vector.load %arg7[%swap3A_211, %swap3A_212, %swap3A_213] : memref<256x16x128xf32, #tpu.memory_space<vmem>>, vector<1x16x128xf32>
      %swap3A_215 = vector.shape_cast %swap3A_214 : vector<1x16x128xf32> to vector<16x128xf32>
      %swap3A_216 = vector.shape_cast %add3A_208 : vector<16x128xf32> to vector<1x16x128xf32>
      tpu.vector_store %arg7[%swap3A_211, %swap3A_212, %swap3A_213], %swap3A_216 {strides = array<i32>} : memref<256x16x128xf32, #tpu.memory_space<vmem>>, vector<1x16x128xf32>,
      %scan3A_217 = arith.constant 2 : i32
      %scan3A_218 = arith.addi %scan3A_127, %scan3A_217 : i32
      %get3A_219 = arith.index_cast %scan3A_218 : i32 to index
      %get3A_220 = arith.constant 0 : index
      %get3A_221 = arith.constant 0 : index
      %get3A_222 = vector.load %arg9[%get3A_219, %get3A_220, %get3A_221] : memref<64x16x384xf32, #tpu.memory_space<vmem>>, vector<1x16x384xf32>
      %get3A_223 = vector.shape_cast %get3A_222 : vector<1x16x384xf32> to vector<16x384xf32>
      %convert_element_type3A_224 = arith.truncf %add3A_208 : vector<16x128xf32> to vector<16x128xbf16>
      %dot_general3A_225 = arith.constant dense<0.000000e+00> : vector<16x256xf32>
      %dot_general3A_226 = tpu.matmul %convert_element_type3A_224, %slice3A, %dot_general3A_225 {dimension_numbers = #tpu.dot_dimension_numbers<[1], [0], [0], [1], [0, 0, 1, 1], [], []>, transpose_lhs_hint = false} : vector<16x128xbf16>, vector<128x256xbf16>, vector<16x256xf32> -> vector<16x256xf32>
      %dot_general3A_227 = arith.constant dense<0.000000e+00> : vector<16x128xf32>
      %dot_general3A_228 = tpu.matmul %convert_element_type3A_224, %slice3A_6, %dot_general3A_227 {dimension_numbers = #tpu.dot_dimension_numbers<[1], [0], [0], [1], [0, 0, 1, 1], [], []>, transpose_lhs_hint = false} : vector<16x128xbf16>, vector<128x128xbf16>, vector<16x128xf32> -> vector<16x128xf32>
      %slice3A_229 = vector.extract_strided_slice %get3A_223 {offsets = [0, 0], sizes = [16, 128], strides = [1, 1]} : vector<16x384xf32> to vector<16x128xf32>
      %slice3A_230 = vector.extract_strided_slice %dot_general3A_226 {offsets = [0, 0], sizes = [16, 128], strides = [1, 1]} : vector<16x256xf32> to vector<16x128xf32>
      %add3A_231 = arith.addf %slice3A_229, %slice3A_230 : vector<16x128xf32>
      %logistic3A_232 = arith.negf %add3A_231 : vector<16x128xf32>
      %logistic3A_233 = math.exp %logistic3A_232 : vector<16x128xf32>
      %logistic3A_234 = arith.constant 1.000000e+00 : f32
      %logistic3A_235 = vector.broadcast %logistic3A_234 : f32 to vector<16x128xf32>
      %logistic3A_236 = arith.addf %logistic3A_235, %logistic3A_233 : vector<16x128xf32>
      %logistic3A_237 = arith.divf %logistic3A_235, %logistic3A_236 : vector<16x128xf32>
      %slice3A_238 = vector.extract_strided_slice %get3A_223 {offsets = [0, 128], sizes = [16, 128], strides = [1, 1]} : vector<16x384xf32> to vector<16x128xf32>
      %slice3A_239 = vector.extract_strided_slice %dot_general3A_226 {offsets = [0, 128], sizes = [16, 128], strides = [1, 1]} : vector<16x256xf32> to vector<16x128xf32>
      %add3A_240 = arith.addf %slice3A_238, %slice3A_239 : vector<16x128xf32>
      %logistic3A_241 = arith.negf %add3A_240 : vector<16x128xf32>
      %logistic3A_242 = math.exp %logistic3A_241 : vector<16x128xf32>
      %logistic3A_243 = arith.constant 1.000000e+00 : f32
      %logistic3A_244 = vector.broadcast %logistic3A_243 : f32 to vector<16x128xf32>
      %logistic3A_245 = arith.addf %logistic3A_244, %logistic3A_242 : vector<16x128xf32>
      %logistic3A_246 = arith.divf %logistic3A_244, %logistic3A_245 : vector<16x128xf32>
      %slice3A_247 = vector.extract_strided_slice %get3A_223 {offsets = [0, 256], sizes = [16, 128], strides = [1, 1]} : vector<16x384xf32> to vector<16x128xf32>
      %add3A_248 = vector.broadcast %slice3A_15 : vector<1x128xf32> to vector<16x128xf32>
      %add3A_249 = arith.addf %dot_general3A_228, %add3A_248 : vector<16x128xf32>
      %mul3A_250 = arith.mulf %logistic3A_237, %add3A_249 : vector<16x128xf32>
      %add3A_251 = arith.addf %slice3A_247, %mul3A_250 : vector<16x128xf32>
      %tanh3A_252 = math.tanh %add3A_251 : vector<16x128xf32>
      %sub3A_253 = arith.subf %add3A_208, %tanh3A_252 : vector<16x128xf32>
      %mul3A_254 = arith.mulf %logistic3A_246, %sub3A_253 : vector<16x128xf32>
      %add3A_255 = arith.addf %tanh3A_252, %mul3A_254 : vector<16x128xf32>
      %add3A_256 = arith.constant 128 : i32
      %add3A_257 = arith.addi %add3A_256, %scan3A_218 : i32
      %swap3A_258 = arith.index_cast %add3A_257 : i32 to index
      %swap3A_259 = arith.constant 0 : index
      %swap3A_260 = arith.constant 0 : index
      %swap3A_261 = vector.load %arg7[%swap3A_258, %swap3A_259, %swap3A_260] : memref<256x16x128xf32, #tpu.memory_space<vmem>>, vector<1x16x128xf32>
      %swap3A_262 = vector.shape_cast %swap3A_261 : vector<1x16x128xf32> to vector<16x128xf32>
      %swap3A_263 = vector.shape_cast %add3A_255 : vector<16x128xf32> to vector<1x16x128xf32>
      tpu.vector_store %arg7[%swap3A_258, %swap3A_259, %swap3A_260], %swap3A_263 {strides = array<i32>} : memref<256x16x128xf32, #tpu.memory_space<vmem>>, vector<1x16x128xf32>,
      %scan3A_264 = arith.constant 3 : i32
      %scan3A_265 = arith.addi %scan3A_127, %scan3A_264 : i32
      %get3A_266 = arith.index_cast %scan3A_265 : i32 to index
      %get3A_267 = arith.constant 0 : index
      %get3A_268 = arith.constant 0 : index
      %get3A_269 = vector.load %arg9[%get3A_266, %get3A_267, %get3A_268] : memref<64x16x384xf32, #tpu.memory_space<vmem>>, vector<1x16x384xf32>
      %get3A_270 = vector.shape_cast %get3A_269 : vector<1x16x384xf32> to vector<16x384xf32>
      %convert_element_type3A_271 = arith.truncf %add3A_255 : vector<16x128xf32> to vector<16x128xbf16>
      %dot_general3A_272 = arith.constant dense<0.000000e+00> : vector<16x256xf32>
      %dot_general3A_273 = tpu.matmul %convert_element_type3A_271, %slice3A, %dot_general3A_272 {dimension_numbers = #tpu.dot_dimension_numbers<[1], [0], [0], [1], [0, 0, 1, 1], [], []>, transpose_lhs_hint = false} : vector<16x128xbf16>, vector<128x256xbf16>, vector<16x256xf32> -> vector<16x256xf32>
      %dot_general3A_274 = arith.constant dense<0.000000e+00> : vector<16x128xf32>
      %dot_general3A_275 = tpu.matmul %convert_element_type3A_271, %slice3A_6, %dot_general3A_274 {dimension_numbers = #tpu.dot_dimension_numbers<[1], [0], [0], [1], [0, 0, 1, 1], [], []>, transpose_lhs_hint = false} : vector<16x128xbf16>, vector<128x128xbf16>, vector<16x128xf32> -> vector<16x128xf32>
      %slice3A_276 = vector.extract_strided_slice %get3A_270 {offsets = [0, 0], sizes = [16, 128], strides = [1, 1]} : vector<16x384xf32> to vector<16x128xf32>
      %slice3A_277 = vector.extract_strided_slice %dot_general3A_273 {offsets = [0, 0], sizes = [16, 128], strides = [1, 1]} : vector<16x256xf32> to vector<16x128xf32>
      %add3A_278 = arith.addf %slice3A_276, %slice3A_277 : vector<16x128xf32>
      %logistic3A_279 = arith.negf %add3A_278 : vector<16x128xf32>
      %logistic3A_280 = math.exp %logistic3A_279 : vector<16x128xf32>
      %logistic3A_281 = arith.constant 1.000000e+00 : f32
      %logistic3A_282 = vector.broadcast %logistic3A_281 : f32 to vector<16x128xf32>
      %logistic3A_283 = arith.addf %logistic3A_282, %logistic3A_280 : vector<16x128xf32>
      %logistic3A_284 = arith.divf %logistic3A_282, %logistic3A_283 : vector<16x128xf32>
      %slice3A_285 = vector.extract_strided_slice %get3A_270 {offsets = [0, 128], sizes = [16, 128], strides = [1, 1]} : vector<16x384xf32> to vector<16x128xf32>
      %slice3A_286 = vector.extract_strided_slice %dot_general3A_273 {offsets = [0, 128], sizes = [16, 128], strides = [1, 1]} : vector<16x256xf32> to vector<16x128xf32>
      %add3A_287 = arith.addf %slice3A_285, %slice3A_286 : vector<16x128xf32>
      %logistic3A_288 = arith.negf %add3A_287 : vector<16x128xf32>
      %logistic3A_289 = math.exp %logistic3A_288 : vector<16x128xf32>
      %logistic3A_290 = arith.constant 1.000000e+00 : f32
      %logistic3A_291 = vector.broadcast %logistic3A_290 : f32 to vector<16x128xf32>
      %logistic3A_292 = arith.addf %logistic3A_291, %logistic3A_289 : vector<16x128xf32>
      %logistic3A_293 = arith.divf %logistic3A_291, %logistic3A_292 : vector<16x128xf32>
      %slice3A_294 = vector.extract_strided_slice %get3A_270 {offsets = [0, 256], sizes = [16, 128], strides = [1, 1]} : vector<16x384xf32> to vector<16x128xf32>
      %add3A_295 = vector.broadcast %slice3A_15 : vector<1x128xf32> to vector<16x128xf32>
      %add3A_296 = arith.addf %dot_general3A_275, %add3A_295 : vector<16x128xf32>
      %mul3A_297 = arith.mulf %logistic3A_284, %add3A_296 : vector<16x128xf32>
      %add3A_298 = arith.addf %slice3A_294, %mul3A_297 : vector<16x128xf32>
      %tanh3A_299 = math.tanh %add3A_298 : vector<16x128xf32>
      %sub3A_300 = arith.subf %add3A_255, %tanh3A_299 : vector<16x128xf32>
      %mul3A_301 = arith.mulf %logistic3A_293, %sub3A_300 : vector<16x128xf32>
      %add3A_302 = arith.addf %tanh3A_299, %mul3A_301 : vector<16x128xf32>
      %add3A_303 = arith.constant 128 : i32
      %add3A_304 = arith.addi %add3A_303, %scan3A_265 : i32
      %swap3A_305 = arith.index_cast %add3A_304 : i32 to index
      %swap3A_306 = arith.constant 0 : index
      %swap3A_307 = arith.constant 0 : index
      %swap3A_308 = vector.load %arg7[%swap3A_305, %swap3A_306, %swap3A_307] : memref<256x16x128xf32, #tpu.memory_space<vmem>>, vector<1x16x128xf32>
      %swap3A_309 = vector.shape_cast %swap3A_308 : vector<1x16x128xf32> to vector<16x128xf32>
      %swap3A_310 = vector.shape_cast %add3A_302 : vector<16x128xf32> to vector<1x16x128xf32>
      tpu.vector_store %arg7[%swap3A_305, %swap3A_306, %swap3A_307], %swap3A_310 {strides = array<i32>} : memref<256x16x128xf32, #tpu.memory_space<vmem>>, vector<1x16x128xf32>,
      %scan3A_311 = arith.constant 4 : i32
      %scan3A_312 = arith.addi %scan3A_127, %scan3A_311 : i32
      %get3A_313 = arith.index_cast %scan3A_312 : i32 to index
      %get3A_314 = arith.constant 0 : index
      %get3A_315 = arith.constant 0 : index
      %get3A_316 = vector.load %arg9[%get3A_313, %get3A_314, %get3A_315] : memref<64x16x384xf32, #tpu.memory_space<vmem>>, vector<1x16x384xf32>
      %get3A_317 = vector.shape_cast %get3A_316 : vector<1x16x384xf32> to vector<16x384xf32>
      %convert_element_type3A_318 = arith.truncf %add3A_302 : vector<16x128xf32> to vector<16x128xbf16>
      %dot_general3A_319 = arith.constant dense<0.000000e+00> : vector<16x256xf32>
      %dot_general3A_320 = tpu.matmul %convert_element_type3A_318, %slice3A, %dot_general3A_319 {dimension_numbers = #tpu.dot_dimension_numbers<[1], [0], [0], [1], [0, 0, 1, 1], [], []>, transpose_lhs_hint = false} : vector<16x128xbf16>, vector<128x256xbf16>, vector<16x256xf32> -> vector<16x256xf32>
      %dot_general3A_321 = arith.constant dense<0.000000e+00> : vector<16x128xf32>
      %dot_general3A_322 = tpu.matmul %convert_element_type3A_318, %slice3A_6, %dot_general3A_321 {dimension_numbers = #tpu.dot_dimension_numbers<[1], [0], [0], [1], [0, 0, 1, 1], [], []>, transpose_lhs_hint = false} : vector<16x128xbf16>, vector<128x128xbf16>, vector<16x128xf32> -> vector<16x128xf32>
      %slice3A_323 = vector.extract_strided_slice %get3A_317 {offsets = [0, 0], sizes = [16, 128], strides = [1, 1]} : vector<16x384xf32> to vector<16x128xf32>
      %slice3A_324 = vector.extract_strided_slice %dot_general3A_320 {offsets = [0, 0], sizes = [16, 128], strides = [1, 1]} : vector<16x256xf32> to vector<16x128xf32>
      %add3A_325 = arith.addf %slice3A_323, %slice3A_324 : vector<16x128xf32>
      %logistic3A_326 = arith.negf %add3A_325 : vector<16x128xf32>
      %logistic3A_327 = math.exp %logistic3A_326 : vector<16x128xf32>
      %logistic3A_328 = arith.constant 1.000000e+00 : f32
      %logistic3A_329 = vector.broadcast %logistic3A_328 : f32 to vector<16x128xf32>
      %logistic3A_330 = arith.addf %logistic3A_329, %logistic3A_327 : vector<16x128xf32>
      %logistic3A_331 = arith.divf %logistic3A_329, %logistic3A_330 : vector<16x128xf32>
      %slice3A_332 = vector.extract_strided_slice %get3A_317 {offsets = [0, 128], sizes = [16, 128], strides = [1, 1]} : vector<16x384xf32> to vector<16x128xf32>
      %slice3A_333 = vector.extract_strided_slice %dot_general3A_320 {offsets = [0, 128], sizes = [16, 128], strides = [1, 1]} : vector<16x256xf32> to vector<16x128xf32>
      %add3A_334 = arith.addf %slice3A_332, %slice3A_333 : vector<16x128xf32>
      %logistic3A_335 = arith.negf %add3A_334 : vector<16x128xf32>
      %logistic3A_336 = math.exp %logistic3A_335 : vector<16x128xf32>
      %logistic3A_337 = arith.constant 1.000000e+00 : f32
      %logistic3A_338 = vector.broadcast %logistic3A_337 : f32 to vector<16x128xf32>
      %logistic3A_339 = arith.addf %logistic3A_338, %logistic3A_336 : vector<16x128xf32>
      %logistic3A_340 = arith.divf %logistic3A_338, %logistic3A_339 : vector<16x128xf32>
      %slice3A_341 = vector.extract_strided_slice %get3A_317 {offsets = [0, 256], sizes = [16, 128], strides = [1, 1]} : vector<16x384xf32> to vector<16x128xf32>
      %add3A_342 = vector.broadcast %slice3A_15 : vector<1x128xf32> to vector<16x128xf32>
      %add3A_343 = arith.addf %dot_general3A_322, %add3A_342 : vector<16x128xf32>
      %mul3A_344 = arith.mulf %logistic3A_331, %add3A_343 : vector<16x128xf32>
      %add3A_345 = arith.addf %slice3A_341, %mul3A_344 : vector<16x128xf32>
      %tanh3A_346 = math.tanh %add3A_345 : vector<16x128xf32>
      %sub3A_347 = arith.subf %add3A_302, %tanh3A_346 : vector<16x128xf32>
      %mul3A_348 = arith.mulf %logistic3A_340, %sub3A_347 : vector<16x128xf32>
      %add3A_349 = arith.addf %tanh3A_346, %mul3A_348 : vector<16x128xf32>
      %add3A_350 = arith.constant 128 : i32
      %add3A_351 = arith.addi %add3A_350, %scan3A_312 : i32
      %swap3A_352 = arith.index_cast %add3A_351 : i32 to index
      %swap3A_353 = arith.constant 0 : index
      %swap3A_354 = arith.constant 0 : index
      %swap3A_355 = vector.load %arg7[%swap3A_352, %swap3A_353, %swap3A_354] : memref<256x16x128xf32, #tpu.memory_space<vmem>>, vector<1x16x128xf32>
      %swap3A_356 = vector.shape_cast %swap3A_355 : vector<1x16x128xf32> to vector<16x128xf32>
      %swap3A_357 = vector.shape_cast %add3A_349 : vector<16x128xf32> to vector<1x16x128xf32>
      tpu.vector_store %arg7[%swap3A_352, %swap3A_353, %swap3A_354], %swap3A_357 {strides = array<i32>} : memref<256x16x128xf32, #tpu.memory_space<vmem>>, vector<1x16x128xf32>,
      %scan3A_358 = arith.constant 5 : i32
      %scan3A_359 = arith.addi %scan3A_127, %scan3A_358 : i32
      %get3A_360 = arith.index_cast %scan3A_359 : i32 to index
      %get3A_361 = arith.constant 0 : index
      %get3A_362 = arith.constant 0 : index
      %get3A_363 = vector.load %arg9[%get3A_360, %get3A_361, %get3A_362] : memref<64x16x384xf32, #tpu.memory_space<vmem>>, vector<1x16x384xf32>
      %get3A_364 = vector.shape_cast %get3A_363 : vector<1x16x384xf32> to vector<16x384xf32>
      %convert_element_type3A_365 = arith.truncf %add3A_349 : vector<16x128xf32> to vector<16x128xbf16>
      %dot_general3A_366 = arith.constant dense<0.000000e+00> : vector<16x256xf32>
      %dot_general3A_367 = tpu.matmul %convert_element_type3A_365, %slice3A, %dot_general3A_366 {dimension_numbers = #tpu.dot_dimension_numbers<[1], [0], [0], [1], [0, 0, 1, 1], [], []>, transpose_lhs_hint = false} : vector<16x128xbf16>, vector<128x256xbf16>, vector<16x256xf32> -> vector<16x256xf32>
      %dot_general3A_368 = arith.constant dense<0.000000e+00> : vector<16x128xf32>
      %dot_general3A_369 = tpu.matmul %convert_element_type3A_365, %slice3A_6, %dot_general3A_368 {dimension_numbers = #tpu.dot_dimension_numbers<[1], [0], [0], [1], [0, 0, 1, 1], [], []>, transpose_lhs_hint = false} : vector<16x128xbf16>, vector<128x128xbf16>, vector<16x128xf32> -> vector<16x128xf32>
      %slice3A_370 = vector.extract_strided_slice %get3A_364 {offsets = [0, 0], sizes = [16, 128], strides = [1, 1]} : vector<16x384xf32> to vector<16x128xf32>
      %slice3A_371 = vector.extract_strided_slice %dot_general3A_367 {offsets = [0, 0], sizes = [16, 128], strides = [1, 1]} : vector<16x256xf32> to vector<16x128xf32>
      %add3A_372 = arith.addf %slice3A_370, %slice3A_371 : vector<16x128xf32>
      %logistic3A_373 = arith.negf %add3A_372 : vector<16x128xf32>
      %logistic3A_374 = math.exp %logistic3A_373 : vector<16x128xf32>
      %logistic3A_375 = arith.constant 1.000000e+00 : f32
      %logistic3A_376 = vector.broadcast %logistic3A_375 : f32 to vector<16x128xf32>
      %logistic3A_377 = arith.addf %logistic3A_376, %logistic3A_374 : vector<16x128xf32>
      %logistic3A_378 = arith.divf %logistic3A_376, %logistic3A_377 : vector<16x128xf32>
      %slice3A_379 = vector.extract_strided_slice %get3A_364 {offsets = [0, 128], sizes = [16, 128], strides = [1, 1]} : vector<16x384xf32> to vector<16x128xf32>
      %slice3A_380 = vector.extract_strided_slice %dot_general3A_367 {offsets = [0, 128], sizes = [16, 128], strides = [1, 1]} : vector<16x256xf32> to vector<16x128xf32>
      %add3A_381 = arith.addf %slice3A_379, %slice3A_380 : vector<16x128xf32>
      %logistic3A_382 = arith.negf %add3A_381 : vector<16x128xf32>
      %logistic3A_383 = math.exp %logistic3A_382 : vector<16x128xf32>
      %logistic3A_384 = arith.constant 1.000000e+00 : f32
      %logistic3A_385 = vector.broadcast %logistic3A_384 : f32 to vector<16x128xf32>
      %logistic3A_386 = arith.addf %logistic3A_385, %logistic3A_383 : vector<16x128xf32>
      %logistic3A_387 = arith.divf %logistic3A_385, %logistic3A_386 : vector<16x128xf32>
      %slice3A_388 = vector.extract_strided_slice %get3A_364 {offsets = [0, 256], sizes = [16, 128], strides = [1, 1]} : vector<16x384xf32> to vector<16x128xf32>
      %add3A_389 = vector.broadcast %slice3A_15 : vector<1x128xf32> to vector<16x128xf32>
      %add3A_390 = arith.addf %dot_general3A_369, %add3A_389 : vector<16x128xf32>
      %mul3A_391 = arith.mulf %logistic3A_378, %add3A_390 : vector<16x128xf32>
      %add3A_392 = arith.addf %slice3A_388, %mul3A_391 : vector<16x128xf32>
      %tanh3A_393 = math.tanh %add3A_392 : vector<16x128xf32>
      %sub3A_394 = arith.subf %add3A_349, %tanh3A_393 : vector<16x128xf32>
      %mul3A_395 = arith.mulf %logistic3A_387, %sub3A_394 : vector<16x128xf32>
      %add3A_396 = arith.addf %tanh3A_393, %mul3A_395 : vector<16x128xf32>
      %add3A_397 = arith.constant 128 : i32
      %add3A_398 = arith.addi %add3A_397, %scan3A_359 : i32
      %swap3A_399 = arith.index_cast %add3A_398 : i32 to index
      %swap3A_400 = arith.constant 0 : index
      %swap3A_401 = arith.constant 0 : index
      %swap3A_402 = vector.load %arg7[%swap3A_399, %swap3A_400, %swap3A_401] : memref<256x16x128xf32, #tpu.memory_space<vmem>>, vector<1x16x128xf32>
      %swap3A_403 = vector.shape_cast %swap3A_402 : vector<1x16x128xf32> to vector<16x128xf32>
      %swap3A_404 = vector.shape_cast %add3A_396 : vector<16x128xf32> to vector<1x16x128xf32>
      tpu.vector_store %arg7[%swap3A_399, %swap3A_400, %swap3A_401], %swap3A_404 {strides = array<i32>} : memref<256x16x128xf32, #tpu.memory_space<vmem>>, vector<1x16x128xf32>,
      %scan3A_405 = arith.constant 6 : i32
      %scan3A_406 = arith.addi %scan3A_127, %scan3A_405 : i32
      %get3A_407 = arith.index_cast %scan3A_406 : i32 to index
      %get3A_408 = arith.constant 0 : index
      %get3A_409 = arith.constant 0 : index
      %get3A_410 = vector.load %arg9[%get3A_407, %get3A_408, %get3A_409] : memref<64x16x384xf32, #tpu.memory_space<vmem>>, vector<1x16x384xf32>
      %get3A_411 = vector.shape_cast %get3A_410 : vector<1x16x384xf32> to vector<16x384xf32>
      %convert_element_type3A_412 = arith.truncf %add3A_396 : vector<16x128xf32> to vector<16x128xbf16>
      %dot_general3A_413 = arith.constant dense<0.000000e+00> : vector<16x256xf32>
      %dot_general3A_414 = tpu.matmul %convert_element_type3A_412, %slice3A, %dot_general3A_413 {dimension_numbers = #tpu.dot_dimension_numbers<[1], [0], [0], [1], [0, 0, 1, 1], [], []>, transpose_lhs_hint = false} : vector<16x128xbf16>, vector<128x256xbf16>, vector<16x256xf32> -> vector<16x256xf32>
      %dot_general3A_415 = arith.constant dense<0.000000e+00> : vector<16x128xf32>
      %dot_general3A_416 = tpu.matmul %convert_element_type3A_412, %slice3A_6, %dot_general3A_415 {dimension_numbers = #tpu.dot_dimension_numbers<[1], [0], [0], [1], [0, 0, 1, 1], [], []>, transpose_lhs_hint = false} : vector<16x128xbf16>, vector<128x128xbf16>, vector<16x128xf32> -> vector<16x128xf32>
      %slice3A_417 = vector.extract_strided_slice %get3A_411 {offsets = [0, 0], sizes = [16, 128], strides = [1, 1]} : vector<16x384xf32> to vector<16x128xf32>
      %slice3A_418 = vector.extract_strided_slice %dot_general3A_414 {offsets = [0, 0], sizes = [16, 128], strides = [1, 1]} : vector<16x256xf32> to vector<16x128xf32>
      %add3A_419 = arith.addf %slice3A_417, %slice3A_418 : vector<16x128xf32>
      %logistic3A_420 = arith.negf %add3A_419 : vector<16x128xf32>
      %logistic3A_421 = math.exp %logistic3A_420 : vector<16x128xf32>
      %logistic3A_422 = arith.constant 1.000000e+00 : f32
      %logistic3A_423 = vector.broadcast %logistic3A_422 : f32 to vector<16x128xf32>
      %logistic3A_424 = arith.addf %logistic3A_423, %logistic3A_421 : vector<16x128xf32>
      %logistic3A_425 = arith.divf %logistic3A_423, %logistic3A_424 : vector<16x128xf32>
      %slice3A_426 = vector.extract_strided_slice %get3A_411 {offsets = [0, 128], sizes = [16, 128], strides = [1, 1]} : vector<16x384xf32> to vector<16x128xf32>
      %slice3A_427 = vector.extract_strided_slice %dot_general3A_414 {offsets = [0, 128], sizes = [16, 128], strides = [1, 1]} : vector<16x256xf32> to vector<16x128xf32>
      %add3A_428 = arith.addf %slice3A_426, %slice3A_427 : vector<16x128xf32>
      %logistic3A_429 = arith.negf %add3A_428 : vector<16x128xf32>
      %logistic3A_430 = math.exp %logistic3A_429 : vector<16x128xf32>
      %logistic3A_431 = arith.constant 1.000000e+00 : f32
      %logistic3A_432 = vector.broadcast %logistic3A_431 : f32 to vector<16x128xf32>
      %logistic3A_433 = arith.addf %logistic3A_432, %logistic3A_430 : vector<16x128xf32>
      %logistic3A_434 = arith.divf %logistic3A_432, %logistic3A_433 : vector<16x128xf32>
      %slice3A_435 = vector.extract_strided_slice %get3A_411 {offsets = [0, 256], sizes = [16, 128], strides = [1, 1]} : vector<16x384xf32> to vector<16x128xf32>
      %add3A_436 = vector.broadcast %slice3A_15 : vector<1x128xf32> to vector<16x128xf32>
      %add3A_437 = arith.addf %dot_general3A_416, %add3A_436 : vector<16x128xf32>
      %mul3A_438 = arith.mulf %logistic3A_425, %add3A_437 : vector<16x128xf32>
      %add3A_439 = arith.addf %slice3A_435, %mul3A_438 : vector<16x128xf32>
      %tanh3A_440 = math.tanh %add3A_439 : vector<16x128xf32>
      %sub3A_441 = arith.subf %add3A_396, %tanh3A_440 : vector<16x128xf32>
      %mul3A_442 = arith.mulf %logistic3A_434, %sub3A_441 : vector<16x128xf32>
      %add3A_443 = arith.addf %tanh3A_440, %mul3A_442 : vector<16x128xf32>
      %add3A_444 = arith.constant 128 : i32
      %add3A_445 = arith.addi %add3A_444, %scan3A_406 : i32
      %swap3A_446 = arith.index_cast %add3A_445 : i32 to index
      %swap3A_447 = arith.constant 0 : index
      %swap3A_448 = arith.constant 0 : index
      %swap3A_449 = vector.load %arg7[%swap3A_446, %swap3A_447, %swap3A_448] : memref<256x16x128xf32, #tpu.memory_space<vmem>>, vector<1x16x128xf32>
      %swap3A_450 = vector.shape_cast %swap3A_449 : vector<1x16x128xf32> to vector<16x128xf32>
      %swap3A_451 = vector.shape_cast %add3A_443 : vector<16x128xf32> to vector<1x16x128xf32>
      tpu.vector_store %arg7[%swap3A_446, %swap3A_447, %swap3A_448], %swap3A_451 {strides = array<i32>} : memref<256x16x128xf32, #tpu.memory_space<vmem>>, vector<1x16x128xf32>,
      %scan3A_452 = arith.constant 7 : i32
      %scan3A_453 = arith.addi %scan3A_127, %scan3A_452 : i32
      %get3A_454 = arith.index_cast %scan3A_453 : i32 to index
      %get3A_455 = arith.constant 0 : index
      %get3A_456 = arith.constant 0 : index
      %get3A_457 = vector.load %arg9[%get3A_454, %get3A_455, %get3A_456] : memref<64x16x384xf32, #tpu.memory_space<vmem>>, vector<1x16x384xf32>
      %get3A_458 = vector.shape_cast %get3A_457 : vector<1x16x384xf32> to vector<16x384xf32>
      %convert_element_type3A_459 = arith.truncf %add3A_443 : vector<16x128xf32> to vector<16x128xbf16>
      %dot_general3A_460 = arith.constant dense<0.000000e+00> : vector<16x256xf32>
      %dot_general3A_461 = tpu.matmul %convert_element_type3A_459, %slice3A, %dot_general3A_460 {dimension_numbers = #tpu.dot_dimension_numbers<[1], [0], [0], [1], [0, 0, 1, 1], [], []>, transpose_lhs_hint = false} : vector<16x128xbf16>, vector<128x256xbf16>, vector<16x256xf32> -> vector<16x256xf32>
      %dot_general3A_462 = arith.constant dense<0.000000e+00> : vector<16x128xf32>
      %dot_general3A_463 = tpu.matmul %convert_element_type3A_459, %slice3A_6, %dot_general3A_462 {dimension_numbers = #tpu.dot_dimension_numbers<[1], [0], [0], [1], [0, 0, 1, 1], [], []>, transpose_lhs_hint = false} : vector<16x128xbf16>, vector<128x128xbf16>, vector<16x128xf32> -> vector<16x128xf32>
      %slice3A_464 = vector.extract_strided_slice %get3A_458 {offsets = [0, 0], sizes = [16, 128], strides = [1, 1]} : vector<16x384xf32> to vector<16x128xf32>
      %slice3A_465 = vector.extract_strided_slice %dot_general3A_461 {offsets = [0, 0], sizes = [16, 128], strides = [1, 1]} : vector<16x256xf32> to vector<16x128xf32>
      %add3A_466 = arith.addf %slice3A_464, %slice3A_465 : vector<16x128xf32>
      %logistic3A_467 = arith.negf %add3A_466 : vector<16x128xf32>
      %logistic3A_468 = math.exp %logistic3A_467 : vector<16x128xf32>
      %logistic3A_469 = arith.constant 1.000000e+00 : f32
      %logistic3A_470 = vector.broadcast %logistic3A_469 : f32 to vector<16x128xf32>
      %logistic3A_471 = arith.addf %logistic3A_470, %logistic3A_468 : vector<16x128xf32>
      %logistic3A_472 = arith.divf %logistic3A_470, %logistic3A_471 : vector<16x128xf32>
      %slice3A_473 = vector.extract_strided_slice %get3A_458 {offsets = [0, 128], sizes = [16, 128], strides = [1, 1]} : vector<16x384xf32> to vector<16x128xf32>
      %slice3A_474 = vector.extract_strided_slice %dot_general3A_461 {offsets = [0, 128], sizes = [16, 128], strides = [1, 1]} : vector<16x256xf32> to vector<16x128xf32>
      %add3A_475 = arith.addf %slice3A_473, %slice3A_474 : vector<16x128xf32>
      %logistic3A_476 = arith.negf %add3A_475 : vector<16x128xf32>
      %logistic3A_477 = math.exp %logistic3A_476 : vector<16x128xf32>
      %logistic3A_478 = arith.constant 1.000000e+00 : f32
      %logistic3A_479 = vector.broadcast %logistic3A_478 : f32 to vector<16x128xf32>
      %logistic3A_480 = arith.addf %logistic3A_479, %logistic3A_477 : vector<16x128xf32>
      %logistic3A_481 = arith.divf %logistic3A_479, %logistic3A_480 : vector<16x128xf32>
      %slice3A_482 = vector.extract_strided_slice %get3A_458 {offsets = [0, 256], sizes = [16, 128], strides = [1, 1]} : vector<16x384xf32> to vector<16x128xf32>
      %add3A_483 = vector.broadcast %slice3A_15 : vector<1x128xf32> to vector<16x128xf32>
      %add3A_484 = arith.addf %dot_general3A_463, %add3A_483 : vector<16x128xf32>
      %mul3A_485 = arith.mulf %logistic3A_472, %add3A_484 : vector<16x128xf32>
      %add3A_486 = arith.addf %slice3A_482, %mul3A_485 : vector<16x128xf32>
      %tanh3A_487 = math.tanh %add3A_486 : vector<16x128xf32>
      %sub3A_488 = arith.subf %add3A_443, %tanh3A_487 : vector<16x128xf32>
      %mul3A_489 = arith.mulf %logistic3A_481, %sub3A_488 : vector<16x128xf32>
      %add3A_490 = arith.addf %tanh3A_487, %mul3A_489 : vector<16x128xf32>
      %add3A_491 = arith.constant 128 : i32
      %add3A_492 = arith.addi %add3A_491, %scan3A_453 : i32
      %swap3A_493 = arith.index_cast %add3A_492 : i32 to index
      %swap3A_494 = arith.constant 0 : index
      %swap3A_495 = arith.constant 0 : index
      %swap3A_496 = vector.load %arg7[%swap3A_493, %swap3A_494, %swap3A_495] : memref<256x16x128xf32, #tpu.memory_space<vmem>>, vector<1x16x128xf32>
      %swap3A_497 = vector.shape_cast %swap3A_496 : vector<1x16x128xf32> to vector<16x128xf32>
      %swap3A_498 = vector.shape_cast %add3A_490 : vector<16x128xf32> to vector<1x16x128xf32>
      tpu.vector_store %arg7[%swap3A_493, %swap3A_494, %swap3A_495], %swap3A_498 {strides = array<i32>} : memref<256x16x128xf32, #tpu.memory_space<vmem>>, vector<1x16x128xf32>,
      scf.yield %add3A_490 : vector<16x128xf32>
    }
    %scan3A_98 = arith.constant 64 : i32
    %get3A_99 = arith.constant 3072 : index
    %get3A_100 = arith.constant 0 : index
    %get3A_101 = vector.load %arg0[%get3A_99, %get3A_100] : memref<4096x1xi32, #tpu.memory_space<vmem>>, vector<1024x1xi32>
    %iota3A_102 = tpu.iota {dimensions = array<i32: 1>} : vector<1024x256xi32>
    %eq3A_103 = vector.broadcast %get3A_101 : vector<1024x1xi32> to vector<1024x256xi32>
    %eq3A_104 = arith.cmpi eq, %eq3A_103, %iota3A_102 : vector<1024x256xi32>
    %jit3A_105 = arith.constant 1.000000e+00 : f32
    %jit3A_106 = arith.constant 0.000000e+00 : f32
    %broadcast_in_dim3A_107 = vector.broadcast %jit3A_105 : f32 to vector<1024x256xf32>
    %broadcast_in_dim3A_108 = vector.broadcast %jit3A_106 : f32 to vector<1024x256xf32>
    %select_n3A_109 = arith.select %eq3A_104, %broadcast_in_dim3A_107, %broadcast_in_dim3A_108 : vector<1024x256xi1>, vector<1024x256xf32>
    %convert_element_type3A_110 = arith.truncf %select_n3A_109 : vector<1024x256xf32> to vector<1024x256xbf16>
    %dot_general3A_111 = arith.constant dense<0.000000e+00> : vector<1024x384xf32>
    %dot_general3A_112 = tpu.matmul %convert_element_type3A_110, %convert_element_type3A_22, %dot_general3A_111 {dimension_numbers = #tpu.dot_dimension_numbers<[1], [0], [0], [1], [0, 0, 1, 1], [], []>, transpose_lhs_hint = false} : vector<1024x256xbf16>, vector<256x384xbf16>, vector<1024x384xf32> -> vector<1024x384xf32>
    %reshape3A_113 = vector.shape_cast %dot_general3A_112 : vector<1024x384xf32> to vector<64x16x384xf32>
    %swap3A_114 = arith.constant 0 : index
    %swap3A_115 = arith.constant 0 : index
    %swap3A_116 = arith.constant 0 : index
    %swap3A_117 = vector.load %arg9[%swap3A_114, %swap3A_115, %swap3A_116] : memref<64x16x384xf32, #tpu.memory_space<vmem>>, vector<64x16x384xf32>
    tpu.vector_store %arg9[%swap3A_114, %swap3A_115, %swap3A_116], %reshape3A_113 {strides = array<i32>} : memref<64x16x384xf32, #tpu.memory_space<vmem>>, vector<64x16x384xf32>,
    %scan3A_118 = arith.constant 0 : i32
    %scan3A_119 = arith.constant 64 : i32
    %scan3A_120 = arith.addi %scan3A_118, %scan3A_119 : i32
    %scan3A_121 = arith.constant 8 : i32
    %scan3A_122 = scf.for %scan3A_127 = %scan3A_118 to %scan3A_120 step %scan3A_121 iter_args(%scan3A_128 = %scan3A_97) -> (vector<16x128xf32>)  : i32 {
      %get3A_129 = arith.index_cast %scan3A_127 : i32 to index
      %get3A_130 = arith.constant 0 : index
      %get3A_131 = arith.constant 0 : index
      %get3A_132 = vector.load %arg9[%get3A_129, %get3A_130, %get3A_131] : memref<64x16x384xf32, #tpu.memory_space<vmem>>, vector<1x16x384xf32>
      %get3A_133 = vector.shape_cast %get3A_132 : vector<1x16x384xf32> to vector<16x384xf32>
      %convert_element_type3A_134 = arith.truncf %scan3A_128 : vector<16x128xf32> to vector<16x128xbf16>
      %dot_general3A_135 = arith.constant dense<0.000000e+00> : vector<16x256xf32>
      %dot_general3A_136 = tpu.matmul %convert_element_type3A_134, %slice3A, %dot_general3A_135 {dimension_numbers = #tpu.dot_dimension_numbers<[1], [0], [0], [1], [0, 0, 1, 1], [], []>, transpose_lhs_hint = false} : vector<16x128xbf16>, vector<128x256xbf16>, vector<16x256xf32> -> vector<16x256xf32>
      %dot_general3A_137 = arith.constant dense<0.000000e+00> : vector<16x128xf32>
      %dot_general3A_138 = tpu.matmul %convert_element_type3A_134, %slice3A_6, %dot_general3A_137 {dimension_numbers = #tpu.dot_dimension_numbers<[1], [0], [0], [1], [0, 0, 1, 1], [], []>, transpose_lhs_hint = false} : vector<16x128xbf16>, vector<128x128xbf16>, vector<16x128xf32> -> vector<16x128xf32>
      %slice3A_139 = vector.extract_strided_slice %get3A_133 {offsets = [0, 0], sizes = [16, 128], strides = [1, 1]} : vector<16x384xf32> to vector<16x128xf32>
      %slice3A_140 = vector.extract_strided_slice %dot_general3A_136 {offsets = [0, 0], sizes = [16, 128], strides = [1, 1]} : vector<16x256xf32> to vector<16x128xf32>
      %add3A_141 = arith.addf %slice3A_139, %slice3A_140 : vector<16x128xf32>
      %logistic3A = arith.negf %add3A_141 : vector<16x128xf32>
      %logistic3A_142 = math.exp %logistic3A : vector<16x128xf32>
      %logistic3A_143 = arith.constant 1.000000e+00 : f32
      %logistic3A_144 = vector.broadcast %logistic3A_143 : f32 to vector<16x128xf32>
      %logistic3A_145 = arith.addf %logistic3A_144, %logistic3A_142 : vector<16x128xf32>
      %logistic3A_146 = arith.divf %logistic3A_144, %logistic3A_145 : vector<16x128xf32>
      %slice3A_147 = vector.extract_strided_slice %get3A_133 {offsets = [0, 128], sizes = [16, 128], strides = [1, 1]} : vector<16x384xf32> to vector<16x128xf32>
      %slice3A_148 = vector.extract_strided_slice %dot_general3A_136 {offsets = [0, 128], sizes = [16, 128], strides = [1, 1]} : vector<16x256xf32> to vector<16x128xf32>
      %add3A_149 = arith.addf %slice3A_147, %slice3A_148 : vector<16x128xf32>
      %logistic3A_150 = arith.negf %add3A_149 : vector<16x128xf32>
      %logistic3A_151 = math.exp %logistic3A_150 : vector<16x128xf32>
      %logistic3A_152 = arith.constant 1.000000e+00 : f32
      %logistic3A_153 = vector.broadcast %logistic3A_152 : f32 to vector<16x128xf32>
      %logistic3A_154 = arith.addf %logistic3A_153, %logistic3A_151 : vector<16x128xf32>
      %logistic3A_155 = arith.divf %logistic3A_153, %logistic3A_154 : vector<16x128xf32>
      %slice3A_156 = vector.extract_strided_slice %get3A_133 {offsets = [0, 256], sizes = [16, 128], strides = [1, 1]} : vector<16x384xf32> to vector<16x128xf32>
      %add3A_157 = vector.broadcast %slice3A_15 : vector<1x128xf32> to vector<16x128xf32>
      %add3A_158 = arith.addf %dot_general3A_138, %add3A_157 : vector<16x128xf32>
      %mul3A = arith.mulf %logistic3A_146, %add3A_158 : vector<16x128xf32>
      %add3A_159 = arith.addf %slice3A_156, %mul3A : vector<16x128xf32>
      %tanh3A = math.tanh %add3A_159 : vector<16x128xf32>
      %sub3A = arith.subf %scan3A_128, %tanh3A : vector<16x128xf32>
      %mul3A_160 = arith.mulf %logistic3A_155, %sub3A : vector<16x128xf32>
      %add3A_161 = arith.addf %tanh3A, %mul3A_160 : vector<16x128xf32>
      %add3A_162 = arith.constant 192 : i32
      %add3A_163 = arith.addi %add3A_162, %scan3A_127 : i32
      %swap3A_164 = arith.index_cast %add3A_163 : i32 to index
      %swap3A_165 = arith.constant 0 : index
      %swap3A_166 = arith.constant 0 : index
      %swap3A_167 = vector.load %arg7[%swap3A_164, %swap3A_165, %swap3A_166] : memref<256x16x128xf32, #tpu.memory_space<vmem>>, vector<1x16x128xf32>
      %swap3A_168 = vector.shape_cast %swap3A_167 : vector<1x16x128xf32> to vector<16x128xf32>
      %swap3A_169 = vector.shape_cast %add3A_161 : vector<16x128xf32> to vector<1x16x128xf32>
      tpu.vector_store %arg7[%swap3A_164, %swap3A_165, %swap3A_166], %swap3A_169 {strides = array<i32>} : memref<256x16x128xf32, #tpu.memory_space<vmem>>, vector<1x16x128xf32>,
      %scan3A_170 = arith.constant 1 : i32
      %scan3A_171 = arith.addi %scan3A_127, %scan3A_170 : i32
      %get3A_172 = arith.index_cast %scan3A_171 : i32 to index
      %get3A_173 = arith.constant 0 : index
      %get3A_174 = arith.constant 0 : index
      %get3A_175 = vector.load %arg9[%get3A_172, %get3A_173, %get3A_174] : memref<64x16x384xf32, #tpu.memory_space<vmem>>, vector<1x16x384xf32>
      %get3A_176 = vector.shape_cast %get3A_175 : vector<1x16x384xf32> to vector<16x384xf32>
      %convert_element_type3A_177 = arith.truncf %add3A_161 : vector<16x128xf32> to vector<16x128xbf16>
      %dot_general3A_178 = arith.constant dense<0.000000e+00> : vector<16x256xf32>
      %dot_general3A_179 = tpu.matmul %convert_element_type3A_177, %slice3A, %dot_general3A_178 {dimension_numbers = #tpu.dot_dimension_numbers<[1], [0], [0], [1], [0, 0, 1, 1], [], []>, transpose_lhs_hint = false} : vector<16x128xbf16>, vector<128x256xbf16>, vector<16x256xf32> -> vector<16x256xf32>
      %dot_general3A_180 = arith.constant dense<0.000000e+00> : vector<16x128xf32>
      %dot_general3A_181 = tpu.matmul %convert_element_type3A_177, %slice3A_6, %dot_general3A_180 {dimension_numbers = #tpu.dot_dimension_numbers<[1], [0], [0], [1], [0, 0, 1, 1], [], []>, transpose_lhs_hint = false} : vector<16x128xbf16>, vector<128x128xbf16>, vector<16x128xf32> -> vector<16x128xf32>
      %slice3A_182 = vector.extract_strided_slice %get3A_176 {offsets = [0, 0], sizes = [16, 128], strides = [1, 1]} : vector<16x384xf32> to vector<16x128xf32>
      %slice3A_183 = vector.extract_strided_slice %dot_general3A_179 {offsets = [0, 0], sizes = [16, 128], strides = [1, 1]} : vector<16x256xf32> to vector<16x128xf32>
      %add3A_184 = arith.addf %slice3A_182, %slice3A_183 : vector<16x128xf32>
      %logistic3A_185 = arith.negf %add3A_184 : vector<16x128xf32>
      %logistic3A_186 = math.exp %logistic3A_185 : vector<16x128xf32>
      %logistic3A_187 = arith.constant 1.000000e+00 : f32
      %logistic3A_188 = vector.broadcast %logistic3A_187 : f32 to vector<16x128xf32>
      %logistic3A_189 = arith.addf %logistic3A_188, %logistic3A_186 : vector<16x128xf32>
      %logistic3A_190 = arith.divf %logistic3A_188, %logistic3A_189 : vector<16x128xf32>
      %slice3A_191 = vector.extract_strided_slice %get3A_176 {offsets = [0, 128], sizes = [16, 128], strides = [1, 1]} : vector<16x384xf32> to vector<16x128xf32>
      %slice3A_192 = vector.extract_strided_slice %dot_general3A_179 {offsets = [0, 128], sizes = [16, 128], strides = [1, 1]} : vector<16x256xf32> to vector<16x128xf32>
      %add3A_193 = arith.addf %slice3A_191, %slice3A_192 : vector<16x128xf32>
      %logistic3A_194 = arith.negf %add3A_193 : vector<16x128xf32>
      %logistic3A_195 = math.exp %logistic3A_194 : vector<16x128xf32>
      %logistic3A_196 = arith.constant 1.000000e+00 : f32
      %logistic3A_197 = vector.broadcast %logistic3A_196 : f32 to vector<16x128xf32>
      %logistic3A_198 = arith.addf %logistic3A_197, %logistic3A_195 : vector<16x128xf32>
      %logistic3A_199 = arith.divf %logistic3A_197, %logistic3A_198 : vector<16x128xf32>
      %slice3A_200 = vector.extract_strided_slice %get3A_176 {offsets = [0, 256], sizes = [16, 128], strides = [1, 1]} : vector<16x384xf32> to vector<16x128xf32>
      %add3A_201 = vector.broadcast %slice3A_15 : vector<1x128xf32> to vector<16x128xf32>
      %add3A_202 = arith.addf %dot_general3A_181, %add3A_201 : vector<16x128xf32>
      %mul3A_203 = arith.mulf %logistic3A_190, %add3A_202 : vector<16x128xf32>
      %add3A_204 = arith.addf %slice3A_200, %mul3A_203 : vector<16x128xf32>
      %tanh3A_205 = math.tanh %add3A_204 : vector<16x128xf32>
      %sub3A_206 = arith.subf %add3A_161, %tanh3A_205 : vector<16x128xf32>
      %mul3A_207 = arith.mulf %logistic3A_199, %sub3A_206 : vector<16x128xf32>
      %add3A_208 = arith.addf %tanh3A_205, %mul3A_207 : vector<16x128xf32>
      %add3A_209 = arith.constant 192 : i32
      %add3A_210 = arith.addi %add3A_209, %scan3A_171 : i32
      %swap3A_211 = arith.index_cast %add3A_210 : i32 to index
      %swap3A_212 = arith.constant 0 : index
      %swap3A_213 = arith.constant 0 : index
      %swap3A_214 = vector.load %arg7[%swap3A_211, %swap3A_212, %swap3A_213] : memref<256x16x128xf32, #tpu.memory_space<vmem>>, vector<1x16x128xf32>
      %swap3A_215 = vector.shape_cast %swap3A_214 : vector<1x16x128xf32> to vector<16x128xf32>
      %swap3A_216 = vector.shape_cast %add3A_208 : vector<16x128xf32> to vector<1x16x128xf32>
      tpu.vector_store %arg7[%swap3A_211, %swap3A_212, %swap3A_213], %swap3A_216 {strides = array<i32>} : memref<256x16x128xf32, #tpu.memory_space<vmem>>, vector<1x16x128xf32>,
      %scan3A_217 = arith.constant 2 : i32
      %scan3A_218 = arith.addi %scan3A_127, %scan3A_217 : i32
      %get3A_219 = arith.index_cast %scan3A_218 : i32 to index
      %get3A_220 = arith.constant 0 : index
      %get3A_221 = arith.constant 0 : index
      %get3A_222 = vector.load %arg9[%get3A_219, %get3A_220, %get3A_221] : memref<64x16x384xf32, #tpu.memory_space<vmem>>, vector<1x16x384xf32>
      %get3A_223 = vector.shape_cast %get3A_222 : vector<1x16x384xf32> to vector<16x384xf32>
      %convert_element_type3A_224 = arith.truncf %add3A_208 : vector<16x128xf32> to vector<16x128xbf16>
      %dot_general3A_225 = arith.constant dense<0.000000e+00> : vector<16x256xf32>
      %dot_general3A_226 = tpu.matmul %convert_element_type3A_224, %slice3A, %dot_general3A_225 {dimension_numbers = #tpu.dot_dimension_numbers<[1], [0], [0], [1], [0, 0, 1, 1], [], []>, transpose_lhs_hint = false} : vector<16x128xbf16>, vector<128x256xbf16>, vector<16x256xf32> -> vector<16x256xf32>
      %dot_general3A_227 = arith.constant dense<0.000000e+00> : vector<16x128xf32>
      %dot_general3A_228 = tpu.matmul %convert_element_type3A_224, %slice3A_6, %dot_general3A_227 {dimension_numbers = #tpu.dot_dimension_numbers<[1], [0], [0], [1], [0, 0, 1, 1], [], []>, transpose_lhs_hint = false} : vector<16x128xbf16>, vector<128x128xbf16>, vector<16x128xf32> -> vector<16x128xf32>
      %slice3A_229 = vector.extract_strided_slice %get3A_223 {offsets = [0, 0], sizes = [16, 128], strides = [1, 1]} : vector<16x384xf32> to vector<16x128xf32>
      %slice3A_230 = vector.extract_strided_slice %dot_general3A_226 {offsets = [0, 0], sizes = [16, 128], strides = [1, 1]} : vector<16x256xf32> to vector<16x128xf32>
      %add3A_231 = arith.addf %slice3A_229, %slice3A_230 : vector<16x128xf32>
      %logistic3A_232 = arith.negf %add3A_231 : vector<16x128xf32>
      %logistic3A_233 = math.exp %logistic3A_232 : vector<16x128xf32>
      %logistic3A_234 = arith.constant 1.000000e+00 : f32
      %logistic3A_235 = vector.broadcast %logistic3A_234 : f32 to vector<16x128xf32>
      %logistic3A_236 = arith.addf %logistic3A_235, %logistic3A_233 : vector<16x128xf32>
      %logistic3A_237 = arith.divf %logistic3A_235, %logistic3A_236 : vector<16x128xf32>
      %slice3A_238 = vector.extract_strided_slice %get3A_223 {offsets = [0, 128], sizes = [16, 128], strides = [1, 1]} : vector<16x384xf32> to vector<16x128xf32>
      %slice3A_239 = vector.extract_strided_slice %dot_general3A_226 {offsets = [0, 128], sizes = [16, 128], strides = [1, 1]} : vector<16x256xf32> to vector<16x128xf32>
      %add3A_240 = arith.addf %slice3A_238, %slice3A_239 : vector<16x128xf32>
      %logistic3A_241 = arith.negf %add3A_240 : vector<16x128xf32>
      %logistic3A_242 = math.exp %logistic3A_241 : vector<16x128xf32>
      %logistic3A_243 = arith.constant 1.000000e+00 : f32
      %logistic3A_244 = vector.broadcast %logistic3A_243 : f32 to vector<16x128xf32>
      %logistic3A_245 = arith.addf %logistic3A_244, %logistic3A_242 : vector<16x128xf32>
      %logistic3A_246 = arith.divf %logistic3A_244, %logistic3A_245 : vector<16x128xf32>
      %slice3A_247 = vector.extract_strided_slice %get3A_223 {offsets = [0, 256], sizes = [16, 128], strides = [1, 1]} : vector<16x384xf32> to vector<16x128xf32>
      %add3A_248 = vector.broadcast %slice3A_15 : vector<1x128xf32> to vector<16x128xf32>
      %add3A_249 = arith.addf %dot_general3A_228, %add3A_248 : vector<16x128xf32>
      %mul3A_250 = arith.mulf %logistic3A_237, %add3A_249 : vector<16x128xf32>
      %add3A_251 = arith.addf %slice3A_247, %mul3A_250 : vector<16x128xf32>
      %tanh3A_252 = math.tanh %add3A_251 : vector<16x128xf32>
      %sub3A_253 = arith.subf %add3A_208, %tanh3A_252 : vector<16x128xf32>
      %mul3A_254 = arith.mulf %logistic3A_246, %sub3A_253 : vector<16x128xf32>
      %add3A_255 = arith.addf %tanh3A_252, %mul3A_254 : vector<16x128xf32>
      %add3A_256 = arith.constant 192 : i32
      %add3A_257 = arith.addi %add3A_256, %scan3A_218 : i32
      %swap3A_258 = arith.index_cast %add3A_257 : i32 to index
      %swap3A_259 = arith.constant 0 : index
      %swap3A_260 = arith.constant 0 : index
      %swap3A_261 = vector.load %arg7[%swap3A_258, %swap3A_259, %swap3A_260] : memref<256x16x128xf32, #tpu.memory_space<vmem>>, vector<1x16x128xf32>
      %swap3A_262 = vector.shape_cast %swap3A_261 : vector<1x16x128xf32> to vector<16x128xf32>
      %swap3A_263 = vector.shape_cast %add3A_255 : vector<16x128xf32> to vector<1x16x128xf32>
      tpu.vector_store %arg7[%swap3A_258, %swap3A_259, %swap3A_260], %swap3A_263 {strides = array<i32>} : memref<256x16x128xf32, #tpu.memory_space<vmem>>, vector<1x16x128xf32>,
      %scan3A_264 = arith.constant 3 : i32
      %scan3A_265 = arith.addi %scan3A_127, %scan3A_264 : i32
      %get3A_266 = arith.index_cast %scan3A_265 : i32 to index
      %get3A_267 = arith.constant 0 : index
      %get3A_268 = arith.constant 0 : index
      %get3A_269 = vector.load %arg9[%get3A_266, %get3A_267, %get3A_268] : memref<64x16x384xf32, #tpu.memory_space<vmem>>, vector<1x16x384xf32>
      %get3A_270 = vector.shape_cast %get3A_269 : vector<1x16x384xf32> to vector<16x384xf32>
      %convert_element_type3A_271 = arith.truncf %add3A_255 : vector<16x128xf32> to vector<16x128xbf16>
      %dot_general3A_272 = arith.constant dense<0.000000e+00> : vector<16x256xf32>
      %dot_general3A_273 = tpu.matmul %convert_element_type3A_271, %slice3A, %dot_general3A_272 {dimension_numbers = #tpu.dot_dimension_numbers<[1], [0], [0], [1], [0, 0, 1, 1], [], []>, transpose_lhs_hint = false} : vector<16x128xbf16>, vector<128x256xbf16>, vector<16x256xf32> -> vector<16x256xf32>
      %dot_general3A_274 = arith.constant dense<0.000000e+00> : vector<16x128xf32>
      %dot_general3A_275 = tpu.matmul %convert_element_type3A_271, %slice3A_6, %dot_general3A_274 {dimension_numbers = #tpu.dot_dimension_numbers<[1], [0], [0], [1], [0, 0, 1, 1], [], []>, transpose_lhs_hint = false} : vector<16x128xbf16>, vector<128x128xbf16>, vector<16x128xf32> -> vector<16x128xf32>
      %slice3A_276 = vector.extract_strided_slice %get3A_270 {offsets = [0, 0], sizes = [16, 128], strides = [1, 1]} : vector<16x384xf32> to vector<16x128xf32>
      %slice3A_277 = vector.extract_strided_slice %dot_general3A_273 {offsets = [0, 0], sizes = [16, 128], strides = [1, 1]} : vector<16x256xf32> to vector<16x128xf32>
      %add3A_278 = arith.addf %slice3A_276, %slice3A_277 : vector<16x128xf32>
      %logistic3A_279 = arith.negf %add3A_278 : vector<16x128xf32>
      %logistic3A_280 = math.exp %logistic3A_279 : vector<16x128xf32>
      %logistic3A_281 = arith.constant 1.000000e+00 : f32
      %logistic3A_282 = vector.broadcast %logistic3A_281 : f32 to vector<16x128xf32>
      %logistic3A_283 = arith.addf %logistic3A_282, %logistic3A_280 : vector<16x128xf32>
      %logistic3A_284 = arith.divf %logistic3A_282, %logistic3A_283 : vector<16x128xf32>
      %slice3A_285 = vector.extract_strided_slice %get3A_270 {offsets = [0, 128], sizes = [16, 128], strides = [1, 1]} : vector<16x384xf32> to vector<16x128xf32>
      %slice3A_286 = vector.extract_strided_slice %dot_general3A_273 {offsets = [0, 128], sizes = [16, 128], strides = [1, 1]} : vector<16x256xf32> to vector<16x128xf32>
      %add3A_287 = arith.addf %slice3A_285, %slice3A_286 : vector<16x128xf32>
      %logistic3A_288 = arith.negf %add3A_287 : vector<16x128xf32>
      %logistic3A_289 = math.exp %logistic3A_288 : vector<16x128xf32>
      %logistic3A_290 = arith.constant 1.000000e+00 : f32
      %logistic3A_291 = vector.broadcast %logistic3A_290 : f32 to vector<16x128xf32>
      %logistic3A_292 = arith.addf %logistic3A_291, %logistic3A_289 : vector<16x128xf32>
      %logistic3A_293 = arith.divf %logistic3A_291, %logistic3A_292 : vector<16x128xf32>
      %slice3A_294 = vector.extract_strided_slice %get3A_270 {offsets = [0, 256], sizes = [16, 128], strides = [1, 1]} : vector<16x384xf32> to vector<16x128xf32>
      %add3A_295 = vector.broadcast %slice3A_15 : vector<1x128xf32> to vector<16x128xf32>
      %add3A_296 = arith.addf %dot_general3A_275, %add3A_295 : vector<16x128xf32>
      %mul3A_297 = arith.mulf %logistic3A_284, %add3A_296 : vector<16x128xf32>
      %add3A_298 = arith.addf %slice3A_294, %mul3A_297 : vector<16x128xf32>
      %tanh3A_299 = math.tanh %add3A_298 : vector<16x128xf32>
      %sub3A_300 = arith.subf %add3A_255, %tanh3A_299 : vector<16x128xf32>
      %mul3A_301 = arith.mulf %logistic3A_293, %sub3A_300 : vector<16x128xf32>
      %add3A_302 = arith.addf %tanh3A_299, %mul3A_301 : vector<16x128xf32>
      %add3A_303 = arith.constant 192 : i32
      %add3A_304 = arith.addi %add3A_303, %scan3A_265 : i32
      %swap3A_305 = arith.index_cast %add3A_304 : i32 to index
      %swap3A_306 = arith.constant 0 : index
      %swap3A_307 = arith.constant 0 : index
      %swap3A_308 = vector.load %arg7[%swap3A_305, %swap3A_306, %swap3A_307] : memref<256x16x128xf32, #tpu.memory_space<vmem>>, vector<1x16x128xf32>
      %swap3A_309 = vector.shape_cast %swap3A_308 : vector<1x16x128xf32> to vector<16x128xf32>
      %swap3A_310 = vector.shape_cast %add3A_302 : vector<16x128xf32> to vector<1x16x128xf32>
      tpu.vector_store %arg7[%swap3A_305, %swap3A_306, %swap3A_307], %swap3A_310 {strides = array<i32>} : memref<256x16x128xf32, #tpu.memory_space<vmem>>, vector<1x16x128xf32>,
      %scan3A_311 = arith.constant 4 : i32
      %scan3A_312 = arith.addi %scan3A_127, %scan3A_311 : i32
      %get3A_313 = arith.index_cast %scan3A_312 : i32 to index
      %get3A_314 = arith.constant 0 : index
      %get3A_315 = arith.constant 0 : index
      %get3A_316 = vector.load %arg9[%get3A_313, %get3A_314, %get3A_315] : memref<64x16x384xf32, #tpu.memory_space<vmem>>, vector<1x16x384xf32>
      %get3A_317 = vector.shape_cast %get3A_316 : vector<1x16x384xf32> to vector<16x384xf32>
      %convert_element_type3A_318 = arith.truncf %add3A_302 : vector<16x128xf32> to vector<16x128xbf16>
      %dot_general3A_319 = arith.constant dense<0.000000e+00> : vector<16x256xf32>
      %dot_general3A_320 = tpu.matmul %convert_element_type3A_318, %slice3A, %dot_general3A_319 {dimension_numbers = #tpu.dot_dimension_numbers<[1], [0], [0], [1], [0, 0, 1, 1], [], []>, transpose_lhs_hint = false} : vector<16x128xbf16>, vector<128x256xbf16>, vector<16x256xf32> -> vector<16x256xf32>
      %dot_general3A_321 = arith.constant dense<0.000000e+00> : vector<16x128xf32>
      %dot_general3A_322 = tpu.matmul %convert_element_type3A_318, %slice3A_6, %dot_general3A_321 {dimension_numbers = #tpu.dot_dimension_numbers<[1], [0], [0], [1], [0, 0, 1, 1], [], []>, transpose_lhs_hint = false} : vector<16x128xbf16>, vector<128x128xbf16>, vector<16x128xf32> -> vector<16x128xf32>
      %slice3A_323 = vector.extract_strided_slice %get3A_317 {offsets = [0, 0], sizes = [16, 128], strides = [1, 1]} : vector<16x384xf32> to vector<16x128xf32>
      %slice3A_324 = vector.extract_strided_slice %dot_general3A_320 {offsets = [0, 0], sizes = [16, 128], strides = [1, 1]} : vector<16x256xf32> to vector<16x128xf32>
      %add3A_325 = arith.addf %slice3A_323, %slice3A_324 : vector<16x128xf32>
      %logistic3A_326 = arith.negf %add3A_325 : vector<16x128xf32>
      %logistic3A_327 = math.exp %logistic3A_326 : vector<16x128xf32>
      %logistic3A_328 = arith.constant 1.000000e+00 : f32
      %logistic3A_329 = vector.broadcast %logistic3A_328 : f32 to vector<16x128xf32>
      %logistic3A_330 = arith.addf %logistic3A_329, %logistic3A_327 : vector<16x128xf32>
      %logistic3A_331 = arith.divf %logistic3A_329, %logistic3A_330 : vector<16x128xf32>
      %slice3A_332 = vector.extract_strided_slice %get3A_317 {offsets = [0, 128], sizes = [16, 128], strides = [1, 1]} : vector<16x384xf32> to vector<16x128xf32>
      %slice3A_333 = vector.extract_strided_slice %dot_general3A_320 {offsets = [0, 128], sizes = [16, 128], strides = [1, 1]} : vector<16x256xf32> to vector<16x128xf32>
      %add3A_334 = arith.addf %slice3A_332, %slice3A_333 : vector<16x128xf32>
      %logistic3A_335 = arith.negf %add3A_334 : vector<16x128xf32>
      %logistic3A_336 = math.exp %logistic3A_335 : vector<16x128xf32>
      %logistic3A_337 = arith.constant 1.000000e+00 : f32
      %logistic3A_338 = vector.broadcast %logistic3A_337 : f32 to vector<16x128xf32>
      %logistic3A_339 = arith.addf %logistic3A_338, %logistic3A_336 : vector<16x128xf32>
      %logistic3A_340 = arith.divf %logistic3A_338, %logistic3A_339 : vector<16x128xf32>
      %slice3A_341 = vector.extract_strided_slice %get3A_317 {offsets = [0, 256], sizes = [16, 128], strides = [1, 1]} : vector<16x384xf32> to vector<16x128xf32>
      %add3A_342 = vector.broadcast %slice3A_15 : vector<1x128xf32> to vector<16x128xf32>
      %add3A_343 = arith.addf %dot_general3A_322, %add3A_342 : vector<16x128xf32>
      %mul3A_344 = arith.mulf %logistic3A_331, %add3A_343 : vector<16x128xf32>
      %add3A_345 = arith.addf %slice3A_341, %mul3A_344 : vector<16x128xf32>
      %tanh3A_346 = math.tanh %add3A_345 : vector<16x128xf32>
      %sub3A_347 = arith.subf %add3A_302, %tanh3A_346 : vector<16x128xf32>
      %mul3A_348 = arith.mulf %logistic3A_340, %sub3A_347 : vector<16x128xf32>
      %add3A_349 = arith.addf %tanh3A_346, %mul3A_348 : vector<16x128xf32>
      %add3A_350 = arith.constant 192 : i32
      %add3A_351 = arith.addi %add3A_350, %scan3A_312 : i32
      %swap3A_352 = arith.index_cast %add3A_351 : i32 to index
      %swap3A_353 = arith.constant 0 : index
      %swap3A_354 = arith.constant 0 : index
      %swap3A_355 = vector.load %arg7[%swap3A_352, %swap3A_353, %swap3A_354] : memref<256x16x128xf32, #tpu.memory_space<vmem>>, vector<1x16x128xf32>
      %swap3A_356 = vector.shape_cast %swap3A_355 : vector<1x16x128xf32> to vector<16x128xf32>
      %swap3A_357 = vector.shape_cast %add3A_349 : vector<16x128xf32> to vector<1x16x128xf32>
      tpu.vector_store %arg7[%swap3A_352, %swap3A_353, %swap3A_354], %swap3A_357 {strides = array<i32>} : memref<256x16x128xf32, #tpu.memory_space<vmem>>, vector<1x16x128xf32>,
      %scan3A_358 = arith.constant 5 : i32
      %scan3A_359 = arith.addi %scan3A_127, %scan3A_358 : i32
      %get3A_360 = arith.index_cast %scan3A_359 : i32 to index
      %get3A_361 = arith.constant 0 : index
      %get3A_362 = arith.constant 0 : index
      %get3A_363 = vector.load %arg9[%get3A_360, %get3A_361, %get3A_362] : memref<64x16x384xf32, #tpu.memory_space<vmem>>, vector<1x16x384xf32>
      %get3A_364 = vector.shape_cast %get3A_363 : vector<1x16x384xf32> to vector<16x384xf32>
      %convert_element_type3A_365 = arith.truncf %add3A_349 : vector<16x128xf32> to vector<16x128xbf16>
      %dot_general3A_366 = arith.constant dense<0.000000e+00> : vector<16x256xf32>
      %dot_general3A_367 = tpu.matmul %convert_element_type3A_365, %slice3A, %dot_general3A_366 {dimension_numbers = #tpu.dot_dimension_numbers<[1], [0], [0], [1], [0, 0, 1, 1], [], []>, transpose_lhs_hint = false} : vector<16x128xbf16>, vector<128x256xbf16>, vector<16x256xf32> -> vector<16x256xf32>
      %dot_general3A_368 = arith.constant dense<0.000000e+00> : vector<16x128xf32>
      %dot_general3A_369 = tpu.matmul %convert_element_type3A_365, %slice3A_6, %dot_general3A_368 {dimension_numbers = #tpu.dot_dimension_numbers<[1], [0], [0], [1], [0, 0, 1, 1], [], []>, transpose_lhs_hint = false} : vector<16x128xbf16>, vector<128x128xbf16>, vector<16x128xf32> -> vector<16x128xf32>
      %slice3A_370 = vector.extract_strided_slice %get3A_364 {offsets = [0, 0], sizes = [16, 128], strides = [1, 1]} : vector<16x384xf32> to vector<16x128xf32>
      %slice3A_371 = vector.extract_strided_slice %dot_general3A_367 {offsets = [0, 0], sizes = [16, 128], strides = [1, 1]} : vector<16x256xf32> to vector<16x128xf32>
      %add3A_372 = arith.addf %slice3A_370, %slice3A_371 : vector<16x128xf32>
      %logistic3A_373 = arith.negf %add3A_372 : vector<16x128xf32>
      %logistic3A_374 = math.exp %logistic3A_373 : vector<16x128xf32>
      %logistic3A_375 = arith.constant 1.000000e+00 : f32
      %logistic3A_376 = vector.broadcast %logistic3A_375 : f32 to vector<16x128xf32>
      %logistic3A_377 = arith.addf %logistic3A_376, %logistic3A_374 : vector<16x128xf32>
      %logistic3A_378 = arith.divf %logistic3A_376, %logistic3A_377 : vector<16x128xf32>
      %slice3A_379 = vector.extract_strided_slice %get3A_364 {offsets = [0, 128], sizes = [16, 128], strides = [1, 1]} : vector<16x384xf32> to vector<16x128xf32>
      %slice3A_380 = vector.extract_strided_slice %dot_general3A_367 {offsets = [0, 128], sizes = [16, 128], strides = [1, 1]} : vector<16x256xf32> to vector<16x128xf32>
      %add3A_381 = arith.addf %slice3A_379, %slice3A_380 : vector<16x128xf32>
      %logistic3A_382 = arith.negf %add3A_381 : vector<16x128xf32>
      %logistic3A_383 = math.exp %logistic3A_382 : vector<16x128xf32>
      %logistic3A_384 = arith.constant 1.000000e+00 : f32
      %logistic3A_385 = vector.broadcast %logistic3A_384 : f32 to vector<16x128xf32>
      %logistic3A_386 = arith.addf %logistic3A_385, %logistic3A_383 : vector<16x128xf32>
      %logistic3A_387 = arith.divf %logistic3A_385, %logistic3A_386 : vector<16x128xf32>
      %slice3A_388 = vector.extract_strided_slice %get3A_364 {offsets = [0, 256], sizes = [16, 128], strides = [1, 1]} : vector<16x384xf32> to vector<16x128xf32>
      %add3A_389 = vector.broadcast %slice3A_15 : vector<1x128xf32> to vector<16x128xf32>
      %add3A_390 = arith.addf %dot_general3A_369, %add3A_389 : vector<16x128xf32>
      %mul3A_391 = arith.mulf %logistic3A_378, %add3A_390 : vector<16x128xf32>
      %add3A_392 = arith.addf %slice3A_388, %mul3A_391 : vector<16x128xf32>
      %tanh3A_393 = math.tanh %add3A_392 : vector<16x128xf32>
      %sub3A_394 = arith.subf %add3A_349, %tanh3A_393 : vector<16x128xf32>
      %mul3A_395 = arith.mulf %logistic3A_387, %sub3A_394 : vector<16x128xf32>
      %add3A_396 = arith.addf %tanh3A_393, %mul3A_395 : vector<16x128xf32>
      %add3A_397 = arith.constant 192 : i32
      %add3A_398 = arith.addi %add3A_397, %scan3A_359 : i32
      %swap3A_399 = arith.index_cast %add3A_398 : i32 to index
      %swap3A_400 = arith.constant 0 : index
      %swap3A_401 = arith.constant 0 : index
      %swap3A_402 = vector.load %arg7[%swap3A_399, %swap3A_400, %swap3A_401] : memref<256x16x128xf32, #tpu.memory_space<vmem>>, vector<1x16x128xf32>
      %swap3A_403 = vector.shape_cast %swap3A_402 : vector<1x16x128xf32> to vector<16x128xf32>
      %swap3A_404 = vector.shape_cast %add3A_396 : vector<16x128xf32> to vector<1x16x128xf32>
      tpu.vector_store %arg7[%swap3A_399, %swap3A_400, %swap3A_401], %swap3A_404 {strides = array<i32>} : memref<256x16x128xf32, #tpu.memory_space<vmem>>, vector<1x16x128xf32>,
      %scan3A_405 = arith.constant 6 : i32
      %scan3A_406 = arith.addi %scan3A_127, %scan3A_405 : i32
      %get3A_407 = arith.index_cast %scan3A_406 : i32 to index
      %get3A_408 = arith.constant 0 : index
      %get3A_409 = arith.constant 0 : index
      %get3A_410 = vector.load %arg9[%get3A_407, %get3A_408, %get3A_409] : memref<64x16x384xf32, #tpu.memory_space<vmem>>, vector<1x16x384xf32>
      %get3A_411 = vector.shape_cast %get3A_410 : vector<1x16x384xf32> to vector<16x384xf32>
      %convert_element_type3A_412 = arith.truncf %add3A_396 : vector<16x128xf32> to vector<16x128xbf16>
      %dot_general3A_413 = arith.constant dense<0.000000e+00> : vector<16x256xf32>
      %dot_general3A_414 = tpu.matmul %convert_element_type3A_412, %slice3A, %dot_general3A_413 {dimension_numbers = #tpu.dot_dimension_numbers<[1], [0], [0], [1], [0, 0, 1, 1], [], []>, transpose_lhs_hint = false} : vector<16x128xbf16>, vector<128x256xbf16>, vector<16x256xf32> -> vector<16x256xf32>
      %dot_general3A_415 = arith.constant dense<0.000000e+00> : vector<16x128xf32>
      %dot_general3A_416 = tpu.matmul %convert_element_type3A_412, %slice3A_6, %dot_general3A_415 {dimension_numbers = #tpu.dot_dimension_numbers<[1], [0], [0], [1], [0, 0, 1, 1], [], []>, transpose_lhs_hint = false} : vector<16x128xbf16>, vector<128x128xbf16>, vector<16x128xf32> -> vector<16x128xf32>
      %slice3A_417 = vector.extract_strided_slice %get3A_411 {offsets = [0, 0], sizes = [16, 128], strides = [1, 1]} : vector<16x384xf32> to vector<16x128xf32>
      %slice3A_418 = vector.extract_strided_slice %dot_general3A_414 {offsets = [0, 0], sizes = [16, 128], strides = [1, 1]} : vector<16x256xf32> to vector<16x128xf32>
      %add3A_419 = arith.addf %slice3A_417, %slice3A_418 : vector<16x128xf32>
      %logistic3A_420 = arith.negf %add3A_419 : vector<16x128xf32>
      %logistic3A_421 = math.exp %logistic3A_420 : vector<16x128xf32>
      %logistic3A_422 = arith.constant 1.000000e+00 : f32
      %logistic3A_423 = vector.broadcast %logistic3A_422 : f32 to vector<16x128xf32>
      %logistic3A_424 = arith.addf %logistic3A_423, %logistic3A_421 : vector<16x128xf32>
      %logistic3A_425 = arith.divf %logistic3A_423, %logistic3A_424 : vector<16x128xf32>
      %slice3A_426 = vector.extract_strided_slice %get3A_411 {offsets = [0, 128], sizes = [16, 128], strides = [1, 1]} : vector<16x384xf32> to vector<16x128xf32>
      %slice3A_427 = vector.extract_strided_slice %dot_general3A_414 {offsets = [0, 128], sizes = [16, 128], strides = [1, 1]} : vector<16x256xf32> to vector<16x128xf32>
      %add3A_428 = arith.addf %slice3A_426, %slice3A_427 : vector<16x128xf32>
      %logistic3A_429 = arith.negf %add3A_428 : vector<16x128xf32>
      %logistic3A_430 = math.exp %logistic3A_429 : vector<16x128xf32>
      %logistic3A_431 = arith.constant 1.000000e+00 : f32
      %logistic3A_432 = vector.broadcast %logistic3A_431 : f32 to vector<16x128xf32>
      %logistic3A_433 = arith.addf %logistic3A_432, %logistic3A_430 : vector<16x128xf32>
      %logistic3A_434 = arith.divf %logistic3A_432, %logistic3A_433 : vector<16x128xf32>
      %slice3A_435 = vector.extract_strided_slice %get3A_411 {offsets = [0, 256], sizes = [16, 128], strides = [1, 1]} : vector<16x384xf32> to vector<16x128xf32>
      %add3A_436 = vector.broadcast %slice3A_15 : vector<1x128xf32> to vector<16x128xf32>
      %add3A_437 = arith.addf %dot_general3A_416, %add3A_436 : vector<16x128xf32>
      %mul3A_438 = arith.mulf %logistic3A_425, %add3A_437 : vector<16x128xf32>
      %add3A_439 = arith.addf %slice3A_435, %mul3A_438 : vector<16x128xf32>
      %tanh3A_440 = math.tanh %add3A_439 : vector<16x128xf32>
      %sub3A_441 = arith.subf %add3A_396, %tanh3A_440 : vector<16x128xf32>
      %mul3A_442 = arith.mulf %logistic3A_434, %sub3A_441 : vector<16x128xf32>
      %add3A_443 = arith.addf %tanh3A_440, %mul3A_442 : vector<16x128xf32>
      %add3A_444 = arith.constant 192 : i32
      %add3A_445 = arith.addi %add3A_444, %scan3A_406 : i32
      %swap3A_446 = arith.index_cast %add3A_445 : i32 to index
      %swap3A_447 = arith.constant 0 : index
      %swap3A_448 = arith.constant 0 : index
      %swap3A_449 = vector.load %arg7[%swap3A_446, %swap3A_447, %swap3A_448] : memref<256x16x128xf32, #tpu.memory_space<vmem>>, vector<1x16x128xf32>
      %swap3A_450 = vector.shape_cast %swap3A_449 : vector<1x16x128xf32> to vector<16x128xf32>
      %swap3A_451 = vector.shape_cast %add3A_443 : vector<16x128xf32> to vector<1x16x128xf32>
      tpu.vector_store %arg7[%swap3A_446, %swap3A_447, %swap3A_448], %swap3A_451 {strides = array<i32>} : memref<256x16x128xf32, #tpu.memory_space<vmem>>, vector<1x16x128xf32>,
      %scan3A_452 = arith.constant 7 : i32
      %scan3A_453 = arith.addi %scan3A_127, %scan3A_452 : i32
      %get3A_454 = arith.index_cast %scan3A_453 : i32 to index
      %get3A_455 = arith.constant 0 : index
      %get3A_456 = arith.constant 0 : index
      %get3A_457 = vector.load %arg9[%get3A_454, %get3A_455, %get3A_456] : memref<64x16x384xf32, #tpu.memory_space<vmem>>, vector<1x16x384xf32>
      %get3A_458 = vector.shape_cast %get3A_457 : vector<1x16x384xf32> to vector<16x384xf32>
      %convert_element_type3A_459 = arith.truncf %add3A_443 : vector<16x128xf32> to vector<16x128xbf16>
      %dot_general3A_460 = arith.constant dense<0.000000e+00> : vector<16x256xf32>
      %dot_general3A_461 = tpu.matmul %convert_element_type3A_459, %slice3A, %dot_general3A_460 {dimension_numbers = #tpu.dot_dimension_numbers<[1], [0], [0], [1], [0, 0, 1, 1], [], []>, transpose_lhs_hint = false} : vector<16x128xbf16>, vector<128x256xbf16>, vector<16x256xf32> -> vector<16x256xf32>
      %dot_general3A_462 = arith.constant dense<0.000000e+00> : vector<16x128xf32>
      %dot_general3A_463 = tpu.matmul %convert_element_type3A_459, %slice3A_6, %dot_general3A_462 {dimension_numbers = #tpu.dot_dimension_numbers<[1], [0], [0], [1], [0, 0, 1, 1], [], []>, transpose_lhs_hint = false} : vector<16x128xbf16>, vector<128x128xbf16>, vector<16x128xf32> -> vector<16x128xf32>
      %slice3A_464 = vector.extract_strided_slice %get3A_458 {offsets = [0, 0], sizes = [16, 128], strides = [1, 1]} : vector<16x384xf32> to vector<16x128xf32>
      %slice3A_465 = vector.extract_strided_slice %dot_general3A_461 {offsets = [0, 0], sizes = [16, 128], strides = [1, 1]} : vector<16x256xf32> to vector<16x128xf32>
      %add3A_466 = arith.addf %slice3A_464, %slice3A_465 : vector<16x128xf32>
      %logistic3A_467 = arith.negf %add3A_466 : vector<16x128xf32>
      %logistic3A_468 = math.exp %logistic3A_467 : vector<16x128xf32>
      %logistic3A_469 = arith.constant 1.000000e+00 : f32
      %logistic3A_470 = vector.broadcast %logistic3A_469 : f32 to vector<16x128xf32>
      %logistic3A_471 = arith.addf %logistic3A_470, %logistic3A_468 : vector<16x128xf32>
      %logistic3A_472 = arith.divf %logistic3A_470, %logistic3A_471 : vector<16x128xf32>
      %slice3A_473 = vector.extract_strided_slice %get3A_458 {offsets = [0, 128], sizes = [16, 128], strides = [1, 1]} : vector<16x384xf32> to vector<16x128xf32>
      %slice3A_474 = vector.extract_strided_slice %dot_general3A_461 {offsets = [0, 128], sizes = [16, 128], strides = [1, 1]} : vector<16x256xf32> to vector<16x128xf32>
      %add3A_475 = arith.addf %slice3A_473, %slice3A_474 : vector<16x128xf32>
      %logistic3A_476 = arith.negf %add3A_475 : vector<16x128xf32>
      %logistic3A_477 = math.exp %logistic3A_476 : vector<16x128xf32>
      %logistic3A_478 = arith.constant 1.000000e+00 : f32
      %logistic3A_479 = vector.broadcast %logistic3A_478 : f32 to vector<16x128xf32>
      %logistic3A_480 = arith.addf %logistic3A_479, %logistic3A_477 : vector<16x128xf32>
      %logistic3A_481 = arith.divf %logistic3A_479, %logistic3A_480 : vector<16x128xf32>
      %slice3A_482 = vector.extract_strided_slice %get3A_458 {offsets = [0, 256], sizes = [16, 128], strides = [1, 1]} : vector<16x384xf32> to vector<16x128xf32>
      %add3A_483 = vector.broadcast %slice3A_15 : vector<1x128xf32> to vector<16x128xf32>
      %add3A_484 = arith.addf %dot_general3A_463, %add3A_483 : vector<16x128xf32>
      %mul3A_485 = arith.mulf %logistic3A_472, %add3A_484 : vector<16x128xf32>
      %add3A_486 = arith.addf %slice3A_482, %mul3A_485 : vector<16x128xf32>
      %tanh3A_487 = math.tanh %add3A_486 : vector<16x128xf32>
      %sub3A_488 = arith.subf %add3A_443, %tanh3A_487 : vector<16x128xf32>
      %mul3A_489 = arith.mulf %logistic3A_481, %sub3A_488 : vector<16x128xf32>
      %add3A_490 = arith.addf %tanh3A_487, %mul3A_489 : vector<16x128xf32>
      %add3A_491 = arith.constant 192 : i32
      %add3A_492 = arith.addi %add3A_491, %scan3A_453 : i32
      %swap3A_493 = arith.index_cast %add3A_492 : i32 to index
      %swap3A_494 = arith.constant 0 : index
      %swap3A_495 = arith.constant 0 : index
      %swap3A_496 = vector.load %arg7[%swap3A_493, %swap3A_494, %swap3A_495] : memref<256x16x128xf32, #tpu.memory_space<vmem>>, vector<1x16x128xf32>
      %swap3A_497 = vector.shape_cast %swap3A_496 : vector<1x16x128xf32> to vector<16x128xf32>
      %swap3A_498 = vector.shape_cast %add3A_490 : vector<16x128xf32> to vector<1x16x128xf32>
      tpu.vector_store %arg7[%swap3A_493, %swap3A_494, %swap3A_495], %swap3A_498 {strides = array<i32>} : memref<256x16x128xf32, #tpu.memory_space<vmem>>, vector<1x16x128xf32>,
      scf.yield %add3A_490 : vector<16x128xf32>
    }
    %scan3A_123 = arith.constant 64 : i32
    %swap3A_124 = arith.constant 0 : index
    %swap3A_125 = arith.constant 0 : index
    %swap3A_126 = vector.load %arg8[%swap3A_124, %swap3A_125] : memref<16x128xf32, #tpu.memory_space<vmem>>, vector<16x128xf32>
    tpu.vector_store %arg8[%swap3A_124, %swap3A_125], %scan3A_122 {strides = array<i32>} : memref<16x128xf32, #tpu.memory_space<vmem>>, vector<16x128xf32>,
    return
  }
}

module attributes {stable_mosaic.version = 14 : i64} {
  func.func @_main_body(%arg0: memref<256x16x128xf32, #tpu.memory_space<vmem>>, %arg1: memref<256x16x128xf32, #tpu.memory_space<vmem>>, %arg2: memref<16x128xf32, #tpu.memory_space<vmem>>, %arg3: memref<384x128xf32, #tpu.memory_space<vmem>>, %arg4: memref<384xf32, #tpu.memory_space<vmem>>, %arg5: memref<384x128xf32, #tpu.memory_space<vmem>>, %arg6: memref<384xf32, #tpu.memory_space<vmem>>, %arg7: memref<256x128xf32, #tpu.memory_space<vmem>>, %arg8: memref<256x128xf32, #tpu.memory_space<vmem>>, %arg9: memref<256x1xf32, #tpu.memory_space<vmem>>, %arg10: memref<384x128xf32, #tpu.memory_space<vmem>>, %arg11: memref<384x128xf32, #tpu.memory_space<vmem>>, %arg12: memref<384xf32, #tpu.memory_space<vmem>>, %arg13: memref<384xf32, #tpu.memory_space<vmem>>, %arg14: memref<12x128xf32, #tpu.memory_space<vmem>>, %arg15: memref<128x256xf32, #tpu.memory_space<vmem>>, %arg16: memref<128xf32, #tpu.memory_space<vmem>>, %arg17: memref<128xf32, #tpu.memory_space<vmem>>, %arg18: memref<128xf32, #tpu.memory_space<vmem>>, %arg19: memref<128xf32, #tpu.memory_space<vmem>>, %arg20: memref<128xf32, #tpu.memory_space<vmem>>, %arg21: memref<1x2xf32, #tpu.memory_space<vmem>>, %arg22: memref<512x16x128xf32, #tpu.memory_space<vmem>>, %arg23: memref<16x128xf32, #tpu.memory_space<vmem>>, %arg24: memref<16x128xf32, #tpu.memory_space<vmem>>, %arg25: memref<256x16x128xf32, #tpu.memory_space<vmem>>, %arg26: memref<64x16x384xf32, #tpu.memory_space<vmem>>) attributes {dimension_semantics = [], scalar_prefetch = 0 : i64, scratch_operands = 2 : i64, tpu.core_type = #tpu.core_type<tc>} {
    %broadcast_in_dim3A = arith.constant 1.000000e+00 : f32
    %broadcast_in_dim3A_0 = vector.broadcast %broadcast_in_dim3A : f32 to vector<128x128xf32>
    %get3A = arith.constant 0 : index
    %get3A_1 = arith.constant 0 : index
    %get3A_2 = vector.load %arg3[%get3A, %get3A_1] : memref<384x128xf32, #tpu.memory_space<vmem>>, vector<384x128xf32>
    %transpose3A = tpu.transpose %get3A_2, [1, 0] : vector<384x128xf32> -> vector<128x384xf32>
    %get3A_3 = arith.constant 0 : index
    %get3A_4 = arith.constant 0 : index
    %get3A_5 = vector.load %arg5[%get3A_3, %get3A_4] : memref<384x128xf32, #tpu.memory_space<vmem>>, vector<384x128xf32>
    %transpose3A_6 = tpu.transpose %get3A_5, [1, 0] : vector<384x128xf32> -> vector<128x384xf32>
    %convert_element_type3A = arith.truncf %transpose3A_6 : vector<128x384xf32> to vector<128x384xbf16>
    %slice3A = vector.extract_strided_slice %convert_element_type3A {offsets = [0, 0], sizes = [128, 256], strides = [1, 1]} : vector<128x384xbf16> to vector<128x256xbf16>
    %slice3A_7 = vector.extract_strided_slice %convert_element_type3A {offsets = [0, 256], sizes = [128, 128], strides = [1, 1]} : vector<128x384xbf16> to vector<128x128xbf16>
    %get3A_8 = arith.constant 0 : index
    %get3A_9 = vector.load %arg4[%get3A_8] : memref<384xf32, #tpu.memory_space<vmem>>, vector<384xf32>
    %reshape3A = vector.shape_cast %get3A_9 : vector<384xf32> to vector<1x384xf32>
    %get3A_10 = arith.constant 0 : index
    %get3A_11 = vector.load %arg6[%get3A_10] : memref<384xf32, #tpu.memory_space<vmem>>, vector<384xf32>
    %reshape3A_12 = vector.shape_cast %get3A_11 : vector<384xf32> to vector<1x384xf32>
    %slice3A_13 = vector.extract_strided_slice %reshape3A {offsets = [0, 0], sizes = [1, 256], strides = [1, 1]} : vector<1x384xf32> to vector<1x256xf32>
    %slice3A_14 = vector.extract_strided_slice %reshape3A_12 {offsets = [0, 0], sizes = [1, 256], strides = [1, 1]} : vector<1x384xf32> to vector<1x256xf32>
    %add3A = arith.addf %slice3A_13, %slice3A_14 : vector<1x256xf32>
    %slice3A_15 = vector.extract_strided_slice %reshape3A {offsets = [0, 256], sizes = [1, 128], strides = [1, 1]} : vector<1x384xf32> to vector<1x128xf32>
    %concatenate3A = tpu.concatenate %add3A, %slice3A_15 in 1 : vector<1x256xf32>, vector<1x128xf32> -> vector<1x384xf32>
    %slice3A_16 = vector.extract_strided_slice %reshape3A_12 {offsets = [0, 256], sizes = [1, 128], strides = [1, 1]} : vector<1x384xf32> to vector<1x128xf32>
    %convert_element_type3A_17 = arith.truncf %transpose3A : vector<128x384xf32> to vector<128x384xbf16>
    %get3A_18 = arith.constant 0 : index
    %get3A_19 = arith.constant 0 : index
    %get3A_20 = vector.load %arg2[%get3A_18, %get3A_19] : memref<16x128xf32, #tpu.memory_space<vmem>>, vector<16x128xf32>
    %get3A_21 = arith.constant 0 : index
    %get3A_22 = arith.constant 0 : index
    %get3A_23 = arith.constant 0 : index
    %get3A_24 = vector.load %arg0[%get3A_21, %get3A_22, %get3A_23] : memref<256x16x128xf32, #tpu.memory_space<vmem>>, vector<64x16x128xf32>
    %reshape3A_25 = vector.shape_cast %get3A_24 : vector<64x16x128xf32> to vector<1024x128xf32>
    %convert_element_type3A_26 = arith.truncf %reshape3A_25 : vector<1024x128xf32> to vector<1024x128xbf16>
    %dot_general3A = arith.constant dense<0.000000e+00> : vector<1024x384xf32>
    %dot_general3A_27 = tpu.matmul %convert_element_type3A_26, %convert_element_type3A_17, %dot_general3A {dimension_numbers = #tpu.dot_dimension_numbers<[1], [0], [0], [1], [0, 0, 1, 1], [], []>, transpose_lhs_hint = false} : vector<1024x128xbf16>, vector<128x384xbf16>, vector<1024x384xf32> -> vector<1024x384xf32>
    %add3A_28 = vector.broadcast %concatenate3A : vector<1x384xf32> to vector<1024x384xf32>
    %add3A_29 = arith.addf %dot_general3A_27, %add3A_28 : vector<1024x384xf32>
    %reshape3A_30 = vector.shape_cast %add3A_29 : vector<1024x384xf32> to vector<64x16x384xf32>
    %swap3A = arith.constant 0 : index
    %swap3A_31 = arith.constant 0 : index
    %swap3A_32 = arith.constant 0 : index
    %swap3A_33 = vector.load %arg26[%swap3A, %swap3A_31, %swap3A_32] : memref<64x16x384xf32, #tpu.memory_space<vmem>>, vector<64x16x384xf32>
    tpu.vector_store %arg26[%swap3A, %swap3A_31, %swap3A_32], %reshape3A_30 {strides = array<i32>} : memref<64x16x384xf32, #tpu.memory_space<vmem>>, vector<64x16x384xf32>,
    %scan3A = arith.constant 0 : i32
    %scan3A_34 = arith.constant 64 : i32
    %scan3A_35 = arith.addi %scan3A, %scan3A_34 : i32
    %scan3A_36 = arith.constant 8 : i32
    %scan3A_37 = scf.for %scan3A_1032 = %scan3A to %scan3A_35 step %scan3A_36 iter_args(%scan3A_1033 = %get3A_20) -> (vector<16x128xf32>)  : i32 {
      %get3A_1034 = arith.index_cast %scan3A_1032 : i32 to index
      %get3A_1035 = arith.constant 0 : index
      %get3A_1036 = arith.constant 0 : index
      %get3A_1037 = vector.load %arg26[%get3A_1034, %get3A_1035, %get3A_1036] : memref<64x16x384xf32, #tpu.memory_space<vmem>>, vector<1x16x384xf32>
      %get3A_1038 = vector.shape_cast %get3A_1037 : vector<1x16x384xf32> to vector<16x384xf32>
      %convert_element_type3A_1039 = arith.truncf %scan3A_1033 : vector<16x128xf32> to vector<16x128xbf16>
      %dot_general3A_1040 = arith.constant dense<0.000000e+00> : vector<16x256xf32>
      %dot_general3A_1041 = tpu.matmul %convert_element_type3A_1039, %slice3A, %dot_general3A_1040 {dimension_numbers = #tpu.dot_dimension_numbers<[1], [0], [0], [1], [0, 0, 1, 1], [], []>, transpose_lhs_hint = false} : vector<16x128xbf16>, vector<128x256xbf16>, vector<16x256xf32> -> vector<16x256xf32>
      %dot_general3A_1042 = arith.constant dense<0.000000e+00> : vector<16x128xf32>
      %dot_general3A_1043 = tpu.matmul %convert_element_type3A_1039, %slice3A_7, %dot_general3A_1042 {dimension_numbers = #tpu.dot_dimension_numbers<[1], [0], [0], [1], [0, 0, 1, 1], [], []>, transpose_lhs_hint = false} : vector<16x128xbf16>, vector<128x128xbf16>, vector<16x128xf32> -> vector<16x128xf32>
      %slice3A_1044 = vector.extract_strided_slice %get3A_1038 {offsets = [0, 0], sizes = [16, 128], strides = [1, 1]} : vector<16x384xf32> to vector<16x128xf32>
      %slice3A_1045 = vector.extract_strided_slice %dot_general3A_1041 {offsets = [0, 0], sizes = [16, 128], strides = [1, 1]} : vector<16x256xf32> to vector<16x128xf32>
      %add3A_1046 = arith.addf %slice3A_1044, %slice3A_1045 : vector<16x128xf32>
      %logistic3A_1047 = arith.negf %add3A_1046 : vector<16x128xf32>
      %logistic3A_1048 = math.exp %logistic3A_1047 : vector<16x128xf32>
      %logistic3A_1049 = arith.constant 1.000000e+00 : f32
      %logistic3A_1050 = vector.broadcast %logistic3A_1049 : f32 to vector<16x128xf32>
      %logistic3A_1051 = arith.addf %logistic3A_1050, %logistic3A_1048 : vector<16x128xf32>
      %logistic3A_1052 = arith.divf %logistic3A_1050, %logistic3A_1051 : vector<16x128xf32>
      %slice3A_1053 = vector.extract_strided_slice %get3A_1038 {offsets = [0, 128], sizes = [16, 128], strides = [1, 1]} : vector<16x384xf32> to vector<16x128xf32>
      %slice3A_1054 = vector.extract_strided_slice %dot_general3A_1041 {offsets = [0, 128], sizes = [16, 128], strides = [1, 1]} : vector<16x256xf32> to vector<16x128xf32>
      %add3A_1055 = arith.addf %slice3A_1053, %slice3A_1054 : vector<16x128xf32>
      %logistic3A_1056 = arith.negf %add3A_1055 : vector<16x128xf32>
      %logistic3A_1057 = math.exp %logistic3A_1056 : vector<16x128xf32>
      %logistic3A_1058 = arith.constant 1.000000e+00 : f32
      %logistic3A_1059 = vector.broadcast %logistic3A_1058 : f32 to vector<16x128xf32>
      %logistic3A_1060 = arith.addf %logistic3A_1059, %logistic3A_1057 : vector<16x128xf32>
      %logistic3A_1061 = arith.divf %logistic3A_1059, %logistic3A_1060 : vector<16x128xf32>
      %slice3A_1062 = vector.extract_strided_slice %get3A_1038 {offsets = [0, 256], sizes = [16, 128], strides = [1, 1]} : vector<16x384xf32> to vector<16x128xf32>
      %add3A_1063 = vector.broadcast %slice3A_16 : vector<1x128xf32> to vector<16x128xf32>
      %add3A_1064 = arith.addf %dot_general3A_1043, %add3A_1063 : vector<16x128xf32>
      %mul3A_1065 = arith.mulf %logistic3A_1052, %add3A_1064 : vector<16x128xf32>
      %add3A_1066 = arith.addf %slice3A_1062, %mul3A_1065 : vector<16x128xf32>
      %tanh3A_1067 = math.tanh %add3A_1066 : vector<16x128xf32>
      %sub3A_1068 = arith.subf %scan3A_1033, %tanh3A_1067 : vector<16x128xf32>
      %mul3A_1069 = arith.mulf %logistic3A_1061, %sub3A_1068 : vector<16x128xf32>
      %add3A_1070 = arith.addf %tanh3A_1067, %mul3A_1069 : vector<16x128xf32>
      %add3A_1071 = arith.constant 0 : i32
      %add3A_1072 = arith.addi %add3A_1071, %scan3A_1032 : i32
      %swap3A_1073 = arith.index_cast %add3A_1072 : i32 to index
      %swap3A_1074 = arith.constant 0 : index
      %swap3A_1075 = arith.constant 0 : index
      %swap3A_1076 = vector.load %arg25[%swap3A_1073, %swap3A_1074, %swap3A_1075] : memref<256x16x128xf32, #tpu.memory_space<vmem>>, vector<1x16x128xf32>
      %swap3A_1077 = vector.shape_cast %swap3A_1076 : vector<1x16x128xf32> to vector<16x128xf32>
      %swap3A_1078 = vector.shape_cast %add3A_1070 : vector<16x128xf32> to vector<1x16x128xf32>
      tpu.vector_store %arg25[%swap3A_1073, %swap3A_1074, %swap3A_1075], %swap3A_1078 {strides = array<i32>} : memref<256x16x128xf32, #tpu.memory_space<vmem>>, vector<1x16x128xf32>,
      %scan3A_1079 = arith.constant 1 : i32
      %scan3A_1080 = arith.addi %scan3A_1032, %scan3A_1079 : i32
      %get3A_1081 = arith.index_cast %scan3A_1080 : i32 to index
      %get3A_1082 = arith.constant 0 : index
      %get3A_1083 = arith.constant 0 : index
      %get3A_1084 = vector.load %arg26[%get3A_1081, %get3A_1082, %get3A_1083] : memref<64x16x384xf32, #tpu.memory_space<vmem>>, vector<1x16x384xf32>
      %get3A_1085 = vector.shape_cast %get3A_1084 : vector<1x16x384xf32> to vector<16x384xf32>
      %convert_element_type3A_1086 = arith.truncf %add3A_1070 : vector<16x128xf32> to vector<16x128xbf16>
      %dot_general3A_1087 = arith.constant dense<0.000000e+00> : vector<16x256xf32>
      %dot_general3A_1088 = tpu.matmul %convert_element_type3A_1086, %slice3A, %dot_general3A_1087 {dimension_numbers = #tpu.dot_dimension_numbers<[1], [0], [0], [1], [0, 0, 1, 1], [], []>, transpose_lhs_hint = false} : vector<16x128xbf16>, vector<128x256xbf16>, vector<16x256xf32> -> vector<16x256xf32>
      %dot_general3A_1089 = arith.constant dense<0.000000e+00> : vector<16x128xf32>
      %dot_general3A_1090 = tpu.matmul %convert_element_type3A_1086, %slice3A_7, %dot_general3A_1089 {dimension_numbers = #tpu.dot_dimension_numbers<[1], [0], [0], [1], [0, 0, 1, 1], [], []>, transpose_lhs_hint = false} : vector<16x128xbf16>, vector<128x128xbf16>, vector<16x128xf32> -> vector<16x128xf32>
      %slice3A_1091 = vector.extract_strided_slice %get3A_1085 {offsets = [0, 0], sizes = [16, 128], strides = [1, 1]} : vector<16x384xf32> to vector<16x128xf32>
      %slice3A_1092 = vector.extract_strided_slice %dot_general3A_1088 {offsets = [0, 0], sizes = [16, 128], strides = [1, 1]} : vector<16x256xf32> to vector<16x128xf32>
      %add3A_1093 = arith.addf %slice3A_1091, %slice3A_1092 : vector<16x128xf32>
      %logistic3A_1094 = arith.negf %add3A_1093 : vector<16x128xf32>
      %logistic3A_1095 = math.exp %logistic3A_1094 : vector<16x128xf32>
      %logistic3A_1096 = arith.constant 1.000000e+00 : f32
      %logistic3A_1097 = vector.broadcast %logistic3A_1096 : f32 to vector<16x128xf32>
      %logistic3A_1098 = arith.addf %logistic3A_1097, %logistic3A_1095 : vector<16x128xf32>
      %logistic3A_1099 = arith.divf %logistic3A_1097, %logistic3A_1098 : vector<16x128xf32>
      %slice3A_1100 = vector.extract_strided_slice %get3A_1085 {offsets = [0, 128], sizes = [16, 128], strides = [1, 1]} : vector<16x384xf32> to vector<16x128xf32>
      %slice3A_1101 = vector.extract_strided_slice %dot_general3A_1088 {offsets = [0, 128], sizes = [16, 128], strides = [1, 1]} : vector<16x256xf32> to vector<16x128xf32>
      %add3A_1102 = arith.addf %slice3A_1100, %slice3A_1101 : vector<16x128xf32>
      %logistic3A_1103 = arith.negf %add3A_1102 : vector<16x128xf32>
      %logistic3A_1104 = math.exp %logistic3A_1103 : vector<16x128xf32>
      %logistic3A_1105 = arith.constant 1.000000e+00 : f32
      %logistic3A_1106 = vector.broadcast %logistic3A_1105 : f32 to vector<16x128xf32>
      %logistic3A_1107 = arith.addf %logistic3A_1106, %logistic3A_1104 : vector<16x128xf32>
      %logistic3A_1108 = arith.divf %logistic3A_1106, %logistic3A_1107 : vector<16x128xf32>
      %slice3A_1109 = vector.extract_strided_slice %get3A_1085 {offsets = [0, 256], sizes = [16, 128], strides = [1, 1]} : vector<16x384xf32> to vector<16x128xf32>
      %add3A_1110 = vector.broadcast %slice3A_16 : vector<1x128xf32> to vector<16x128xf32>
      %add3A_1111 = arith.addf %dot_general3A_1090, %add3A_1110 : vector<16x128xf32>
      %mul3A_1112 = arith.mulf %logistic3A_1099, %add3A_1111 : vector<16x128xf32>
      %add3A_1113 = arith.addf %slice3A_1109, %mul3A_1112 : vector<16x128xf32>
      %tanh3A_1114 = math.tanh %add3A_1113 : vector<16x128xf32>
      %sub3A_1115 = arith.subf %add3A_1070, %tanh3A_1114 : vector<16x128xf32>
      %mul3A_1116 = arith.mulf %logistic3A_1108, %sub3A_1115 : vector<16x128xf32>
      %add3A_1117 = arith.addf %tanh3A_1114, %mul3A_1116 : vector<16x128xf32>
      %add3A_1118 = arith.constant 0 : i32
      %add3A_1119 = arith.addi %add3A_1118, %scan3A_1080 : i32
      %swap3A_1120 = arith.index_cast %add3A_1119 : i32 to index
      %swap3A_1121 = arith.constant 0 : index
      %swap3A_1122 = arith.constant 0 : index
      %swap3A_1123 = vector.load %arg25[%swap3A_1120, %swap3A_1121, %swap3A_1122] : memref<256x16x128xf32, #tpu.memory_space<vmem>>, vector<1x16x128xf32>
      %swap3A_1124 = vector.shape_cast %swap3A_1123 : vector<1x16x128xf32> to vector<16x128xf32>
      %swap3A_1125 = vector.shape_cast %add3A_1117 : vector<16x128xf32> to vector<1x16x128xf32>
      tpu.vector_store %arg25[%swap3A_1120, %swap3A_1121, %swap3A_1122], %swap3A_1125 {strides = array<i32>} : memref<256x16x128xf32, #tpu.memory_space<vmem>>, vector<1x16x128xf32>,
      %scan3A_1126 = arith.constant 2 : i32
      %scan3A_1127 = arith.addi %scan3A_1032, %scan3A_1126 : i32
      %get3A_1128 = arith.index_cast %scan3A_1127 : i32 to index
      %get3A_1129 = arith.constant 0 : index
      %get3A_1130 = arith.constant 0 : index
      %get3A_1131 = vector.load %arg26[%get3A_1128, %get3A_1129, %get3A_1130] : memref<64x16x384xf32, #tpu.memory_space<vmem>>, vector<1x16x384xf32>
      %get3A_1132 = vector.shape_cast %get3A_1131 : vector<1x16x384xf32> to vector<16x384xf32>
      %convert_element_type3A_1133 = arith.truncf %add3A_1117 : vector<16x128xf32> to vector<16x128xbf16>
      %dot_general3A_1134 = arith.constant dense<0.000000e+00> : vector<16x256xf32>
      %dot_general3A_1135 = tpu.matmul %convert_element_type3A_1133, %slice3A, %dot_general3A_1134 {dimension_numbers = #tpu.dot_dimension_numbers<[1], [0], [0], [1], [0, 0, 1, 1], [], []>, transpose_lhs_hint = false} : vector<16x128xbf16>, vector<128x256xbf16>, vector<16x256xf32> -> vector<16x256xf32>
      %dot_general3A_1136 = arith.constant dense<0.000000e+00> : vector<16x128xf32>
      %dot_general3A_1137 = tpu.matmul %convert_element_type3A_1133, %slice3A_7, %dot_general3A_1136 {dimension_numbers = #tpu.dot_dimension_numbers<[1], [0], [0], [1], [0, 0, 1, 1], [], []>, transpose_lhs_hint = false} : vector<16x128xbf16>, vector<128x128xbf16>, vector<16x128xf32> -> vector<16x128xf32>
      %slice3A_1138 = vector.extract_strided_slice %get3A_1132 {offsets = [0, 0], sizes = [16, 128], strides = [1, 1]} : vector<16x384xf32> to vector<16x128xf32>
      %slice3A_1139 = vector.extract_strided_slice %dot_general3A_1135 {offsets = [0, 0], sizes = [16, 128], strides = [1, 1]} : vector<16x256xf32> to vector<16x128xf32>
      %add3A_1140 = arith.addf %slice3A_1138, %slice3A_1139 : vector<16x128xf32>
      %logistic3A_1141 = arith.negf %add3A_1140 : vector<16x128xf32>
      %logistic3A_1142 = math.exp %logistic3A_1141 : vector<16x128xf32>
      %logistic3A_1143 = arith.constant 1.000000e+00 : f32
      %logistic3A_1144 = vector.broadcast %logistic3A_1143 : f32 to vector<16x128xf32>
      %logistic3A_1145 = arith.addf %logistic3A_1144, %logistic3A_1142 : vector<16x128xf32>
      %logistic3A_1146 = arith.divf %logistic3A_1144, %logistic3A_1145 : vector<16x128xf32>
      %slice3A_1147 = vector.extract_strided_slice %get3A_1132 {offsets = [0, 128], sizes = [16, 128], strides = [1, 1]} : vector<16x384xf32> to vector<16x128xf32>
      %slice3A_1148 = vector.extract_strided_slice %dot_general3A_1135 {offsets = [0, 128], sizes = [16, 128], strides = [1, 1]} : vector<16x256xf32> to vector<16x128xf32>
      %add3A_1149 = arith.addf %slice3A_1147, %slice3A_1148 : vector<16x128xf32>
      %logistic3A_1150 = arith.negf %add3A_1149 : vector<16x128xf32>
      %logistic3A_1151 = math.exp %logistic3A_1150 : vector<16x128xf32>
      %logistic3A_1152 = arith.constant 1.000000e+00 : f32
      %logistic3A_1153 = vector.broadcast %logistic3A_1152 : f32 to vector<16x128xf32>
      %logistic3A_1154 = arith.addf %logistic3A_1153, %logistic3A_1151 : vector<16x128xf32>
      %logistic3A_1155 = arith.divf %logistic3A_1153, %logistic3A_1154 : vector<16x128xf32>
      %slice3A_1156 = vector.extract_strided_slice %get3A_1132 {offsets = [0, 256], sizes = [16, 128], strides = [1, 1]} : vector<16x384xf32> to vector<16x128xf32>
      %add3A_1157 = vector.broadcast %slice3A_16 : vector<1x128xf32> to vector<16x128xf32>
      %add3A_1158 = arith.addf %dot_general3A_1137, %add3A_1157 : vector<16x128xf32>
      %mul3A_1159 = arith.mulf %logistic3A_1146, %add3A_1158 : vector<16x128xf32>
      %add3A_1160 = arith.addf %slice3A_1156, %mul3A_1159 : vector<16x128xf32>
      %tanh3A_1161 = math.tanh %add3A_1160 : vector<16x128xf32>
      %sub3A_1162 = arith.subf %add3A_1117, %tanh3A_1161 : vector<16x128xf32>
      %mul3A_1163 = arith.mulf %logistic3A_1155, %sub3A_1162 : vector<16x128xf32>
      %add3A_1164 = arith.addf %tanh3A_1161, %mul3A_1163 : vector<16x128xf32>
      %add3A_1165 = arith.constant 0 : i32
      %add3A_1166 = arith.addi %add3A_1165, %scan3A_1127 : i32
      %swap3A_1167 = arith.index_cast %add3A_1166 : i32 to index
      %swap3A_1168 = arith.constant 0 : index
      %swap3A_1169 = arith.constant 0 : index
      %swap3A_1170 = vector.load %arg25[%swap3A_1167, %swap3A_1168, %swap3A_1169] : memref<256x16x128xf32, #tpu.memory_space<vmem>>, vector<1x16x128xf32>
      %swap3A_1171 = vector.shape_cast %swap3A_1170 : vector<1x16x128xf32> to vector<16x128xf32>
      %swap3A_1172 = vector.shape_cast %add3A_1164 : vector<16x128xf32> to vector<1x16x128xf32>
      tpu.vector_store %arg25[%swap3A_1167, %swap3A_1168, %swap3A_1169], %swap3A_1172 {strides = array<i32>} : memref<256x16x128xf32, #tpu.memory_space<vmem>>, vector<1x16x128xf32>,
      %scan3A_1173 = arith.constant 3 : i32
      %scan3A_1174 = arith.addi %scan3A_1032, %scan3A_1173 : i32
      %get3A_1175 = arith.index_cast %scan3A_1174 : i32 to index
      %get3A_1176 = arith.constant 0 : index
      %get3A_1177 = arith.constant 0 : index
      %get3A_1178 = vector.load %arg26[%get3A_1175, %get3A_1176, %get3A_1177] : memref<64x16x384xf32, #tpu.memory_space<vmem>>, vector<1x16x384xf32>
      %get3A_1179 = vector.shape_cast %get3A_1178 : vector<1x16x384xf32> to vector<16x384xf32>
      %convert_element_type3A_1180 = arith.truncf %add3A_1164 : vector<16x128xf32> to vector<16x128xbf16>
      %dot_general3A_1181 = arith.constant dense<0.000000e+00> : vector<16x256xf32>
      %dot_general3A_1182 = tpu.matmul %convert_element_type3A_1180, %slice3A, %dot_general3A_1181 {dimension_numbers = #tpu.dot_dimension_numbers<[1], [0], [0], [1], [0, 0, 1, 1], [], []>, transpose_lhs_hint = false} : vector<16x128xbf16>, vector<128x256xbf16>, vector<16x256xf32> -> vector<16x256xf32>
      %dot_general3A_1183 = arith.constant dense<0.000000e+00> : vector<16x128xf32>
      %dot_general3A_1184 = tpu.matmul %convert_element_type3A_1180, %slice3A_7, %dot_general3A_1183 {dimension_numbers = #tpu.dot_dimension_numbers<[1], [0], [0], [1], [0, 0, 1, 1], [], []>, transpose_lhs_hint = false} : vector<16x128xbf16>, vector<128x128xbf16>, vector<16x128xf32> -> vector<16x128xf32>
      %slice3A_1185 = vector.extract_strided_slice %get3A_1179 {offsets = [0, 0], sizes = [16, 128], strides = [1, 1]} : vector<16x384xf32> to vector<16x128xf32>
      %slice3A_1186 = vector.extract_strided_slice %dot_general3A_1182 {offsets = [0, 0], sizes = [16, 128], strides = [1, 1]} : vector<16x256xf32> to vector<16x128xf32>
      %add3A_1187 = arith.addf %slice3A_1185, %slice3A_1186 : vector<16x128xf32>
      %logistic3A_1188 = arith.negf %add3A_1187 : vector<16x128xf32>
      %logistic3A_1189 = math.exp %logistic3A_1188 : vector<16x128xf32>
      %logistic3A_1190 = arith.constant 1.000000e+00 : f32
      %logistic3A_1191 = vector.broadcast %logistic3A_1190 : f32 to vector<16x128xf32>
      %logistic3A_1192 = arith.addf %logistic3A_1191, %logistic3A_1189 : vector<16x128xf32>
      %logistic3A_1193 = arith.divf %logistic3A_1191, %logistic3A_1192 : vector<16x128xf32>
      %slice3A_1194 = vector.extract_strided_slice %get3A_1179 {offsets = [0, 128], sizes = [16, 128], strides = [1, 1]} : vector<16x384xf32> to vector<16x128xf32>
      %slice3A_1195 = vector.extract_strided_slice %dot_general3A_1182 {offsets = [0, 128], sizes = [16, 128], strides = [1, 1]} : vector<16x256xf32> to vector<16x128xf32>
      %add3A_1196 = arith.addf %slice3A_1194, %slice3A_1195 : vector<16x128xf32>
      %logistic3A_1197 = arith.negf %add3A_1196 : vector<16x128xf32>
      %logistic3A_1198 = math.exp %logistic3A_1197 : vector<16x128xf32>
      %logistic3A_1199 = arith.constant 1.000000e+00 : f32
      %logistic3A_1200 = vector.broadcast %logistic3A_1199 : f32 to vector<16x128xf32>
      %logistic3A_1201 = arith.addf %logistic3A_1200, %logistic3A_1198 : vector<16x128xf32>
      %logistic3A_1202 = arith.divf %logistic3A_1200, %logistic3A_1201 : vector<16x128xf32>
      %slice3A_1203 = vector.extract_strided_slice %get3A_1179 {offsets = [0, 256], sizes = [16, 128], strides = [1, 1]} : vector<16x384xf32> to vector<16x128xf32>
      %add3A_1204 = vector.broadcast %slice3A_16 : vector<1x128xf32> to vector<16x128xf32>
      %add3A_1205 = arith.addf %dot_general3A_1184, %add3A_1204 : vector<16x128xf32>
      %mul3A_1206 = arith.mulf %logistic3A_1193, %add3A_1205 : vector<16x128xf32>
      %add3A_1207 = arith.addf %slice3A_1203, %mul3A_1206 : vector<16x128xf32>
      %tanh3A_1208 = math.tanh %add3A_1207 : vector<16x128xf32>
      %sub3A_1209 = arith.subf %add3A_1164, %tanh3A_1208 : vector<16x128xf32>
      %mul3A_1210 = arith.mulf %logistic3A_1202, %sub3A_1209 : vector<16x128xf32>
      %add3A_1211 = arith.addf %tanh3A_1208, %mul3A_1210 : vector<16x128xf32>
      %add3A_1212 = arith.constant 0 : i32
      %add3A_1213 = arith.addi %add3A_1212, %scan3A_1174 : i32
      %swap3A_1214 = arith.index_cast %add3A_1213 : i32 to index
      %swap3A_1215 = arith.constant 0 : index
      %swap3A_1216 = arith.constant 0 : index
      %swap3A_1217 = vector.load %arg25[%swap3A_1214, %swap3A_1215, %swap3A_1216] : memref<256x16x128xf32, #tpu.memory_space<vmem>>, vector<1x16x128xf32>
      %swap3A_1218 = vector.shape_cast %swap3A_1217 : vector<1x16x128xf32> to vector<16x128xf32>
      %swap3A_1219 = vector.shape_cast %add3A_1211 : vector<16x128xf32> to vector<1x16x128xf32>
      tpu.vector_store %arg25[%swap3A_1214, %swap3A_1215, %swap3A_1216], %swap3A_1219 {strides = array<i32>} : memref<256x16x128xf32, #tpu.memory_space<vmem>>, vector<1x16x128xf32>,
      %scan3A_1220 = arith.constant 4 : i32
      %scan3A_1221 = arith.addi %scan3A_1032, %scan3A_1220 : i32
      %get3A_1222 = arith.index_cast %scan3A_1221 : i32 to index
      %get3A_1223 = arith.constant 0 : index
      %get3A_1224 = arith.constant 0 : index
      %get3A_1225 = vector.load %arg26[%get3A_1222, %get3A_1223, %get3A_1224] : memref<64x16x384xf32, #tpu.memory_space<vmem>>, vector<1x16x384xf32>
      %get3A_1226 = vector.shape_cast %get3A_1225 : vector<1x16x384xf32> to vector<16x384xf32>
      %convert_element_type3A_1227 = arith.truncf %add3A_1211 : vector<16x128xf32> to vector<16x128xbf16>
      %dot_general3A_1228 = arith.constant dense<0.000000e+00> : vector<16x256xf32>
      %dot_general3A_1229 = tpu.matmul %convert_element_type3A_1227, %slice3A, %dot_general3A_1228 {dimension_numbers = #tpu.dot_dimension_numbers<[1], [0], [0], [1], [0, 0, 1, 1], [], []>, transpose_lhs_hint = false} : vector<16x128xbf16>, vector<128x256xbf16>, vector<16x256xf32> -> vector<16x256xf32>
      %dot_general3A_1230 = arith.constant dense<0.000000e+00> : vector<16x128xf32>
      %dot_general3A_1231 = tpu.matmul %convert_element_type3A_1227, %slice3A_7, %dot_general3A_1230 {dimension_numbers = #tpu.dot_dimension_numbers<[1], [0], [0], [1], [0, 0, 1, 1], [], []>, transpose_lhs_hint = false} : vector<16x128xbf16>, vector<128x128xbf16>, vector<16x128xf32> -> vector<16x128xf32>
      %slice3A_1232 = vector.extract_strided_slice %get3A_1226 {offsets = [0, 0], sizes = [16, 128], strides = [1, 1]} : vector<16x384xf32> to vector<16x128xf32>
      %slice3A_1233 = vector.extract_strided_slice %dot_general3A_1229 {offsets = [0, 0], sizes = [16, 128], strides = [1, 1]} : vector<16x256xf32> to vector<16x128xf32>
      %add3A_1234 = arith.addf %slice3A_1232, %slice3A_1233 : vector<16x128xf32>
      %logistic3A_1235 = arith.negf %add3A_1234 : vector<16x128xf32>
      %logistic3A_1236 = math.exp %logistic3A_1235 : vector<16x128xf32>
      %logistic3A_1237 = arith.constant 1.000000e+00 : f32
      %logistic3A_1238 = vector.broadcast %logistic3A_1237 : f32 to vector<16x128xf32>
      %logistic3A_1239 = arith.addf %logistic3A_1238, %logistic3A_1236 : vector<16x128xf32>
      %logistic3A_1240 = arith.divf %logistic3A_1238, %logistic3A_1239 : vector<16x128xf32>
      %slice3A_1241 = vector.extract_strided_slice %get3A_1226 {offsets = [0, 128], sizes = [16, 128], strides = [1, 1]} : vector<16x384xf32> to vector<16x128xf32>
      %slice3A_1242 = vector.extract_strided_slice %dot_general3A_1229 {offsets = [0, 128], sizes = [16, 128], strides = [1, 1]} : vector<16x256xf32> to vector<16x128xf32>
      %add3A_1243 = arith.addf %slice3A_1241, %slice3A_1242 : vector<16x128xf32>
      %logistic3A_1244 = arith.negf %add3A_1243 : vector<16x128xf32>
      %logistic3A_1245 = math.exp %logistic3A_1244 : vector<16x128xf32>
      %logistic3A_1246 = arith.constant 1.000000e+00 : f32
      %logistic3A_1247 = vector.broadcast %logistic3A_1246 : f32 to vector<16x128xf32>
      %logistic3A_1248 = arith.addf %logistic3A_1247, %logistic3A_1245 : vector<16x128xf32>
      %logistic3A_1249 = arith.divf %logistic3A_1247, %logistic3A_1248 : vector<16x128xf32>
      %slice3A_1250 = vector.extract_strided_slice %get3A_1226 {offsets = [0, 256], sizes = [16, 128], strides = [1, 1]} : vector<16x384xf32> to vector<16x128xf32>
      %add3A_1251 = vector.broadcast %slice3A_16 : vector<1x128xf32> to vector<16x128xf32>
      %add3A_1252 = arith.addf %dot_general3A_1231, %add3A_1251 : vector<16x128xf32>
      %mul3A_1253 = arith.mulf %logistic3A_1240, %add3A_1252 : vector<16x128xf32>
      %add3A_1254 = arith.addf %slice3A_1250, %mul3A_1253 : vector<16x128xf32>
      %tanh3A_1255 = math.tanh %add3A_1254 : vector<16x128xf32>
      %sub3A_1256 = arith.subf %add3A_1211, %tanh3A_1255 : vector<16x128xf32>
      %mul3A_1257 = arith.mulf %logistic3A_1249, %sub3A_1256 : vector<16x128xf32>
      %add3A_1258 = arith.addf %tanh3A_1255, %mul3A_1257 : vector<16x128xf32>
      %add3A_1259 = arith.constant 0 : i32
      %add3A_1260 = arith.addi %add3A_1259, %scan3A_1221 : i32
      %swap3A_1261 = arith.index_cast %add3A_1260 : i32 to index
      %swap3A_1262 = arith.constant 0 : index
      %swap3A_1263 = arith.constant 0 : index
      %swap3A_1264 = vector.load %arg25[%swap3A_1261, %swap3A_1262, %swap3A_1263] : memref<256x16x128xf32, #tpu.memory_space<vmem>>, vector<1x16x128xf32>
      %swap3A_1265 = vector.shape_cast %swap3A_1264 : vector<1x16x128xf32> to vector<16x128xf32>
      %swap3A_1266 = vector.shape_cast %add3A_1258 : vector<16x128xf32> to vector<1x16x128xf32>
      tpu.vector_store %arg25[%swap3A_1261, %swap3A_1262, %swap3A_1263], %swap3A_1266 {strides = array<i32>} : memref<256x16x128xf32, #tpu.memory_space<vmem>>, vector<1x16x128xf32>,
      %scan3A_1267 = arith.constant 5 : i32
      %scan3A_1268 = arith.addi %scan3A_1032, %scan3A_1267 : i32
      %get3A_1269 = arith.index_cast %scan3A_1268 : i32 to index
      %get3A_1270 = arith.constant 0 : index
      %get3A_1271 = arith.constant 0 : index
      %get3A_1272 = vector.load %arg26[%get3A_1269, %get3A_1270, %get3A_1271] : memref<64x16x384xf32, #tpu.memory_space<vmem>>, vector<1x16x384xf32>
      %get3A_1273 = vector.shape_cast %get3A_1272 : vector<1x16x384xf32> to vector<16x384xf32>
      %convert_element_type3A_1274 = arith.truncf %add3A_1258 : vector<16x128xf32> to vector<16x128xbf16>
      %dot_general3A_1275 = arith.constant dense<0.000000e+00> : vector<16x256xf32>
      %dot_general3A_1276 = tpu.matmul %convert_element_type3A_1274, %slice3A, %dot_general3A_1275 {dimension_numbers = #tpu.dot_dimension_numbers<[1], [0], [0], [1], [0, 0, 1, 1], [], []>, transpose_lhs_hint = false} : vector<16x128xbf16>, vector<128x256xbf16>, vector<16x256xf32> -> vector<16x256xf32>
      %dot_general3A_1277 = arith.constant dense<0.000000e+00> : vector<16x128xf32>
      %dot_general3A_1278 = tpu.matmul %convert_element_type3A_1274, %slice3A_7, %dot_general3A_1277 {dimension_numbers = #tpu.dot_dimension_numbers<[1], [0], [0], [1], [0, 0, 1, 1], [], []>, transpose_lhs_hint = false} : vector<16x128xbf16>, vector<128x128xbf16>, vector<16x128xf32> -> vector<16x128xf32>
      %slice3A_1279 = vector.extract_strided_slice %get3A_1273 {offsets = [0, 0], sizes = [16, 128], strides = [1, 1]} : vector<16x384xf32> to vector<16x128xf32>
      %slice3A_1280 = vector.extract_strided_slice %dot_general3A_1276 {offsets = [0, 0], sizes = [16, 128], strides = [1, 1]} : vector<16x256xf32> to vector<16x128xf32>
      %add3A_1281 = arith.addf %slice3A_1279, %slice3A_1280 : vector<16x128xf32>
      %logistic3A_1282 = arith.negf %add3A_1281 : vector<16x128xf32>
      %logistic3A_1283 = math.exp %logistic3A_1282 : vector<16x128xf32>
      %logistic3A_1284 = arith.constant 1.000000e+00 : f32
      %logistic3A_1285 = vector.broadcast %logistic3A_1284 : f32 to vector<16x128xf32>
      %logistic3A_1286 = arith.addf %logistic3A_1285, %logistic3A_1283 : vector<16x128xf32>
      %logistic3A_1287 = arith.divf %logistic3A_1285, %logistic3A_1286 : vector<16x128xf32>
      %slice3A_1288 = vector.extract_strided_slice %get3A_1273 {offsets = [0, 128], sizes = [16, 128], strides = [1, 1]} : vector<16x384xf32> to vector<16x128xf32>
      %slice3A_1289 = vector.extract_strided_slice %dot_general3A_1276 {offsets = [0, 128], sizes = [16, 128], strides = [1, 1]} : vector<16x256xf32> to vector<16x128xf32>
      %add3A_1290 = arith.addf %slice3A_1288, %slice3A_1289 : vector<16x128xf32>
      %logistic3A_1291 = arith.negf %add3A_1290 : vector<16x128xf32>
      %logistic3A_1292 = math.exp %logistic3A_1291 : vector<16x128xf32>
      %logistic3A_1293 = arith.constant 1.000000e+00 : f32
      %logistic3A_1294 = vector.broadcast %logistic3A_1293 : f32 to vector<16x128xf32>
      %logistic3A_1295 = arith.addf %logistic3A_1294, %logistic3A_1292 : vector<16x128xf32>
      %logistic3A_1296 = arith.divf %logistic3A_1294, %logistic3A_1295 : vector<16x128xf32>
      %slice3A_1297 = vector.extract_strided_slice %get3A_1273 {offsets = [0, 256], sizes = [16, 128], strides = [1, 1]} : vector<16x384xf32> to vector<16x128xf32>
      %add3A_1298 = vector.broadcast %slice3A_16 : vector<1x128xf32> to vector<16x128xf32>
      %add3A_1299 = arith.addf %dot_general3A_1278, %add3A_1298 : vector<16x128xf32>
      %mul3A_1300 = arith.mulf %logistic3A_1287, %add3A_1299 : vector<16x128xf32>
      %add3A_1301 = arith.addf %slice3A_1297, %mul3A_1300 : vector<16x128xf32>
      %tanh3A_1302 = math.tanh %add3A_1301 : vector<16x128xf32>
      %sub3A_1303 = arith.subf %add3A_1258, %tanh3A_1302 : vector<16x128xf32>
      %mul3A_1304 = arith.mulf %logistic3A_1296, %sub3A_1303 : vector<16x128xf32>
      %add3A_1305 = arith.addf %tanh3A_1302, %mul3A_1304 : vector<16x128xf32>
      %add3A_1306 = arith.constant 0 : i32
      %add3A_1307 = arith.addi %add3A_1306, %scan3A_1268 : i32
      %swap3A_1308 = arith.index_cast %add3A_1307 : i32 to index
      %swap3A_1309 = arith.constant 0 : index
      %swap3A_1310 = arith.constant 0 : index
      %swap3A_1311 = vector.load %arg25[%swap3A_1308, %swap3A_1309, %swap3A_1310] : memref<256x16x128xf32, #tpu.memory_space<vmem>>, vector<1x16x128xf32>
      %swap3A_1312 = vector.shape_cast %swap3A_1311 : vector<1x16x128xf32> to vector<16x128xf32>
      %swap3A_1313 = vector.shape_cast %add3A_1305 : vector<16x128xf32> to vector<1x16x128xf32>
      tpu.vector_store %arg25[%swap3A_1308, %swap3A_1309, %swap3A_1310], %swap3A_1313 {strides = array<i32>} : memref<256x16x128xf32, #tpu.memory_space<vmem>>, vector<1x16x128xf32>,
      %scan3A_1314 = arith.constant 6 : i32
      %scan3A_1315 = arith.addi %scan3A_1032, %scan3A_1314 : i32
      %get3A_1316 = arith.index_cast %scan3A_1315 : i32 to index
      %get3A_1317 = arith.constant 0 : index
      %get3A_1318 = arith.constant 0 : index
      %get3A_1319 = vector.load %arg26[%get3A_1316, %get3A_1317, %get3A_1318] : memref<64x16x384xf32, #tpu.memory_space<vmem>>, vector<1x16x384xf32>
      %get3A_1320 = vector.shape_cast %get3A_1319 : vector<1x16x384xf32> to vector<16x384xf32>
      %convert_element_type3A_1321 = arith.truncf %add3A_1305 : vector<16x128xf32> to vector<16x128xbf16>
      %dot_general3A_1322 = arith.constant dense<0.000000e+00> : vector<16x256xf32>
      %dot_general3A_1323 = tpu.matmul %convert_element_type3A_1321, %slice3A, %dot_general3A_1322 {dimension_numbers = #tpu.dot_dimension_numbers<[1], [0], [0], [1], [0, 0, 1, 1], [], []>, transpose_lhs_hint = false} : vector<16x128xbf16>, vector<128x256xbf16>, vector<16x256xf32> -> vector<16x256xf32>
      %dot_general3A_1324 = arith.constant dense<0.000000e+00> : vector<16x128xf32>
      %dot_general3A_1325 = tpu.matmul %convert_element_type3A_1321, %slice3A_7, %dot_general3A_1324 {dimension_numbers = #tpu.dot_dimension_numbers<[1], [0], [0], [1], [0, 0, 1, 1], [], []>, transpose_lhs_hint = false} : vector<16x128xbf16>, vector<128x128xbf16>, vector<16x128xf32> -> vector<16x128xf32>
      %slice3A_1326 = vector.extract_strided_slice %get3A_1320 {offsets = [0, 0], sizes = [16, 128], strides = [1, 1]} : vector<16x384xf32> to vector<16x128xf32>
      %slice3A_1327 = vector.extract_strided_slice %dot_general3A_1323 {offsets = [0, 0], sizes = [16, 128], strides = [1, 1]} : vector<16x256xf32> to vector<16x128xf32>
      %add3A_1328 = arith.addf %slice3A_1326, %slice3A_1327 : vector<16x128xf32>
      %logistic3A_1329 = arith.negf %add3A_1328 : vector<16x128xf32>
      %logistic3A_1330 = math.exp %logistic3A_1329 : vector<16x128xf32>
      %logistic3A_1331 = arith.constant 1.000000e+00 : f32
      %logistic3A_1332 = vector.broadcast %logistic3A_1331 : f32 to vector<16x128xf32>
      %logistic3A_1333 = arith.addf %logistic3A_1332, %logistic3A_1330 : vector<16x128xf32>
      %logistic3A_1334 = arith.divf %logistic3A_1332, %logistic3A_1333 : vector<16x128xf32>
      %slice3A_1335 = vector.extract_strided_slice %get3A_1320 {offsets = [0, 128], sizes = [16, 128], strides = [1, 1]} : vector<16x384xf32> to vector<16x128xf32>
      %slice3A_1336 = vector.extract_strided_slice %dot_general3A_1323 {offsets = [0, 128], sizes = [16, 128], strides = [1, 1]} : vector<16x256xf32> to vector<16x128xf32>
      %add3A_1337 = arith.addf %slice3A_1335, %slice3A_1336 : vector<16x128xf32>
      %logistic3A_1338 = arith.negf %add3A_1337 : vector<16x128xf32>
      %logistic3A_1339 = math.exp %logistic3A_1338 : vector<16x128xf32>
      %logistic3A_1340 = arith.constant 1.000000e+00 : f32
      %logistic3A_1341 = vector.broadcast %logistic3A_1340 : f32 to vector<16x128xf32>
      %logistic3A_1342 = arith.addf %logistic3A_1341, %logistic3A_1339 : vector<16x128xf32>
      %logistic3A_1343 = arith.divf %logistic3A_1341, %logistic3A_1342 : vector<16x128xf32>
      %slice3A_1344 = vector.extract_strided_slice %get3A_1320 {offsets = [0, 256], sizes = [16, 128], strides = [1, 1]} : vector<16x384xf32> to vector<16x128xf32>
      %add3A_1345 = vector.broadcast %slice3A_16 : vector<1x128xf32> to vector<16x128xf32>
      %add3A_1346 = arith.addf %dot_general3A_1325, %add3A_1345 : vector<16x128xf32>
      %mul3A_1347 = arith.mulf %logistic3A_1334, %add3A_1346 : vector<16x128xf32>
      %add3A_1348 = arith.addf %slice3A_1344, %mul3A_1347 : vector<16x128xf32>
      %tanh3A_1349 = math.tanh %add3A_1348 : vector<16x128xf32>
      %sub3A_1350 = arith.subf %add3A_1305, %tanh3A_1349 : vector<16x128xf32>
      %mul3A_1351 = arith.mulf %logistic3A_1343, %sub3A_1350 : vector<16x128xf32>
      %add3A_1352 = arith.addf %tanh3A_1349, %mul3A_1351 : vector<16x128xf32>
      %add3A_1353 = arith.constant 0 : i32
      %add3A_1354 = arith.addi %add3A_1353, %scan3A_1315 : i32
      %swap3A_1355 = arith.index_cast %add3A_1354 : i32 to index
      %swap3A_1356 = arith.constant 0 : index
      %swap3A_1357 = arith.constant 0 : index
      %swap3A_1358 = vector.load %arg25[%swap3A_1355, %swap3A_1356, %swap3A_1357] : memref<256x16x128xf32, #tpu.memory_space<vmem>>, vector<1x16x128xf32>
      %swap3A_1359 = vector.shape_cast %swap3A_1358 : vector<1x16x128xf32> to vector<16x128xf32>
      %swap3A_1360 = vector.shape_cast %add3A_1352 : vector<16x128xf32> to vector<1x16x128xf32>
      tpu.vector_store %arg25[%swap3A_1355, %swap3A_1356, %swap3A_1357], %swap3A_1360 {strides = array<i32>} : memref<256x16x128xf32, #tpu.memory_space<vmem>>, vector<1x16x128xf32>,
      %scan3A_1361 = arith.constant 7 : i32
      %scan3A_1362 = arith.addi %scan3A_1032, %scan3A_1361 : i32
      %get3A_1363 = arith.index_cast %scan3A_1362 : i32 to index
      %get3A_1364 = arith.constant 0 : index
      %get3A_1365 = arith.constant 0 : index
      %get3A_1366 = vector.load %arg26[%get3A_1363, %get3A_1364, %get3A_1365] : memref<64x16x384xf32, #tpu.memory_space<vmem>>, vector<1x16x384xf32>
      %get3A_1367 = vector.shape_cast %get3A_1366 : vector<1x16x384xf32> to vector<16x384xf32>
      %convert_element_type3A_1368 = arith.truncf %add3A_1352 : vector<16x128xf32> to vector<16x128xbf16>
      %dot_general3A_1369 = arith.constant dense<0.000000e+00> : vector<16x256xf32>
      %dot_general3A_1370 = tpu.matmul %convert_element_type3A_1368, %slice3A, %dot_general3A_1369 {dimension_numbers = #tpu.dot_dimension_numbers<[1], [0], [0], [1], [0, 0, 1, 1], [], []>, transpose_lhs_hint = false} : vector<16x128xbf16>, vector<128x256xbf16>, vector<16x256xf32> -> vector<16x256xf32>
      %dot_general3A_1371 = arith.constant dense<0.000000e+00> : vector<16x128xf32>
      %dot_general3A_1372 = tpu.matmul %convert_element_type3A_1368, %slice3A_7, %dot_general3A_1371 {dimension_numbers = #tpu.dot_dimension_numbers<[1], [0], [0], [1], [0, 0, 1, 1], [], []>, transpose_lhs_hint = false} : vector<16x128xbf16>, vector<128x128xbf16>, vector<16x128xf32> -> vector<16x128xf32>
      %slice3A_1373 = vector.extract_strided_slice %get3A_1367 {offsets = [0, 0], sizes = [16, 128], strides = [1, 1]} : vector<16x384xf32> to vector<16x128xf32>
      %slice3A_1374 = vector.extract_strided_slice %dot_general3A_1370 {offsets = [0, 0], sizes = [16, 128], strides = [1, 1]} : vector<16x256xf32> to vector<16x128xf32>
      %add3A_1375 = arith.addf %slice3A_1373, %slice3A_1374 : vector<16x128xf32>
      %logistic3A_1376 = arith.negf %add3A_1375 : vector<16x128xf32>
      %logistic3A_1377 = math.exp %logistic3A_1376 : vector<16x128xf32>
      %logistic3A_1378 = arith.constant 1.000000e+00 : f32
      %logistic3A_1379 = vector.broadcast %logistic3A_1378 : f32 to vector<16x128xf32>
      %logistic3A_1380 = arith.addf %logistic3A_1379, %logistic3A_1377 : vector<16x128xf32>
      %logistic3A_1381 = arith.divf %logistic3A_1379, %logistic3A_1380 : vector<16x128xf32>
      %slice3A_1382 = vector.extract_strided_slice %get3A_1367 {offsets = [0, 128], sizes = [16, 128], strides = [1, 1]} : vector<16x384xf32> to vector<16x128xf32>
      %slice3A_1383 = vector.extract_strided_slice %dot_general3A_1370 {offsets = [0, 128], sizes = [16, 128], strides = [1, 1]} : vector<16x256xf32> to vector<16x128xf32>
      %add3A_1384 = arith.addf %slice3A_1382, %slice3A_1383 : vector<16x128xf32>
      %logistic3A_1385 = arith.negf %add3A_1384 : vector<16x128xf32>
      %logistic3A_1386 = math.exp %logistic3A_1385 : vector<16x128xf32>
      %logistic3A_1387 = arith.constant 1.000000e+00 : f32
      %logistic3A_1388 = vector.broadcast %logistic3A_1387 : f32 to vector<16x128xf32>
      %logistic3A_1389 = arith.addf %logistic3A_1388, %logistic3A_1386 : vector<16x128xf32>
      %logistic3A_1390 = arith.divf %logistic3A_1388, %logistic3A_1389 : vector<16x128xf32>
      %slice3A_1391 = vector.extract_strided_slice %get3A_1367 {offsets = [0, 256], sizes = [16, 128], strides = [1, 1]} : vector<16x384xf32> to vector<16x128xf32>
      %add3A_1392 = vector.broadcast %slice3A_16 : vector<1x128xf32> to vector<16x128xf32>
      %add3A_1393 = arith.addf %dot_general3A_1372, %add3A_1392 : vector<16x128xf32>
      %mul3A_1394 = arith.mulf %logistic3A_1381, %add3A_1393 : vector<16x128xf32>
      %add3A_1395 = arith.addf %slice3A_1391, %mul3A_1394 : vector<16x128xf32>
      %tanh3A_1396 = math.tanh %add3A_1395 : vector<16x128xf32>
      %sub3A_1397 = arith.subf %add3A_1352, %tanh3A_1396 : vector<16x128xf32>
      %mul3A_1398 = arith.mulf %logistic3A_1390, %sub3A_1397 : vector<16x128xf32>
      %add3A_1399 = arith.addf %tanh3A_1396, %mul3A_1398 : vector<16x128xf32>
      %add3A_1400 = arith.constant 0 : i32
      %add3A_1401 = arith.addi %add3A_1400, %scan3A_1362 : i32
      %swap3A_1402 = arith.index_cast %add3A_1401 : i32 to index
      %swap3A_1403 = arith.constant 0 : index
      %swap3A_1404 = arith.constant 0 : index
      %swap3A_1405 = vector.load %arg25[%swap3A_1402, %swap3A_1403, %swap3A_1404] : memref<256x16x128xf32, #tpu.memory_space<vmem>>, vector<1x16x128xf32>
      %swap3A_1406 = vector.shape_cast %swap3A_1405 : vector<1x16x128xf32> to vector<16x128xf32>
      %swap3A_1407 = vector.shape_cast %add3A_1399 : vector<16x128xf32> to vector<1x16x128xf32>
      tpu.vector_store %arg25[%swap3A_1402, %swap3A_1403, %swap3A_1404], %swap3A_1407 {strides = array<i32>} : memref<256x16x128xf32, #tpu.memory_space<vmem>>, vector<1x16x128xf32>,
      scf.yield %add3A_1399 : vector<16x128xf32>
    }
    %scan3A_38 = arith.constant 64 : i32
    %get3A_39 = arith.constant 64 : index
    %get3A_40 = arith.constant 0 : index
    %get3A_41 = arith.constant 0 : index
    %get3A_42 = vector.load %arg0[%get3A_39, %get3A_40, %get3A_41] : memref<256x16x128xf32, #tpu.memory_space<vmem>>, vector<64x16x128xf32>
    %reshape3A_43 = vector.shape_cast %get3A_42 : vector<64x16x128xf32> to vector<1024x128xf32>
    %convert_element_type3A_44 = arith.truncf %reshape3A_43 : vector<1024x128xf32> to vector<1024x128xbf16>
    %dot_general3A_45 = arith.constant dense<0.000000e+00> : vector<1024x384xf32>
    %dot_general3A_46 = tpu.matmul %convert_element_type3A_44, %convert_element_type3A_17, %dot_general3A_45 {dimension_numbers = #tpu.dot_dimension_numbers<[1], [0], [0], [1], [0, 0, 1, 1], [], []>, transpose_lhs_hint = false} : vector<1024x128xbf16>, vector<128x384xbf16>, vector<1024x384xf32> -> vector<1024x384xf32>
    %add3A_47 = vector.broadcast %concatenate3A : vector<1x384xf32> to vector<1024x384xf32>
    %add3A_48 = arith.addf %dot_general3A_46, %add3A_47 : vector<1024x384xf32>
    %reshape3A_49 = vector.shape_cast %add3A_48 : vector<1024x384xf32> to vector<64x16x384xf32>
    %swap3A_50 = arith.constant 0 : index
    %swap3A_51 = arith.constant 0 : index
    %swap3A_52 = arith.constant 0 : index
    %swap3A_53 = vector.load %arg26[%swap3A_50, %swap3A_51, %swap3A_52] : memref<64x16x384xf32, #tpu.memory_space<vmem>>, vector<64x16x384xf32>
    tpu.vector_store %arg26[%swap3A_50, %swap3A_51, %swap3A_52], %reshape3A_49 {strides = array<i32>} : memref<64x16x384xf32, #tpu.memory_space<vmem>>, vector<64x16x384xf32>,
    %scan3A_54 = arith.constant 0 : i32
    %scan3A_55 = arith.constant 64 : i32
    %scan3A_56 = arith.addi %scan3A_54, %scan3A_55 : i32
    %scan3A_57 = arith.constant 8 : i32
    %scan3A_58 = scf.for %scan3A_1032 = %scan3A_54 to %scan3A_56 step %scan3A_57 iter_args(%scan3A_1033 = %scan3A_37) -> (vector<16x128xf32>)  : i32 {
      %get3A_1034 = arith.index_cast %scan3A_1032 : i32 to index
      %get3A_1035 = arith.constant 0 : index
      %get3A_1036 = arith.constant 0 : index
      %get3A_1037 = vector.load %arg26[%get3A_1034, %get3A_1035, %get3A_1036] : memref<64x16x384xf32, #tpu.memory_space<vmem>>, vector<1x16x384xf32>
      %get3A_1038 = vector.shape_cast %get3A_1037 : vector<1x16x384xf32> to vector<16x384xf32>
      %convert_element_type3A_1039 = arith.truncf %scan3A_1033 : vector<16x128xf32> to vector<16x128xbf16>
      %dot_general3A_1040 = arith.constant dense<0.000000e+00> : vector<16x256xf32>
      %dot_general3A_1041 = tpu.matmul %convert_element_type3A_1039, %slice3A, %dot_general3A_1040 {dimension_numbers = #tpu.dot_dimension_numbers<[1], [0], [0], [1], [0, 0, 1, 1], [], []>, transpose_lhs_hint = false} : vector<16x128xbf16>, vector<128x256xbf16>, vector<16x256xf32> -> vector<16x256xf32>
      %dot_general3A_1042 = arith.constant dense<0.000000e+00> : vector<16x128xf32>
      %dot_general3A_1043 = tpu.matmul %convert_element_type3A_1039, %slice3A_7, %dot_general3A_1042 {dimension_numbers = #tpu.dot_dimension_numbers<[1], [0], [0], [1], [0, 0, 1, 1], [], []>, transpose_lhs_hint = false} : vector<16x128xbf16>, vector<128x128xbf16>, vector<16x128xf32> -> vector<16x128xf32>
      %slice3A_1044 = vector.extract_strided_slice %get3A_1038 {offsets = [0, 0], sizes = [16, 128], strides = [1, 1]} : vector<16x384xf32> to vector<16x128xf32>
      %slice3A_1045 = vector.extract_strided_slice %dot_general3A_1041 {offsets = [0, 0], sizes = [16, 128], strides = [1, 1]} : vector<16x256xf32> to vector<16x128xf32>
      %add3A_1046 = arith.addf %slice3A_1044, %slice3A_1045 : vector<16x128xf32>
      %logistic3A_1047 = arith.negf %add3A_1046 : vector<16x128xf32>
      %logistic3A_1048 = math.exp %logistic3A_1047 : vector<16x128xf32>
      %logistic3A_1049 = arith.constant 1.000000e+00 : f32
      %logistic3A_1050 = vector.broadcast %logistic3A_1049 : f32 to vector<16x128xf32>
      %logistic3A_1051 = arith.addf %logistic3A_1050, %logistic3A_1048 : vector<16x128xf32>
      %logistic3A_1052 = arith.divf %logistic3A_1050, %logistic3A_1051 : vector<16x128xf32>
      %slice3A_1053 = vector.extract_strided_slice %get3A_1038 {offsets = [0, 128], sizes = [16, 128], strides = [1, 1]} : vector<16x384xf32> to vector<16x128xf32>
      %slice3A_1054 = vector.extract_strided_slice %dot_general3A_1041 {offsets = [0, 128], sizes = [16, 128], strides = [1, 1]} : vector<16x256xf32> to vector<16x128xf32>
      %add3A_1055 = arith.addf %slice3A_1053, %slice3A_1054 : vector<16x128xf32>
      %logistic3A_1056 = arith.negf %add3A_1055 : vector<16x128xf32>
      %logistic3A_1057 = math.exp %logistic3A_1056 : vector<16x128xf32>
      %logistic3A_1058 = arith.constant 1.000000e+00 : f32
      %logistic3A_1059 = vector.broadcast %logistic3A_1058 : f32 to vector<16x128xf32>
      %logistic3A_1060 = arith.addf %logistic3A_1059, %logistic3A_1057 : vector<16x128xf32>
      %logistic3A_1061 = arith.divf %logistic3A_1059, %logistic3A_1060 : vector<16x128xf32>
      %slice3A_1062 = vector.extract_strided_slice %get3A_1038 {offsets = [0, 256], sizes = [16, 128], strides = [1, 1]} : vector<16x384xf32> to vector<16x128xf32>
      %add3A_1063 = vector.broadcast %slice3A_16 : vector<1x128xf32> to vector<16x128xf32>
      %add3A_1064 = arith.addf %dot_general3A_1043, %add3A_1063 : vector<16x128xf32>
      %mul3A_1065 = arith.mulf %logistic3A_1052, %add3A_1064 : vector<16x128xf32>
      %add3A_1066 = arith.addf %slice3A_1062, %mul3A_1065 : vector<16x128xf32>
      %tanh3A_1067 = math.tanh %add3A_1066 : vector<16x128xf32>
      %sub3A_1068 = arith.subf %scan3A_1033, %tanh3A_1067 : vector<16x128xf32>
      %mul3A_1069 = arith.mulf %logistic3A_1061, %sub3A_1068 : vector<16x128xf32>
      %add3A_1070 = arith.addf %tanh3A_1067, %mul3A_1069 : vector<16x128xf32>
      %add3A_1071 = arith.constant 64 : i32
      %add3A_1072 = arith.addi %add3A_1071, %scan3A_1032 : i32
      %swap3A_1073 = arith.index_cast %add3A_1072 : i32 to index
      %swap3A_1074 = arith.constant 0 : index
      %swap3A_1075 = arith.constant 0 : index
      %swap3A_1076 = vector.load %arg25[%swap3A_1073, %swap3A_1074, %swap3A_1075] : memref<256x16x128xf32, #tpu.memory_space<vmem>>, vector<1x16x128xf32>
      %swap3A_1077 = vector.shape_cast %swap3A_1076 : vector<1x16x128xf32> to vector<16x128xf32>
      %swap3A_1078 = vector.shape_cast %add3A_1070 : vector<16x128xf32> to vector<1x16x128xf32>
      tpu.vector_store %arg25[%swap3A_1073, %swap3A_1074, %swap3A_1075], %swap3A_1078 {strides = array<i32>} : memref<256x16x128xf32, #tpu.memory_space<vmem>>, vector<1x16x128xf32>,
      %scan3A_1079 = arith.constant 1 : i32
      %scan3A_1080 = arith.addi %scan3A_1032, %scan3A_1079 : i32
      %get3A_1081 = arith.index_cast %scan3A_1080 : i32 to index
      %get3A_1082 = arith.constant 0 : index
      %get3A_1083 = arith.constant 0 : index
      %get3A_1084 = vector.load %arg26[%get3A_1081, %get3A_1082, %get3A_1083] : memref<64x16x384xf32, #tpu.memory_space<vmem>>, vector<1x16x384xf32>
      %get3A_1085 = vector.shape_cast %get3A_1084 : vector<1x16x384xf32> to vector<16x384xf32>
      %convert_element_type3A_1086 = arith.truncf %add3A_1070 : vector<16x128xf32> to vector<16x128xbf16>
      %dot_general3A_1087 = arith.constant dense<0.000000e+00> : vector<16x256xf32>
      %dot_general3A_1088 = tpu.matmul %convert_element_type3A_1086, %slice3A, %dot_general3A_1087 {dimension_numbers = #tpu.dot_dimension_numbers<[1], [0], [0], [1], [0, 0, 1, 1], [], []>, transpose_lhs_hint = false} : vector<16x128xbf16>, vector<128x256xbf16>, vector<16x256xf32> -> vector<16x256xf32>
      %dot_general3A_1089 = arith.constant dense<0.000000e+00> : vector<16x128xf32>
      %dot_general3A_1090 = tpu.matmul %convert_element_type3A_1086, %slice3A_7, %dot_general3A_1089 {dimension_numbers = #tpu.dot_dimension_numbers<[1], [0], [0], [1], [0, 0, 1, 1], [], []>, transpose_lhs_hint = false} : vector<16x128xbf16>, vector<128x128xbf16>, vector<16x128xf32> -> vector<16x128xf32>
      %slice3A_1091 = vector.extract_strided_slice %get3A_1085 {offsets = [0, 0], sizes = [16, 128], strides = [1, 1]} : vector<16x384xf32> to vector<16x128xf32>
      %slice3A_1092 = vector.extract_strided_slice %dot_general3A_1088 {offsets = [0, 0], sizes = [16, 128], strides = [1, 1]} : vector<16x256xf32> to vector<16x128xf32>
      %add3A_1093 = arith.addf %slice3A_1091, %slice3A_1092 : vector<16x128xf32>
      %logistic3A_1094 = arith.negf %add3A_1093 : vector<16x128xf32>
      %logistic3A_1095 = math.exp %logistic3A_1094 : vector<16x128xf32>
      %logistic3A_1096 = arith.constant 1.000000e+00 : f32
      %logistic3A_1097 = vector.broadcast %logistic3A_1096 : f32 to vector<16x128xf32>
      %logistic3A_1098 = arith.addf %logistic3A_1097, %logistic3A_1095 : vector<16x128xf32>
      %logistic3A_1099 = arith.divf %logistic3A_1097, %logistic3A_1098 : vector<16x128xf32>
      %slice3A_1100 = vector.extract_strided_slice %get3A_1085 {offsets = [0, 128], sizes = [16, 128], strides = [1, 1]} : vector<16x384xf32> to vector<16x128xf32>
      %slice3A_1101 = vector.extract_strided_slice %dot_general3A_1088 {offsets = [0, 128], sizes = [16, 128], strides = [1, 1]} : vector<16x256xf32> to vector<16x128xf32>
      %add3A_1102 = arith.addf %slice3A_1100, %slice3A_1101 : vector<16x128xf32>
      %logistic3A_1103 = arith.negf %add3A_1102 : vector<16x128xf32>
      %logistic3A_1104 = math.exp %logistic3A_1103 : vector<16x128xf32>
      %logistic3A_1105 = arith.constant 1.000000e+00 : f32
      %logistic3A_1106 = vector.broadcast %logistic3A_1105 : f32 to vector<16x128xf32>
      %logistic3A_1107 = arith.addf %logistic3A_1106, %logistic3A_1104 : vector<16x128xf32>
      %logistic3A_1108 = arith.divf %logistic3A_1106, %logistic3A_1107 : vector<16x128xf32>
      %slice3A_1109 = vector.extract_strided_slice %get3A_1085 {offsets = [0, 256], sizes = [16, 128], strides = [1, 1]} : vector<16x384xf32> to vector<16x128xf32>
      %add3A_1110 = vector.broadcast %slice3A_16 : vector<1x128xf32> to vector<16x128xf32>
      %add3A_1111 = arith.addf %dot_general3A_1090, %add3A_1110 : vector<16x128xf32>
      %mul3A_1112 = arith.mulf %logistic3A_1099, %add3A_1111 : vector<16x128xf32>
      %add3A_1113 = arith.addf %slice3A_1109, %mul3A_1112 : vector<16x128xf32>
      %tanh3A_1114 = math.tanh %add3A_1113 : vector<16x128xf32>
      %sub3A_1115 = arith.subf %add3A_1070, %tanh3A_1114 : vector<16x128xf32>
      %mul3A_1116 = arith.mulf %logistic3A_1108, %sub3A_1115 : vector<16x128xf32>
      %add3A_1117 = arith.addf %tanh3A_1114, %mul3A_1116 : vector<16x128xf32>
      %add3A_1118 = arith.constant 64 : i32
      %add3A_1119 = arith.addi %add3A_1118, %scan3A_1080 : i32
      %swap3A_1120 = arith.index_cast %add3A_1119 : i32 to index
      %swap3A_1121 = arith.constant 0 : index
      %swap3A_1122 = arith.constant 0 : index
      %swap3A_1123 = vector.load %arg25[%swap3A_1120, %swap3A_1121, %swap3A_1122] : memref<256x16x128xf32, #tpu.memory_space<vmem>>, vector<1x16x128xf32>
      %swap3A_1124 = vector.shape_cast %swap3A_1123 : vector<1x16x128xf32> to vector<16x128xf32>
      %swap3A_1125 = vector.shape_cast %add3A_1117 : vector<16x128xf32> to vector<1x16x128xf32>
      tpu.vector_store %arg25[%swap3A_1120, %swap3A_1121, %swap3A_1122], %swap3A_1125 {strides = array<i32>} : memref<256x16x128xf32, #tpu.memory_space<vmem>>, vector<1x16x128xf32>,
      %scan3A_1126 = arith.constant 2 : i32
      %scan3A_1127 = arith.addi %scan3A_1032, %scan3A_1126 : i32
      %get3A_1128 = arith.index_cast %scan3A_1127 : i32 to index
      %get3A_1129 = arith.constant 0 : index
      %get3A_1130 = arith.constant 0 : index
      %get3A_1131 = vector.load %arg26[%get3A_1128, %get3A_1129, %get3A_1130] : memref<64x16x384xf32, #tpu.memory_space<vmem>>, vector<1x16x384xf32>
      %get3A_1132 = vector.shape_cast %get3A_1131 : vector<1x16x384xf32> to vector<16x384xf32>
      %convert_element_type3A_1133 = arith.truncf %add3A_1117 : vector<16x128xf32> to vector<16x128xbf16>
      %dot_general3A_1134 = arith.constant dense<0.000000e+00> : vector<16x256xf32>
      %dot_general3A_1135 = tpu.matmul %convert_element_type3A_1133, %slice3A, %dot_general3A_1134 {dimension_numbers = #tpu.dot_dimension_numbers<[1], [0], [0], [1], [0, 0, 1, 1], [], []>, transpose_lhs_hint = false} : vector<16x128xbf16>, vector<128x256xbf16>, vector<16x256xf32> -> vector<16x256xf32>
      %dot_general3A_1136 = arith.constant dense<0.000000e+00> : vector<16x128xf32>
      %dot_general3A_1137 = tpu.matmul %convert_element_type3A_1133, %slice3A_7, %dot_general3A_1136 {dimension_numbers = #tpu.dot_dimension_numbers<[1], [0], [0], [1], [0, 0, 1, 1], [], []>, transpose_lhs_hint = false} : vector<16x128xbf16>, vector<128x128xbf16>, vector<16x128xf32> -> vector<16x128xf32>
      %slice3A_1138 = vector.extract_strided_slice %get3A_1132 {offsets = [0, 0], sizes = [16, 128], strides = [1, 1]} : vector<16x384xf32> to vector<16x128xf32>
      %slice3A_1139 = vector.extract_strided_slice %dot_general3A_1135 {offsets = [0, 0], sizes = [16, 128], strides = [1, 1]} : vector<16x256xf32> to vector<16x128xf32>
      %add3A_1140 = arith.addf %slice3A_1138, %slice3A_1139 : vector<16x128xf32>
      %logistic3A_1141 = arith.negf %add3A_1140 : vector<16x128xf32>
      %logistic3A_1142 = math.exp %logistic3A_1141 : vector<16x128xf32>
      %logistic3A_1143 = arith.constant 1.000000e+00 : f32
      %logistic3A_1144 = vector.broadcast %logistic3A_1143 : f32 to vector<16x128xf32>
      %logistic3A_1145 = arith.addf %logistic3A_1144, %logistic3A_1142 : vector<16x128xf32>
      %logistic3A_1146 = arith.divf %logistic3A_1144, %logistic3A_1145 : vector<16x128xf32>
      %slice3A_1147 = vector.extract_strided_slice %get3A_1132 {offsets = [0, 128], sizes = [16, 128], strides = [1, 1]} : vector<16x384xf32> to vector<16x128xf32>
      %slice3A_1148 = vector.extract_strided_slice %dot_general3A_1135 {offsets = [0, 128], sizes = [16, 128], strides = [1, 1]} : vector<16x256xf32> to vector<16x128xf32>
      %add3A_1149 = arith.addf %slice3A_1147, %slice3A_1148 : vector<16x128xf32>
      %logistic3A_1150 = arith.negf %add3A_1149 : vector<16x128xf32>
      %logistic3A_1151 = math.exp %logistic3A_1150 : vector<16x128xf32>
      %logistic3A_1152 = arith.constant 1.000000e+00 : f32
      %logistic3A_1153 = vector.broadcast %logistic3A_1152 : f32 to vector<16x128xf32>
      %logistic3A_1154 = arith.addf %logistic3A_1153, %logistic3A_1151 : vector<16x128xf32>
      %logistic3A_1155 = arith.divf %logistic3A_1153, %logistic3A_1154 : vector<16x128xf32>
      %slice3A_1156 = vector.extract_strided_slice %get3A_1132 {offsets = [0, 256], sizes = [16, 128], strides = [1, 1]} : vector<16x384xf32> to vector<16x128xf32>
      %add3A_1157 = vector.broadcast %slice3A_16 : vector<1x128xf32> to vector<16x128xf32>
      %add3A_1158 = arith.addf %dot_general3A_1137, %add3A_1157 : vector<16x128xf32>
      %mul3A_1159 = arith.mulf %logistic3A_1146, %add3A_1158 : vector<16x128xf32>
      %add3A_1160 = arith.addf %slice3A_1156, %mul3A_1159 : vector<16x128xf32>
      %tanh3A_1161 = math.tanh %add3A_1160 : vector<16x128xf32>
      %sub3A_1162 = arith.subf %add3A_1117, %tanh3A_1161 : vector<16x128xf32>
      %mul3A_1163 = arith.mulf %logistic3A_1155, %sub3A_1162 : vector<16x128xf32>
      %add3A_1164 = arith.addf %tanh3A_1161, %mul3A_1163 : vector<16x128xf32>
      %add3A_1165 = arith.constant 64 : i32
      %add3A_1166 = arith.addi %add3A_1165, %scan3A_1127 : i32
      %swap3A_1167 = arith.index_cast %add3A_1166 : i32 to index
      %swap3A_1168 = arith.constant 0 : index
      %swap3A_1169 = arith.constant 0 : index
      %swap3A_1170 = vector.load %arg25[%swap3A_1167, %swap3A_1168, %swap3A_1169] : memref<256x16x128xf32, #tpu.memory_space<vmem>>, vector<1x16x128xf32>
      %swap3A_1171 = vector.shape_cast %swap3A_1170 : vector<1x16x128xf32> to vector<16x128xf32>
      %swap3A_1172 = vector.shape_cast %add3A_1164 : vector<16x128xf32> to vector<1x16x128xf32>
      tpu.vector_store %arg25[%swap3A_1167, %swap3A_1168, %swap3A_1169], %swap3A_1172 {strides = array<i32>} : memref<256x16x128xf32, #tpu.memory_space<vmem>>, vector<1x16x128xf32>,
      %scan3A_1173 = arith.constant 3 : i32
      %scan3A_1174 = arith.addi %scan3A_1032, %scan3A_1173 : i32
      %get3A_1175 = arith.index_cast %scan3A_1174 : i32 to index
      %get3A_1176 = arith.constant 0 : index
      %get3A_1177 = arith.constant 0 : index
      %get3A_1178 = vector.load %arg26[%get3A_1175, %get3A_1176, %get3A_1177] : memref<64x16x384xf32, #tpu.memory_space<vmem>>, vector<1x16x384xf32>
      %get3A_1179 = vector.shape_cast %get3A_1178 : vector<1x16x384xf32> to vector<16x384xf32>
      %convert_element_type3A_1180 = arith.truncf %add3A_1164 : vector<16x128xf32> to vector<16x128xbf16>
      %dot_general3A_1181 = arith.constant dense<0.000000e+00> : vector<16x256xf32>
      %dot_general3A_1182 = tpu.matmul %convert_element_type3A_1180, %slice3A, %dot_general3A_1181 {dimension_numbers = #tpu.dot_dimension_numbers<[1], [0], [0], [1], [0, 0, 1, 1], [], []>, transpose_lhs_hint = false} : vector<16x128xbf16>, vector<128x256xbf16>, vector<16x256xf32> -> vector<16x256xf32>
      %dot_general3A_1183 = arith.constant dense<0.000000e+00> : vector<16x128xf32>
      %dot_general3A_1184 = tpu.matmul %convert_element_type3A_1180, %slice3A_7, %dot_general3A_1183 {dimension_numbers = #tpu.dot_dimension_numbers<[1], [0], [0], [1], [0, 0, 1, 1], [], []>, transpose_lhs_hint = false} : vector<16x128xbf16>, vector<128x128xbf16>, vector<16x128xf32> -> vector<16x128xf32>
      %slice3A_1185 = vector.extract_strided_slice %get3A_1179 {offsets = [0, 0], sizes = [16, 128], strides = [1, 1]} : vector<16x384xf32> to vector<16x128xf32>
      %slice3A_1186 = vector.extract_strided_slice %dot_general3A_1182 {offsets = [0, 0], sizes = [16, 128], strides = [1, 1]} : vector<16x256xf32> to vector<16x128xf32>
      %add3A_1187 = arith.addf %slice3A_1185, %slice3A_1186 : vector<16x128xf32>
      %logistic3A_1188 = arith.negf %add3A_1187 : vector<16x128xf32>
      %logistic3A_1189 = math.exp %logistic3A_1188 : vector<16x128xf32>
      %logistic3A_1190 = arith.constant 1.000000e+00 : f32
      %logistic3A_1191 = vector.broadcast %logistic3A_1190 : f32 to vector<16x128xf32>
      %logistic3A_1192 = arith.addf %logistic3A_1191, %logistic3A_1189 : vector<16x128xf32>
      %logistic3A_1193 = arith.divf %logistic3A_1191, %logistic3A_1192 : vector<16x128xf32>
      %slice3A_1194 = vector.extract_strided_slice %get3A_1179 {offsets = [0, 128], sizes = [16, 128], strides = [1, 1]} : vector<16x384xf32> to vector<16x128xf32>
      %slice3A_1195 = vector.extract_strided_slice %dot_general3A_1182 {offsets = [0, 128], sizes = [16, 128], strides = [1, 1]} : vector<16x256xf32> to vector<16x128xf32>
      %add3A_1196 = arith.addf %slice3A_1194, %slice3A_1195 : vector<16x128xf32>
      %logistic3A_1197 = arith.negf %add3A_1196 : vector<16x128xf32>
      %logistic3A_1198 = math.exp %logistic3A_1197 : vector<16x128xf32>
      %logistic3A_1199 = arith.constant 1.000000e+00 : f32
      %logistic3A_1200 = vector.broadcast %logistic3A_1199 : f32 to vector<16x128xf32>
      %logistic3A_1201 = arith.addf %logistic3A_1200, %logistic3A_1198 : vector<16x128xf32>
      %logistic3A_1202 = arith.divf %logistic3A_1200, %logistic3A_1201 : vector<16x128xf32>
      %slice3A_1203 = vector.extract_strided_slice %get3A_1179 {offsets = [0, 256], sizes = [16, 128], strides = [1, 1]} : vector<16x384xf32> to vector<16x128xf32>
      %add3A_1204 = vector.broadcast %slice3A_16 : vector<1x128xf32> to vector<16x128xf32>
      %add3A_1205 = arith.addf %dot_general3A_1184, %add3A_1204 : vector<16x128xf32>
      %mul3A_1206 = arith.mulf %logistic3A_1193, %add3A_1205 : vector<16x128xf32>
      %add3A_1207 = arith.addf %slice3A_1203, %mul3A_1206 : vector<16x128xf32>
      %tanh3A_1208 = math.tanh %add3A_1207 : vector<16x128xf32>
      %sub3A_1209 = arith.subf %add3A_1164, %tanh3A_1208 : vector<16x128xf32>
      %mul3A_1210 = arith.mulf %logistic3A_1202, %sub3A_1209 : vector<16x128xf32>
      %add3A_1211 = arith.addf %tanh3A_1208, %mul3A_1210 : vector<16x128xf32>
      %add3A_1212 = arith.constant 64 : i32
      %add3A_1213 = arith.addi %add3A_1212, %scan3A_1174 : i32
      %swap3A_1214 = arith.index_cast %add3A_1213 : i32 to index
      %swap3A_1215 = arith.constant 0 : index
      %swap3A_1216 = arith.constant 0 : index
      %swap3A_1217 = vector.load %arg25[%swap3A_1214, %swap3A_1215, %swap3A_1216] : memref<256x16x128xf32, #tpu.memory_space<vmem>>, vector<1x16x128xf32>
      %swap3A_1218 = vector.shape_cast %swap3A_1217 : vector<1x16x128xf32> to vector<16x128xf32>
      %swap3A_1219 = vector.shape_cast %add3A_1211 : vector<16x128xf32> to vector<1x16x128xf32>
      tpu.vector_store %arg25[%swap3A_1214, %swap3A_1215, %swap3A_1216], %swap3A_1219 {strides = array<i32>} : memref<256x16x128xf32, #tpu.memory_space<vmem>>, vector<1x16x128xf32>,
      %scan3A_1220 = arith.constant 4 : i32
      %scan3A_1221 = arith.addi %scan3A_1032, %scan3A_1220 : i32
      %get3A_1222 = arith.index_cast %scan3A_1221 : i32 to index
      %get3A_1223 = arith.constant 0 : index
      %get3A_1224 = arith.constant 0 : index
      %get3A_1225 = vector.load %arg26[%get3A_1222, %get3A_1223, %get3A_1224] : memref<64x16x384xf32, #tpu.memory_space<vmem>>, vector<1x16x384xf32>
      %get3A_1226 = vector.shape_cast %get3A_1225 : vector<1x16x384xf32> to vector<16x384xf32>
      %convert_element_type3A_1227 = arith.truncf %add3A_1211 : vector<16x128xf32> to vector<16x128xbf16>
      %dot_general3A_1228 = arith.constant dense<0.000000e+00> : vector<16x256xf32>
      %dot_general3A_1229 = tpu.matmul %convert_element_type3A_1227, %slice3A, %dot_general3A_1228 {dimension_numbers = #tpu.dot_dimension_numbers<[1], [0], [0], [1], [0, 0, 1, 1], [], []>, transpose_lhs_hint = false} : vector<16x128xbf16>, vector<128x256xbf16>, vector<16x256xf32> -> vector<16x256xf32>
      %dot_general3A_1230 = arith.constant dense<0.000000e+00> : vector<16x128xf32>
      %dot_general3A_1231 = tpu.matmul %convert_element_type3A_1227, %slice3A_7, %dot_general3A_1230 {dimension_numbers = #tpu.dot_dimension_numbers<[1], [0], [0], [1], [0, 0, 1, 1], [], []>, transpose_lhs_hint = false} : vector<16x128xbf16>, vector<128x128xbf16>, vector<16x128xf32> -> vector<16x128xf32>
      %slice3A_1232 = vector.extract_strided_slice %get3A_1226 {offsets = [0, 0], sizes = [16, 128], strides = [1, 1]} : vector<16x384xf32> to vector<16x128xf32>
      %slice3A_1233 = vector.extract_strided_slice %dot_general3A_1229 {offsets = [0, 0], sizes = [16, 128], strides = [1, 1]} : vector<16x256xf32> to vector<16x128xf32>
      %add3A_1234 = arith.addf %slice3A_1232, %slice3A_1233 : vector<16x128xf32>
      %logistic3A_1235 = arith.negf %add3A_1234 : vector<16x128xf32>
      %logistic3A_1236 = math.exp %logistic3A_1235 : vector<16x128xf32>
      %logistic3A_1237 = arith.constant 1.000000e+00 : f32
      %logistic3A_1238 = vector.broadcast %logistic3A_1237 : f32 to vector<16x128xf32>
      %logistic3A_1239 = arith.addf %logistic3A_1238, %logistic3A_1236 : vector<16x128xf32>
      %logistic3A_1240 = arith.divf %logistic3A_1238, %logistic3A_1239 : vector<16x128xf32>
      %slice3A_1241 = vector.extract_strided_slice %get3A_1226 {offsets = [0, 128], sizes = [16, 128], strides = [1, 1]} : vector<16x384xf32> to vector<16x128xf32>
      %slice3A_1242 = vector.extract_strided_slice %dot_general3A_1229 {offsets = [0, 128], sizes = [16, 128], strides = [1, 1]} : vector<16x256xf32> to vector<16x128xf32>
      %add3A_1243 = arith.addf %slice3A_1241, %slice3A_1242 : vector<16x128xf32>
      %logistic3A_1244 = arith.negf %add3A_1243 : vector<16x128xf32>
      %logistic3A_1245 = math.exp %logistic3A_1244 : vector<16x128xf32>
      %logistic3A_1246 = arith.constant 1.000000e+00 : f32
      %logistic3A_1247 = vector.broadcast %logistic3A_1246 : f32 to vector<16x128xf32>
      %logistic3A_1248 = arith.addf %logistic3A_1247, %logistic3A_1245 : vector<16x128xf32>
      %logistic3A_1249 = arith.divf %logistic3A_1247, %logistic3A_1248 : vector<16x128xf32>
      %slice3A_1250 = vector.extract_strided_slice %get3A_1226 {offsets = [0, 256], sizes = [16, 128], strides = [1, 1]} : vector<16x384xf32> to vector<16x128xf32>
      %add3A_1251 = vector.broadcast %slice3A_16 : vector<1x128xf32> to vector<16x128xf32>
      %add3A_1252 = arith.addf %dot_general3A_1231, %add3A_1251 : vector<16x128xf32>
      %mul3A_1253 = arith.mulf %logistic3A_1240, %add3A_1252 : vector<16x128xf32>
      %add3A_1254 = arith.addf %slice3A_1250, %mul3A_1253 : vector<16x128xf32>
      %tanh3A_1255 = math.tanh %add3A_1254 : vector<16x128xf32>
      %sub3A_1256 = arith.subf %add3A_1211, %tanh3A_1255 : vector<16x128xf32>
      %mul3A_1257 = arith.mulf %logistic3A_1249, %sub3A_1256 : vector<16x128xf32>
      %add3A_1258 = arith.addf %tanh3A_1255, %mul3A_1257 : vector<16x128xf32>
      %add3A_1259 = arith.constant 64 : i32
      %add3A_1260 = arith.addi %add3A_1259, %scan3A_1221 : i32
      %swap3A_1261 = arith.index_cast %add3A_1260 : i32 to index
      %swap3A_1262 = arith.constant 0 : index
      %swap3A_1263 = arith.constant 0 : index
      %swap3A_1264 = vector.load %arg25[%swap3A_1261, %swap3A_1262, %swap3A_1263] : memref<256x16x128xf32, #tpu.memory_space<vmem>>, vector<1x16x128xf32>
      %swap3A_1265 = vector.shape_cast %swap3A_1264 : vector<1x16x128xf32> to vector<16x128xf32>
      %swap3A_1266 = vector.shape_cast %add3A_1258 : vector<16x128xf32> to vector<1x16x128xf32>
      tpu.vector_store %arg25[%swap3A_1261, %swap3A_1262, %swap3A_1263], %swap3A_1266 {strides = array<i32>} : memref<256x16x128xf32, #tpu.memory_space<vmem>>, vector<1x16x128xf32>,
      %scan3A_1267 = arith.constant 5 : i32
      %scan3A_1268 = arith.addi %scan3A_1032, %scan3A_1267 : i32
      %get3A_1269 = arith.index_cast %scan3A_1268 : i32 to index
      %get3A_1270 = arith.constant 0 : index
      %get3A_1271 = arith.constant 0 : index
      %get3A_1272 = vector.load %arg26[%get3A_1269, %get3A_1270, %get3A_1271] : memref<64x16x384xf32, #tpu.memory_space<vmem>>, vector<1x16x384xf32>
      %get3A_1273 = vector.shape_cast %get3A_1272 : vector<1x16x384xf32> to vector<16x384xf32>
      %convert_element_type3A_1274 = arith.truncf %add3A_1258 : vector<16x128xf32> to vector<16x128xbf16>
      %dot_general3A_1275 = arith.constant dense<0.000000e+00> : vector<16x256xf32>
      %dot_general3A_1276 = tpu.matmul %convert_element_type3A_1274, %slice3A, %dot_general3A_1275 {dimension_numbers = #tpu.dot_dimension_numbers<[1], [0], [0], [1], [0, 0, 1, 1], [], []>, transpose_lhs_hint = false} : vector<16x128xbf16>, vector<128x256xbf16>, vector<16x256xf32> -> vector<16x256xf32>
      %dot_general3A_1277 = arith.constant dense<0.000000e+00> : vector<16x128xf32>
      %dot_general3A_1278 = tpu.matmul %convert_element_type3A_1274, %slice3A_7, %dot_general3A_1277 {dimension_numbers = #tpu.dot_dimension_numbers<[1], [0], [0], [1], [0, 0, 1, 1], [], []>, transpose_lhs_hint = false} : vector<16x128xbf16>, vector<128x128xbf16>, vector<16x128xf32> -> vector<16x128xf32>
      %slice3A_1279 = vector.extract_strided_slice %get3A_1273 {offsets = [0, 0], sizes = [16, 128], strides = [1, 1]} : vector<16x384xf32> to vector<16x128xf32>
      %slice3A_1280 = vector.extract_strided_slice %dot_general3A_1276 {offsets = [0, 0], sizes = [16, 128], strides = [1, 1]} : vector<16x256xf32> to vector<16x128xf32>
      %add3A_1281 = arith.addf %slice3A_1279, %slice3A_1280 : vector<16x128xf32>
      %logistic3A_1282 = arith.negf %add3A_1281 : vector<16x128xf32>
      %logistic3A_1283 = math.exp %logistic3A_1282 : vector<16x128xf32>
      %logistic3A_1284 = arith.constant 1.000000e+00 : f32
      %logistic3A_1285 = vector.broadcast %logistic3A_1284 : f32 to vector<16x128xf32>
      %logistic3A_1286 = arith.addf %logistic3A_1285, %logistic3A_1283 : vector<16x128xf32>
      %logistic3A_1287 = arith.divf %logistic3A_1285, %logistic3A_1286 : vector<16x128xf32>
      %slice3A_1288 = vector.extract_strided_slice %get3A_1273 {offsets = [0, 128], sizes = [16, 128], strides = [1, 1]} : vector<16x384xf32> to vector<16x128xf32>
      %slice3A_1289 = vector.extract_strided_slice %dot_general3A_1276 {offsets = [0, 128], sizes = [16, 128], strides = [1, 1]} : vector<16x256xf32> to vector<16x128xf32>
      %add3A_1290 = arith.addf %slice3A_1288, %slice3A_1289 : vector<16x128xf32>
      %logistic3A_1291 = arith.negf %add3A_1290 : vector<16x128xf32>
      %logistic3A_1292 = math.exp %logistic3A_1291 : vector<16x128xf32>
      %logistic3A_1293 = arith.constant 1.000000e+00 : f32
      %logistic3A_1294 = vector.broadcast %logistic3A_1293 : f32 to vector<16x128xf32>
      %logistic3A_1295 = arith.addf %logistic3A_1294, %logistic3A_1292 : vector<16x128xf32>
      %logistic3A_1296 = arith.divf %logistic3A_1294, %logistic3A_1295 : vector<16x128xf32>
      %slice3A_1297 = vector.extract_strided_slice %get3A_1273 {offsets = [0, 256], sizes = [16, 128], strides = [1, 1]} : vector<16x384xf32> to vector<16x128xf32>
      %add3A_1298 = vector.broadcast %slice3A_16 : vector<1x128xf32> to vector<16x128xf32>
      %add3A_1299 = arith.addf %dot_general3A_1278, %add3A_1298 : vector<16x128xf32>
      %mul3A_1300 = arith.mulf %logistic3A_1287, %add3A_1299 : vector<16x128xf32>
      %add3A_1301 = arith.addf %slice3A_1297, %mul3A_1300 : vector<16x128xf32>
      %tanh3A_1302 = math.tanh %add3A_1301 : vector<16x128xf32>
      %sub3A_1303 = arith.subf %add3A_1258, %tanh3A_1302 : vector<16x128xf32>
      %mul3A_1304 = arith.mulf %logistic3A_1296, %sub3A_1303 : vector<16x128xf32>
      %add3A_1305 = arith.addf %tanh3A_1302, %mul3A_1304 : vector<16x128xf32>
      %add3A_1306 = arith.constant 64 : i32
      %add3A_1307 = arith.addi %add3A_1306, %scan3A_1268 : i32
      %swap3A_1308 = arith.index_cast %add3A_1307 : i32 to index
      %swap3A_1309 = arith.constant 0 : index
      %swap3A_1310 = arith.constant 0 : index
      %swap3A_1311 = vector.load %arg25[%swap3A_1308, %swap3A_1309, %swap3A_1310] : memref<256x16x128xf32, #tpu.memory_space<vmem>>, vector<1x16x128xf32>
      %swap3A_1312 = vector.shape_cast %swap3A_1311 : vector<1x16x128xf32> to vector<16x128xf32>
      %swap3A_1313 = vector.shape_cast %add3A_1305 : vector<16x128xf32> to vector<1x16x128xf32>
      tpu.vector_store %arg25[%swap3A_1308, %swap3A_1309, %swap3A_1310], %swap3A_1313 {strides = array<i32>} : memref<256x16x128xf32, #tpu.memory_space<vmem>>, vector<1x16x128xf32>,
      %scan3A_1314 = arith.constant 6 : i32
      %scan3A_1315 = arith.addi %scan3A_1032, %scan3A_1314 : i32
      %get3A_1316 = arith.index_cast %scan3A_1315 : i32 to index
      %get3A_1317 = arith.constant 0 : index
      %get3A_1318 = arith.constant 0 : index
      %get3A_1319 = vector.load %arg26[%get3A_1316, %get3A_1317, %get3A_1318] : memref<64x16x384xf32, #tpu.memory_space<vmem>>, vector<1x16x384xf32>
      %get3A_1320 = vector.shape_cast %get3A_1319 : vector<1x16x384xf32> to vector<16x384xf32>
      %convert_element_type3A_1321 = arith.truncf %add3A_1305 : vector<16x128xf32> to vector<16x128xbf16>
      %dot_general3A_1322 = arith.constant dense<0.000000e+00> : vector<16x256xf32>
      %dot_general3A_1323 = tpu.matmul %convert_element_type3A_1321, %slice3A, %dot_general3A_1322 {dimension_numbers = #tpu.dot_dimension_numbers<[1], [0], [0], [1], [0, 0, 1, 1], [], []>, transpose_lhs_hint = false} : vector<16x128xbf16>, vector<128x256xbf16>, vector<16x256xf32> -> vector<16x256xf32>
      %dot_general3A_1324 = arith.constant dense<0.000000e+00> : vector<16x128xf32>
      %dot_general3A_1325 = tpu.matmul %convert_element_type3A_1321, %slice3A_7, %dot_general3A_1324 {dimension_numbers = #tpu.dot_dimension_numbers<[1], [0], [0], [1], [0, 0, 1, 1], [], []>, transpose_lhs_hint = false} : vector<16x128xbf16>, vector<128x128xbf16>, vector<16x128xf32> -> vector<16x128xf32>
      %slice3A_1326 = vector.extract_strided_slice %get3A_1320 {offsets = [0, 0], sizes = [16, 128], strides = [1, 1]} : vector<16x384xf32> to vector<16x128xf32>
      %slice3A_1327 = vector.extract_strided_slice %dot_general3A_1323 {offsets = [0, 0], sizes = [16, 128], strides = [1, 1]} : vector<16x256xf32> to vector<16x128xf32>
      %add3A_1328 = arith.addf %slice3A_1326, %slice3A_1327 : vector<16x128xf32>
      %logistic3A_1329 = arith.negf %add3A_1328 : vector<16x128xf32>
      %logistic3A_1330 = math.exp %logistic3A_1329 : vector<16x128xf32>
      %logistic3A_1331 = arith.constant 1.000000e+00 : f32
      %logistic3A_1332 = vector.broadcast %logistic3A_1331 : f32 to vector<16x128xf32>
      %logistic3A_1333 = arith.addf %logistic3A_1332, %logistic3A_1330 : vector<16x128xf32>
      %logistic3A_1334 = arith.divf %logistic3A_1332, %logistic3A_1333 : vector<16x128xf32>
      %slice3A_1335 = vector.extract_strided_slice %get3A_1320 {offsets = [0, 128], sizes = [16, 128], strides = [1, 1]} : vector<16x384xf32> to vector<16x128xf32>
      %slice3A_1336 = vector.extract_strided_slice %dot_general3A_1323 {offsets = [0, 128], sizes = [16, 128], strides = [1, 1]} : vector<16x256xf32> to vector<16x128xf32>
      %add3A_1337 = arith.addf %slice3A_1335, %slice3A_1336 : vector<16x128xf32>
      %logistic3A_1338 = arith.negf %add3A_1337 : vector<16x128xf32>
      %logistic3A_1339 = math.exp %logistic3A_1338 : vector<16x128xf32>
      %logistic3A_1340 = arith.constant 1.000000e+00 : f32
      %logistic3A_1341 = vector.broadcast %logistic3A_1340 : f32 to vector<16x128xf32>
      %logistic3A_1342 = arith.addf %logistic3A_1341, %logistic3A_1339 : vector<16x128xf32>
      %logistic3A_1343 = arith.divf %logistic3A_1341, %logistic3A_1342 : vector<16x128xf32>
      %slice3A_1344 = vector.extract_strided_slice %get3A_1320 {offsets = [0, 256], sizes = [16, 128], strides = [1, 1]} : vector<16x384xf32> to vector<16x128xf32>
      %add3A_1345 = vector.broadcast %slice3A_16 : vector<1x128xf32> to vector<16x128xf32>
      %add3A_1346 = arith.addf %dot_general3A_1325, %add3A_1345 : vector<16x128xf32>
      %mul3A_1347 = arith.mulf %logistic3A_1334, %add3A_1346 : vector<16x128xf32>
      %add3A_1348 = arith.addf %slice3A_1344, %mul3A_1347 : vector<16x128xf32>
      %tanh3A_1349 = math.tanh %add3A_1348 : vector<16x128xf32>
      %sub3A_1350 = arith.subf %add3A_1305, %tanh3A_1349 : vector<16x128xf32>
      %mul3A_1351 = arith.mulf %logistic3A_1343, %sub3A_1350 : vector<16x128xf32>
      %add3A_1352 = arith.addf %tanh3A_1349, %mul3A_1351 : vector<16x128xf32>
      %add3A_1353 = arith.constant 64 : i32
      %add3A_1354 = arith.addi %add3A_1353, %scan3A_1315 : i32
      %swap3A_1355 = arith.index_cast %add3A_1354 : i32 to index
      %swap3A_1356 = arith.constant 0 : index
      %swap3A_1357 = arith.constant 0 : index
      %swap3A_1358 = vector.load %arg25[%swap3A_1355, %swap3A_1356, %swap3A_1357] : memref<256x16x128xf32, #tpu.memory_space<vmem>>, vector<1x16x128xf32>
      %swap3A_1359 = vector.shape_cast %swap3A_1358 : vector<1x16x128xf32> to vector<16x128xf32>
      %swap3A_1360 = vector.shape_cast %add3A_1352 : vector<16x128xf32> to vector<1x16x128xf32>
      tpu.vector_store %arg25[%swap3A_1355, %swap3A_1356, %swap3A_1357], %swap3A_1360 {strides = array<i32>} : memref<256x16x128xf32, #tpu.memory_space<vmem>>, vector<1x16x128xf32>,
      %scan3A_1361 = arith.constant 7 : i32
      %scan3A_1362 = arith.addi %scan3A_1032, %scan3A_1361 : i32
      %get3A_1363 = arith.index_cast %scan3A_1362 : i32 to index
      %get3A_1364 = arith.constant 0 : index
      %get3A_1365 = arith.constant 0 : index
      %get3A_1366 = vector.load %arg26[%get3A_1363, %get3A_1364, %get3A_1365] : memref<64x16x384xf32, #tpu.memory_space<vmem>>, vector<1x16x384xf32>
      %get3A_1367 = vector.shape_cast %get3A_1366 : vector<1x16x384xf32> to vector<16x384xf32>
      %convert_element_type3A_1368 = arith.truncf %add3A_1352 : vector<16x128xf32> to vector<16x128xbf16>
      %dot_general3A_1369 = arith.constant dense<0.000000e+00> : vector<16x256xf32>
      %dot_general3A_1370 = tpu.matmul %convert_element_type3A_1368, %slice3A, %dot_general3A_1369 {dimension_numbers = #tpu.dot_dimension_numbers<[1], [0], [0], [1], [0, 0, 1, 1], [], []>, transpose_lhs_hint = false} : vector<16x128xbf16>, vector<128x256xbf16>, vector<16x256xf32> -> vector<16x256xf32>
      %dot_general3A_1371 = arith.constant dense<0.000000e+00> : vector<16x128xf32>
      %dot_general3A_1372 = tpu.matmul %convert_element_type3A_1368, %slice3A_7, %dot_general3A_1371 {dimension_numbers = #tpu.dot_dimension_numbers<[1], [0], [0], [1], [0, 0, 1, 1], [], []>, transpose_lhs_hint = false} : vector<16x128xbf16>, vector<128x128xbf16>, vector<16x128xf32> -> vector<16x128xf32>
      %slice3A_1373 = vector.extract_strided_slice %get3A_1367 {offsets = [0, 0], sizes = [16, 128], strides = [1, 1]} : vector<16x384xf32> to vector<16x128xf32>
      %slice3A_1374 = vector.extract_strided_slice %dot_general3A_1370 {offsets = [0, 0], sizes = [16, 128], strides = [1, 1]} : vector<16x256xf32> to vector<16x128xf32>
      %add3A_1375 = arith.addf %slice3A_1373, %slice3A_1374 : vector<16x128xf32>
      %logistic3A_1376 = arith.negf %add3A_1375 : vector<16x128xf32>
      %logistic3A_1377 = math.exp %logistic3A_1376 : vector<16x128xf32>
      %logistic3A_1378 = arith.constant 1.000000e+00 : f32
      %logistic3A_1379 = vector.broadcast %logistic3A_1378 : f32 to vector<16x128xf32>
      %logistic3A_1380 = arith.addf %logistic3A_1379, %logistic3A_1377 : vector<16x128xf32>
      %logistic3A_1381 = arith.divf %logistic3A_1379, %logistic3A_1380 : vector<16x128xf32>
      %slice3A_1382 = vector.extract_strided_slice %get3A_1367 {offsets = [0, 128], sizes = [16, 128], strides = [1, 1]} : vector<16x384xf32> to vector<16x128xf32>
      %slice3A_1383 = vector.extract_strided_slice %dot_general3A_1370 {offsets = [0, 128], sizes = [16, 128], strides = [1, 1]} : vector<16x256xf32> to vector<16x128xf32>
      %add3A_1384 = arith.addf %slice3A_1382, %slice3A_1383 : vector<16x128xf32>
      %logistic3A_1385 = arith.negf %add3A_1384 : vector<16x128xf32>
      %logistic3A_1386 = math.exp %logistic3A_1385 : vector<16x128xf32>
      %logistic3A_1387 = arith.constant 1.000000e+00 : f32
      %logistic3A_1388 = vector.broadcast %logistic3A_1387 : f32 to vector<16x128xf32>
      %logistic3A_1389 = arith.addf %logistic3A_1388, %logistic3A_1386 : vector<16x128xf32>
      %logistic3A_1390 = arith.divf %logistic3A_1388, %logistic3A_1389 : vector<16x128xf32>
      %slice3A_1391 = vector.extract_strided_slice %get3A_1367 {offsets = [0, 256], sizes = [16, 128], strides = [1, 1]} : vector<16x384xf32> to vector<16x128xf32>
      %add3A_1392 = vector.broadcast %slice3A_16 : vector<1x128xf32> to vector<16x128xf32>
      %add3A_1393 = arith.addf %dot_general3A_1372, %add3A_1392 : vector<16x128xf32>
      %mul3A_1394 = arith.mulf %logistic3A_1381, %add3A_1393 : vector<16x128xf32>
      %add3A_1395 = arith.addf %slice3A_1391, %mul3A_1394 : vector<16x128xf32>
      %tanh3A_1396 = math.tanh %add3A_1395 : vector<16x128xf32>
      %sub3A_1397 = arith.subf %add3A_1352, %tanh3A_1396 : vector<16x128xf32>
      %mul3A_1398 = arith.mulf %logistic3A_1390, %sub3A_1397 : vector<16x128xf32>
      %add3A_1399 = arith.addf %tanh3A_1396, %mul3A_1398 : vector<16x128xf32>
      %add3A_1400 = arith.constant 64 : i32
      %add3A_1401 = arith.addi %add3A_1400, %scan3A_1362 : i32
      %swap3A_1402 = arith.index_cast %add3A_1401 : i32 to index
      %swap3A_1403 = arith.constant 0 : index
      %swap3A_1404 = arith.constant 0 : index
      %swap3A_1405 = vector.load %arg25[%swap3A_1402, %swap3A_1403, %swap3A_1404] : memref<256x16x128xf32, #tpu.memory_space<vmem>>, vector<1x16x128xf32>
      %swap3A_1406 = vector.shape_cast %swap3A_1405 : vector<1x16x128xf32> to vector<16x128xf32>
      %swap3A_1407 = vector.shape_cast %add3A_1399 : vector<16x128xf32> to vector<1x16x128xf32>
      tpu.vector_store %arg25[%swap3A_1402, %swap3A_1403, %swap3A_1404], %swap3A_1407 {strides = array<i32>} : memref<256x16x128xf32, #tpu.memory_space<vmem>>, vector<1x16x128xf32>,
      scf.yield %add3A_1399 : vector<16x128xf32>
    }
    %scan3A_59 = arith.constant 64 : i32
    %get3A_60 = arith.constant 128 : index
    %get3A_61 = arith.constant 0 : index
    %get3A_62 = arith.constant 0 : index
    %get3A_63 = vector.load %arg0[%get3A_60, %get3A_61, %get3A_62] : memref<256x16x128xf32, #tpu.memory_space<vmem>>, vector<64x16x128xf32>
    %reshape3A_64 = vector.shape_cast %get3A_63 : vector<64x16x128xf32> to vector<1024x128xf32>
    %convert_element_type3A_65 = arith.truncf %reshape3A_64 : vector<1024x128xf32> to vector<1024x128xbf16>
    %dot_general3A_66 = arith.constant dense<0.000000e+00> : vector<1024x384xf32>
    %dot_general3A_67 = tpu.matmul %convert_element_type3A_65, %convert_element_type3A_17, %dot_general3A_66 {dimension_numbers = #tpu.dot_dimension_numbers<[1], [0], [0], [1], [0, 0, 1, 1], [], []>, transpose_lhs_hint = false} : vector<1024x128xbf16>, vector<128x384xbf16>, vector<1024x384xf32> -> vector<1024x384xf32>
    %add3A_68 = vector.broadcast %concatenate3A : vector<1x384xf32> to vector<1024x384xf32>
    %add3A_69 = arith.addf %dot_general3A_67, %add3A_68 : vector<1024x384xf32>
    %reshape3A_70 = vector.shape_cast %add3A_69 : vector<1024x384xf32> to vector<64x16x384xf32>
    %swap3A_71 = arith.constant 0 : index
    %swap3A_72 = arith.constant 0 : index
    %swap3A_73 = arith.constant 0 : index
    %swap3A_74 = vector.load %arg26[%swap3A_71, %swap3A_72, %swap3A_73] : memref<64x16x384xf32, #tpu.memory_space<vmem>>, vector<64x16x384xf32>
    tpu.vector_store %arg26[%swap3A_71, %swap3A_72, %swap3A_73], %reshape3A_70 {strides = array<i32>} : memref<64x16x384xf32, #tpu.memory_space<vmem>>, vector<64x16x384xf32>,
    %scan3A_75 = arith.constant 0 : i32
    %scan3A_76 = arith.constant 64 : i32
    %scan3A_77 = arith.addi %scan3A_75, %scan3A_76 : i32
    %scan3A_78 = arith.constant 8 : i32
    %scan3A_79 = scf.for %scan3A_1032 = %scan3A_75 to %scan3A_77 step %scan3A_78 iter_args(%scan3A_1033 = %scan3A_58) -> (vector<16x128xf32>)  : i32 {
      %get3A_1034 = arith.index_cast %scan3A_1032 : i32 to index
      %get3A_1035 = arith.constant 0 : index
      %get3A_1036 = arith.constant 0 : index
      %get3A_1037 = vector.load %arg26[%get3A_1034, %get3A_1035, %get3A_1036] : memref<64x16x384xf32, #tpu.memory_space<vmem>>, vector<1x16x384xf32>
      %get3A_1038 = vector.shape_cast %get3A_1037 : vector<1x16x384xf32> to vector<16x384xf32>
      %convert_element_type3A_1039 = arith.truncf %scan3A_1033 : vector<16x128xf32> to vector<16x128xbf16>
      %dot_general3A_1040 = arith.constant dense<0.000000e+00> : vector<16x256xf32>
      %dot_general3A_1041 = tpu.matmul %convert_element_type3A_1039, %slice3A, %dot_general3A_1040 {dimension_numbers = #tpu.dot_dimension_numbers<[1], [0], [0], [1], [0, 0, 1, 1], [], []>, transpose_lhs_hint = false} : vector<16x128xbf16>, vector<128x256xbf16>, vector<16x256xf32> -> vector<16x256xf32>
      %dot_general3A_1042 = arith.constant dense<0.000000e+00> : vector<16x128xf32>
      %dot_general3A_1043 = tpu.matmul %convert_element_type3A_1039, %slice3A_7, %dot_general3A_1042 {dimension_numbers = #tpu.dot_dimension_numbers<[1], [0], [0], [1], [0, 0, 1, 1], [], []>, transpose_lhs_hint = false} : vector<16x128xbf16>, vector<128x128xbf16>, vector<16x128xf32> -> vector<16x128xf32>
      %slice3A_1044 = vector.extract_strided_slice %get3A_1038 {offsets = [0, 0], sizes = [16, 128], strides = [1, 1]} : vector<16x384xf32> to vector<16x128xf32>
      %slice3A_1045 = vector.extract_strided_slice %dot_general3A_1041 {offsets = [0, 0], sizes = [16, 128], strides = [1, 1]} : vector<16x256xf32> to vector<16x128xf32>
      %add3A_1046 = arith.addf %slice3A_1044, %slice3A_1045 : vector<16x128xf32>
      %logistic3A_1047 = arith.negf %add3A_1046 : vector<16x128xf32>
      %logistic3A_1048 = math.exp %logistic3A_1047 : vector<16x128xf32>
      %logistic3A_1049 = arith.constant 1.000000e+00 : f32
      %logistic3A_1050 = vector.broadcast %logistic3A_1049 : f32 to vector<16x128xf32>
      %logistic3A_1051 = arith.addf %logistic3A_1050, %logistic3A_1048 : vector<16x128xf32>
      %logistic3A_1052 = arith.divf %logistic3A_1050, %logistic3A_1051 : vector<16x128xf32>
      %slice3A_1053 = vector.extract_strided_slice %get3A_1038 {offsets = [0, 128], sizes = [16, 128], strides = [1, 1]} : vector<16x384xf32> to vector<16x128xf32>
      %slice3A_1054 = vector.extract_strided_slice %dot_general3A_1041 {offsets = [0, 128], sizes = [16, 128], strides = [1, 1]} : vector<16x256xf32> to vector<16x128xf32>
      %add3A_1055 = arith.addf %slice3A_1053, %slice3A_1054 : vector<16x128xf32>
      %logistic3A_1056 = arith.negf %add3A_1055 : vector<16x128xf32>
      %logistic3A_1057 = math.exp %logistic3A_1056 : vector<16x128xf32>
      %logistic3A_1058 = arith.constant 1.000000e+00 : f32
      %logistic3A_1059 = vector.broadcast %logistic3A_1058 : f32 to vector<16x128xf32>
      %logistic3A_1060 = arith.addf %logistic3A_1059, %logistic3A_1057 : vector<16x128xf32>
      %logistic3A_1061 = arith.divf %logistic3A_1059, %logistic3A_1060 : vector<16x128xf32>
      %slice3A_1062 = vector.extract_strided_slice %get3A_1038 {offsets = [0, 256], sizes = [16, 128], strides = [1, 1]} : vector<16x384xf32> to vector<16x128xf32>
      %add3A_1063 = vector.broadcast %slice3A_16 : vector<1x128xf32> to vector<16x128xf32>
      %add3A_1064 = arith.addf %dot_general3A_1043, %add3A_1063 : vector<16x128xf32>
      %mul3A_1065 = arith.mulf %logistic3A_1052, %add3A_1064 : vector<16x128xf32>
      %add3A_1066 = arith.addf %slice3A_1062, %mul3A_1065 : vector<16x128xf32>
      %tanh3A_1067 = math.tanh %add3A_1066 : vector<16x128xf32>
      %sub3A_1068 = arith.subf %scan3A_1033, %tanh3A_1067 : vector<16x128xf32>
      %mul3A_1069 = arith.mulf %logistic3A_1061, %sub3A_1068 : vector<16x128xf32>
      %add3A_1070 = arith.addf %tanh3A_1067, %mul3A_1069 : vector<16x128xf32>
      %add3A_1071 = arith.constant 128 : i32
      %add3A_1072 = arith.addi %add3A_1071, %scan3A_1032 : i32
      %swap3A_1073 = arith.index_cast %add3A_1072 : i32 to index
      %swap3A_1074 = arith.constant 0 : index
      %swap3A_1075 = arith.constant 0 : index
      %swap3A_1076 = vector.load %arg25[%swap3A_1073, %swap3A_1074, %swap3A_1075] : memref<256x16x128xf32, #tpu.memory_space<vmem>>, vector<1x16x128xf32>
      %swap3A_1077 = vector.shape_cast %swap3A_1076 : vector<1x16x128xf32> to vector<16x128xf32>
      %swap3A_1078 = vector.shape_cast %add3A_1070 : vector<16x128xf32> to vector<1x16x128xf32>
      tpu.vector_store %arg25[%swap3A_1073, %swap3A_1074, %swap3A_1075], %swap3A_1078 {strides = array<i32>} : memref<256x16x128xf32, #tpu.memory_space<vmem>>, vector<1x16x128xf32>,
      %scan3A_1079 = arith.constant 1 : i32
      %scan3A_1080 = arith.addi %scan3A_1032, %scan3A_1079 : i32
      %get3A_1081 = arith.index_cast %scan3A_1080 : i32 to index
      %get3A_1082 = arith.constant 0 : index
      %get3A_1083 = arith.constant 0 : index
      %get3A_1084 = vector.load %arg26[%get3A_1081, %get3A_1082, %get3A_1083] : memref<64x16x384xf32, #tpu.memory_space<vmem>>, vector<1x16x384xf32>
      %get3A_1085 = vector.shape_cast %get3A_1084 : vector<1x16x384xf32> to vector<16x384xf32>
      %convert_element_type3A_1086 = arith.truncf %add3A_1070 : vector<16x128xf32> to vector<16x128xbf16>
      %dot_general3A_1087 = arith.constant dense<0.000000e+00> : vector<16x256xf32>
      %dot_general3A_1088 = tpu.matmul %convert_element_type3A_1086, %slice3A, %dot_general3A_1087 {dimension_numbers = #tpu.dot_dimension_numbers<[1], [0], [0], [1], [0, 0, 1, 1], [], []>, transpose_lhs_hint = false} : vector<16x128xbf16>, vector<128x256xbf16>, vector<16x256xf32> -> vector<16x256xf32>
      %dot_general3A_1089 = arith.constant dense<0.000000e+00> : vector<16x128xf32>
      %dot_general3A_1090 = tpu.matmul %convert_element_type3A_1086, %slice3A_7, %dot_general3A_1089 {dimension_numbers = #tpu.dot_dimension_numbers<[1], [0], [0], [1], [0, 0, 1, 1], [], []>, transpose_lhs_hint = false} : vector<16x128xbf16>, vector<128x128xbf16>, vector<16x128xf32> -> vector<16x128xf32>
      %slice3A_1091 = vector.extract_strided_slice %get3A_1085 {offsets = [0, 0], sizes = [16, 128], strides = [1, 1]} : vector<16x384xf32> to vector<16x128xf32>
      %slice3A_1092 = vector.extract_strided_slice %dot_general3A_1088 {offsets = [0, 0], sizes = [16, 128], strides = [1, 1]} : vector<16x256xf32> to vector<16x128xf32>
      %add3A_1093 = arith.addf %slice3A_1091, %slice3A_1092 : vector<16x128xf32>
      %logistic3A_1094 = arith.negf %add3A_1093 : vector<16x128xf32>
      %logistic3A_1095 = math.exp %logistic3A_1094 : vector<16x128xf32>
      %logistic3A_1096 = arith.constant 1.000000e+00 : f32
      %logistic3A_1097 = vector.broadcast %logistic3A_1096 : f32 to vector<16x128xf32>
      %logistic3A_1098 = arith.addf %logistic3A_1097, %logistic3A_1095 : vector<16x128xf32>
      %logistic3A_1099 = arith.divf %logistic3A_1097, %logistic3A_1098 : vector<16x128xf32>
      %slice3A_1100 = vector.extract_strided_slice %get3A_1085 {offsets = [0, 128], sizes = [16, 128], strides = [1, 1]} : vector<16x384xf32> to vector<16x128xf32>
      %slice3A_1101 = vector.extract_strided_slice %dot_general3A_1088 {offsets = [0, 128], sizes = [16, 128], strides = [1, 1]} : vector<16x256xf32> to vector<16x128xf32>
      %add3A_1102 = arith.addf %slice3A_1100, %slice3A_1101 : vector<16x128xf32>
      %logistic3A_1103 = arith.negf %add3A_1102 : vector<16x128xf32>
      %logistic3A_1104 = math.exp %logistic3A_1103 : vector<16x128xf32>
      %logistic3A_1105 = arith.constant 1.000000e+00 : f32
      %logistic3A_1106 = vector.broadcast %logistic3A_1105 : f32 to vector<16x128xf32>
      %logistic3A_1107 = arith.addf %logistic3A_1106, %logistic3A_1104 : vector<16x128xf32>
      %logistic3A_1108 = arith.divf %logistic3A_1106, %logistic3A_1107 : vector<16x128xf32>
      %slice3A_1109 = vector.extract_strided_slice %get3A_1085 {offsets = [0, 256], sizes = [16, 128], strides = [1, 1]} : vector<16x384xf32> to vector<16x128xf32>
      %add3A_1110 = vector.broadcast %slice3A_16 : vector<1x128xf32> to vector<16x128xf32>
      %add3A_1111 = arith.addf %dot_general3A_1090, %add3A_1110 : vector<16x128xf32>
      %mul3A_1112 = arith.mulf %logistic3A_1099, %add3A_1111 : vector<16x128xf32>
      %add3A_1113 = arith.addf %slice3A_1109, %mul3A_1112 : vector<16x128xf32>
      %tanh3A_1114 = math.tanh %add3A_1113 : vector<16x128xf32>
      %sub3A_1115 = arith.subf %add3A_1070, %tanh3A_1114 : vector<16x128xf32>
      %mul3A_1116 = arith.mulf %logistic3A_1108, %sub3A_1115 : vector<16x128xf32>
      %add3A_1117 = arith.addf %tanh3A_1114, %mul3A_1116 : vector<16x128xf32>
      %add3A_1118 = arith.constant 128 : i32
      %add3A_1119 = arith.addi %add3A_1118, %scan3A_1080 : i32
      %swap3A_1120 = arith.index_cast %add3A_1119 : i32 to index
      %swap3A_1121 = arith.constant 0 : index
      %swap3A_1122 = arith.constant 0 : index
      %swap3A_1123 = vector.load %arg25[%swap3A_1120, %swap3A_1121, %swap3A_1122] : memref<256x16x128xf32, #tpu.memory_space<vmem>>, vector<1x16x128xf32>
      %swap3A_1124 = vector.shape_cast %swap3A_1123 : vector<1x16x128xf32> to vector<16x128xf32>
      %swap3A_1125 = vector.shape_cast %add3A_1117 : vector<16x128xf32> to vector<1x16x128xf32>
      tpu.vector_store %arg25[%swap3A_1120, %swap3A_1121, %swap3A_1122], %swap3A_1125 {strides = array<i32>} : memref<256x16x128xf32, #tpu.memory_space<vmem>>, vector<1x16x128xf32>,
      %scan3A_1126 = arith.constant 2 : i32
      %scan3A_1127 = arith.addi %scan3A_1032, %scan3A_1126 : i32
      %get3A_1128 = arith.index_cast %scan3A_1127 : i32 to index
      %get3A_1129 = arith.constant 0 : index
      %get3A_1130 = arith.constant 0 : index
      %get3A_1131 = vector.load %arg26[%get3A_1128, %get3A_1129, %get3A_1130] : memref<64x16x384xf32, #tpu.memory_space<vmem>>, vector<1x16x384xf32>
      %get3A_1132 = vector.shape_cast %get3A_1131 : vector<1x16x384xf32> to vector<16x384xf32>
      %convert_element_type3A_1133 = arith.truncf %add3A_1117 : vector<16x128xf32> to vector<16x128xbf16>
      %dot_general3A_1134 = arith.constant dense<0.000000e+00> : vector<16x256xf32>
      %dot_general3A_1135 = tpu.matmul %convert_element_type3A_1133, %slice3A, %dot_general3A_1134 {dimension_numbers = #tpu.dot_dimension_numbers<[1], [0], [0], [1], [0, 0, 1, 1], [], []>, transpose_lhs_hint = false} : vector<16x128xbf16>, vector<128x256xbf16>, vector<16x256xf32> -> vector<16x256xf32>
      %dot_general3A_1136 = arith.constant dense<0.000000e+00> : vector<16x128xf32>
      %dot_general3A_1137 = tpu.matmul %convert_element_type3A_1133, %slice3A_7, %dot_general3A_1136 {dimension_numbers = #tpu.dot_dimension_numbers<[1], [0], [0], [1], [0, 0, 1, 1], [], []>, transpose_lhs_hint = false} : vector<16x128xbf16>, vector<128x128xbf16>, vector<16x128xf32> -> vector<16x128xf32>
      %slice3A_1138 = vector.extract_strided_slice %get3A_1132 {offsets = [0, 0], sizes = [16, 128], strides = [1, 1]} : vector<16x384xf32> to vector<16x128xf32>
      %slice3A_1139 = vector.extract_strided_slice %dot_general3A_1135 {offsets = [0, 0], sizes = [16, 128], strides = [1, 1]} : vector<16x256xf32> to vector<16x128xf32>
      %add3A_1140 = arith.addf %slice3A_1138, %slice3A_1139 : vector<16x128xf32>
      %logistic3A_1141 = arith.negf %add3A_1140 : vector<16x128xf32>
      %logistic3A_1142 = math.exp %logistic3A_1141 : vector<16x128xf32>
      %logistic3A_1143 = arith.constant 1.000000e+00 : f32
      %logistic3A_1144 = vector.broadcast %logistic3A_1143 : f32 to vector<16x128xf32>
      %logistic3A_1145 = arith.addf %logistic3A_1144, %logistic3A_1142 : vector<16x128xf32>
      %logistic3A_1146 = arith.divf %logistic3A_1144, %logistic3A_1145 : vector<16x128xf32>
      %slice3A_1147 = vector.extract_strided_slice %get3A_1132 {offsets = [0, 128], sizes = [16, 128], strides = [1, 1]} : vector<16x384xf32> to vector<16x128xf32>
      %slice3A_1148 = vector.extract_strided_slice %dot_general3A_1135 {offsets = [0, 128], sizes = [16, 128], strides = [1, 1]} : vector<16x256xf32> to vector<16x128xf32>
      %add3A_1149 = arith.addf %slice3A_1147, %slice3A_1148 : vector<16x128xf32>
      %logistic3A_1150 = arith.negf %add3A_1149 : vector<16x128xf32>
      %logistic3A_1151 = math.exp %logistic3A_1150 : vector<16x128xf32>
      %logistic3A_1152 = arith.constant 1.000000e+00 : f32
      %logistic3A_1153 = vector.broadcast %logistic3A_1152 : f32 to vector<16x128xf32>
      %logistic3A_1154 = arith.addf %logistic3A_1153, %logistic3A_1151 : vector<16x128xf32>
      %logistic3A_1155 = arith.divf %logistic3A_1153, %logistic3A_1154 : vector<16x128xf32>
      %slice3A_1156 = vector.extract_strided_slice %get3A_1132 {offsets = [0, 256], sizes = [16, 128], strides = [1, 1]} : vector<16x384xf32> to vector<16x128xf32>
      %add3A_1157 = vector.broadcast %slice3A_16 : vector<1x128xf32> to vector<16x128xf32>
      %add3A_1158 = arith.addf %dot_general3A_1137, %add3A_1157 : vector<16x128xf32>
      %mul3A_1159 = arith.mulf %logistic3A_1146, %add3A_1158 : vector<16x128xf32>
      %add3A_1160 = arith.addf %slice3A_1156, %mul3A_1159 : vector<16x128xf32>
      %tanh3A_1161 = math.tanh %add3A_1160 : vector<16x128xf32>
      %sub3A_1162 = arith.subf %add3A_1117, %tanh3A_1161 : vector<16x128xf32>
      %mul3A_1163 = arith.mulf %logistic3A_1155, %sub3A_1162 : vector<16x128xf32>
      %add3A_1164 = arith.addf %tanh3A_1161, %mul3A_1163 : vector<16x128xf32>
      %add3A_1165 = arith.constant 128 : i32
      %add3A_1166 = arith.addi %add3A_1165, %scan3A_1127 : i32
      %swap3A_1167 = arith.index_cast %add3A_1166 : i32 to index
      %swap3A_1168 = arith.constant 0 : index
      %swap3A_1169 = arith.constant 0 : index
      %swap3A_1170 = vector.load %arg25[%swap3A_1167, %swap3A_1168, %swap3A_1169] : memref<256x16x128xf32, #tpu.memory_space<vmem>>, vector<1x16x128xf32>
      %swap3A_1171 = vector.shape_cast %swap3A_1170 : vector<1x16x128xf32> to vector<16x128xf32>
      %swap3A_1172 = vector.shape_cast %add3A_1164 : vector<16x128xf32> to vector<1x16x128xf32>
      tpu.vector_store %arg25[%swap3A_1167, %swap3A_1168, %swap3A_1169], %swap3A_1172 {strides = array<i32>} : memref<256x16x128xf32, #tpu.memory_space<vmem>>, vector<1x16x128xf32>,
      %scan3A_1173 = arith.constant 3 : i32
      %scan3A_1174 = arith.addi %scan3A_1032, %scan3A_1173 : i32
      %get3A_1175 = arith.index_cast %scan3A_1174 : i32 to index
      %get3A_1176 = arith.constant 0 : index
      %get3A_1177 = arith.constant 0 : index
      %get3A_1178 = vector.load %arg26[%get3A_1175, %get3A_1176, %get3A_1177] : memref<64x16x384xf32, #tpu.memory_space<vmem>>, vector<1x16x384xf32>
      %get3A_1179 = vector.shape_cast %get3A_1178 : vector<1x16x384xf32> to vector<16x384xf32>
      %convert_element_type3A_1180 = arith.truncf %add3A_1164 : vector<16x128xf32> to vector<16x128xbf16>
      %dot_general3A_1181 = arith.constant dense<0.000000e+00> : vector<16x256xf32>
      %dot_general3A_1182 = tpu.matmul %convert_element_type3A_1180, %slice3A, %dot_general3A_1181 {dimension_numbers = #tpu.dot_dimension_numbers<[1], [0], [0], [1], [0, 0, 1, 1], [], []>, transpose_lhs_hint = false} : vector<16x128xbf16>, vector<128x256xbf16>, vector<16x256xf32> -> vector<16x256xf32>
      %dot_general3A_1183 = arith.constant dense<0.000000e+00> : vector<16x128xf32>
      %dot_general3A_1184 = tpu.matmul %convert_element_type3A_1180, %slice3A_7, %dot_general3A_1183 {dimension_numbers = #tpu.dot_dimension_numbers<[1], [0], [0], [1], [0, 0, 1, 1], [], []>, transpose_lhs_hint = false} : vector<16x128xbf16>, vector<128x128xbf16>, vector<16x128xf32> -> vector<16x128xf32>
      %slice3A_1185 = vector.extract_strided_slice %get3A_1179 {offsets = [0, 0], sizes = [16, 128], strides = [1, 1]} : vector<16x384xf32> to vector<16x128xf32>
      %slice3A_1186 = vector.extract_strided_slice %dot_general3A_1182 {offsets = [0, 0], sizes = [16, 128], strides = [1, 1]} : vector<16x256xf32> to vector<16x128xf32>
      %add3A_1187 = arith.addf %slice3A_1185, %slice3A_1186 : vector<16x128xf32>
      %logistic3A_1188 = arith.negf %add3A_1187 : vector<16x128xf32>
      %logistic3A_1189 = math.exp %logistic3A_1188 : vector<16x128xf32>
      %logistic3A_1190 = arith.constant 1.000000e+00 : f32
      %logistic3A_1191 = vector.broadcast %logistic3A_1190 : f32 to vector<16x128xf32>
      %logistic3A_1192 = arith.addf %logistic3A_1191, %logistic3A_1189 : vector<16x128xf32>
      %logistic3A_1193 = arith.divf %logistic3A_1191, %logistic3A_1192 : vector<16x128xf32>
      %slice3A_1194 = vector.extract_strided_slice %get3A_1179 {offsets = [0, 128], sizes = [16, 128], strides = [1, 1]} : vector<16x384xf32> to vector<16x128xf32>
      %slice3A_1195 = vector.extract_strided_slice %dot_general3A_1182 {offsets = [0, 128], sizes = [16, 128], strides = [1, 1]} : vector<16x256xf32> to vector<16x128xf32>
      %add3A_1196 = arith.addf %slice3A_1194, %slice3A_1195 : vector<16x128xf32>
      %logistic3A_1197 = arith.negf %add3A_1196 : vector<16x128xf32>
      %logistic3A_1198 = math.exp %logistic3A_1197 : vector<16x128xf32>
      %logistic3A_1199 = arith.constant 1.000000e+00 : f32
      %logistic3A_1200 = vector.broadcast %logistic3A_1199 : f32 to vector<16x128xf32>
      %logistic3A_1201 = arith.addf %logistic3A_1200, %logistic3A_1198 : vector<16x128xf32>
      %logistic3A_1202 = arith.divf %logistic3A_1200, %logistic3A_1201 : vector<16x128xf32>
      %slice3A_1203 = vector.extract_strided_slice %get3A_1179 {offsets = [0, 256], sizes = [16, 128], strides = [1, 1]} : vector<16x384xf32> to vector<16x128xf32>
      %add3A_1204 = vector.broadcast %slice3A_16 : vector<1x128xf32> to vector<16x128xf32>
      %add3A_1205 = arith.addf %dot_general3A_1184, %add3A_1204 : vector<16x128xf32>
      %mul3A_1206 = arith.mulf %logistic3A_1193, %add3A_1205 : vector<16x128xf32>
      %add3A_1207 = arith.addf %slice3A_1203, %mul3A_1206 : vector<16x128xf32>
      %tanh3A_1208 = math.tanh %add3A_1207 : vector<16x128xf32>
      %sub3A_1209 = arith.subf %add3A_1164, %tanh3A_1208 : vector<16x128xf32>
      %mul3A_1210 = arith.mulf %logistic3A_1202, %sub3A_1209 : vector<16x128xf32>
      %add3A_1211 = arith.addf %tanh3A_1208, %mul3A_1210 : vector<16x128xf32>
      %add3A_1212 = arith.constant 128 : i32
      %add3A_1213 = arith.addi %add3A_1212, %scan3A_1174 : i32
      %swap3A_1214 = arith.index_cast %add3A_1213 : i32 to index
      %swap3A_1215 = arith.constant 0 : index
      %swap3A_1216 = arith.constant 0 : index
      %swap3A_1217 = vector.load %arg25[%swap3A_1214, %swap3A_1215, %swap3A_1216] : memref<256x16x128xf32, #tpu.memory_space<vmem>>, vector<1x16x128xf32>
      %swap3A_1218 = vector.shape_cast %swap3A_1217 : vector<1x16x128xf32> to vector<16x128xf32>
      %swap3A_1219 = vector.shape_cast %add3A_1211 : vector<16x128xf32> to vector<1x16x128xf32>
      tpu.vector_store %arg25[%swap3A_1214, %swap3A_1215, %swap3A_1216], %swap3A_1219 {strides = array<i32>} : memref<256x16x128xf32, #tpu.memory_space<vmem>>, vector<1x16x128xf32>,
      %scan3A_1220 = arith.constant 4 : i32
      %scan3A_1221 = arith.addi %scan3A_1032, %scan3A_1220 : i32
      %get3A_1222 = arith.index_cast %scan3A_1221 : i32 to index
      %get3A_1223 = arith.constant 0 : index
      %get3A_1224 = arith.constant 0 : index
      %get3A_1225 = vector.load %arg26[%get3A_1222, %get3A_1223, %get3A_1224] : memref<64x16x384xf32, #tpu.memory_space<vmem>>, vector<1x16x384xf32>
      %get3A_1226 = vector.shape_cast %get3A_1225 : vector<1x16x384xf32> to vector<16x384xf32>
      %convert_element_type3A_1227 = arith.truncf %add3A_1211 : vector<16x128xf32> to vector<16x128xbf16>
      %dot_general3A_1228 = arith.constant dense<0.000000e+00> : vector<16x256xf32>
      %dot_general3A_1229 = tpu.matmul %convert_element_type3A_1227, %slice3A, %dot_general3A_1228 {dimension_numbers = #tpu.dot_dimension_numbers<[1], [0], [0], [1], [0, 0, 1, 1], [], []>, transpose_lhs_hint = false} : vector<16x128xbf16>, vector<128x256xbf16>, vector<16x256xf32> -> vector<16x256xf32>
      %dot_general3A_1230 = arith.constant dense<0.000000e+00> : vector<16x128xf32>
      %dot_general3A_1231 = tpu.matmul %convert_element_type3A_1227, %slice3A_7, %dot_general3A_1230 {dimension_numbers = #tpu.dot_dimension_numbers<[1], [0], [0], [1], [0, 0, 1, 1], [], []>, transpose_lhs_hint = false} : vector<16x128xbf16>, vector<128x128xbf16>, vector<16x128xf32> -> vector<16x128xf32>
      %slice3A_1232 = vector.extract_strided_slice %get3A_1226 {offsets = [0, 0], sizes = [16, 128], strides = [1, 1]} : vector<16x384xf32> to vector<16x128xf32>
      %slice3A_1233 = vector.extract_strided_slice %dot_general3A_1229 {offsets = [0, 0], sizes = [16, 128], strides = [1, 1]} : vector<16x256xf32> to vector<16x128xf32>
      %add3A_1234 = arith.addf %slice3A_1232, %slice3A_1233 : vector<16x128xf32>
      %logistic3A_1235 = arith.negf %add3A_1234 : vector<16x128xf32>
      %logistic3A_1236 = math.exp %logistic3A_1235 : vector<16x128xf32>
      %logistic3A_1237 = arith.constant 1.000000e+00 : f32
      %logistic3A_1238 = vector.broadcast %logistic3A_1237 : f32 to vector<16x128xf32>
      %logistic3A_1239 = arith.addf %logistic3A_1238, %logistic3A_1236 : vector<16x128xf32>
      %logistic3A_1240 = arith.divf %logistic3A_1238, %logistic3A_1239 : vector<16x128xf32>
      %slice3A_1241 = vector.extract_strided_slice %get3A_1226 {offsets = [0, 128], sizes = [16, 128], strides = [1, 1]} : vector<16x384xf32> to vector<16x128xf32>
      %slice3A_1242 = vector.extract_strided_slice %dot_general3A_1229 {offsets = [0, 128], sizes = [16, 128], strides = [1, 1]} : vector<16x256xf32> to vector<16x128xf32>
      %add3A_1243 = arith.addf %slice3A_1241, %slice3A_1242 : vector<16x128xf32>
      %logistic3A_1244 = arith.negf %add3A_1243 : vector<16x128xf32>
      %logistic3A_1245 = math.exp %logistic3A_1244 : vector<16x128xf32>
      %logistic3A_1246 = arith.constant 1.000000e+00 : f32
      %logistic3A_1247 = vector.broadcast %logistic3A_1246 : f32 to vector<16x128xf32>
      %logistic3A_1248 = arith.addf %logistic3A_1247, %logistic3A_1245 : vector<16x128xf32>
      %logistic3A_1249 = arith.divf %logistic3A_1247, %logistic3A_1248 : vector<16x128xf32>
      %slice3A_1250 = vector.extract_strided_slice %get3A_1226 {offsets = [0, 256], sizes = [16, 128], strides = [1, 1]} : vector<16x384xf32> to vector<16x128xf32>
      %add3A_1251 = vector.broadcast %slice3A_16 : vector<1x128xf32> to vector<16x128xf32>
      %add3A_1252 = arith.addf %dot_general3A_1231, %add3A_1251 : vector<16x128xf32>
      %mul3A_1253 = arith.mulf %logistic3A_1240, %add3A_1252 : vector<16x128xf32>
      %add3A_1254 = arith.addf %slice3A_1250, %mul3A_1253 : vector<16x128xf32>
      %tanh3A_1255 = math.tanh %add3A_1254 : vector<16x128xf32>
      %sub3A_1256 = arith.subf %add3A_1211, %tanh3A_1255 : vector<16x128xf32>
      %mul3A_1257 = arith.mulf %logistic3A_1249, %sub3A_1256 : vector<16x128xf32>
      %add3A_1258 = arith.addf %tanh3A_1255, %mul3A_1257 : vector<16x128xf32>
      %add3A_1259 = arith.constant 128 : i32
      %add3A_1260 = arith.addi %add3A_1259, %scan3A_1221 : i32
      %swap3A_1261 = arith.index_cast %add3A_1260 : i32 to index
      %swap3A_1262 = arith.constant 0 : index
      %swap3A_1263 = arith.constant 0 : index
      %swap3A_1264 = vector.load %arg25[%swap3A_1261, %swap3A_1262, %swap3A_1263] : memref<256x16x128xf32, #tpu.memory_space<vmem>>, vector<1x16x128xf32>
      %swap3A_1265 = vector.shape_cast %swap3A_1264 : vector<1x16x128xf32> to vector<16x128xf32>
      %swap3A_1266 = vector.shape_cast %add3A_1258 : vector<16x128xf32> to vector<1x16x128xf32>
      tpu.vector_store %arg25[%swap3A_1261, %swap3A_1262, %swap3A_1263], %swap3A_1266 {strides = array<i32>} : memref<256x16x128xf32, #tpu.memory_space<vmem>>, vector<1x16x128xf32>,
      %scan3A_1267 = arith.constant 5 : i32
      %scan3A_1268 = arith.addi %scan3A_1032, %scan3A_1267 : i32
      %get3A_1269 = arith.index_cast %scan3A_1268 : i32 to index
      %get3A_1270 = arith.constant 0 : index
      %get3A_1271 = arith.constant 0 : index
      %get3A_1272 = vector.load %arg26[%get3A_1269, %get3A_1270, %get3A_1271] : memref<64x16x384xf32, #tpu.memory_space<vmem>>, vector<1x16x384xf32>
      %get3A_1273 = vector.shape_cast %get3A_1272 : vector<1x16x384xf32> to vector<16x384xf32>
      %convert_element_type3A_1274 = arith.truncf %add3A_1258 : vector<16x128xf32> to vector<16x128xbf16>
      %dot_general3A_1275 = arith.constant dense<0.000000e+00> : vector<16x256xf32>
      %dot_general3A_1276 = tpu.matmul %convert_element_type3A_1274, %slice3A, %dot_general3A_1275 {dimension_numbers = #tpu.dot_dimension_numbers<[1], [0], [0], [1], [0, 0, 1, 1], [], []>, transpose_lhs_hint = false} : vector<16x128xbf16>, vector<128x256xbf16>, vector<16x256xf32> -> vector<16x256xf32>
      %dot_general3A_1277 = arith.constant dense<0.000000e+00> : vector<16x128xf32>
      %dot_general3A_1278 = tpu.matmul %convert_element_type3A_1274, %slice3A_7, %dot_general3A_1277 {dimension_numbers = #tpu.dot_dimension_numbers<[1], [0], [0], [1], [0, 0, 1, 1], [], []>, transpose_lhs_hint = false} : vector<16x128xbf16>, vector<128x128xbf16>, vector<16x128xf32> -> vector<16x128xf32>
      %slice3A_1279 = vector.extract_strided_slice %get3A_1273 {offsets = [0, 0], sizes = [16, 128], strides = [1, 1]} : vector<16x384xf32> to vector<16x128xf32>
      %slice3A_1280 = vector.extract_strided_slice %dot_general3A_1276 {offsets = [0, 0], sizes = [16, 128], strides = [1, 1]} : vector<16x256xf32> to vector<16x128xf32>
      %add3A_1281 = arith.addf %slice3A_1279, %slice3A_1280 : vector<16x128xf32>
      %logistic3A_1282 = arith.negf %add3A_1281 : vector<16x128xf32>
      %logistic3A_1283 = math.exp %logistic3A_1282 : vector<16x128xf32>
      %logistic3A_1284 = arith.constant 1.000000e+00 : f32
      %logistic3A_1285 = vector.broadcast %logistic3A_1284 : f32 to vector<16x128xf32>
      %logistic3A_1286 = arith.addf %logistic3A_1285, %logistic3A_1283 : vector<16x128xf32>
      %logistic3A_1287 = arith.divf %logistic3A_1285, %logistic3A_1286 : vector<16x128xf32>
      %slice3A_1288 = vector.extract_strided_slice %get3A_1273 {offsets = [0, 128], sizes = [16, 128], strides = [1, 1]} : vector<16x384xf32> to vector<16x128xf32>
      %slice3A_1289 = vector.extract_strided_slice %dot_general3A_1276 {offsets = [0, 128], sizes = [16, 128], strides = [1, 1]} : vector<16x256xf32> to vector<16x128xf32>
      %add3A_1290 = arith.addf %slice3A_1288, %slice3A_1289 : vector<16x128xf32>
      %logistic3A_1291 = arith.negf %add3A_1290 : vector<16x128xf32>
      %logistic3A_1292 = math.exp %logistic3A_1291 : vector<16x128xf32>
      %logistic3A_1293 = arith.constant 1.000000e+00 : f32
      %logistic3A_1294 = vector.broadcast %logistic3A_1293 : f32 to vector<16x128xf32>
      %logistic3A_1295 = arith.addf %logistic3A_1294, %logistic3A_1292 : vector<16x128xf32>
      %logistic3A_1296 = arith.divf %logistic3A_1294, %logistic3A_1295 : vector<16x128xf32>
      %slice3A_1297 = vector.extract_strided_slice %get3A_1273 {offsets = [0, 256], sizes = [16, 128], strides = [1, 1]} : vector<16x384xf32> to vector<16x128xf32>
      %add3A_1298 = vector.broadcast %slice3A_16 : vector<1x128xf32> to vector<16x128xf32>
      %add3A_1299 = arith.addf %dot_general3A_1278, %add3A_1298 : vector<16x128xf32>
      %mul3A_1300 = arith.mulf %logistic3A_1287, %add3A_1299 : vector<16x128xf32>
      %add3A_1301 = arith.addf %slice3A_1297, %mul3A_1300 : vector<16x128xf32>
      %tanh3A_1302 = math.tanh %add3A_1301 : vector<16x128xf32>
      %sub3A_1303 = arith.subf %add3A_1258, %tanh3A_1302 : vector<16x128xf32>
      %mul3A_1304 = arith.mulf %logistic3A_1296, %sub3A_1303 : vector<16x128xf32>
      %add3A_1305 = arith.addf %tanh3A_1302, %mul3A_1304 : vector<16x128xf32>
      %add3A_1306 = arith.constant 128 : i32
      %add3A_1307 = arith.addi %add3A_1306, %scan3A_1268 : i32
      %swap3A_1308 = arith.index_cast %add3A_1307 : i32 to index
      %swap3A_1309 = arith.constant 0 : index
      %swap3A_1310 = arith.constant 0 : index
      %swap3A_1311 = vector.load %arg25[%swap3A_1308, %swap3A_1309, %swap3A_1310] : memref<256x16x128xf32, #tpu.memory_space<vmem>>, vector<1x16x128xf32>
      %swap3A_1312 = vector.shape_cast %swap3A_1311 : vector<1x16x128xf32> to vector<16x128xf32>
      %swap3A_1313 = vector.shape_cast %add3A_1305 : vector<16x128xf32> to vector<1x16x128xf32>
      tpu.vector_store %arg25[%swap3A_1308, %swap3A_1309, %swap3A_1310], %swap3A_1313 {strides = array<i32>} : memref<256x16x128xf32, #tpu.memory_space<vmem>>, vector<1x16x128xf32>,
      %scan3A_1314 = arith.constant 6 : i32
      %scan3A_1315 = arith.addi %scan3A_1032, %scan3A_1314 : i32
      %get3A_1316 = arith.index_cast %scan3A_1315 : i32 to index
      %get3A_1317 = arith.constant 0 : index
      %get3A_1318 = arith.constant 0 : index
      %get3A_1319 = vector.load %arg26[%get3A_1316, %get3A_1317, %get3A_1318] : memref<64x16x384xf32, #tpu.memory_space<vmem>>, vector<1x16x384xf32>
      %get3A_1320 = vector.shape_cast %get3A_1319 : vector<1x16x384xf32> to vector<16x384xf32>
      %convert_element_type3A_1321 = arith.truncf %add3A_1305 : vector<16x128xf32> to vector<16x128xbf16>
      %dot_general3A_1322 = arith.constant dense<0.000000e+00> : vector<16x256xf32>
      %dot_general3A_1323 = tpu.matmul %convert_element_type3A_1321, %slice3A, %dot_general3A_1322 {dimension_numbers = #tpu.dot_dimension_numbers<[1], [0], [0], [1], [0, 0, 1, 1], [], []>, transpose_lhs_hint = false} : vector<16x128xbf16>, vector<128x256xbf16>, vector<16x256xf32> -> vector<16x256xf32>
      %dot_general3A_1324 = arith.constant dense<0.000000e+00> : vector<16x128xf32>
      %dot_general3A_1325 = tpu.matmul %convert_element_type3A_1321, %slice3A_7, %dot_general3A_1324 {dimension_numbers = #tpu.dot_dimension_numbers<[1], [0], [0], [1], [0, 0, 1, 1], [], []>, transpose_lhs_hint = false} : vector<16x128xbf16>, vector<128x128xbf16>, vector<16x128xf32> -> vector<16x128xf32>
      %slice3A_1326 = vector.extract_strided_slice %get3A_1320 {offsets = [0, 0], sizes = [16, 128], strides = [1, 1]} : vector<16x384xf32> to vector<16x128xf32>
      %slice3A_1327 = vector.extract_strided_slice %dot_general3A_1323 {offsets = [0, 0], sizes = [16, 128], strides = [1, 1]} : vector<16x256xf32> to vector<16x128xf32>
      %add3A_1328 = arith.addf %slice3A_1326, %slice3A_1327 : vector<16x128xf32>
      %logistic3A_1329 = arith.negf %add3A_1328 : vector<16x128xf32>
      %logistic3A_1330 = math.exp %logistic3A_1329 : vector<16x128xf32>
      %logistic3A_1331 = arith.constant 1.000000e+00 : f32
      %logistic3A_1332 = vector.broadcast %logistic3A_1331 : f32 to vector<16x128xf32>
      %logistic3A_1333 = arith.addf %logistic3A_1332, %logistic3A_1330 : vector<16x128xf32>
      %logistic3A_1334 = arith.divf %logistic3A_1332, %logistic3A_1333 : vector<16x128xf32>
      %slice3A_1335 = vector.extract_strided_slice %get3A_1320 {offsets = [0, 128], sizes = [16, 128], strides = [1, 1]} : vector<16x384xf32> to vector<16x128xf32>
      %slice3A_1336 = vector.extract_strided_slice %dot_general3A_1323 {offsets = [0, 128], sizes = [16, 128], strides = [1, 1]} : vector<16x256xf32> to vector<16x128xf32>
      %add3A_1337 = arith.addf %slice3A_1335, %slice3A_1336 : vector<16x128xf32>
      %logistic3A_1338 = arith.negf %add3A_1337 : vector<16x128xf32>
      %logistic3A_1339 = math.exp %logistic3A_1338 : vector<16x128xf32>
      %logistic3A_1340 = arith.constant 1.000000e+00 : f32
      %logistic3A_1341 = vector.broadcast %logistic3A_1340 : f32 to vector<16x128xf32>
      %logistic3A_1342 = arith.addf %logistic3A_1341, %logistic3A_1339 : vector<16x128xf32>
      %logistic3A_1343 = arith.divf %logistic3A_1341, %logistic3A_1342 : vector<16x128xf32>
      %slice3A_1344 = vector.extract_strided_slice %get3A_1320 {offsets = [0, 256], sizes = [16, 128], strides = [1, 1]} : vector<16x384xf32> to vector<16x128xf32>
      %add3A_1345 = vector.broadcast %slice3A_16 : vector<1x128xf32> to vector<16x128xf32>
      %add3A_1346 = arith.addf %dot_general3A_1325, %add3A_1345 : vector<16x128xf32>
      %mul3A_1347 = arith.mulf %logistic3A_1334, %add3A_1346 : vector<16x128xf32>
      %add3A_1348 = arith.addf %slice3A_1344, %mul3A_1347 : vector<16x128xf32>
      %tanh3A_1349 = math.tanh %add3A_1348 : vector<16x128xf32>
      %sub3A_1350 = arith.subf %add3A_1305, %tanh3A_1349 : vector<16x128xf32>
      %mul3A_1351 = arith.mulf %logistic3A_1343, %sub3A_1350 : vector<16x128xf32>
      %add3A_1352 = arith.addf %tanh3A_1349, %mul3A_1351 : vector<16x128xf32>
      %add3A_1353 = arith.constant 128 : i32
      %add3A_1354 = arith.addi %add3A_1353, %scan3A_1315 : i32
      %swap3A_1355 = arith.index_cast %add3A_1354 : i32 to index
      %swap3A_1356 = arith.constant 0 : index
      %swap3A_1357 = arith.constant 0 : index
      %swap3A_1358 = vector.load %arg25[%swap3A_1355, %swap3A_1356, %swap3A_1357] : memref<256x16x128xf32, #tpu.memory_space<vmem>>, vector<1x16x128xf32>
      %swap3A_1359 = vector.shape_cast %swap3A_1358 : vector<1x16x128xf32> to vector<16x128xf32>
      %swap3A_1360 = vector.shape_cast %add3A_1352 : vector<16x128xf32> to vector<1x16x128xf32>
      tpu.vector_store %arg25[%swap3A_1355, %swap3A_1356, %swap3A_1357], %swap3A_1360 {strides = array<i32>} : memref<256x16x128xf32, #tpu.memory_space<vmem>>, vector<1x16x128xf32>,
      %scan3A_1361 = arith.constant 7 : i32
      %scan3A_1362 = arith.addi %scan3A_1032, %scan3A_1361 : i32
      %get3A_1363 = arith.index_cast %scan3A_1362 : i32 to index
      %get3A_1364 = arith.constant 0 : index
      %get3A_1365 = arith.constant 0 : index
      %get3A_1366 = vector.load %arg26[%get3A_1363, %get3A_1364, %get3A_1365] : memref<64x16x384xf32, #tpu.memory_space<vmem>>, vector<1x16x384xf32>
      %get3A_1367 = vector.shape_cast %get3A_1366 : vector<1x16x384xf32> to vector<16x384xf32>
      %convert_element_type3A_1368 = arith.truncf %add3A_1352 : vector<16x128xf32> to vector<16x128xbf16>
      %dot_general3A_1369 = arith.constant dense<0.000000e+00> : vector<16x256xf32>
      %dot_general3A_1370 = tpu.matmul %convert_element_type3A_1368, %slice3A, %dot_general3A_1369 {dimension_numbers = #tpu.dot_dimension_numbers<[1], [0], [0], [1], [0, 0, 1, 1], [], []>, transpose_lhs_hint = false} : vector<16x128xbf16>, vector<128x256xbf16>, vector<16x256xf32> -> vector<16x256xf32>
      %dot_general3A_1371 = arith.constant dense<0.000000e+00> : vector<16x128xf32>
      %dot_general3A_1372 = tpu.matmul %convert_element_type3A_1368, %slice3A_7, %dot_general3A_1371 {dimension_numbers = #tpu.dot_dimension_numbers<[1], [0], [0], [1], [0, 0, 1, 1], [], []>, transpose_lhs_hint = false} : vector<16x128xbf16>, vector<128x128xbf16>, vector<16x128xf32> -> vector<16x128xf32>
      %slice3A_1373 = vector.extract_strided_slice %get3A_1367 {offsets = [0, 0], sizes = [16, 128], strides = [1, 1]} : vector<16x384xf32> to vector<16x128xf32>
      %slice3A_1374 = vector.extract_strided_slice %dot_general3A_1370 {offsets = [0, 0], sizes = [16, 128], strides = [1, 1]} : vector<16x256xf32> to vector<16x128xf32>
      %add3A_1375 = arith.addf %slice3A_1373, %slice3A_1374 : vector<16x128xf32>
      %logistic3A_1376 = arith.negf %add3A_1375 : vector<16x128xf32>
      %logistic3A_1377 = math.exp %logistic3A_1376 : vector<16x128xf32>
      %logistic3A_1378 = arith.constant 1.000000e+00 : f32
      %logistic3A_1379 = vector.broadcast %logistic3A_1378 : f32 to vector<16x128xf32>
      %logistic3A_1380 = arith.addf %logistic3A_1379, %logistic3A_1377 : vector<16x128xf32>
      %logistic3A_1381 = arith.divf %logistic3A_1379, %logistic3A_1380 : vector<16x128xf32>
      %slice3A_1382 = vector.extract_strided_slice %get3A_1367 {offsets = [0, 128], sizes = [16, 128], strides = [1, 1]} : vector<16x384xf32> to vector<16x128xf32>
      %slice3A_1383 = vector.extract_strided_slice %dot_general3A_1370 {offsets = [0, 128], sizes = [16, 128], strides = [1, 1]} : vector<16x256xf32> to vector<16x128xf32>
      %add3A_1384 = arith.addf %slice3A_1382, %slice3A_1383 : vector<16x128xf32>
      %logistic3A_1385 = arith.negf %add3A_1384 : vector<16x128xf32>
      %logistic3A_1386 = math.exp %logistic3A_1385 : vector<16x128xf32>
      %logistic3A_1387 = arith.constant 1.000000e+00 : f32
      %logistic3A_1388 = vector.broadcast %logistic3A_1387 : f32 to vector<16x128xf32>
      %logistic3A_1389 = arith.addf %logistic3A_1388, %logistic3A_1386 : vector<16x128xf32>
      %logistic3A_1390 = arith.divf %logistic3A_1388, %logistic3A_1389 : vector<16x128xf32>
      %slice3A_1391 = vector.extract_strided_slice %get3A_1367 {offsets = [0, 256], sizes = [16, 128], strides = [1, 1]} : vector<16x384xf32> to vector<16x128xf32>
      %add3A_1392 = vector.broadcast %slice3A_16 : vector<1x128xf32> to vector<16x128xf32>
      %add3A_1393 = arith.addf %dot_general3A_1372, %add3A_1392 : vector<16x128xf32>
      %mul3A_1394 = arith.mulf %logistic3A_1381, %add3A_1393 : vector<16x128xf32>
      %add3A_1395 = arith.addf %slice3A_1391, %mul3A_1394 : vector<16x128xf32>
      %tanh3A_1396 = math.tanh %add3A_1395 : vector<16x128xf32>
      %sub3A_1397 = arith.subf %add3A_1352, %tanh3A_1396 : vector<16x128xf32>
      %mul3A_1398 = arith.mulf %logistic3A_1390, %sub3A_1397 : vector<16x128xf32>
      %add3A_1399 = arith.addf %tanh3A_1396, %mul3A_1398 : vector<16x128xf32>
      %add3A_1400 = arith.constant 128 : i32
      %add3A_1401 = arith.addi %add3A_1400, %scan3A_1362 : i32
      %swap3A_1402 = arith.index_cast %add3A_1401 : i32 to index
      %swap3A_1403 = arith.constant 0 : index
      %swap3A_1404 = arith.constant 0 : index
      %swap3A_1405 = vector.load %arg25[%swap3A_1402, %swap3A_1403, %swap3A_1404] : memref<256x16x128xf32, #tpu.memory_space<vmem>>, vector<1x16x128xf32>
      %swap3A_1406 = vector.shape_cast %swap3A_1405 : vector<1x16x128xf32> to vector<16x128xf32>
      %swap3A_1407 = vector.shape_cast %add3A_1399 : vector<16x128xf32> to vector<1x16x128xf32>
      tpu.vector_store %arg25[%swap3A_1402, %swap3A_1403, %swap3A_1404], %swap3A_1407 {strides = array<i32>} : memref<256x16x128xf32, #tpu.memory_space<vmem>>, vector<1x16x128xf32>,
      scf.yield %add3A_1399 : vector<16x128xf32>
    }
    %scan3A_80 = arith.constant 64 : i32
    %get3A_81 = arith.constant 192 : index
    %get3A_82 = arith.constant 0 : index
    %get3A_83 = arith.constant 0 : index
    %get3A_84 = vector.load %arg0[%get3A_81, %get3A_82, %get3A_83] : memref<256x16x128xf32, #tpu.memory_space<vmem>>, vector<64x16x128xf32>
    %reshape3A_85 = vector.shape_cast %get3A_84 : vector<64x16x128xf32> to vector<1024x128xf32>
    %convert_element_type3A_86 = arith.truncf %reshape3A_85 : vector<1024x128xf32> to vector<1024x128xbf16>
    %dot_general3A_87 = arith.constant dense<0.000000e+00> : vector<1024x384xf32>
    %dot_general3A_88 = tpu.matmul %convert_element_type3A_86, %convert_element_type3A_17, %dot_general3A_87 {dimension_numbers = #tpu.dot_dimension_numbers<[1], [0], [0], [1], [0, 0, 1, 1], [], []>, transpose_lhs_hint = false} : vector<1024x128xbf16>, vector<128x384xbf16>, vector<1024x384xf32> -> vector<1024x384xf32>
    %add3A_89 = vector.broadcast %concatenate3A : vector<1x384xf32> to vector<1024x384xf32>
    %add3A_90 = arith.addf %dot_general3A_88, %add3A_89 : vector<1024x384xf32>
    %reshape3A_91 = vector.shape_cast %add3A_90 : vector<1024x384xf32> to vector<64x16x384xf32>
    %swap3A_92 = arith.constant 0 : index
    %swap3A_93 = arith.constant 0 : index
    %swap3A_94 = arith.constant 0 : index
    %swap3A_95 = vector.load %arg26[%swap3A_92, %swap3A_93, %swap3A_94] : memref<64x16x384xf32, #tpu.memory_space<vmem>>, vector<64x16x384xf32>
    tpu.vector_store %arg26[%swap3A_92, %swap3A_93, %swap3A_94], %reshape3A_91 {strides = array<i32>} : memref<64x16x384xf32, #tpu.memory_space<vmem>>, vector<64x16x384xf32>,
    %scan3A_96 = arith.constant 0 : i32
    %scan3A_97 = arith.constant 64 : i32
    %scan3A_98 = arith.addi %scan3A_96, %scan3A_97 : i32
    %scan3A_99 = arith.constant 8 : i32
    %scan3A_100 = scf.for %scan3A_1032 = %scan3A_96 to %scan3A_98 step %scan3A_99 iter_args(%scan3A_1033 = %scan3A_79) -> (vector<16x128xf32>)  : i32 {
      %get3A_1034 = arith.index_cast %scan3A_1032 : i32 to index
      %get3A_1035 = arith.constant 0 : index
      %get3A_1036 = arith.constant 0 : index
      %get3A_1037 = vector.load %arg26[%get3A_1034, %get3A_1035, %get3A_1036] : memref<64x16x384xf32, #tpu.memory_space<vmem>>, vector<1x16x384xf32>
      %get3A_1038 = vector.shape_cast %get3A_1037 : vector<1x16x384xf32> to vector<16x384xf32>
      %convert_element_type3A_1039 = arith.truncf %scan3A_1033 : vector<16x128xf32> to vector<16x128xbf16>
      %dot_general3A_1040 = arith.constant dense<0.000000e+00> : vector<16x256xf32>
      %dot_general3A_1041 = tpu.matmul %convert_element_type3A_1039, %slice3A, %dot_general3A_1040 {dimension_numbers = #tpu.dot_dimension_numbers<[1], [0], [0], [1], [0, 0, 1, 1], [], []>, transpose_lhs_hint = false} : vector<16x128xbf16>, vector<128x256xbf16>, vector<16x256xf32> -> vector<16x256xf32>
      %dot_general3A_1042 = arith.constant dense<0.000000e+00> : vector<16x128xf32>
      %dot_general3A_1043 = tpu.matmul %convert_element_type3A_1039, %slice3A_7, %dot_general3A_1042 {dimension_numbers = #tpu.dot_dimension_numbers<[1], [0], [0], [1], [0, 0, 1, 1], [], []>, transpose_lhs_hint = false} : vector<16x128xbf16>, vector<128x128xbf16>, vector<16x128xf32> -> vector<16x128xf32>
      %slice3A_1044 = vector.extract_strided_slice %get3A_1038 {offsets = [0, 0], sizes = [16, 128], strides = [1, 1]} : vector<16x384xf32> to vector<16x128xf32>
      %slice3A_1045 = vector.extract_strided_slice %dot_general3A_1041 {offsets = [0, 0], sizes = [16, 128], strides = [1, 1]} : vector<16x256xf32> to vector<16x128xf32>
      %add3A_1046 = arith.addf %slice3A_1044, %slice3A_1045 : vector<16x128xf32>
      %logistic3A_1047 = arith.negf %add3A_1046 : vector<16x128xf32>
      %logistic3A_1048 = math.exp %logistic3A_1047 : vector<16x128xf32>
      %logistic3A_1049 = arith.constant 1.000000e+00 : f32
      %logistic3A_1050 = vector.broadcast %logistic3A_1049 : f32 to vector<16x128xf32>
      %logistic3A_1051 = arith.addf %logistic3A_1050, %logistic3A_1048 : vector<16x128xf32>
      %logistic3A_1052 = arith.divf %logistic3A_1050, %logistic3A_1051 : vector<16x128xf32>
      %slice3A_1053 = vector.extract_strided_slice %get3A_1038 {offsets = [0, 128], sizes = [16, 128], strides = [1, 1]} : vector<16x384xf32> to vector<16x128xf32>
      %slice3A_1054 = vector.extract_strided_slice %dot_general3A_1041 {offsets = [0, 128], sizes = [16, 128], strides = [1, 1]} : vector<16x256xf32> to vector<16x128xf32>
      %add3A_1055 = arith.addf %slice3A_1053, %slice3A_1054 : vector<16x128xf32>
      %logistic3A_1056 = arith.negf %add3A_1055 : vector<16x128xf32>
      %logistic3A_1057 = math.exp %logistic3A_1056 : vector<16x128xf32>
      %logistic3A_1058 = arith.constant 1.000000e+00 : f32
      %logistic3A_1059 = vector.broadcast %logistic3A_1058 : f32 to vector<16x128xf32>
      %logistic3A_1060 = arith.addf %logistic3A_1059, %logistic3A_1057 : vector<16x128xf32>
      %logistic3A_1061 = arith.divf %logistic3A_1059, %logistic3A_1060 : vector<16x128xf32>
      %slice3A_1062 = vector.extract_strided_slice %get3A_1038 {offsets = [0, 256], sizes = [16, 128], strides = [1, 1]} : vector<16x384xf32> to vector<16x128xf32>
      %add3A_1063 = vector.broadcast %slice3A_16 : vector<1x128xf32> to vector<16x128xf32>
      %add3A_1064 = arith.addf %dot_general3A_1043, %add3A_1063 : vector<16x128xf32>
      %mul3A_1065 = arith.mulf %logistic3A_1052, %add3A_1064 : vector<16x128xf32>
      %add3A_1066 = arith.addf %slice3A_1062, %mul3A_1065 : vector<16x128xf32>
      %tanh3A_1067 = math.tanh %add3A_1066 : vector<16x128xf32>
      %sub3A_1068 = arith.subf %scan3A_1033, %tanh3A_1067 : vector<16x128xf32>
      %mul3A_1069 = arith.mulf %logistic3A_1061, %sub3A_1068 : vector<16x128xf32>
      %add3A_1070 = arith.addf %tanh3A_1067, %mul3A_1069 : vector<16x128xf32>
      %add3A_1071 = arith.constant 192 : i32
      %add3A_1072 = arith.addi %add3A_1071, %scan3A_1032 : i32
      %swap3A_1073 = arith.index_cast %add3A_1072 : i32 to index
      %swap3A_1074 = arith.constant 0 : index
      %swap3A_1075 = arith.constant 0 : index
      %swap3A_1076 = vector.load %arg25[%swap3A_1073, %swap3A_1074, %swap3A_1075] : memref<256x16x128xf32, #tpu.memory_space<vmem>>, vector<1x16x128xf32>
      %swap3A_1077 = vector.shape_cast %swap3A_1076 : vector<1x16x128xf32> to vector<16x128xf32>
      %swap3A_1078 = vector.shape_cast %add3A_1070 : vector<16x128xf32> to vector<1x16x128xf32>
      tpu.vector_store %arg25[%swap3A_1073, %swap3A_1074, %swap3A_1075], %swap3A_1078 {strides = array<i32>} : memref<256x16x128xf32, #tpu.memory_space<vmem>>, vector<1x16x128xf32>,
      %scan3A_1079 = arith.constant 1 : i32
      %scan3A_1080 = arith.addi %scan3A_1032, %scan3A_1079 : i32
      %get3A_1081 = arith.index_cast %scan3A_1080 : i32 to index
      %get3A_1082 = arith.constant 0 : index
      %get3A_1083 = arith.constant 0 : index
      %get3A_1084 = vector.load %arg26[%get3A_1081, %get3A_1082, %get3A_1083] : memref<64x16x384xf32, #tpu.memory_space<vmem>>, vector<1x16x384xf32>
      %get3A_1085 = vector.shape_cast %get3A_1084 : vector<1x16x384xf32> to vector<16x384xf32>
      %convert_element_type3A_1086 = arith.truncf %add3A_1070 : vector<16x128xf32> to vector<16x128xbf16>
      %dot_general3A_1087 = arith.constant dense<0.000000e+00> : vector<16x256xf32>
      %dot_general3A_1088 = tpu.matmul %convert_element_type3A_1086, %slice3A, %dot_general3A_1087 {dimension_numbers = #tpu.dot_dimension_numbers<[1], [0], [0], [1], [0, 0, 1, 1], [], []>, transpose_lhs_hint = false} : vector<16x128xbf16>, vector<128x256xbf16>, vector<16x256xf32> -> vector<16x256xf32>
      %dot_general3A_1089 = arith.constant dense<0.000000e+00> : vector<16x128xf32>
      %dot_general3A_1090 = tpu.matmul %convert_element_type3A_1086, %slice3A_7, %dot_general3A_1089 {dimension_numbers = #tpu.dot_dimension_numbers<[1], [0], [0], [1], [0, 0, 1, 1], [], []>, transpose_lhs_hint = false} : vector<16x128xbf16>, vector<128x128xbf16>, vector<16x128xf32> -> vector<16x128xf32>
      %slice3A_1091 = vector.extract_strided_slice %get3A_1085 {offsets = [0, 0], sizes = [16, 128], strides = [1, 1]} : vector<16x384xf32> to vector<16x128xf32>
      %slice3A_1092 = vector.extract_strided_slice %dot_general3A_1088 {offsets = [0, 0], sizes = [16, 128], strides = [1, 1]} : vector<16x256xf32> to vector<16x128xf32>
      %add3A_1093 = arith.addf %slice3A_1091, %slice3A_1092 : vector<16x128xf32>
      %logistic3A_1094 = arith.negf %add3A_1093 : vector<16x128xf32>
      %logistic3A_1095 = math.exp %logistic3A_1094 : vector<16x128xf32>
      %logistic3A_1096 = arith.constant 1.000000e+00 : f32
      %logistic3A_1097 = vector.broadcast %logistic3A_1096 : f32 to vector<16x128xf32>
      %logistic3A_1098 = arith.addf %logistic3A_1097, %logistic3A_1095 : vector<16x128xf32>
      %logistic3A_1099 = arith.divf %logistic3A_1097, %logistic3A_1098 : vector<16x128xf32>
      %slice3A_1100 = vector.extract_strided_slice %get3A_1085 {offsets = [0, 128], sizes = [16, 128], strides = [1, 1]} : vector<16x384xf32> to vector<16x128xf32>
      %slice3A_1101 = vector.extract_strided_slice %dot_general3A_1088 {offsets = [0, 128], sizes = [16, 128], strides = [1, 1]} : vector<16x256xf32> to vector<16x128xf32>
      %add3A_1102 = arith.addf %slice3A_1100, %slice3A_1101 : vector<16x128xf32>
      %logistic3A_1103 = arith.negf %add3A_1102 : vector<16x128xf32>
      %logistic3A_1104 = math.exp %logistic3A_1103 : vector<16x128xf32>
      %logistic3A_1105 = arith.constant 1.000000e+00 : f32
      %logistic3A_1106 = vector.broadcast %logistic3A_1105 : f32 to vector<16x128xf32>
      %logistic3A_1107 = arith.addf %logistic3A_1106, %logistic3A_1104 : vector<16x128xf32>
      %logistic3A_1108 = arith.divf %logistic3A_1106, %logistic3A_1107 : vector<16x128xf32>
      %slice3A_1109 = vector.extract_strided_slice %get3A_1085 {offsets = [0, 256], sizes = [16, 128], strides = [1, 1]} : vector<16x384xf32> to vector<16x128xf32>
      %add3A_1110 = vector.broadcast %slice3A_16 : vector<1x128xf32> to vector<16x128xf32>
      %add3A_1111 = arith.addf %dot_general3A_1090, %add3A_1110 : vector<16x128xf32>
      %mul3A_1112 = arith.mulf %logistic3A_1099, %add3A_1111 : vector<16x128xf32>
      %add3A_1113 = arith.addf %slice3A_1109, %mul3A_1112 : vector<16x128xf32>
      %tanh3A_1114 = math.tanh %add3A_1113 : vector<16x128xf32>
      %sub3A_1115 = arith.subf %add3A_1070, %tanh3A_1114 : vector<16x128xf32>
      %mul3A_1116 = arith.mulf %logistic3A_1108, %sub3A_1115 : vector<16x128xf32>
      %add3A_1117 = arith.addf %tanh3A_1114, %mul3A_1116 : vector<16x128xf32>
      %add3A_1118 = arith.constant 192 : i32
      %add3A_1119 = arith.addi %add3A_1118, %scan3A_1080 : i32
      %swap3A_1120 = arith.index_cast %add3A_1119 : i32 to index
      %swap3A_1121 = arith.constant 0 : index
      %swap3A_1122 = arith.constant 0 : index
      %swap3A_1123 = vector.load %arg25[%swap3A_1120, %swap3A_1121, %swap3A_1122] : memref<256x16x128xf32, #tpu.memory_space<vmem>>, vector<1x16x128xf32>
      %swap3A_1124 = vector.shape_cast %swap3A_1123 : vector<1x16x128xf32> to vector<16x128xf32>
      %swap3A_1125 = vector.shape_cast %add3A_1117 : vector<16x128xf32> to vector<1x16x128xf32>
      tpu.vector_store %arg25[%swap3A_1120, %swap3A_1121, %swap3A_1122], %swap3A_1125 {strides = array<i32>} : memref<256x16x128xf32, #tpu.memory_space<vmem>>, vector<1x16x128xf32>,
      %scan3A_1126 = arith.constant 2 : i32
      %scan3A_1127 = arith.addi %scan3A_1032, %scan3A_1126 : i32
      %get3A_1128 = arith.index_cast %scan3A_1127 : i32 to index
      %get3A_1129 = arith.constant 0 : index
      %get3A_1130 = arith.constant 0 : index
      %get3A_1131 = vector.load %arg26[%get3A_1128, %get3A_1129, %get3A_1130] : memref<64x16x384xf32, #tpu.memory_space<vmem>>, vector<1x16x384xf32>
      %get3A_1132 = vector.shape_cast %get3A_1131 : vector<1x16x384xf32> to vector<16x384xf32>
      %convert_element_type3A_1133 = arith.truncf %add3A_1117 : vector<16x128xf32> to vector<16x128xbf16>
      %dot_general3A_1134 = arith.constant dense<0.000000e+00> : vector<16x256xf32>
      %dot_general3A_1135 = tpu.matmul %convert_element_type3A_1133, %slice3A, %dot_general3A_1134 {dimension_numbers = #tpu.dot_dimension_numbers<[1], [0], [0], [1], [0, 0, 1, 1], [], []>, transpose_lhs_hint = false} : vector<16x128xbf16>, vector<128x256xbf16>, vector<16x256xf32> -> vector<16x256xf32>
      %dot_general3A_1136 = arith.constant dense<0.000000e+00> : vector<16x128xf32>
      %dot_general3A_1137 = tpu.matmul %convert_element_type3A_1133, %slice3A_7, %dot_general3A_1136 {dimension_numbers = #tpu.dot_dimension_numbers<[1], [0], [0], [1], [0, 0, 1, 1], [], []>, transpose_lhs_hint = false} : vector<16x128xbf16>, vector<128x128xbf16>, vector<16x128xf32> -> vector<16x128xf32>
      %slice3A_1138 = vector.extract_strided_slice %get3A_1132 {offsets = [0, 0], sizes = [16, 128], strides = [1, 1]} : vector<16x384xf32> to vector<16x128xf32>
      %slice3A_1139 = vector.extract_strided_slice %dot_general3A_1135 {offsets = [0, 0], sizes = [16, 128], strides = [1, 1]} : vector<16x256xf32> to vector<16x128xf32>
      %add3A_1140 = arith.addf %slice3A_1138, %slice3A_1139 : vector<16x128xf32>
      %logistic3A_1141 = arith.negf %add3A_1140 : vector<16x128xf32>
      %logistic3A_1142 = math.exp %logistic3A_1141 : vector<16x128xf32>
      %logistic3A_1143 = arith.constant 1.000000e+00 : f32
      %logistic3A_1144 = vector.broadcast %logistic3A_1143 : f32 to vector<16x128xf32>
      %logistic3A_1145 = arith.addf %logistic3A_1144, %logistic3A_1142 : vector<16x128xf32>
      %logistic3A_1146 = arith.divf %logistic3A_1144, %logistic3A_1145 : vector<16x128xf32>
      %slice3A_1147 = vector.extract_strided_slice %get3A_1132 {offsets = [0, 128], sizes = [16, 128], strides = [1, 1]} : vector<16x384xf32> to vector<16x128xf32>
      %slice3A_1148 = vector.extract_strided_slice %dot_general3A_1135 {offsets = [0, 128], sizes = [16, 128], strides = [1, 1]} : vector<16x256xf32> to vector<16x128xf32>
      %add3A_1149 = arith.addf %slice3A_1147, %slice3A_1148 : vector<16x128xf32>
      %logistic3A_1150 = arith.negf %add3A_1149 : vector<16x128xf32>
      %logistic3A_1151 = math.exp %logistic3A_1150 : vector<16x128xf32>
      %logistic3A_1152 = arith.constant 1.000000e+00 : f32
      %logistic3A_1153 = vector.broadcast %logistic3A_1152 : f32 to vector<16x128xf32>
      %logistic3A_1154 = arith.addf %logistic3A_1153, %logistic3A_1151 : vector<16x128xf32>
      %logistic3A_1155 = arith.divf %logistic3A_1153, %logistic3A_1154 : vector<16x128xf32>
      %slice3A_1156 = vector.extract_strided_slice %get3A_1132 {offsets = [0, 256], sizes = [16, 128], strides = [1, 1]} : vector<16x384xf32> to vector<16x128xf32>
      %add3A_1157 = vector.broadcast %slice3A_16 : vector<1x128xf32> to vector<16x128xf32>
      %add3A_1158 = arith.addf %dot_general3A_1137, %add3A_1157 : vector<16x128xf32>
      %mul3A_1159 = arith.mulf %logistic3A_1146, %add3A_1158 : vector<16x128xf32>
      %add3A_1160 = arith.addf %slice3A_1156, %mul3A_1159 : vector<16x128xf32>
      %tanh3A_1161 = math.tanh %add3A_1160 : vector<16x128xf32>
      %sub3A_1162 = arith.subf %add3A_1117, %tanh3A_1161 : vector<16x128xf32>
      %mul3A_1163 = arith.mulf %logistic3A_1155, %sub3A_1162 : vector<16x128xf32>
      %add3A_1164 = arith.addf %tanh3A_1161, %mul3A_1163 : vector<16x128xf32>
      %add3A_1165 = arith.constant 192 : i32
      %add3A_1166 = arith.addi %add3A_1165, %scan3A_1127 : i32
      %swap3A_1167 = arith.index_cast %add3A_1166 : i32 to index
      %swap3A_1168 = arith.constant 0 : index
      %swap3A_1169 = arith.constant 0 : index
      %swap3A_1170 = vector.load %arg25[%swap3A_1167, %swap3A_1168, %swap3A_1169] : memref<256x16x128xf32, #tpu.memory_space<vmem>>, vector<1x16x128xf32>
      %swap3A_1171 = vector.shape_cast %swap3A_1170 : vector<1x16x128xf32> to vector<16x128xf32>
      %swap3A_1172 = vector.shape_cast %add3A_1164 : vector<16x128xf32> to vector<1x16x128xf32>
      tpu.vector_store %arg25[%swap3A_1167, %swap3A_1168, %swap3A_1169], %swap3A_1172 {strides = array<i32>} : memref<256x16x128xf32, #tpu.memory_space<vmem>>, vector<1x16x128xf32>,
      %scan3A_1173 = arith.constant 3 : i32
      %scan3A_1174 = arith.addi %scan3A_1032, %scan3A_1173 : i32
      %get3A_1175 = arith.index_cast %scan3A_1174 : i32 to index
      %get3A_1176 = arith.constant 0 : index
      %get3A_1177 = arith.constant 0 : index
      %get3A_1178 = vector.load %arg26[%get3A_1175, %get3A_1176, %get3A_1177] : memref<64x16x384xf32, #tpu.memory_space<vmem>>, vector<1x16x384xf32>
      %get3A_1179 = vector.shape_cast %get3A_1178 : vector<1x16x384xf32> to vector<16x384xf32>
      %convert_element_type3A_1180 = arith.truncf %add3A_1164 : vector<16x128xf32> to vector<16x128xbf16>
      %dot_general3A_1181 = arith.constant dense<0.000000e+00> : vector<16x256xf32>
      %dot_general3A_1182 = tpu.matmul %convert_element_type3A_1180, %slice3A, %dot_general3A_1181 {dimension_numbers = #tpu.dot_dimension_numbers<[1], [0], [0], [1], [0, 0, 1, 1], [], []>, transpose_lhs_hint = false} : vector<16x128xbf16>, vector<128x256xbf16>, vector<16x256xf32> -> vector<16x256xf32>
      %dot_general3A_1183 = arith.constant dense<0.000000e+00> : vector<16x128xf32>
      %dot_general3A_1184 = tpu.matmul %convert_element_type3A_1180, %slice3A_7, %dot_general3A_1183 {dimension_numbers = #tpu.dot_dimension_numbers<[1], [0], [0], [1], [0, 0, 1, 1], [], []>, transpose_lhs_hint = false} : vector<16x128xbf16>, vector<128x128xbf16>, vector<16x128xf32> -> vector<16x128xf32>
      %slice3A_1185 = vector.extract_strided_slice %get3A_1179 {offsets = [0, 0], sizes = [16, 128], strides = [1, 1]} : vector<16x384xf32> to vector<16x128xf32>
      %slice3A_1186 = vector.extract_strided_slice %dot_general3A_1182 {offsets = [0, 0], sizes = [16, 128], strides = [1, 1]} : vector<16x256xf32> to vector<16x128xf32>
      %add3A_1187 = arith.addf %slice3A_1185, %slice3A_1186 : vector<16x128xf32>
      %logistic3A_1188 = arith.negf %add3A_1187 : vector<16x128xf32>
      %logistic3A_1189 = math.exp %logistic3A_1188 : vector<16x128xf32>
      %logistic3A_1190 = arith.constant 1.000000e+00 : f32
      %logistic3A_1191 = vector.broadcast %logistic3A_1190 : f32 to vector<16x128xf32>
      %logistic3A_1192 = arith.addf %logistic3A_1191, %logistic3A_1189 : vector<16x128xf32>
      %logistic3A_1193 = arith.divf %logistic3A_1191, %logistic3A_1192 : vector<16x128xf32>
      %slice3A_1194 = vector.extract_strided_slice %get3A_1179 {offsets = [0, 128], sizes = [16, 128], strides = [1, 1]} : vector<16x384xf32> to vector<16x128xf32>
      %slice3A_1195 = vector.extract_strided_slice %dot_general3A_1182 {offsets = [0, 128], sizes = [16, 128], strides = [1, 1]} : vector<16x256xf32> to vector<16x128xf32>
      %add3A_1196 = arith.addf %slice3A_1194, %slice3A_1195 : vector<16x128xf32>
      %logistic3A_1197 = arith.negf %add3A_1196 : vector<16x128xf32>
      %logistic3A_1198 = math.exp %logistic3A_1197 : vector<16x128xf32>
      %logistic3A_1199 = arith.constant 1.000000e+00 : f32
      %logistic3A_1200 = vector.broadcast %logistic3A_1199 : f32 to vector<16x128xf32>
      %logistic3A_1201 = arith.addf %logistic3A_1200, %logistic3A_1198 : vector<16x128xf32>
      %logistic3A_1202 = arith.divf %logistic3A_1200, %logistic3A_1201 : vector<16x128xf32>
      %slice3A_1203 = vector.extract_strided_slice %get3A_1179 {offsets = [0, 256], sizes = [16, 128], strides = [1, 1]} : vector<16x384xf32> to vector<16x128xf32>
      %add3A_1204 = vector.broadcast %slice3A_16 : vector<1x128xf32> to vector<16x128xf32>
      %add3A_1205 = arith.addf %dot_general3A_1184, %add3A_1204 : vector<16x128xf32>
      %mul3A_1206 = arith.mulf %logistic3A_1193, %add3A_1205 : vector<16x128xf32>
      %add3A_1207 = arith.addf %slice3A_1203, %mul3A_1206 : vector<16x128xf32>
      %tanh3A_1208 = math.tanh %add3A_1207 : vector<16x128xf32>
      %sub3A_1209 = arith.subf %add3A_1164, %tanh3A_1208 : vector<16x128xf32>
      %mul3A_1210 = arith.mulf %logistic3A_1202, %sub3A_1209 : vector<16x128xf32>
      %add3A_1211 = arith.addf %tanh3A_1208, %mul3A_1210 : vector<16x128xf32>
      %add3A_1212 = arith.constant 192 : i32
      %add3A_1213 = arith.addi %add3A_1212, %scan3A_1174 : i32
      %swap3A_1214 = arith.index_cast %add3A_1213 : i32 to index
      %swap3A_1215 = arith.constant 0 : index
      %swap3A_1216 = arith.constant 0 : index
      %swap3A_1217 = vector.load %arg25[%swap3A_1214, %swap3A_1215, %swap3A_1216] : memref<256x16x128xf32, #tpu.memory_space<vmem>>, vector<1x16x128xf32>
      %swap3A_1218 = vector.shape_cast %swap3A_1217 : vector<1x16x128xf32> to vector<16x128xf32>
      %swap3A_1219 = vector.shape_cast %add3A_1211 : vector<16x128xf32> to vector<1x16x128xf32>
      tpu.vector_store %arg25[%swap3A_1214, %swap3A_1215, %swap3A_1216], %swap3A_1219 {strides = array<i32>} : memref<256x16x128xf32, #tpu.memory_space<vmem>>, vector<1x16x128xf32>,
      %scan3A_1220 = arith.constant 4 : i32
      %scan3A_1221 = arith.addi %scan3A_1032, %scan3A_1220 : i32
      %get3A_1222 = arith.index_cast %scan3A_1221 : i32 to index
      %get3A_1223 = arith.constant 0 : index
      %get3A_1224 = arith.constant 0 : index
      %get3A_1225 = vector.load %arg26[%get3A_1222, %get3A_1223, %get3A_1224] : memref<64x16x384xf32, #tpu.memory_space<vmem>>, vector<1x16x384xf32>
      %get3A_1226 = vector.shape_cast %get3A_1225 : vector<1x16x384xf32> to vector<16x384xf32>
      %convert_element_type3A_1227 = arith.truncf %add3A_1211 : vector<16x128xf32> to vector<16x128xbf16>
      %dot_general3A_1228 = arith.constant dense<0.000000e+00> : vector<16x256xf32>
      %dot_general3A_1229 = tpu.matmul %convert_element_type3A_1227, %slice3A, %dot_general3A_1228 {dimension_numbers = #tpu.dot_dimension_numbers<[1], [0], [0], [1], [0, 0, 1, 1], [], []>, transpose_lhs_hint = false} : vector<16x128xbf16>, vector<128x256xbf16>, vector<16x256xf32> -> vector<16x256xf32>
      %dot_general3A_1230 = arith.constant dense<0.000000e+00> : vector<16x128xf32>
      %dot_general3A_1231 = tpu.matmul %convert_element_type3A_1227, %slice3A_7, %dot_general3A_1230 {dimension_numbers = #tpu.dot_dimension_numbers<[1], [0], [0], [1], [0, 0, 1, 1], [], []>, transpose_lhs_hint = false} : vector<16x128xbf16>, vector<128x128xbf16>, vector<16x128xf32> -> vector<16x128xf32>
      %slice3A_1232 = vector.extract_strided_slice %get3A_1226 {offsets = [0, 0], sizes = [16, 128], strides = [1, 1]} : vector<16x384xf32> to vector<16x128xf32>
      %slice3A_1233 = vector.extract_strided_slice %dot_general3A_1229 {offsets = [0, 0], sizes = [16, 128], strides = [1, 1]} : vector<16x256xf32> to vector<16x128xf32>
      %add3A_1234 = arith.addf %slice3A_1232, %slice3A_1233 : vector<16x128xf32>
      %logistic3A_1235 = arith.negf %add3A_1234 : vector<16x128xf32>
      %logistic3A_1236 = math.exp %logistic3A_1235 : vector<16x128xf32>
      %logistic3A_1237 = arith.constant 1.000000e+00 : f32
      %logistic3A_1238 = vector.broadcast %logistic3A_1237 : f32 to vector<16x128xf32>
      %logistic3A_1239 = arith.addf %logistic3A_1238, %logistic3A_1236 : vector<16x128xf32>
      %logistic3A_1240 = arith.divf %logistic3A_1238, %logistic3A_1239 : vector<16x128xf32>
      %slice3A_1241 = vector.extract_strided_slice %get3A_1226 {offsets = [0, 128], sizes = [16, 128], strides = [1, 1]} : vector<16x384xf32> to vector<16x128xf32>
      %slice3A_1242 = vector.extract_strided_slice %dot_general3A_1229 {offsets = [0, 128], sizes = [16, 128], strides = [1, 1]} : vector<16x256xf32> to vector<16x128xf32>
      %add3A_1243 = arith.addf %slice3A_1241, %slice3A_1242 : vector<16x128xf32>
      %logistic3A_1244 = arith.negf %add3A_1243 : vector<16x128xf32>
      %logistic3A_1245 = math.exp %logistic3A_1244 : vector<16x128xf32>
      %logistic3A_1246 = arith.constant 1.000000e+00 : f32
      %logistic3A_1247 = vector.broadcast %logistic3A_1246 : f32 to vector<16x128xf32>
      %logistic3A_1248 = arith.addf %logistic3A_1247, %logistic3A_1245 : vector<16x128xf32>
      %logistic3A_1249 = arith.divf %logistic3A_1247, %logistic3A_1248 : vector<16x128xf32>
      %slice3A_1250 = vector.extract_strided_slice %get3A_1226 {offsets = [0, 256], sizes = [16, 128], strides = [1, 1]} : vector<16x384xf32> to vector<16x128xf32>
      %add3A_1251 = vector.broadcast %slice3A_16 : vector<1x128xf32> to vector<16x128xf32>
      %add3A_1252 = arith.addf %dot_general3A_1231, %add3A_1251 : vector<16x128xf32>
      %mul3A_1253 = arith.mulf %logistic3A_1240, %add3A_1252 : vector<16x128xf32>
      %add3A_1254 = arith.addf %slice3A_1250, %mul3A_1253 : vector<16x128xf32>
      %tanh3A_1255 = math.tanh %add3A_1254 : vector<16x128xf32>
      %sub3A_1256 = arith.subf %add3A_1211, %tanh3A_1255 : vector<16x128xf32>
      %mul3A_1257 = arith.mulf %logistic3A_1249, %sub3A_1256 : vector<16x128xf32>
      %add3A_1258 = arith.addf %tanh3A_1255, %mul3A_1257 : vector<16x128xf32>
      %add3A_1259 = arith.constant 192 : i32
      %add3A_1260 = arith.addi %add3A_1259, %scan3A_1221 : i32
      %swap3A_1261 = arith.index_cast %add3A_1260 : i32 to index
      %swap3A_1262 = arith.constant 0 : index
      %swap3A_1263 = arith.constant 0 : index
      %swap3A_1264 = vector.load %arg25[%swap3A_1261, %swap3A_1262, %swap3A_1263] : memref<256x16x128xf32, #tpu.memory_space<vmem>>, vector<1x16x128xf32>
      %swap3A_1265 = vector.shape_cast %swap3A_1264 : vector<1x16x128xf32> to vector<16x128xf32>
      %swap3A_1266 = vector.shape_cast %add3A_1258 : vector<16x128xf32> to vector<1x16x128xf32>
      tpu.vector_store %arg25[%swap3A_1261, %swap3A_1262, %swap3A_1263], %swap3A_1266 {strides = array<i32>} : memref<256x16x128xf32, #tpu.memory_space<vmem>>, vector<1x16x128xf32>,
      %scan3A_1267 = arith.constant 5 : i32
      %scan3A_1268 = arith.addi %scan3A_1032, %scan3A_1267 : i32
      %get3A_1269 = arith.index_cast %scan3A_1268 : i32 to index
      %get3A_1270 = arith.constant 0 : index
      %get3A_1271 = arith.constant 0 : index
      %get3A_1272 = vector.load %arg26[%get3A_1269, %get3A_1270, %get3A_1271] : memref<64x16x384xf32, #tpu.memory_space<vmem>>, vector<1x16x384xf32>
      %get3A_1273 = vector.shape_cast %get3A_1272 : vector<1x16x384xf32> to vector<16x384xf32>
      %convert_element_type3A_1274 = arith.truncf %add3A_1258 : vector<16x128xf32> to vector<16x128xbf16>
      %dot_general3A_1275 = arith.constant dense<0.000000e+00> : vector<16x256xf32>
      %dot_general3A_1276 = tpu.matmul %convert_element_type3A_1274, %slice3A, %dot_general3A_1275 {dimension_numbers = #tpu.dot_dimension_numbers<[1], [0], [0], [1], [0, 0, 1, 1], [], []>, transpose_lhs_hint = false} : vector<16x128xbf16>, vector<128x256xbf16>, vector<16x256xf32> -> vector<16x256xf32>
      %dot_general3A_1277 = arith.constant dense<0.000000e+00> : vector<16x128xf32>
      %dot_general3A_1278 = tpu.matmul %convert_element_type3A_1274, %slice3A_7, %dot_general3A_1277 {dimension_numbers = #tpu.dot_dimension_numbers<[1], [0], [0], [1], [0, 0, 1, 1], [], []>, transpose_lhs_hint = false} : vector<16x128xbf16>, vector<128x128xbf16>, vector<16x128xf32> -> vector<16x128xf32>
      %slice3A_1279 = vector.extract_strided_slice %get3A_1273 {offsets = [0, 0], sizes = [16, 128], strides = [1, 1]} : vector<16x384xf32> to vector<16x128xf32>
      %slice3A_1280 = vector.extract_strided_slice %dot_general3A_1276 {offsets = [0, 0], sizes = [16, 128], strides = [1, 1]} : vector<16x256xf32> to vector<16x128xf32>
      %add3A_1281 = arith.addf %slice3A_1279, %slice3A_1280 : vector<16x128xf32>
      %logistic3A_1282 = arith.negf %add3A_1281 : vector<16x128xf32>
      %logistic3A_1283 = math.exp %logistic3A_1282 : vector<16x128xf32>
      %logistic3A_1284 = arith.constant 1.000000e+00 : f32
      %logistic3A_1285 = vector.broadcast %logistic3A_1284 : f32 to vector<16x128xf32>
      %logistic3A_1286 = arith.addf %logistic3A_1285, %logistic3A_1283 : vector<16x128xf32>
      %logistic3A_1287 = arith.divf %logistic3A_1285, %logistic3A_1286 : vector<16x128xf32>
      %slice3A_1288 = vector.extract_strided_slice %get3A_1273 {offsets = [0, 128], sizes = [16, 128], strides = [1, 1]} : vector<16x384xf32> to vector<16x128xf32>
      %slice3A_1289 = vector.extract_strided_slice %dot_general3A_1276 {offsets = [0, 128], sizes = [16, 128], strides = [1, 1]} : vector<16x256xf32> to vector<16x128xf32>
      %add3A_1290 = arith.addf %slice3A_1288, %slice3A_1289 : vector<16x128xf32>
      %logistic3A_1291 = arith.negf %add3A_1290 : vector<16x128xf32>
      %logistic3A_1292 = math.exp %logistic3A_1291 : vector<16x128xf32>
      %logistic3A_1293 = arith.constant 1.000000e+00 : f32
      %logistic3A_1294 = vector.broadcast %logistic3A_1293 : f32 to vector<16x128xf32>
      %logistic3A_1295 = arith.addf %logistic3A_1294, %logistic3A_1292 : vector<16x128xf32>
      %logistic3A_1296 = arith.divf %logistic3A_1294, %logistic3A_1295 : vector<16x128xf32>
      %slice3A_1297 = vector.extract_strided_slice %get3A_1273 {offsets = [0, 256], sizes = [16, 128], strides = [1, 1]} : vector<16x384xf32> to vector<16x128xf32>
      %add3A_1298 = vector.broadcast %slice3A_16 : vector<1x128xf32> to vector<16x128xf32>
      %add3A_1299 = arith.addf %dot_general3A_1278, %add3A_1298 : vector<16x128xf32>
      %mul3A_1300 = arith.mulf %logistic3A_1287, %add3A_1299 : vector<16x128xf32>
      %add3A_1301 = arith.addf %slice3A_1297, %mul3A_1300 : vector<16x128xf32>
      %tanh3A_1302 = math.tanh %add3A_1301 : vector<16x128xf32>
      %sub3A_1303 = arith.subf %add3A_1258, %tanh3A_1302 : vector<16x128xf32>
      %mul3A_1304 = arith.mulf %logistic3A_1296, %sub3A_1303 : vector<16x128xf32>
      %add3A_1305 = arith.addf %tanh3A_1302, %mul3A_1304 : vector<16x128xf32>
      %add3A_1306 = arith.constant 192 : i32
      %add3A_1307 = arith.addi %add3A_1306, %scan3A_1268 : i32
      %swap3A_1308 = arith.index_cast %add3A_1307 : i32 to index
      %swap3A_1309 = arith.constant 0 : index
      %swap3A_1310 = arith.constant 0 : index
      %swap3A_1311 = vector.load %arg25[%swap3A_1308, %swap3A_1309, %swap3A_1310] : memref<256x16x128xf32, #tpu.memory_space<vmem>>, vector<1x16x128xf32>
      %swap3A_1312 = vector.shape_cast %swap3A_1311 : vector<1x16x128xf32> to vector<16x128xf32>
      %swap3A_1313 = vector.shape_cast %add3A_1305 : vector<16x128xf32> to vector<1x16x128xf32>
      tpu.vector_store %arg25[%swap3A_1308, %swap3A_1309, %swap3A_1310], %swap3A_1313 {strides = array<i32>} : memref<256x16x128xf32, #tpu.memory_space<vmem>>, vector<1x16x128xf32>,
      %scan3A_1314 = arith.constant 6 : i32
      %scan3A_1315 = arith.addi %scan3A_1032, %scan3A_1314 : i32
      %get3A_1316 = arith.index_cast %scan3A_1315 : i32 to index
      %get3A_1317 = arith.constant 0 : index
      %get3A_1318 = arith.constant 0 : index
      %get3A_1319 = vector.load %arg26[%get3A_1316, %get3A_1317, %get3A_1318] : memref<64x16x384xf32, #tpu.memory_space<vmem>>, vector<1x16x384xf32>
      %get3A_1320 = vector.shape_cast %get3A_1319 : vector<1x16x384xf32> to vector<16x384xf32>
      %convert_element_type3A_1321 = arith.truncf %add3A_1305 : vector<16x128xf32> to vector<16x128xbf16>
      %dot_general3A_1322 = arith.constant dense<0.000000e+00> : vector<16x256xf32>
      %dot_general3A_1323 = tpu.matmul %convert_element_type3A_1321, %slice3A, %dot_general3A_1322 {dimension_numbers = #tpu.dot_dimension_numbers<[1], [0], [0], [1], [0, 0, 1, 1], [], []>, transpose_lhs_hint = false} : vector<16x128xbf16>, vector<128x256xbf16>, vector<16x256xf32> -> vector<16x256xf32>
      %dot_general3A_1324 = arith.constant dense<0.000000e+00> : vector<16x128xf32>
      %dot_general3A_1325 = tpu.matmul %convert_element_type3A_1321, %slice3A_7, %dot_general3A_1324 {dimension_numbers = #tpu.dot_dimension_numbers<[1], [0], [0], [1], [0, 0, 1, 1], [], []>, transpose_lhs_hint = false} : vector<16x128xbf16>, vector<128x128xbf16>, vector<16x128xf32> -> vector<16x128xf32>
      %slice3A_1326 = vector.extract_strided_slice %get3A_1320 {offsets = [0, 0], sizes = [16, 128], strides = [1, 1]} : vector<16x384xf32> to vector<16x128xf32>
      %slice3A_1327 = vector.extract_strided_slice %dot_general3A_1323 {offsets = [0, 0], sizes = [16, 128], strides = [1, 1]} : vector<16x256xf32> to vector<16x128xf32>
      %add3A_1328 = arith.addf %slice3A_1326, %slice3A_1327 : vector<16x128xf32>
      %logistic3A_1329 = arith.negf %add3A_1328 : vector<16x128xf32>
      %logistic3A_1330 = math.exp %logistic3A_1329 : vector<16x128xf32>
      %logistic3A_1331 = arith.constant 1.000000e+00 : f32
      %logistic3A_1332 = vector.broadcast %logistic3A_1331 : f32 to vector<16x128xf32>
      %logistic3A_1333 = arith.addf %logistic3A_1332, %logistic3A_1330 : vector<16x128xf32>
      %logistic3A_1334 = arith.divf %logistic3A_1332, %logistic3A_1333 : vector<16x128xf32>
      %slice3A_1335 = vector.extract_strided_slice %get3A_1320 {offsets = [0, 128], sizes = [16, 128], strides = [1, 1]} : vector<16x384xf32> to vector<16x128xf32>
      %slice3A_1336 = vector.extract_strided_slice %dot_general3A_1323 {offsets = [0, 128], sizes = [16, 128], strides = [1, 1]} : vector<16x256xf32> to vector<16x128xf32>
      %add3A_1337 = arith.addf %slice3A_1335, %slice3A_1336 : vector<16x128xf32>
      %logistic3A_1338 = arith.negf %add3A_1337 : vector<16x128xf32>
      %logistic3A_1339 = math.exp %logistic3A_1338 : vector<16x128xf32>
      %logistic3A_1340 = arith.constant 1.000000e+00 : f32
      %logistic3A_1341 = vector.broadcast %logistic3A_1340 : f32 to vector<16x128xf32>
      %logistic3A_1342 = arith.addf %logistic3A_1341, %logistic3A_1339 : vector<16x128xf32>
      %logistic3A_1343 = arith.divf %logistic3A_1341, %logistic3A_1342 : vector<16x128xf32>
      %slice3A_1344 = vector.extract_strided_slice %get3A_1320 {offsets = [0, 256], sizes = [16, 128], strides = [1, 1]} : vector<16x384xf32> to vector<16x128xf32>
      %add3A_1345 = vector.broadcast %slice3A_16 : vector<1x128xf32> to vector<16x128xf32>
      %add3A_1346 = arith.addf %dot_general3A_1325, %add3A_1345 : vector<16x128xf32>
      %mul3A_1347 = arith.mulf %logistic3A_1334, %add3A_1346 : vector<16x128xf32>
      %add3A_1348 = arith.addf %slice3A_1344, %mul3A_1347 : vector<16x128xf32>
      %tanh3A_1349 = math.tanh %add3A_1348 : vector<16x128xf32>
      %sub3A_1350 = arith.subf %add3A_1305, %tanh3A_1349 : vector<16x128xf32>
      %mul3A_1351 = arith.mulf %logistic3A_1343, %sub3A_1350 : vector<16x128xf32>
      %add3A_1352 = arith.addf %tanh3A_1349, %mul3A_1351 : vector<16x128xf32>
      %add3A_1353 = arith.constant 192 : i32
      %add3A_1354 = arith.addi %add3A_1353, %scan3A_1315 : i32
      %swap3A_1355 = arith.index_cast %add3A_1354 : i32 to index
      %swap3A_1356 = arith.constant 0 : index
      %swap3A_1357 = arith.constant 0 : index
      %swap3A_1358 = vector.load %arg25[%swap3A_1355, %swap3A_1356, %swap3A_1357] : memref<256x16x128xf32, #tpu.memory_space<vmem>>, vector<1x16x128xf32>
      %swap3A_1359 = vector.shape_cast %swap3A_1358 : vector<1x16x128xf32> to vector<16x128xf32>
      %swap3A_1360 = vector.shape_cast %add3A_1352 : vector<16x128xf32> to vector<1x16x128xf32>
      tpu.vector_store %arg25[%swap3A_1355, %swap3A_1356, %swap3A_1357], %swap3A_1360 {strides = array<i32>} : memref<256x16x128xf32, #tpu.memory_space<vmem>>, vector<1x16x128xf32>,
      %scan3A_1361 = arith.constant 7 : i32
      %scan3A_1362 = arith.addi %scan3A_1032, %scan3A_1361 : i32
      %get3A_1363 = arith.index_cast %scan3A_1362 : i32 to index
      %get3A_1364 = arith.constant 0 : index
      %get3A_1365 = arith.constant 0 : index
      %get3A_1366 = vector.load %arg26[%get3A_1363, %get3A_1364, %get3A_1365] : memref<64x16x384xf32, #tpu.memory_space<vmem>>, vector<1x16x384xf32>
      %get3A_1367 = vector.shape_cast %get3A_1366 : vector<1x16x384xf32> to vector<16x384xf32>
      %convert_element_type3A_1368 = arith.truncf %add3A_1352 : vector<16x128xf32> to vector<16x128xbf16>
      %dot_general3A_1369 = arith.constant dense<0.000000e+00> : vector<16x256xf32>
      %dot_general3A_1370 = tpu.matmul %convert_element_type3A_1368, %slice3A, %dot_general3A_1369 {dimension_numbers = #tpu.dot_dimension_numbers<[1], [0], [0], [1], [0, 0, 1, 1], [], []>, transpose_lhs_hint = false} : vector<16x128xbf16>, vector<128x256xbf16>, vector<16x256xf32> -> vector<16x256xf32>
      %dot_general3A_1371 = arith.constant dense<0.000000e+00> : vector<16x128xf32>
      %dot_general3A_1372 = tpu.matmul %convert_element_type3A_1368, %slice3A_7, %dot_general3A_1371 {dimension_numbers = #tpu.dot_dimension_numbers<[1], [0], [0], [1], [0, 0, 1, 1], [], []>, transpose_lhs_hint = false} : vector<16x128xbf16>, vector<128x128xbf16>, vector<16x128xf32> -> vector<16x128xf32>
      %slice3A_1373 = vector.extract_strided_slice %get3A_1367 {offsets = [0, 0], sizes = [16, 128], strides = [1, 1]} : vector<16x384xf32> to vector<16x128xf32>
      %slice3A_1374 = vector.extract_strided_slice %dot_general3A_1370 {offsets = [0, 0], sizes = [16, 128], strides = [1, 1]} : vector<16x256xf32> to vector<16x128xf32>
      %add3A_1375 = arith.addf %slice3A_1373, %slice3A_1374 : vector<16x128xf32>
      %logistic3A_1376 = arith.negf %add3A_1375 : vector<16x128xf32>
      %logistic3A_1377 = math.exp %logistic3A_1376 : vector<16x128xf32>
      %logistic3A_1378 = arith.constant 1.000000e+00 : f32
      %logistic3A_1379 = vector.broadcast %logistic3A_1378 : f32 to vector<16x128xf32>
      %logistic3A_1380 = arith.addf %logistic3A_1379, %logistic3A_1377 : vector<16x128xf32>
      %logistic3A_1381 = arith.divf %logistic3A_1379, %logistic3A_1380 : vector<16x128xf32>
      %slice3A_1382 = vector.extract_strided_slice %get3A_1367 {offsets = [0, 128], sizes = [16, 128], strides = [1, 1]} : vector<16x384xf32> to vector<16x128xf32>
      %slice3A_1383 = vector.extract_strided_slice %dot_general3A_1370 {offsets = [0, 128], sizes = [16, 128], strides = [1, 1]} : vector<16x256xf32> to vector<16x128xf32>
      %add3A_1384 = arith.addf %slice3A_1382, %slice3A_1383 : vector<16x128xf32>
      %logistic3A_1385 = arith.negf %add3A_1384 : vector<16x128xf32>
      %logistic3A_1386 = math.exp %logistic3A_1385 : vector<16x128xf32>
      %logistic3A_1387 = arith.constant 1.000000e+00 : f32
      %logistic3A_1388 = vector.broadcast %logistic3A_1387 : f32 to vector<16x128xf32>
      %logistic3A_1389 = arith.addf %logistic3A_1388, %logistic3A_1386 : vector<16x128xf32>
      %logistic3A_1390 = arith.divf %logistic3A_1388, %logistic3A_1389 : vector<16x128xf32>
      %slice3A_1391 = vector.extract_strided_slice %get3A_1367 {offsets = [0, 256], sizes = [16, 128], strides = [1, 1]} : vector<16x384xf32> to vector<16x128xf32>
      %add3A_1392 = vector.broadcast %slice3A_16 : vector<1x128xf32> to vector<16x128xf32>
      %add3A_1393 = arith.addf %dot_general3A_1372, %add3A_1392 : vector<16x128xf32>
      %mul3A_1394 = arith.mulf %logistic3A_1381, %add3A_1393 : vector<16x128xf32>
      %add3A_1395 = arith.addf %slice3A_1391, %mul3A_1394 : vector<16x128xf32>
      %tanh3A_1396 = math.tanh %add3A_1395 : vector<16x128xf32>
      %sub3A_1397 = arith.subf %add3A_1352, %tanh3A_1396 : vector<16x128xf32>
      %mul3A_1398 = arith.mulf %logistic3A_1390, %sub3A_1397 : vector<16x128xf32>
      %add3A_1399 = arith.addf %tanh3A_1396, %mul3A_1398 : vector<16x128xf32>
      %add3A_1400 = arith.constant 192 : i32
      %add3A_1401 = arith.addi %add3A_1400, %scan3A_1362 : i32
      %swap3A_1402 = arith.index_cast %add3A_1401 : i32 to index
      %swap3A_1403 = arith.constant 0 : index
      %swap3A_1404 = arith.constant 0 : index
      %swap3A_1405 = vector.load %arg25[%swap3A_1402, %swap3A_1403, %swap3A_1404] : memref<256x16x128xf32, #tpu.memory_space<vmem>>, vector<1x16x128xf32>
      %swap3A_1406 = vector.shape_cast %swap3A_1405 : vector<1x16x128xf32> to vector<16x128xf32>
      %swap3A_1407 = vector.shape_cast %add3A_1399 : vector<16x128xf32> to vector<1x16x128xf32>
      tpu.vector_store %arg25[%swap3A_1402, %swap3A_1403, %swap3A_1404], %swap3A_1407 {strides = array<i32>} : memref<256x16x128xf32, #tpu.memory_space<vmem>>, vector<1x16x128xf32>,
      scf.yield %add3A_1399 : vector<16x128xf32>
    }
    %scan3A_101 = arith.constant 64 : i32
    %swap3A_102 = arith.constant 0 : index
    %swap3A_103 = arith.constant 0 : index
    %swap3A_104 = vector.load %arg23[%swap3A_102, %swap3A_103] : memref<16x128xf32, #tpu.memory_space<vmem>>, vector<16x128xf32>
    tpu.vector_store %arg23[%swap3A_102, %swap3A_103], %scan3A_100 {strides = array<i32>} : memref<16x128xf32, #tpu.memory_space<vmem>>, vector<16x128xf32>,
    %get3A_105 = arith.constant 0 : index
    %get3A_106 = arith.constant 0 : index
    %get3A_107 = vector.load %arg7[%get3A_105, %get3A_106] : memref<256x128xf32, #tpu.memory_space<vmem>>, vector<256x128xf32>
    %mul3A = arith.mulf %get3A_107, %get3A_107 : vector<256x128xf32>
    %reduce_sum3A = arith.constant dense<0.000000e+00> : vector<256xf32>
    %reduce_sum3A_108 = vector.multi_reduction <add>, %mul3A, %reduce_sum3A [1] : vector<256x128xf32> to vector<256xf32>
    %broadcast_in_dim3A_109 = vector.shape_cast %reduce_sum3A_108 : vector<256xf32> to vector<256x1xf32>
    %sqrt3A = math.sqrt %broadcast_in_dim3A_109 : vector<256x1xf32>
    %max3A = arith.constant 9.99999996E-13 : f32
    %max3A_110 = vector.broadcast %max3A : f32 to vector<256x1xf32>
    %max3A_111 = arith.maximumf %sqrt3A, %max3A_110 : vector<256x1xf32>
    %div3A = vector.broadcast %max3A_111 : vector<256x1xf32> to vector<256x128xf32>
    %div3A_112 = arith.divf %get3A_107, %div3A : vector<256x128xf32>
    %get3A_113 = arith.constant 0 : index
    %get3A_114 = arith.constant 0 : index
    %get3A_115 = vector.load %arg9[%get3A_113, %get3A_114] : memref<256x1xf32, #tpu.memory_space<vmem>>, vector<256x1xf32>
    %mul3A_116 = arith.constant 1.000000e+01 : f32
    %mul3A_117 = vector.broadcast %mul3A_116 : f32 to vector<256x1xf32>
    %mul3A_118 = arith.mulf %get3A_115, %mul3A_117 : vector<256x1xf32>
    %mul3A_119 = vector.broadcast %mul3A_118 : vector<256x1xf32> to vector<256x128xf32>
    %mul3A_120 = arith.mulf %div3A_112, %mul3A_119 : vector<256x128xf32>
    %get3A_121 = arith.constant 0 : index
    %get3A_122 = arith.constant 0 : index
    %get3A_123 = vector.load %arg15[%get3A_121, %get3A_122] : memref<128x256xf32, #tpu.memory_space<vmem>>, vector<128x256xf32>
    %slice3A_124 = vector.extract_strided_slice %get3A_123 {offsets = [0, 0], sizes = [128, 128], strides = [1, 1]} : vector<128x256xf32> to vector<128x128xf32>
    %transpose3A_125 = tpu.transpose %slice3A_124, [1, 0] : vector<128x128xf32> -> vector<128x128xf32>
    %slice3A_126 = vector.extract_strided_slice %get3A_123 {offsets = [0, 128], sizes = [128, 128], strides = [1, 1]} : vector<128x256xf32> to vector<128x128xf32>
    %transpose3A_127 = tpu.transpose %slice3A_126, [1, 0] : vector<128x128xf32> -> vector<128x128xf32>
    %get3A_128 = arith.constant 0 : index
    %get3A_129 = arith.constant 0 : index
    %get3A_130 = vector.load %arg21[%get3A_128, %get3A_129] : memref<1x2xf32, #tpu.memory_space<vmem>>, vector<1x1xf32>
    %get3A_131 = vector.extract %get3A_130[0, 0] : f32 from vector<1x1xf32>
    %get3A_132 = arith.constant 0 : index
    %get3A_133 = arith.constant 0 : index
    %get3A_134 = vector.load %arg8[%get3A_132, %get3A_133] : memref<256x128xf32, #tpu.memory_space<vmem>>, vector<256x128xf32>
    %mul3A_135 = vector.broadcast %get3A_131 : f32 to vector<128x128xf32>
    %mul3A_136 = arith.mulf %transpose3A_127, %mul3A_135 : vector<128x128xf32>
    %dot_general3A_137 = arith.constant dense<0.000000e+00> : vector<256x128xf32>
    %dot_general3A_138 = tpu.matmul %get3A_134, %mul3A_136, %dot_general3A_137 {dimension_numbers = #tpu.dot_dimension_numbers<[1], [0], [0], [1], [0, 0, 1, 1], [], []>, transpose_lhs_hint = false} : vector<256x128xf32>, vector<128x128xf32>, vector<256x128xf32> -> vector<256x128xf32>
    %broadcast_in_dim3A_139 = arith.constant 1.000000e+00 : f32
    %broadcast_in_dim3A_140 = vector.broadcast %broadcast_in_dim3A_139 : f32 to vector<256x128xf32>
    %concatenate3A_141 = tpu.concatenate %dot_general3A_138, %broadcast_in_dim3A_140 in 1 : vector<256x128xf32>, vector<256x128xf32> -> vector<256x256xf32>
    %get3A_142 = arith.constant 0 : index
    %get3A_143 = vector.load %arg16[%get3A_142] : memref<128xf32, #tpu.memory_space<vmem>>, vector<128xf32>
    %reshape3A_144 = vector.shape_cast %get3A_143 : vector<128xf32> to vector<1x128xf32>
    %get3A_145 = arith.constant 0 : index
    %get3A_146 = vector.load %arg17[%get3A_145] : memref<128xf32, #tpu.memory_space<vmem>>, vector<128xf32>
    %reshape3A_147 = vector.shape_cast %get3A_146 : vector<128xf32> to vector<1x128xf32>
    %get3A_148 = arith.constant 0 : index
    %get3A_149 = vector.load %arg18[%get3A_148] : memref<128xf32, #tpu.memory_space<vmem>>, vector<128xf32>
    %reshape3A_150 = vector.shape_cast %get3A_149 : vector<128xf32> to vector<1x128xf32>
    %get3A_151 = arith.constant 0 : index
    %get3A_152 = vector.load %arg19[%get3A_151] : memref<128xf32, #tpu.memory_space<vmem>>, vector<128xf32>
    %reshape3A_153 = vector.shape_cast %get3A_152 : vector<128xf32> to vector<1x128xf32>
    %get3A_154 = arith.constant 0 : index
    %get3A_155 = vector.load %arg20[%get3A_154] : memref<128xf32, #tpu.memory_space<vmem>>, vector<128xf32>
    %reshape3A_156 = vector.shape_cast %get3A_155 : vector<128xf32> to vector<1x128xf32>
    %get3A_157 = arith.constant 0 : index
    %get3A_158 = arith.constant 1 : index
    %get3A_159 = vector.load %arg21[%get3A_157, %get3A_158] : memref<1x2xf32, #tpu.memory_space<vmem>>, vector<1x1xf32>
    %get3A_160 = vector.extract %get3A_159[0, 0] : f32 from vector<1x1xf32>
    %broadcast_in_dim3A_161 = arith.constant 0.000000e+00 : f32
    %broadcast_in_dim3A_162 = vector.broadcast %broadcast_in_dim3A_161 : f32 to vector<16x128xf32>
    %get3A_163 = arith.constant 0 : index
    %get3A_164 = arith.constant 0 : index
    %get3A_165 = arith.constant 0 : index
    %get3A_166 = vector.load %arg1[%get3A_163, %get3A_164, %get3A_165] : memref<256x16x128xf32, #tpu.memory_space<vmem>>, vector<64x16x128xf32>
    %reshape3A_167 = vector.shape_cast %get3A_166 : vector<64x16x128xf32> to vector<1024x128xf32>
    %mul3A_168 = arith.mulf %reshape3A_167, %reshape3A_167 : vector<1024x128xf32>
    %dot_general3A_169 = arith.constant dense<0.000000e+00> : vector<1024x128xf32>
    %dot_general3A_170 = tpu.matmul %mul3A_168, %broadcast_in_dim3A_0, %dot_general3A_169 {dimension_numbers = #tpu.dot_dimension_numbers<[1], [0], [0], [1], [0, 0, 1, 1], [], []>, transpose_lhs_hint = false} : vector<1024x128xf32>, vector<128x128xf32>, vector<1024x128xf32> -> vector<1024x128xf32>
    %sqrt3A_171 = math.sqrt %dot_general3A_170 : vector<1024x128xf32>
    %max3A_172 = arith.constant 9.99999996E-13 : f32
    %max3A_173 = vector.broadcast %max3A_172 : f32 to vector<1024x128xf32>
    %max3A_174 = arith.maximumf %sqrt3A_171, %max3A_173 : vector<1024x128xf32>
    %div3A_175 = arith.divf %reshape3A_167, %max3A_174 : vector<1024x128xf32>
    %dot_general3A_176 = arith.constant dense<0.000000e+00> : vector<1024x256xf32>
    %dot_general3A_177 = tpu.matmul %div3A_175, %mul3A_120, %dot_general3A_176 {dimension_numbers = #tpu.dot_dimension_numbers<[1], [1], [0], [0], [0, 0, 1, 0], [], []>, transpose_lhs_hint = false} : vector<1024x128xf32>, vector<256x128xf32>, vector<1024x256xf32> -> vector<1024x256xf32>
    %exp3A = math.exp %dot_general3A_177 : vector<1024x256xf32>
    %dot_general3A_178 = arith.constant dense<0.000000e+00> : vector<1024x256xf32>
    %dot_general3A_179 = tpu.matmul %exp3A, %concatenate3A_141, %dot_general3A_178 {dimension_numbers = #tpu.dot_dimension_numbers<[1], [0], [0], [1], [0, 0, 1, 1], [], []>, transpose_lhs_hint = false} : vector<1024x256xf32>, vector<256x256xf32>, vector<1024x256xf32> -> vector<1024x256xf32>
    %dot_general3A_180 = arith.constant dense<0.000000e+00> : vector<1024x128xf32>
    %dot_general3A_181 = tpu.matmul %reshape3A_167, %transpose3A_125, %dot_general3A_180 {dimension_numbers = #tpu.dot_dimension_numbers<[1], [0], [0], [1], [0, 0, 1, 1], [], []>, transpose_lhs_hint = false} : vector<1024x128xf32>, vector<128x128xf32>, vector<1024x128xf32> -> vector<1024x128xf32>
    %slice3A_182 = vector.extract_strided_slice %dot_general3A_179 {offsets = [0, 0], sizes = [1024, 128], strides = [1, 1]} : vector<1024x256xf32> to vector<1024x128xf32>
    %slice3A_183 = vector.extract_strided_slice %dot_general3A_179 {offsets = [0, 128], sizes = [1024, 128], strides = [1, 1]} : vector<1024x256xf32> to vector<1024x128xf32>
    %div3A_184 = arith.divf %slice3A_182, %slice3A_183 : vector<1024x128xf32>
    %add3A_185 = arith.addf %dot_general3A_181, %div3A_184 : vector<1024x128xf32>
    %add3A_186 = vector.broadcast %reshape3A_144 : vector<1x128xf32> to vector<1024x128xf32>
    %add3A_187 = arith.addf %add3A_185, %add3A_186 : vector<1024x128xf32>
    %mul3A_188 = arith.mulf %add3A_187, %add3A_187 : vector<1024x128xf32>
    %concatenate3A_189 = tpu.concatenate %add3A_187, %mul3A_188 in 0 : vector<1024x128xf32>, vector<1024x128xf32> -> vector<2048x128xf32>
    %dot_general3A_190 = arith.constant dense<0.000000e+00> : vector<2048x128xf32>
    %dot_general3A_191 = tpu.matmul %concatenate3A_189, %broadcast_in_dim3A_0, %dot_general3A_190 {dimension_numbers = #tpu.dot_dimension_numbers<[1], [0], [0], [1], [0, 0, 1, 1], [], []>, transpose_lhs_hint = false} : vector<2048x128xf32>, vector<128x128xf32>, vector<2048x128xf32> -> vector<2048x128xf32>
    %mul3A_192 = arith.constant 7.812500e-03 : f32
    %mul3A_193 = vector.broadcast %mul3A_192 : f32 to vector<2048x128xf32>
    %mul3A_194 = arith.mulf %dot_general3A_191, %mul3A_193 : vector<2048x128xf32>
    %slice3A_195 = vector.extract_strided_slice %mul3A_194 {offsets = [0, 0], sizes = [1024, 128], strides = [1, 1]} : vector<2048x128xf32> to vector<1024x128xf32>
    %slice3A_196 = vector.extract_strided_slice %mul3A_194 {offsets = [1024, 0], sizes = [1024, 128], strides = [1, 1]} : vector<2048x128xf32> to vector<1024x128xf32>
    %mul3A_197 = arith.mulf %slice3A_195, %slice3A_195 : vector<1024x128xf32>
    %sub3A = arith.subf %slice3A_196, %mul3A_197 : vector<1024x128xf32>
    %sub3A_198 = arith.subf %add3A_187, %slice3A_195 : vector<1024x128xf32>
    %add3A_199 = arith.constant 9.99999974E-6 : f32
    %add3A_200 = vector.broadcast %add3A_199 : f32 to vector<1024x128xf32>
    %add3A_201 = arith.addf %sub3A, %add3A_200 : vector<1024x128xf32>
    %sqrt3A_202 = math.sqrt %add3A_201 : vector<1024x128xf32>
    %div3A_203 = arith.divf %sub3A_198, %sqrt3A_202 : vector<1024x128xf32>
    %mul3A_204 = vector.broadcast %reshape3A_147 : vector<1x128xf32> to vector<1024x128xf32>
    %mul3A_205 = arith.mulf %div3A_203, %mul3A_204 : vector<1024x128xf32>
    %add3A_206 = vector.broadcast %reshape3A_150 : vector<1x128xf32> to vector<1024x128xf32>
    %add3A_207 = arith.addf %mul3A_205, %add3A_206 : vector<1024x128xf32>
    %mul3A_208 = arith.constant 5.000000e-01 : f32
    %mul3A_209 = vector.broadcast %mul3A_208 : f32 to vector<1024x128xf32>
    %mul3A_210 = arith.mulf %add3A_207, %mul3A_209 : vector<1024x128xf32>
    %mul3A_211 = arith.constant 0.707106769 : f32
    %mul3A_212 = vector.broadcast %mul3A_211 : f32 to vector<1024x128xf32>
    %mul3A_213 = arith.mulf %add3A_207, %mul3A_212 : vector<1024x128xf32>
    %erf3A = math.erf %mul3A_213 : vector<1024x128xf32>
    %add3A_214 = arith.constant 1.000000e+00 : f32
    %add3A_215 = vector.broadcast %add3A_214 : f32 to vector<1024x128xf32>
    %add3A_216 = arith.addf %add3A_215, %erf3A : vector<1024x128xf32>
    %mul3A_217 = arith.mulf %mul3A_210, %add3A_216 : vector<1024x128xf32>
    %reshape3A_218 = vector.shape_cast %mul3A_217 : vector<1024x128xf32> to vector<64x16x128xf32>
    %swap3A_219 = arith.constant 0 : index
    %swap3A_220 = arith.constant 0 : index
    %swap3A_221 = arith.constant 0 : index
    %swap3A_222 = vector.load %arg22[%swap3A_219, %swap3A_220, %swap3A_221] : memref<512x16x128xf32, #tpu.memory_space<vmem>>, vector<64x16x128xf32>
    tpu.vector_store %arg22[%swap3A_219, %swap3A_220, %swap3A_221], %reshape3A_218 {strides = array<i32>} : memref<512x16x128xf32, #tpu.memory_space<vmem>>, vector<64x16x128xf32>,
    %reduce_sum3A_223 = arith.constant dense<0.000000e+00> : vector<16x128xf32>
    %reduce_sum3A_224 = vector.multi_reduction <add>, %reshape3A_218, %reduce_sum3A_223 [0] : vector<64x16x128xf32> to vector<16x128xf32>
    %add3A_225 = arith.addf %broadcast_in_dim3A_162, %reduce_sum3A_224 : vector<16x128xf32>
    %get3A_226 = arith.constant 64 : index
    %get3A_227 = arith.constant 0 : index
    %get3A_228 = arith.constant 0 : index
    %get3A_229 = vector.load %arg1[%get3A_226, %get3A_227, %get3A_228] : memref<256x16x128xf32, #tpu.memory_space<vmem>>, vector<64x16x128xf32>
    %reshape3A_230 = vector.shape_cast %get3A_229 : vector<64x16x128xf32> to vector<1024x128xf32>
    %mul3A_231 = arith.mulf %reshape3A_230, %reshape3A_230 : vector<1024x128xf32>
    %dot_general3A_232 = arith.constant dense<0.000000e+00> : vector<1024x128xf32>
    %dot_general3A_233 = tpu.matmul %mul3A_231, %broadcast_in_dim3A_0, %dot_general3A_232 {dimension_numbers = #tpu.dot_dimension_numbers<[1], [0], [0], [1], [0, 0, 1, 1], [], []>, transpose_lhs_hint = false} : vector<1024x128xf32>, vector<128x128xf32>, vector<1024x128xf32> -> vector<1024x128xf32>
    %sqrt3A_234 = math.sqrt %dot_general3A_233 : vector<1024x128xf32>
    %max3A_235 = arith.constant 9.99999996E-13 : f32
    %max3A_236 = vector.broadcast %max3A_235 : f32 to vector<1024x128xf32>
    %max3A_237 = arith.maximumf %sqrt3A_234, %max3A_236 : vector<1024x128xf32>
    %div3A_238 = arith.divf %reshape3A_230, %max3A_237 : vector<1024x128xf32>
    %dot_general3A_239 = arith.constant dense<0.000000e+00> : vector<1024x256xf32>
    %dot_general3A_240 = tpu.matmul %div3A_238, %mul3A_120, %dot_general3A_239 {dimension_numbers = #tpu.dot_dimension_numbers<[1], [1], [0], [0], [0, 0, 1, 0], [], []>, transpose_lhs_hint = false} : vector<1024x128xf32>, vector<256x128xf32>, vector<1024x256xf32> -> vector<1024x256xf32>
    %exp3A_241 = math.exp %dot_general3A_240 : vector<1024x256xf32>
    %dot_general3A_242 = arith.constant dense<0.000000e+00> : vector<1024x256xf32>
    %dot_general3A_243 = tpu.matmul %exp3A_241, %concatenate3A_141, %dot_general3A_242 {dimension_numbers = #tpu.dot_dimension_numbers<[1], [0], [0], [1], [0, 0, 1, 1], [], []>, transpose_lhs_hint = false} : vector<1024x256xf32>, vector<256x256xf32>, vector<1024x256xf32> -> vector<1024x256xf32>
    %dot_general3A_244 = arith.constant dense<0.000000e+00> : vector<1024x128xf32>
    %dot_general3A_245 = tpu.matmul %reshape3A_230, %transpose3A_125, %dot_general3A_244 {dimension_numbers = #tpu.dot_dimension_numbers<[1], [0], [0], [1], [0, 0, 1, 1], [], []>, transpose_lhs_hint = false} : vector<1024x128xf32>, vector<128x128xf32>, vector<1024x128xf32> -> vector<1024x128xf32>
    %slice3A_246 = vector.extract_strided_slice %dot_general3A_243 {offsets = [0, 0], sizes = [1024, 128], strides = [1, 1]} : vector<1024x256xf32> to vector<1024x128xf32>
    %slice3A_247 = vector.extract_strided_slice %dot_general3A_243 {offsets = [0, 128], sizes = [1024, 128], strides = [1, 1]} : vector<1024x256xf32> to vector<1024x128xf32>
    %div3A_248 = arith.divf %slice3A_246, %slice3A_247 : vector<1024x128xf32>
    %add3A_249 = arith.addf %dot_general3A_245, %div3A_248 : vector<1024x128xf32>
    %add3A_250 = vector.broadcast %reshape3A_144 : vector<1x128xf32> to vector<1024x128xf32>
    %add3A_251 = arith.addf %add3A_249, %add3A_250 : vector<1024x128xf32>
    %mul3A_252 = arith.mulf %add3A_251, %add3A_251 : vector<1024x128xf32>
    %concatenate3A_253 = tpu.concatenate %add3A_251, %mul3A_252 in 0 : vector<1024x128xf32>, vector<1024x128xf32> -> vector<2048x128xf32>
    %dot_general3A_254 = arith.constant dense<0.000000e+00> : vector<2048x128xf32>
    %dot_general3A_255 = tpu.matmul %concatenate3A_253, %broadcast_in_dim3A_0, %dot_general3A_254 {dimension_numbers = #tpu.dot_dimension_numbers<[1], [0], [0], [1], [0, 0, 1, 1], [], []>, transpose_lhs_hint = false} : vector<2048x128xf32>, vector<128x128xf32>, vector<2048x128xf32> -> vector<2048x128xf32>
    %mul3A_256 = arith.constant 7.812500e-03 : f32
    %mul3A_257 = vector.broadcast %mul3A_256 : f32 to vector<2048x128xf32>
    %mul3A_258 = arith.mulf %dot_general3A_255, %mul3A_257 : vector<2048x128xf32>
    %slice3A_259 = vector.extract_strided_slice %mul3A_258 {offsets = [0, 0], sizes = [1024, 128], strides = [1, 1]} : vector<2048x128xf32> to vector<1024x128xf32>
    %slice3A_260 = vector.extract_strided_slice %mul3A_258 {offsets = [1024, 0], sizes = [1024, 128], strides = [1, 1]} : vector<2048x128xf32> to vector<1024x128xf32>
    %mul3A_261 = arith.mulf %slice3A_259, %slice3A_259 : vector<1024x128xf32>
    %sub3A_262 = arith.subf %slice3A_260, %mul3A_261 : vector<1024x128xf32>
    %sub3A_263 = arith.subf %add3A_251, %slice3A_259 : vector<1024x128xf32>
    %add3A_264 = arith.constant 9.99999974E-6 : f32
    %add3A_265 = vector.broadcast %add3A_264 : f32 to vector<1024x128xf32>
    %add3A_266 = arith.addf %sub3A_262, %add3A_265 : vector<1024x128xf32>
    %sqrt3A_267 = math.sqrt %add3A_266 : vector<1024x128xf32>
    %div3A_268 = arith.divf %sub3A_263, %sqrt3A_267 : vector<1024x128xf32>
    %mul3A_269 = vector.broadcast %reshape3A_147 : vector<1x128xf32> to vector<1024x128xf32>
    %mul3A_270 = arith.mulf %div3A_268, %mul3A_269 : vector<1024x128xf32>
    %add3A_271 = vector.broadcast %reshape3A_150 : vector<1x128xf32> to vector<1024x128xf32>
    %add3A_272 = arith.addf %mul3A_270, %add3A_271 : vector<1024x128xf32>
    %mul3A_273 = arith.constant 5.000000e-01 : f32
    %mul3A_274 = vector.broadcast %mul3A_273 : f32 to vector<1024x128xf32>
    %mul3A_275 = arith.mulf %add3A_272, %mul3A_274 : vector<1024x128xf32>
    %mul3A_276 = arith.constant 0.707106769 : f32
    %mul3A_277 = vector.broadcast %mul3A_276 : f32 to vector<1024x128xf32>
    %mul3A_278 = arith.mulf %add3A_272, %mul3A_277 : vector<1024x128xf32>
    %erf3A_279 = math.erf %mul3A_278 : vector<1024x128xf32>
    %add3A_280 = arith.constant 1.000000e+00 : f32
    %add3A_281 = vector.broadcast %add3A_280 : f32 to vector<1024x128xf32>
    %add3A_282 = arith.addf %add3A_281, %erf3A_279 : vector<1024x128xf32>
    %mul3A_283 = arith.mulf %mul3A_275, %add3A_282 : vector<1024x128xf32>
    %reshape3A_284 = vector.shape_cast %mul3A_283 : vector<1024x128xf32> to vector<64x16x128xf32>
    %swap3A_285 = arith.constant 64 : index
    %swap3A_286 = arith.constant 0 : index
    %swap3A_287 = arith.constant 0 : index
    %swap3A_288 = vector.load %arg22[%swap3A_285, %swap3A_286, %swap3A_287] : memref<512x16x128xf32, #tpu.memory_space<vmem>>, vector<64x16x128xf32>
    tpu.vector_store %arg22[%swap3A_285, %swap3A_286, %swap3A_287], %reshape3A_284 {strides = array<i32>} : memref<512x16x128xf32, #tpu.memory_space<vmem>>, vector<64x16x128xf32>,
    %reduce_sum3A_289 = arith.constant dense<0.000000e+00> : vector<16x128xf32>
    %reduce_sum3A_290 = vector.multi_reduction <add>, %reshape3A_284, %reduce_sum3A_289 [0] : vector<64x16x128xf32> to vector<16x128xf32>
    %add3A_291 = arith.addf %add3A_225, %reduce_sum3A_290 : vector<16x128xf32>
    %get3A_292 = arith.constant 128 : index
    %get3A_293 = arith.constant 0 : index
    %get3A_294 = arith.constant 0 : index
    %get3A_295 = vector.load %arg1[%get3A_292, %get3A_293, %get3A_294] : memref<256x16x128xf32, #tpu.memory_space<vmem>>, vector<64x16x128xf32>
    %reshape3A_296 = vector.shape_cast %get3A_295 : vector<64x16x128xf32> to vector<1024x128xf32>
    %mul3A_297 = arith.mulf %reshape3A_296, %reshape3A_296 : vector<1024x128xf32>
    %dot_general3A_298 = arith.constant dense<0.000000e+00> : vector<1024x128xf32>
    %dot_general3A_299 = tpu.matmul %mul3A_297, %broadcast_in_dim3A_0, %dot_general3A_298 {dimension_numbers = #tpu.dot_dimension_numbers<[1], [0], [0], [1], [0, 0, 1, 1], [], []>, transpose_lhs_hint = false} : vector<1024x128xf32>, vector<128x128xf32>, vector<1024x128xf32> -> vector<1024x128xf32>
    %sqrt3A_300 = math.sqrt %dot_general3A_299 : vector<1024x128xf32>
    %max3A_301 = arith.constant 9.99999996E-13 : f32
    %max3A_302 = vector.broadcast %max3A_301 : f32 to vector<1024x128xf32>
    %max3A_303 = arith.maximumf %sqrt3A_300, %max3A_302 : vector<1024x128xf32>
    %div3A_304 = arith.divf %reshape3A_296, %max3A_303 : vector<1024x128xf32>
    %dot_general3A_305 = arith.constant dense<0.000000e+00> : vector<1024x256xf32>
    %dot_general3A_306 = tpu.matmul %div3A_304, %mul3A_120, %dot_general3A_305 {dimension_numbers = #tpu.dot_dimension_numbers<[1], [1], [0], [0], [0, 0, 1, 0], [], []>, transpose_lhs_hint = false} : vector<1024x128xf32>, vector<256x128xf32>, vector<1024x256xf32> -> vector<1024x256xf32>
    %exp3A_307 = math.exp %dot_general3A_306 : vector<1024x256xf32>
    %dot_general3A_308 = arith.constant dense<0.000000e+00> : vector<1024x256xf32>
    %dot_general3A_309 = tpu.matmul %exp3A_307, %concatenate3A_141, %dot_general3A_308 {dimension_numbers = #tpu.dot_dimension_numbers<[1], [0], [0], [1], [0, 0, 1, 1], [], []>, transpose_lhs_hint = false} : vector<1024x256xf32>, vector<256x256xf32>, vector<1024x256xf32> -> vector<1024x256xf32>
    %dot_general3A_310 = arith.constant dense<0.000000e+00> : vector<1024x128xf32>
    %dot_general3A_311 = tpu.matmul %reshape3A_296, %transpose3A_125, %dot_general3A_310 {dimension_numbers = #tpu.dot_dimension_numbers<[1], [0], [0], [1], [0, 0, 1, 1], [], []>, transpose_lhs_hint = false} : vector<1024x128xf32>, vector<128x128xf32>, vector<1024x128xf32> -> vector<1024x128xf32>
    %slice3A_312 = vector.extract_strided_slice %dot_general3A_309 {offsets = [0, 0], sizes = [1024, 128], strides = [1, 1]} : vector<1024x256xf32> to vector<1024x128xf32>
    %slice3A_313 = vector.extract_strided_slice %dot_general3A_309 {offsets = [0, 128], sizes = [1024, 128], strides = [1, 1]} : vector<1024x256xf32> to vector<1024x128xf32>
    %div3A_314 = arith.divf %slice3A_312, %slice3A_313 : vector<1024x128xf32>
    %add3A_315 = arith.addf %dot_general3A_311, %div3A_314 : vector<1024x128xf32>
    %add3A_316 = vector.broadcast %reshape3A_144 : vector<1x128xf32> to vector<1024x128xf32>
    %add3A_317 = arith.addf %add3A_315, %add3A_316 : vector<1024x128xf32>
    %mul3A_318 = arith.mulf %add3A_317, %add3A_317 : vector<1024x128xf32>
    %concatenate3A_319 = tpu.concatenate %add3A_317, %mul3A_318 in 0 : vector<1024x128xf32>, vector<1024x128xf32> -> vector<2048x128xf32>
    %dot_general3A_320 = arith.constant dense<0.000000e+00> : vector<2048x128xf32>
    %dot_general3A_321 = tpu.matmul %concatenate3A_319, %broadcast_in_dim3A_0, %dot_general3A_320 {dimension_numbers = #tpu.dot_dimension_numbers<[1], [0], [0], [1], [0, 0, 1, 1], [], []>, transpose_lhs_hint = false} : vector<2048x128xf32>, vector<128x128xf32>, vector<2048x128xf32> -> vector<2048x128xf32>
    %mul3A_322 = arith.constant 7.812500e-03 : f32
    %mul3A_323 = vector.broadcast %mul3A_322 : f32 to vector<2048x128xf32>
    %mul3A_324 = arith.mulf %dot_general3A_321, %mul3A_323 : vector<2048x128xf32>
    %slice3A_325 = vector.extract_strided_slice %mul3A_324 {offsets = [0, 0], sizes = [1024, 128], strides = [1, 1]} : vector<2048x128xf32> to vector<1024x128xf32>
    %slice3A_326 = vector.extract_strided_slice %mul3A_324 {offsets = [1024, 0], sizes = [1024, 128], strides = [1, 1]} : vector<2048x128xf32> to vector<1024x128xf32>
    %mul3A_327 = arith.mulf %slice3A_325, %slice3A_325 : vector<1024x128xf32>
    %sub3A_328 = arith.subf %slice3A_326, %mul3A_327 : vector<1024x128xf32>
    %sub3A_329 = arith.subf %add3A_317, %slice3A_325 : vector<1024x128xf32>
    %add3A_330 = arith.constant 9.99999974E-6 : f32
    %add3A_331 = vector.broadcast %add3A_330 : f32 to vector<1024x128xf32>
    %add3A_332 = arith.addf %sub3A_328, %add3A_331 : vector<1024x128xf32>
    %sqrt3A_333 = math.sqrt %add3A_332 : vector<1024x128xf32>
    %div3A_334 = arith.divf %sub3A_329, %sqrt3A_333 : vector<1024x128xf32>
    %mul3A_335 = vector.broadcast %reshape3A_147 : vector<1x128xf32> to vector<1024x128xf32>
    %mul3A_336 = arith.mulf %div3A_334, %mul3A_335 : vector<1024x128xf32>
    %add3A_337 = vector.broadcast %reshape3A_150 : vector<1x128xf32> to vector<1024x128xf32>
    %add3A_338 = arith.addf %mul3A_336, %add3A_337 : vector<1024x128xf32>
    %mul3A_339 = arith.constant 5.000000e-01 : f32
    %mul3A_340 = vector.broadcast %mul3A_339 : f32 to vector<1024x128xf32>
    %mul3A_341 = arith.mulf %add3A_338, %mul3A_340 : vector<1024x128xf32>
    %mul3A_342 = arith.constant 0.707106769 : f32
    %mul3A_343 = vector.broadcast %mul3A_342 : f32 to vector<1024x128xf32>
    %mul3A_344 = arith.mulf %add3A_338, %mul3A_343 : vector<1024x128xf32>
    %erf3A_345 = math.erf %mul3A_344 : vector<1024x128xf32>
    %add3A_346 = arith.constant 1.000000e+00 : f32
    %add3A_347 = vector.broadcast %add3A_346 : f32 to vector<1024x128xf32>
    %add3A_348 = arith.addf %add3A_347, %erf3A_345 : vector<1024x128xf32>
    %mul3A_349 = arith.mulf %mul3A_341, %add3A_348 : vector<1024x128xf32>
    %reshape3A_350 = vector.shape_cast %mul3A_349 : vector<1024x128xf32> to vector<64x16x128xf32>
    %swap3A_351 = arith.constant 128 : index
    %swap3A_352 = arith.constant 0 : index
    %swap3A_353 = arith.constant 0 : index
    %swap3A_354 = vector.load %arg22[%swap3A_351, %swap3A_352, %swap3A_353] : memref<512x16x128xf32, #tpu.memory_space<vmem>>, vector<64x16x128xf32>
    tpu.vector_store %arg22[%swap3A_351, %swap3A_352, %swap3A_353], %reshape3A_350 {strides = array<i32>} : memref<512x16x128xf32, #tpu.memory_space<vmem>>, vector<64x16x128xf32>,
    %reduce_sum3A_355 = arith.constant dense<0.000000e+00> : vector<16x128xf32>
    %reduce_sum3A_356 = vector.multi_reduction <add>, %reshape3A_350, %reduce_sum3A_355 [0] : vector<64x16x128xf32> to vector<16x128xf32>
    %add3A_357 = arith.addf %add3A_291, %reduce_sum3A_356 : vector<16x128xf32>
    %get3A_358 = arith.constant 192 : index
    %get3A_359 = arith.constant 0 : index
    %get3A_360 = arith.constant 0 : index
    %get3A_361 = vector.load %arg1[%get3A_358, %get3A_359, %get3A_360] : memref<256x16x128xf32, #tpu.memory_space<vmem>>, vector<64x16x128xf32>
    %reshape3A_362 = vector.shape_cast %get3A_361 : vector<64x16x128xf32> to vector<1024x128xf32>
    %mul3A_363 = arith.mulf %reshape3A_362, %reshape3A_362 : vector<1024x128xf32>
    %dot_general3A_364 = arith.constant dense<0.000000e+00> : vector<1024x128xf32>
    %dot_general3A_365 = tpu.matmul %mul3A_363, %broadcast_in_dim3A_0, %dot_general3A_364 {dimension_numbers = #tpu.dot_dimension_numbers<[1], [0], [0], [1], [0, 0, 1, 1], [], []>, transpose_lhs_hint = false} : vector<1024x128xf32>, vector<128x128xf32>, vector<1024x128xf32> -> vector<1024x128xf32>
    %sqrt3A_366 = math.sqrt %dot_general3A_365 : vector<1024x128xf32>
    %max3A_367 = arith.constant 9.99999996E-13 : f32
    %max3A_368 = vector.broadcast %max3A_367 : f32 to vector<1024x128xf32>
    %max3A_369 = arith.maximumf %sqrt3A_366, %max3A_368 : vector<1024x128xf32>
    %div3A_370 = arith.divf %reshape3A_362, %max3A_369 : vector<1024x128xf32>
    %dot_general3A_371 = arith.constant dense<0.000000e+00> : vector<1024x256xf32>
    %dot_general3A_372 = tpu.matmul %div3A_370, %mul3A_120, %dot_general3A_371 {dimension_numbers = #tpu.dot_dimension_numbers<[1], [1], [0], [0], [0, 0, 1, 0], [], []>, transpose_lhs_hint = false} : vector<1024x128xf32>, vector<256x128xf32>, vector<1024x256xf32> -> vector<1024x256xf32>
    %exp3A_373 = math.exp %dot_general3A_372 : vector<1024x256xf32>
    %dot_general3A_374 = arith.constant dense<0.000000e+00> : vector<1024x256xf32>
    %dot_general3A_375 = tpu.matmul %exp3A_373, %concatenate3A_141, %dot_general3A_374 {dimension_numbers = #tpu.dot_dimension_numbers<[1], [0], [0], [1], [0, 0, 1, 1], [], []>, transpose_lhs_hint = false} : vector<1024x256xf32>, vector<256x256xf32>, vector<1024x256xf32> -> vector<1024x256xf32>
    %dot_general3A_376 = arith.constant dense<0.000000e+00> : vector<1024x128xf32>
    %dot_general3A_377 = tpu.matmul %reshape3A_362, %transpose3A_125, %dot_general3A_376 {dimension_numbers = #tpu.dot_dimension_numbers<[1], [0], [0], [1], [0, 0, 1, 1], [], []>, transpose_lhs_hint = false} : vector<1024x128xf32>, vector<128x128xf32>, vector<1024x128xf32> -> vector<1024x128xf32>
    %slice3A_378 = vector.extract_strided_slice %dot_general3A_375 {offsets = [0, 0], sizes = [1024, 128], strides = [1, 1]} : vector<1024x256xf32> to vector<1024x128xf32>
    %slice3A_379 = vector.extract_strided_slice %dot_general3A_375 {offsets = [0, 128], sizes = [1024, 128], strides = [1, 1]} : vector<1024x256xf32> to vector<1024x128xf32>
    %div3A_380 = arith.divf %slice3A_378, %slice3A_379 : vector<1024x128xf32>
    %add3A_381 = arith.addf %dot_general3A_377, %div3A_380 : vector<1024x128xf32>
    %add3A_382 = vector.broadcast %reshape3A_144 : vector<1x128xf32> to vector<1024x128xf32>
    %add3A_383 = arith.addf %add3A_381, %add3A_382 : vector<1024x128xf32>
    %mul3A_384 = arith.mulf %add3A_383, %add3A_383 : vector<1024x128xf32>
    %concatenate3A_385 = tpu.concatenate %add3A_383, %mul3A_384 in 0 : vector<1024x128xf32>, vector<1024x128xf32> -> vector<2048x128xf32>
    %dot_general3A_386 = arith.constant dense<0.000000e+00> : vector<2048x128xf32>
    %dot_general3A_387 = tpu.matmul %concatenate3A_385, %broadcast_in_dim3A_0, %dot_general3A_386 {dimension_numbers = #tpu.dot_dimension_numbers<[1], [0], [0], [1], [0, 0, 1, 1], [], []>, transpose_lhs_hint = false} : vector<2048x128xf32>, vector<128x128xf32>, vector<2048x128xf32> -> vector<2048x128xf32>
    %mul3A_388 = arith.constant 7.812500e-03 : f32
    %mul3A_389 = vector.broadcast %mul3A_388 : f32 to vector<2048x128xf32>
    %mul3A_390 = arith.mulf %dot_general3A_387, %mul3A_389 : vector<2048x128xf32>
    %slice3A_391 = vector.extract_strided_slice %mul3A_390 {offsets = [0, 0], sizes = [1024, 128], strides = [1, 1]} : vector<2048x128xf32> to vector<1024x128xf32>
    %slice3A_392 = vector.extract_strided_slice %mul3A_390 {offsets = [1024, 0], sizes = [1024, 128], strides = [1, 1]} : vector<2048x128xf32> to vector<1024x128xf32>
    %mul3A_393 = arith.mulf %slice3A_391, %slice3A_391 : vector<1024x128xf32>
    %sub3A_394 = arith.subf %slice3A_392, %mul3A_393 : vector<1024x128xf32>
    %sub3A_395 = arith.subf %add3A_383, %slice3A_391 : vector<1024x128xf32>
    %add3A_396 = arith.constant 9.99999974E-6 : f32
    %add3A_397 = vector.broadcast %add3A_396 : f32 to vector<1024x128xf32>
    %add3A_398 = arith.addf %sub3A_394, %add3A_397 : vector<1024x128xf32>
    %sqrt3A_399 = math.sqrt %add3A_398 : vector<1024x128xf32>
    %div3A_400 = arith.divf %sub3A_395, %sqrt3A_399 : vector<1024x128xf32>
    %mul3A_401 = vector.broadcast %reshape3A_147 : vector<1x128xf32> to vector<1024x128xf32>
    %mul3A_402 = arith.mulf %div3A_400, %mul3A_401 : vector<1024x128xf32>
    %add3A_403 = vector.broadcast %reshape3A_150 : vector<1x128xf32> to vector<1024x128xf32>
    %add3A_404 = arith.addf %mul3A_402, %add3A_403 : vector<1024x128xf32>
    %mul3A_405 = arith.constant 5.000000e-01 : f32
    %mul3A_406 = vector.broadcast %mul3A_405 : f32 to vector<1024x128xf32>
    %mul3A_407 = arith.mulf %add3A_404, %mul3A_406 : vector<1024x128xf32>
    %mul3A_408 = arith.constant 0.707106769 : f32
    %mul3A_409 = vector.broadcast %mul3A_408 : f32 to vector<1024x128xf32>
    %mul3A_410 = arith.mulf %add3A_404, %mul3A_409 : vector<1024x128xf32>
    %erf3A_411 = math.erf %mul3A_410 : vector<1024x128xf32>
    %add3A_412 = arith.constant 1.000000e+00 : f32
    %add3A_413 = vector.broadcast %add3A_412 : f32 to vector<1024x128xf32>
    %add3A_414 = arith.addf %add3A_413, %erf3A_411 : vector<1024x128xf32>
    %mul3A_415 = arith.mulf %mul3A_407, %add3A_414 : vector<1024x128xf32>
    %reshape3A_416 = vector.shape_cast %mul3A_415 : vector<1024x128xf32> to vector<64x16x128xf32>
    %swap3A_417 = arith.constant 192 : index
    %swap3A_418 = arith.constant 0 : index
    %swap3A_419 = arith.constant 0 : index
    %swap3A_420 = vector.load %arg22[%swap3A_417, %swap3A_418, %swap3A_419] : memref<512x16x128xf32, #tpu.memory_space<vmem>>, vector<64x16x128xf32>
    tpu.vector_store %arg22[%swap3A_417, %swap3A_418, %swap3A_419], %reshape3A_416 {strides = array<i32>} : memref<512x16x128xf32, #tpu.memory_space<vmem>>, vector<64x16x128xf32>,
    %reduce_sum3A_421 = arith.constant dense<0.000000e+00> : vector<16x128xf32>
    %reduce_sum3A_422 = vector.multi_reduction <add>, %reshape3A_416, %reduce_sum3A_421 [0] : vector<64x16x128xf32> to vector<16x128xf32>
    %add3A_423 = arith.addf %add3A_357, %reduce_sum3A_422 : vector<16x128xf32>
    %get3A_424 = arith.constant 0 : index
    %get3A_425 = arith.constant 0 : index
    %get3A_426 = arith.constant 0 : index
    %get3A_427 = vector.load %arg25[%get3A_424, %get3A_425, %get3A_426] : memref<256x16x128xf32, #tpu.memory_space<vmem>>, vector<64x16x128xf32>
    %reshape3A_428 = vector.shape_cast %get3A_427 : vector<64x16x128xf32> to vector<1024x128xf32>
    %mul3A_429 = arith.mulf %reshape3A_428, %reshape3A_428 : vector<1024x128xf32>
    %dot_general3A_430 = arith.constant dense<0.000000e+00> : vector<1024x128xf32>
    %dot_general3A_431 = tpu.matmul %mul3A_429, %broadcast_in_dim3A_0, %dot_general3A_430 {dimension_numbers = #tpu.dot_dimension_numbers<[1], [0], [0], [1], [0, 0, 1, 1], [], []>, transpose_lhs_hint = false} : vector<1024x128xf32>, vector<128x128xf32>, vector<1024x128xf32> -> vector<1024x128xf32>
    %sqrt3A_432 = math.sqrt %dot_general3A_431 : vector<1024x128xf32>
    %max3A_433 = arith.constant 9.99999996E-13 : f32
    %max3A_434 = vector.broadcast %max3A_433 : f32 to vector<1024x128xf32>
    %max3A_435 = arith.maximumf %sqrt3A_432, %max3A_434 : vector<1024x128xf32>
    %div3A_436 = arith.divf %reshape3A_428, %max3A_435 : vector<1024x128xf32>
    %dot_general3A_437 = arith.constant dense<0.000000e+00> : vector<1024x256xf32>
    %dot_general3A_438 = tpu.matmul %div3A_436, %mul3A_120, %dot_general3A_437 {dimension_numbers = #tpu.dot_dimension_numbers<[1], [1], [0], [0], [0, 0, 1, 0], [], []>, transpose_lhs_hint = false} : vector<1024x128xf32>, vector<256x128xf32>, vector<1024x256xf32> -> vector<1024x256xf32>
    %exp3A_439 = math.exp %dot_general3A_438 : vector<1024x256xf32>
    %dot_general3A_440 = arith.constant dense<0.000000e+00> : vector<1024x256xf32>
    %dot_general3A_441 = tpu.matmul %exp3A_439, %concatenate3A_141, %dot_general3A_440 {dimension_numbers = #tpu.dot_dimension_numbers<[1], [0], [0], [1], [0, 0, 1, 1], [], []>, transpose_lhs_hint = false} : vector<1024x256xf32>, vector<256x256xf32>, vector<1024x256xf32> -> vector<1024x256xf32>
    %dot_general3A_442 = arith.constant dense<0.000000e+00> : vector<1024x128xf32>
    %dot_general3A_443 = tpu.matmul %reshape3A_428, %transpose3A_125, %dot_general3A_442 {dimension_numbers = #tpu.dot_dimension_numbers<[1], [0], [0], [1], [0, 0, 1, 1], [], []>, transpose_lhs_hint = false} : vector<1024x128xf32>, vector<128x128xf32>, vector<1024x128xf32> -> vector<1024x128xf32>
    %slice3A_444 = vector.extract_strided_slice %dot_general3A_441 {offsets = [0, 0], sizes = [1024, 128], strides = [1, 1]} : vector<1024x256xf32> to vector<1024x128xf32>
    %slice3A_445 = vector.extract_strided_slice %dot_general3A_441 {offsets = [0, 128], sizes = [1024, 128], strides = [1, 1]} : vector<1024x256xf32> to vector<1024x128xf32>
    %div3A_446 = arith.divf %slice3A_444, %slice3A_445 : vector<1024x128xf32>
    %add3A_447 = arith.addf %dot_general3A_443, %div3A_446 : vector<1024x128xf32>
    %add3A_448 = vector.broadcast %reshape3A_144 : vector<1x128xf32> to vector<1024x128xf32>
    %add3A_449 = arith.addf %add3A_447, %add3A_448 : vector<1024x128xf32>
    %mul3A_450 = arith.mulf %add3A_449, %add3A_449 : vector<1024x128xf32>
    %concatenate3A_451 = tpu.concatenate %add3A_449, %mul3A_450 in 0 : vector<1024x128xf32>, vector<1024x128xf32> -> vector<2048x128xf32>
    %dot_general3A_452 = arith.constant dense<0.000000e+00> : vector<2048x128xf32>
    %dot_general3A_453 = tpu.matmul %concatenate3A_451, %broadcast_in_dim3A_0, %dot_general3A_452 {dimension_numbers = #tpu.dot_dimension_numbers<[1], [0], [0], [1], [0, 0, 1, 1], [], []>, transpose_lhs_hint = false} : vector<2048x128xf32>, vector<128x128xf32>, vector<2048x128xf32> -> vector<2048x128xf32>
    %mul3A_454 = arith.constant 7.812500e-03 : f32
    %mul3A_455 = vector.broadcast %mul3A_454 : f32 to vector<2048x128xf32>
    %mul3A_456 = arith.mulf %dot_general3A_453, %mul3A_455 : vector<2048x128xf32>
    %slice3A_457 = vector.extract_strided_slice %mul3A_456 {offsets = [0, 0], sizes = [1024, 128], strides = [1, 1]} : vector<2048x128xf32> to vector<1024x128xf32>
    %slice3A_458 = vector.extract_strided_slice %mul3A_456 {offsets = [1024, 0], sizes = [1024, 128], strides = [1, 1]} : vector<2048x128xf32> to vector<1024x128xf32>
    %mul3A_459 = arith.mulf %slice3A_457, %slice3A_457 : vector<1024x128xf32>
    %sub3A_460 = arith.subf %slice3A_458, %mul3A_459 : vector<1024x128xf32>
    %sub3A_461 = arith.subf %add3A_449, %slice3A_457 : vector<1024x128xf32>
    %add3A_462 = arith.constant 9.99999974E-6 : f32
    %add3A_463 = vector.broadcast %add3A_462 : f32 to vector<1024x128xf32>
    %add3A_464 = arith.addf %sub3A_460, %add3A_463 : vector<1024x128xf32>
    %sqrt3A_465 = math.sqrt %add3A_464 : vector<1024x128xf32>
    %div3A_466 = arith.divf %sub3A_461, %sqrt3A_465 : vector<1024x128xf32>
    %mul3A_467 = vector.broadcast %reshape3A_147 : vector<1x128xf32> to vector<1024x128xf32>
    %mul3A_468 = arith.mulf %div3A_466, %mul3A_467 : vector<1024x128xf32>
    %add3A_469 = vector.broadcast %reshape3A_150 : vector<1x128xf32> to vector<1024x128xf32>
    %add3A_470 = arith.addf %mul3A_468, %add3A_469 : vector<1024x128xf32>
    %mul3A_471 = arith.constant 5.000000e-01 : f32
    %mul3A_472 = vector.broadcast %mul3A_471 : f32 to vector<1024x128xf32>
    %mul3A_473 = arith.mulf %add3A_470, %mul3A_472 : vector<1024x128xf32>
    %mul3A_474 = arith.constant 0.707106769 : f32
    %mul3A_475 = vector.broadcast %mul3A_474 : f32 to vector<1024x128xf32>
    %mul3A_476 = arith.mulf %add3A_470, %mul3A_475 : vector<1024x128xf32>
    %erf3A_477 = math.erf %mul3A_476 : vector<1024x128xf32>
    %add3A_478 = arith.constant 1.000000e+00 : f32
    %add3A_479 = vector.broadcast %add3A_478 : f32 to vector<1024x128xf32>
    %add3A_480 = arith.addf %add3A_479, %erf3A_477 : vector<1024x128xf32>
    %mul3A_481 = arith.mulf %mul3A_473, %add3A_480 : vector<1024x128xf32>
    %reshape3A_482 = vector.shape_cast %mul3A_481 : vector<1024x128xf32> to vector<64x16x128xf32>
    %swap3A_483 = arith.constant 256 : index
    %swap3A_484 = arith.constant 0 : index
    %swap3A_485 = arith.constant 0 : index
    %swap3A_486 = vector.load %arg22[%swap3A_483, %swap3A_484, %swap3A_485] : memref<512x16x128xf32, #tpu.memory_space<vmem>>, vector<64x16x128xf32>
    tpu.vector_store %arg22[%swap3A_483, %swap3A_484, %swap3A_485], %reshape3A_482 {strides = array<i32>} : memref<512x16x128xf32, #tpu.memory_space<vmem>>, vector<64x16x128xf32>,
    %reduce_sum3A_487 = arith.constant dense<0.000000e+00> : vector<16x128xf32>
    %reduce_sum3A_488 = vector.multi_reduction <add>, %reshape3A_482, %reduce_sum3A_487 [0] : vector<64x16x128xf32> to vector<16x128xf32>
    %add3A_489 = arith.addf %add3A_423, %reduce_sum3A_488 : vector<16x128xf32>
    %get3A_490 = arith.constant 64 : index
    %get3A_491 = arith.constant 0 : index
    %get3A_492 = arith.constant 0 : index
    %get3A_493 = vector.load %arg25[%get3A_490, %get3A_491, %get3A_492] : memref<256x16x128xf32, #tpu.memory_space<vmem>>, vector<64x16x128xf32>
    %reshape3A_494 = vector.shape_cast %get3A_493 : vector<64x16x128xf32> to vector<1024x128xf32>
    %mul3A_495 = arith.mulf %reshape3A_494, %reshape3A_494 : vector<1024x128xf32>
    %dot_general3A_496 = arith.constant dense<0.000000e+00> : vector<1024x128xf32>
    %dot_general3A_497 = tpu.matmul %mul3A_495, %broadcast_in_dim3A_0, %dot_general3A_496 {dimension_numbers = #tpu.dot_dimension_numbers<[1], [0], [0], [1], [0, 0, 1, 1], [], []>, transpose_lhs_hint = false} : vector<1024x128xf32>, vector<128x128xf32>, vector<1024x128xf32> -> vector<1024x128xf32>
    %sqrt3A_498 = math.sqrt %dot_general3A_497 : vector<1024x128xf32>
    %max3A_499 = arith.constant 9.99999996E-13 : f32
    %max3A_500 = vector.broadcast %max3A_499 : f32 to vector<1024x128xf32>
    %max3A_501 = arith.maximumf %sqrt3A_498, %max3A_500 : vector<1024x128xf32>
    %div3A_502 = arith.divf %reshape3A_494, %max3A_501 : vector<1024x128xf32>
    %dot_general3A_503 = arith.constant dense<0.000000e+00> : vector<1024x256xf32>
    %dot_general3A_504 = tpu.matmul %div3A_502, %mul3A_120, %dot_general3A_503 {dimension_numbers = #tpu.dot_dimension_numbers<[1], [1], [0], [0], [0, 0, 1, 0], [], []>, transpose_lhs_hint = false} : vector<1024x128xf32>, vector<256x128xf32>, vector<1024x256xf32> -> vector<1024x256xf32>
    %exp3A_505 = math.exp %dot_general3A_504 : vector<1024x256xf32>
    %dot_general3A_506 = arith.constant dense<0.000000e+00> : vector<1024x256xf32>
    %dot_general3A_507 = tpu.matmul %exp3A_505, %concatenate3A_141, %dot_general3A_506 {dimension_numbers = #tpu.dot_dimension_numbers<[1], [0], [0], [1], [0, 0, 1, 1], [], []>, transpose_lhs_hint = false} : vector<1024x256xf32>, vector<256x256xf32>, vector<1024x256xf32> -> vector<1024x256xf32>
    %dot_general3A_508 = arith.constant dense<0.000000e+00> : vector<1024x128xf32>
    %dot_general3A_509 = tpu.matmul %reshape3A_494, %transpose3A_125, %dot_general3A_508 {dimension_numbers = #tpu.dot_dimension_numbers<[1], [0], [0], [1], [0, 0, 1, 1], [], []>, transpose_lhs_hint = false} : vector<1024x128xf32>, vector<128x128xf32>, vector<1024x128xf32> -> vector<1024x128xf32>
    %slice3A_510 = vector.extract_strided_slice %dot_general3A_507 {offsets = [0, 0], sizes = [1024, 128], strides = [1, 1]} : vector<1024x256xf32> to vector<1024x128xf32>
    %slice3A_511 = vector.extract_strided_slice %dot_general3A_507 {offsets = [0, 128], sizes = [1024, 128], strides = [1, 1]} : vector<1024x256xf32> to vector<1024x128xf32>
    %div3A_512 = arith.divf %slice3A_510, %slice3A_511 : vector<1024x128xf32>
    %add3A_513 = arith.addf %dot_general3A_509, %div3A_512 : vector<1024x128xf32>
    %add3A_514 = vector.broadcast %reshape3A_144 : vector<1x128xf32> to vector<1024x128xf32>
    %add3A_515 = arith.addf %add3A_513, %add3A_514 : vector<1024x128xf32>
    %mul3A_516 = arith.mulf %add3A_515, %add3A_515 : vector<1024x128xf32>
    %concatenate3A_517 = tpu.concatenate %add3A_515, %mul3A_516 in 0 : vector<1024x128xf32>, vector<1024x128xf32> -> vector<2048x128xf32>
    %dot_general3A_518 = arith.constant dense<0.000000e+00> : vector<2048x128xf32>
    %dot_general3A_519 = tpu.matmul %concatenate3A_517, %broadcast_in_dim3A_0, %dot_general3A_518 {dimension_numbers = #tpu.dot_dimension_numbers<[1], [0], [0], [1], [0, 0, 1, 1], [], []>, transpose_lhs_hint = false} : vector<2048x128xf32>, vector<128x128xf32>, vector<2048x128xf32> -> vector<2048x128xf32>
    %mul3A_520 = arith.constant 7.812500e-03 : f32
    %mul3A_521 = vector.broadcast %mul3A_520 : f32 to vector<2048x128xf32>
    %mul3A_522 = arith.mulf %dot_general3A_519, %mul3A_521 : vector<2048x128xf32>
    %slice3A_523 = vector.extract_strided_slice %mul3A_522 {offsets = [0, 0], sizes = [1024, 128], strides = [1, 1]} : vector<2048x128xf32> to vector<1024x128xf32>
    %slice3A_524 = vector.extract_strided_slice %mul3A_522 {offsets = [1024, 0], sizes = [1024, 128], strides = [1, 1]} : vector<2048x128xf32> to vector<1024x128xf32>
    %mul3A_525 = arith.mulf %slice3A_523, %slice3A_523 : vector<1024x128xf32>
    %sub3A_526 = arith.subf %slice3A_524, %mul3A_525 : vector<1024x128xf32>
    %sub3A_527 = arith.subf %add3A_515, %slice3A_523 : vector<1024x128xf32>
    %add3A_528 = arith.constant 9.99999974E-6 : f32
    %add3A_529 = vector.broadcast %add3A_528 : f32 to vector<1024x128xf32>
    %add3A_530 = arith.addf %sub3A_526, %add3A_529 : vector<1024x128xf32>
    %sqrt3A_531 = math.sqrt %add3A_530 : vector<1024x128xf32>
    %div3A_532 = arith.divf %sub3A_527, %sqrt3A_531 : vector<1024x128xf32>
    %mul3A_533 = vector.broadcast %reshape3A_147 : vector<1x128xf32> to vector<1024x128xf32>
    %mul3A_534 = arith.mulf %div3A_532, %mul3A_533 : vector<1024x128xf32>
    %add3A_535 = vector.broadcast %reshape3A_150 : vector<1x128xf32> to vector<1024x128xf32>
    %add3A_536 = arith.addf %mul3A_534, %add3A_535 : vector<1024x128xf32>
    %mul3A_537 = arith.constant 5.000000e-01 : f32
    %mul3A_538 = vector.broadcast %mul3A_537 : f32 to vector<1024x128xf32>
    %mul3A_539 = arith.mulf %add3A_536, %mul3A_538 : vector<1024x128xf32>
    %mul3A_540 = arith.constant 0.707106769 : f32
    %mul3A_541 = vector.broadcast %mul3A_540 : f32 to vector<1024x128xf32>
    %mul3A_542 = arith.mulf %add3A_536, %mul3A_541 : vector<1024x128xf32>
    %erf3A_543 = math.erf %mul3A_542 : vector<1024x128xf32>
    %add3A_544 = arith.constant 1.000000e+00 : f32
    %add3A_545 = vector.broadcast %add3A_544 : f32 to vector<1024x128xf32>
    %add3A_546 = arith.addf %add3A_545, %erf3A_543 : vector<1024x128xf32>
    %mul3A_547 = arith.mulf %mul3A_539, %add3A_546 : vector<1024x128xf32>
    %reshape3A_548 = vector.shape_cast %mul3A_547 : vector<1024x128xf32> to vector<64x16x128xf32>
    %swap3A_549 = arith.constant 320 : index
    %swap3A_550 = arith.constant 0 : index
    %swap3A_551 = arith.constant 0 : index
    %swap3A_552 = vector.load %arg22[%swap3A_549, %swap3A_550, %swap3A_551] : memref<512x16x128xf32, #tpu.memory_space<vmem>>, vector<64x16x128xf32>
    tpu.vector_store %arg22[%swap3A_549, %swap3A_550, %swap3A_551], %reshape3A_548 {strides = array<i32>} : memref<512x16x128xf32, #tpu.memory_space<vmem>>, vector<64x16x128xf32>,
    %reduce_sum3A_553 = arith.constant dense<0.000000e+00> : vector<16x128xf32>
    %reduce_sum3A_554 = vector.multi_reduction <add>, %reshape3A_548, %reduce_sum3A_553 [0] : vector<64x16x128xf32> to vector<16x128xf32>
    %add3A_555 = arith.addf %add3A_489, %reduce_sum3A_554 : vector<16x128xf32>
    %get3A_556 = arith.constant 128 : index
    %get3A_557 = arith.constant 0 : index
    %get3A_558 = arith.constant 0 : index
    %get3A_559 = vector.load %arg25[%get3A_556, %get3A_557, %get3A_558] : memref<256x16x128xf32, #tpu.memory_space<vmem>>, vector<64x16x128xf32>
    %reshape3A_560 = vector.shape_cast %get3A_559 : vector<64x16x128xf32> to vector<1024x128xf32>
    %mul3A_561 = arith.mulf %reshape3A_560, %reshape3A_560 : vector<1024x128xf32>
    %dot_general3A_562 = arith.constant dense<0.000000e+00> : vector<1024x128xf32>
    %dot_general3A_563 = tpu.matmul %mul3A_561, %broadcast_in_dim3A_0, %dot_general3A_562 {dimension_numbers = #tpu.dot_dimension_numbers<[1], [0], [0], [1], [0, 0, 1, 1], [], []>, transpose_lhs_hint = false} : vector<1024x128xf32>, vector<128x128xf32>, vector<1024x128xf32> -> vector<1024x128xf32>
    %sqrt3A_564 = math.sqrt %dot_general3A_563 : vector<1024x128xf32>
    %max3A_565 = arith.constant 9.99999996E-13 : f32
    %max3A_566 = vector.broadcast %max3A_565 : f32 to vector<1024x128xf32>
    %max3A_567 = arith.maximumf %sqrt3A_564, %max3A_566 : vector<1024x128xf32>
    %div3A_568 = arith.divf %reshape3A_560, %max3A_567 : vector<1024x128xf32>
    %dot_general3A_569 = arith.constant dense<0.000000e+00> : vector<1024x256xf32>
    %dot_general3A_570 = tpu.matmul %div3A_568, %mul3A_120, %dot_general3A_569 {dimension_numbers = #tpu.dot_dimension_numbers<[1], [1], [0], [0], [0, 0, 1, 0], [], []>, transpose_lhs_hint = false} : vector<1024x128xf32>, vector<256x128xf32>, vector<1024x256xf32> -> vector<1024x256xf32>
    %exp3A_571 = math.exp %dot_general3A_570 : vector<1024x256xf32>
    %dot_general3A_572 = arith.constant dense<0.000000e+00> : vector<1024x256xf32>
    %dot_general3A_573 = tpu.matmul %exp3A_571, %concatenate3A_141, %dot_general3A_572 {dimension_numbers = #tpu.dot_dimension_numbers<[1], [0], [0], [1], [0, 0, 1, 1], [], []>, transpose_lhs_hint = false} : vector<1024x256xf32>, vector<256x256xf32>, vector<1024x256xf32> -> vector<1024x256xf32>
    %dot_general3A_574 = arith.constant dense<0.000000e+00> : vector<1024x128xf32>
    %dot_general3A_575 = tpu.matmul %reshape3A_560, %transpose3A_125, %dot_general3A_574 {dimension_numbers = #tpu.dot_dimension_numbers<[1], [0], [0], [1], [0, 0, 1, 1], [], []>, transpose_lhs_hint = false} : vector<1024x128xf32>, vector<128x128xf32>, vector<1024x128xf32> -> vector<1024x128xf32>
    %slice3A_576 = vector.extract_strided_slice %dot_general3A_573 {offsets = [0, 0], sizes = [1024, 128], strides = [1, 1]} : vector<1024x256xf32> to vector<1024x128xf32>
    %slice3A_577 = vector.extract_strided_slice %dot_general3A_573 {offsets = [0, 128], sizes = [1024, 128], strides = [1, 1]} : vector<1024x256xf32> to vector<1024x128xf32>
    %div3A_578 = arith.divf %slice3A_576, %slice3A_577 : vector<1024x128xf32>
    %add3A_579 = arith.addf %dot_general3A_575, %div3A_578 : vector<1024x128xf32>
    %add3A_580 = vector.broadcast %reshape3A_144 : vector<1x128xf32> to vector<1024x128xf32>
    %add3A_581 = arith.addf %add3A_579, %add3A_580 : vector<1024x128xf32>
    %mul3A_582 = arith.mulf %add3A_581, %add3A_581 : vector<1024x128xf32>
    %concatenate3A_583 = tpu.concatenate %add3A_581, %mul3A_582 in 0 : vector<1024x128xf32>, vector<1024x128xf32> -> vector<2048x128xf32>
    %dot_general3A_584 = arith.constant dense<0.000000e+00> : vector<2048x128xf32>
    %dot_general3A_585 = tpu.matmul %concatenate3A_583, %broadcast_in_dim3A_0, %dot_general3A_584 {dimension_numbers = #tpu.dot_dimension_numbers<[1], [0], [0], [1], [0, 0, 1, 1], [], []>, transpose_lhs_hint = false} : vector<2048x128xf32>, vector<128x128xf32>, vector<2048x128xf32> -> vector<2048x128xf32>
    %mul3A_586 = arith.constant 7.812500e-03 : f32
    %mul3A_587 = vector.broadcast %mul3A_586 : f32 to vector<2048x128xf32>
    %mul3A_588 = arith.mulf %dot_general3A_585, %mul3A_587 : vector<2048x128xf32>
    %slice3A_589 = vector.extract_strided_slice %mul3A_588 {offsets = [0, 0], sizes = [1024, 128], strides = [1, 1]} : vector<2048x128xf32> to vector<1024x128xf32>
    %slice3A_590 = vector.extract_strided_slice %mul3A_588 {offsets = [1024, 0], sizes = [1024, 128], strides = [1, 1]} : vector<2048x128xf32> to vector<1024x128xf32>
    %mul3A_591 = arith.mulf %slice3A_589, %slice3A_589 : vector<1024x128xf32>
    %sub3A_592 = arith.subf %slice3A_590, %mul3A_591 : vector<1024x128xf32>
    %sub3A_593 = arith.subf %add3A_581, %slice3A_589 : vector<1024x128xf32>
    %add3A_594 = arith.constant 9.99999974E-6 : f32
    %add3A_595 = vector.broadcast %add3A_594 : f32 to vector<1024x128xf32>
    %add3A_596 = arith.addf %sub3A_592, %add3A_595 : vector<1024x128xf32>
    %sqrt3A_597 = math.sqrt %add3A_596 : vector<1024x128xf32>
    %div3A_598 = arith.divf %sub3A_593, %sqrt3A_597 : vector<1024x128xf32>
    %mul3A_599 = vector.broadcast %reshape3A_147 : vector<1x128xf32> to vector<1024x128xf32>
    %mul3A_600 = arith.mulf %div3A_598, %mul3A_599 : vector<1024x128xf32>
    %add3A_601 = vector.broadcast %reshape3A_150 : vector<1x128xf32> to vector<1024x128xf32>
    %add3A_602 = arith.addf %mul3A_600, %add3A_601 : vector<1024x128xf32>
    %mul3A_603 = arith.constant 5.000000e-01 : f32
    %mul3A_604 = vector.broadcast %mul3A_603 : f32 to vector<1024x128xf32>
    %mul3A_605 = arith.mulf %add3A_602, %mul3A_604 : vector<1024x128xf32>
    %mul3A_606 = arith.constant 0.707106769 : f32
    %mul3A_607 = vector.broadcast %mul3A_606 : f32 to vector<1024x128xf32>
    %mul3A_608 = arith.mulf %add3A_602, %mul3A_607 : vector<1024x128xf32>
    %erf3A_609 = math.erf %mul3A_608 : vector<1024x128xf32>
    %add3A_610 = arith.constant 1.000000e+00 : f32
    %add3A_611 = vector.broadcast %add3A_610 : f32 to vector<1024x128xf32>
    %add3A_612 = arith.addf %add3A_611, %erf3A_609 : vector<1024x128xf32>
    %mul3A_613 = arith.mulf %mul3A_605, %add3A_612 : vector<1024x128xf32>
    %reshape3A_614 = vector.shape_cast %mul3A_613 : vector<1024x128xf32> to vector<64x16x128xf32>
    %swap3A_615 = arith.constant 384 : index
    %swap3A_616 = arith.constant 0 : index
    %swap3A_617 = arith.constant 0 : index
    %swap3A_618 = vector.load %arg22[%swap3A_615, %swap3A_616, %swap3A_617] : memref<512x16x128xf32, #tpu.memory_space<vmem>>, vector<64x16x128xf32>
    tpu.vector_store %arg22[%swap3A_615, %swap3A_616, %swap3A_617], %reshape3A_614 {strides = array<i32>} : memref<512x16x128xf32, #tpu.memory_space<vmem>>, vector<64x16x128xf32>,
    %reduce_sum3A_619 = arith.constant dense<0.000000e+00> : vector<16x128xf32>
    %reduce_sum3A_620 = vector.multi_reduction <add>, %reshape3A_614, %reduce_sum3A_619 [0] : vector<64x16x128xf32> to vector<16x128xf32>
    %add3A_621 = arith.addf %add3A_555, %reduce_sum3A_620 : vector<16x128xf32>
    %get3A_622 = arith.constant 192 : index
    %get3A_623 = arith.constant 0 : index
    %get3A_624 = arith.constant 0 : index
    %get3A_625 = vector.load %arg25[%get3A_622, %get3A_623, %get3A_624] : memref<256x16x128xf32, #tpu.memory_space<vmem>>, vector<64x16x128xf32>
    %reshape3A_626 = vector.shape_cast %get3A_625 : vector<64x16x128xf32> to vector<1024x128xf32>
    %mul3A_627 = arith.mulf %reshape3A_626, %reshape3A_626 : vector<1024x128xf32>
    %dot_general3A_628 = arith.constant dense<0.000000e+00> : vector<1024x128xf32>
    %dot_general3A_629 = tpu.matmul %mul3A_627, %broadcast_in_dim3A_0, %dot_general3A_628 {dimension_numbers = #tpu.dot_dimension_numbers<[1], [0], [0], [1], [0, 0, 1, 1], [], []>, transpose_lhs_hint = false} : vector<1024x128xf32>, vector<128x128xf32>, vector<1024x128xf32> -> vector<1024x128xf32>
    %sqrt3A_630 = math.sqrt %dot_general3A_629 : vector<1024x128xf32>
    %max3A_631 = arith.constant 9.99999996E-13 : f32
    %max3A_632 = vector.broadcast %max3A_631 : f32 to vector<1024x128xf32>
    %max3A_633 = arith.maximumf %sqrt3A_630, %max3A_632 : vector<1024x128xf32>
    %div3A_634 = arith.divf %reshape3A_626, %max3A_633 : vector<1024x128xf32>
    %dot_general3A_635 = arith.constant dense<0.000000e+00> : vector<1024x256xf32>
    %dot_general3A_636 = tpu.matmul %div3A_634, %mul3A_120, %dot_general3A_635 {dimension_numbers = #tpu.dot_dimension_numbers<[1], [1], [0], [0], [0, 0, 1, 0], [], []>, transpose_lhs_hint = false} : vector<1024x128xf32>, vector<256x128xf32>, vector<1024x256xf32> -> vector<1024x256xf32>
    %exp3A_637 = math.exp %dot_general3A_636 : vector<1024x256xf32>
    %dot_general3A_638 = arith.constant dense<0.000000e+00> : vector<1024x256xf32>
    %dot_general3A_639 = tpu.matmul %exp3A_637, %concatenate3A_141, %dot_general3A_638 {dimension_numbers = #tpu.dot_dimension_numbers<[1], [0], [0], [1], [0, 0, 1, 1], [], []>, transpose_lhs_hint = false} : vector<1024x256xf32>, vector<256x256xf32>, vector<1024x256xf32> -> vector<1024x256xf32>
    %dot_general3A_640 = arith.constant dense<0.000000e+00> : vector<1024x128xf32>
    %dot_general3A_641 = tpu.matmul %reshape3A_626, %transpose3A_125, %dot_general3A_640 {dimension_numbers = #tpu.dot_dimension_numbers<[1], [0], [0], [1], [0, 0, 1, 1], [], []>, transpose_lhs_hint = false} : vector<1024x128xf32>, vector<128x128xf32>, vector<1024x128xf32> -> vector<1024x128xf32>
    %slice3A_642 = vector.extract_strided_slice %dot_general3A_639 {offsets = [0, 0], sizes = [1024, 128], strides = [1, 1]} : vector<1024x256xf32> to vector<1024x128xf32>
    %slice3A_643 = vector.extract_strided_slice %dot_general3A_639 {offsets = [0, 128], sizes = [1024, 128], strides = [1, 1]} : vector<1024x256xf32> to vector<1024x128xf32>
    %div3A_644 = arith.divf %slice3A_642, %slice3A_643 : vector<1024x128xf32>
    %add3A_645 = arith.addf %dot_general3A_641, %div3A_644 : vector<1024x128xf32>
    %add3A_646 = vector.broadcast %reshape3A_144 : vector<1x128xf32> to vector<1024x128xf32>
    %add3A_647 = arith.addf %add3A_645, %add3A_646 : vector<1024x128xf32>
    %mul3A_648 = arith.mulf %add3A_647, %add3A_647 : vector<1024x128xf32>
    %concatenate3A_649 = tpu.concatenate %add3A_647, %mul3A_648 in 0 : vector<1024x128xf32>, vector<1024x128xf32> -> vector<2048x128xf32>
    %dot_general3A_650 = arith.constant dense<0.000000e+00> : vector<2048x128xf32>
    %dot_general3A_651 = tpu.matmul %concatenate3A_649, %broadcast_in_dim3A_0, %dot_general3A_650 {dimension_numbers = #tpu.dot_dimension_numbers<[1], [0], [0], [1], [0, 0, 1, 1], [], []>, transpose_lhs_hint = false} : vector<2048x128xf32>, vector<128x128xf32>, vector<2048x128xf32> -> vector<2048x128xf32>
    %mul3A_652 = arith.constant 7.812500e-03 : f32
    %mul3A_653 = vector.broadcast %mul3A_652 : f32 to vector<2048x128xf32>
    %mul3A_654 = arith.mulf %dot_general3A_651, %mul3A_653 : vector<2048x128xf32>
    %slice3A_655 = vector.extract_strided_slice %mul3A_654 {offsets = [0, 0], sizes = [1024, 128], strides = [1, 1]} : vector<2048x128xf32> to vector<1024x128xf32>
    %slice3A_656 = vector.extract_strided_slice %mul3A_654 {offsets = [1024, 0], sizes = [1024, 128], strides = [1, 1]} : vector<2048x128xf32> to vector<1024x128xf32>
    %mul3A_657 = arith.mulf %slice3A_655, %slice3A_655 : vector<1024x128xf32>
    %sub3A_658 = arith.subf %slice3A_656, %mul3A_657 : vector<1024x128xf32>
    %sub3A_659 = arith.subf %add3A_647, %slice3A_655 : vector<1024x128xf32>
    %add3A_660 = arith.constant 9.99999974E-6 : f32
    %add3A_661 = vector.broadcast %add3A_660 : f32 to vector<1024x128xf32>
    %add3A_662 = arith.addf %sub3A_658, %add3A_661 : vector<1024x128xf32>
    %sqrt3A_663 = math.sqrt %add3A_662 : vector<1024x128xf32>
    %div3A_664 = arith.divf %sub3A_659, %sqrt3A_663 : vector<1024x128xf32>
    %mul3A_665 = vector.broadcast %reshape3A_147 : vector<1x128xf32> to vector<1024x128xf32>
    %mul3A_666 = arith.mulf %div3A_664, %mul3A_665 : vector<1024x128xf32>
    %add3A_667 = vector.broadcast %reshape3A_150 : vector<1x128xf32> to vector<1024x128xf32>
    %add3A_668 = arith.addf %mul3A_666, %add3A_667 : vector<1024x128xf32>
    %mul3A_669 = arith.constant 5.000000e-01 : f32
    %mul3A_670 = vector.broadcast %mul3A_669 : f32 to vector<1024x128xf32>
    %mul3A_671 = arith.mulf %add3A_668, %mul3A_670 : vector<1024x128xf32>
    %mul3A_672 = arith.constant 0.707106769 : f32
    %mul3A_673 = vector.broadcast %mul3A_672 : f32 to vector<1024x128xf32>
    %mul3A_674 = arith.mulf %add3A_668, %mul3A_673 : vector<1024x128xf32>
    %erf3A_675 = math.erf %mul3A_674 : vector<1024x128xf32>
    %add3A_676 = arith.constant 1.000000e+00 : f32
    %add3A_677 = vector.broadcast %add3A_676 : f32 to vector<1024x128xf32>
    %add3A_678 = arith.addf %add3A_677, %erf3A_675 : vector<1024x128xf32>
    %mul3A_679 = arith.mulf %mul3A_671, %add3A_678 : vector<1024x128xf32>
    %reshape3A_680 = vector.shape_cast %mul3A_679 : vector<1024x128xf32> to vector<64x16x128xf32>
    %swap3A_681 = arith.constant 448 : index
    %swap3A_682 = arith.constant 0 : index
    %swap3A_683 = arith.constant 0 : index
    %swap3A_684 = vector.load %arg22[%swap3A_681, %swap3A_682, %swap3A_683] : memref<512x16x128xf32, #tpu.memory_space<vmem>>, vector<64x16x128xf32>
    tpu.vector_store %arg22[%swap3A_681, %swap3A_682, %swap3A_683], %reshape3A_680 {strides = array<i32>} : memref<512x16x128xf32, #tpu.memory_space<vmem>>, vector<64x16x128xf32>,
    %reduce_sum3A_685 = arith.constant dense<0.000000e+00> : vector<16x128xf32>
    %reduce_sum3A_686 = vector.multi_reduction <add>, %reshape3A_680, %reduce_sum3A_685 [0] : vector<64x16x128xf32> to vector<16x128xf32>
    %add3A_687 = arith.addf %add3A_621, %reduce_sum3A_686 : vector<16x128xf32>
    %mul3A_688 = arith.constant 0.001953125 : f32
    %mul3A_689 = vector.broadcast %mul3A_688 : f32 to vector<16x128xf32>
    %mul3A_690 = arith.mulf %add3A_687, %mul3A_689 : vector<16x128xf32>
    %get3A_691 = arith.constant 0 : index
    %get3A_692 = arith.constant 0 : index
    %get3A_693 = vector.load %arg14[%get3A_691, %get3A_692] : memref<12x128xf32, #tpu.memory_space<vmem>>, vector<12x128xf32>
    %broadcast_in_dim3A_694 = arith.constant 0.000000e+00 : f32
    %broadcast_in_dim3A_695 = vector.broadcast %broadcast_in_dim3A_694 : f32 to vector<4x128xf32>
    %concatenate3A_696 = tpu.concatenate %get3A_693, %broadcast_in_dim3A_695 in 0 : vector<12x128xf32>, vector<4x128xf32> -> vector<16x128xf32>
    %get3A_697 = arith.constant 0 : index
    %get3A_698 = arith.constant 0 : index
    %get3A_699 = vector.load %arg10[%get3A_697, %get3A_698] : memref<384x128xf32, #tpu.memory_space<vmem>>, vector<384x128xf32>
    %dot_general3A_700 = arith.constant dense<0.000000e+00> : vector<16x384xf32>
    %dot_general3A_701 = tpu.matmul %mul3A_690, %get3A_699, %dot_general3A_700 {dimension_numbers = #tpu.dot_dimension_numbers<[1], [1], [0], [0], [0, 0, 1, 0], [], []>, transpose_lhs_hint = false} : vector<16x128xf32>, vector<384x128xf32>, vector<16x384xf32> -> vector<16x384xf32>
    %get3A_702 = arith.constant 0 : index
    %get3A_703 = vector.load %arg12[%get3A_702] : memref<384xf32, #tpu.memory_space<vmem>>, vector<384xf32>
    %reshape3A_704 = vector.shape_cast %get3A_703 : vector<384xf32> to vector<1x384xf32>
    %add3A_705 = vector.broadcast %reshape3A_704 : vector<1x384xf32> to vector<16x384xf32>
    %add3A_706 = arith.addf %dot_general3A_701, %add3A_705 : vector<16x384xf32>
    %get3A_707 = arith.constant 0 : index
    %get3A_708 = arith.constant 0 : index
    %get3A_709 = vector.load %arg11[%get3A_707, %get3A_708] : memref<384x128xf32, #tpu.memory_space<vmem>>, vector<384x128xf32>
    %dot_general3A_710 = arith.constant dense<0.000000e+00> : vector<16x384xf32>
    %dot_general3A_711 = tpu.matmul %concatenate3A_696, %get3A_709, %dot_general3A_710 {dimension_numbers = #tpu.dot_dimension_numbers<[1], [1], [0], [0], [0, 0, 1, 0], [], []>, transpose_lhs_hint = false} : vector<16x128xf32>, vector<384x128xf32>, vector<16x384xf32> -> vector<16x384xf32>
    %get3A_712 = arith.constant 0 : index
    %get3A_713 = vector.load %arg13[%get3A_712] : memref<384xf32, #tpu.memory_space<vmem>>, vector<384xf32>
    %reshape3A_714 = vector.shape_cast %get3A_713 : vector<384xf32> to vector<1x384xf32>
    %add3A_715 = vector.broadcast %reshape3A_714 : vector<1x384xf32> to vector<16x384xf32>
    %add3A_716 = arith.addf %dot_general3A_711, %add3A_715 : vector<16x384xf32>
    %slice3A_717 = vector.extract_strided_slice %add3A_706 {offsets = [0, 0], sizes = [16, 128], strides = [1, 1]} : vector<16x384xf32> to vector<16x128xf32>
    %slice3A_718 = vector.extract_strided_slice %add3A_716 {offsets = [0, 0], sizes = [16, 128], strides = [1, 1]} : vector<16x384xf32> to vector<16x128xf32>
    %add3A_719 = arith.addf %slice3A_717, %slice3A_718 : vector<16x128xf32>
    %logistic3A = arith.negf %add3A_719 : vector<16x128xf32>
    %logistic3A_720 = math.exp %logistic3A : vector<16x128xf32>
    %logistic3A_721 = arith.constant 1.000000e+00 : f32
    %logistic3A_722 = vector.broadcast %logistic3A_721 : f32 to vector<16x128xf32>
    %logistic3A_723 = arith.addf %logistic3A_722, %logistic3A_720 : vector<16x128xf32>
    %logistic3A_724 = arith.divf %logistic3A_722, %logistic3A_723 : vector<16x128xf32>
    %slice3A_725 = vector.extract_strided_slice %add3A_706 {offsets = [0, 128], sizes = [16, 128], strides = [1, 1]} : vector<16x384xf32> to vector<16x128xf32>
    %slice3A_726 = vector.extract_strided_slice %add3A_716 {offsets = [0, 128], sizes = [16, 128], strides = [1, 1]} : vector<16x384xf32> to vector<16x128xf32>
    %add3A_727 = arith.addf %slice3A_725, %slice3A_726 : vector<16x128xf32>
    %logistic3A_728 = arith.negf %add3A_727 : vector<16x128xf32>
    %logistic3A_729 = math.exp %logistic3A_728 : vector<16x128xf32>
    %logistic3A_730 = arith.constant 1.000000e+00 : f32
    %logistic3A_731 = vector.broadcast %logistic3A_730 : f32 to vector<16x128xf32>
    %logistic3A_732 = arith.addf %logistic3A_731, %logistic3A_729 : vector<16x128xf32>
    %logistic3A_733 = arith.divf %logistic3A_731, %logistic3A_732 : vector<16x128xf32>
    %slice3A_734 = vector.extract_strided_slice %add3A_706 {offsets = [0, 256], sizes = [16, 128], strides = [1, 1]} : vector<16x384xf32> to vector<16x128xf32>
    %slice3A_735 = vector.extract_strided_slice %add3A_716 {offsets = [0, 256], sizes = [16, 128], strides = [1, 1]} : vector<16x384xf32> to vector<16x128xf32>
    %mul3A_736 = arith.mulf %logistic3A_724, %slice3A_735 : vector<16x128xf32>
    %add3A_737 = arith.addf %slice3A_734, %mul3A_736 : vector<16x128xf32>
    %tanh3A = math.tanh %add3A_737 : vector<16x128xf32>
    %sub3A_738 = arith.subf %concatenate3A_696, %tanh3A : vector<16x128xf32>
    %mul3A_739 = arith.mulf %logistic3A_733, %sub3A_738 : vector<16x128xf32>
    %add3A_740 = arith.addf %tanh3A, %mul3A_739 : vector<16x128xf32>
    %swap3A_741 = arith.constant 0 : index
    %swap3A_742 = arith.constant 0 : index
    %swap3A_743 = vector.load %arg24[%swap3A_741, %swap3A_742] : memref<16x128xf32, #tpu.memory_space<vmem>>, vector<16x128xf32>
    tpu.vector_store %arg24[%swap3A_741, %swap3A_742], %add3A_740 {strides = array<i32>} : memref<16x128xf32, #tpu.memory_space<vmem>>, vector<16x128xf32>,
    %get3A_744 = arith.constant 0 : index
    %get3A_745 = arith.constant 0 : index
    %get3A_746 = arith.constant 0 : index
    %get3A_747 = vector.load %arg22[%get3A_744, %get3A_745, %get3A_746] : memref<512x16x128xf32, #tpu.memory_space<vmem>>, vector<64x16x128xf32>
    %broadcast_in_dim3A_748 = vector.shape_cast %add3A_740 : vector<16x128xf32> to vector<1x16x128xf32>
    %add3A_749 = vector.broadcast %broadcast_in_dim3A_748 : vector<1x16x128xf32> to vector<64x16x128xf32>
    %add3A_750 = arith.addf %get3A_747, %add3A_749 : vector<64x16x128xf32>
    %reshape3A_751 = vector.shape_cast %add3A_750 : vector<64x16x128xf32> to vector<1024x128xf32>
    %mul3A_752 = arith.mulf %reshape3A_751, %reshape3A_751 : vector<1024x128xf32>
    %concatenate3A_753 = tpu.concatenate %reshape3A_751, %mul3A_752 in 0 : vector<1024x128xf32>, vector<1024x128xf32> -> vector<2048x128xf32>
    %dot_general3A_754 = arith.constant dense<0.000000e+00> : vector<2048x128xf32>
    %dot_general3A_755 = tpu.matmul %concatenate3A_753, %broadcast_in_dim3A_0, %dot_general3A_754 {dimension_numbers = #tpu.dot_dimension_numbers<[1], [0], [0], [1], [0, 0, 1, 1], [], []>, transpose_lhs_hint = false} : vector<2048x128xf32>, vector<128x128xf32>, vector<2048x128xf32> -> vector<2048x128xf32>
    %mul3A_756 = arith.constant 7.812500e-03 : f32
    %mul3A_757 = vector.broadcast %mul3A_756 : f32 to vector<2048x128xf32>
    %mul3A_758 = arith.mulf %dot_general3A_755, %mul3A_757 : vector<2048x128xf32>
    %slice3A_759 = vector.extract_strided_slice %mul3A_758 {offsets = [0, 0], sizes = [1024, 128], strides = [1, 1]} : vector<2048x128xf32> to vector<1024x128xf32>
    %slice3A_760 = vector.extract_strided_slice %mul3A_758 {offsets = [1024, 0], sizes = [1024, 128], strides = [1, 1]} : vector<2048x128xf32> to vector<1024x128xf32>
    %mul3A_761 = arith.mulf %slice3A_759, %slice3A_759 : vector<1024x128xf32>
    %sub3A_762 = arith.subf %slice3A_760, %mul3A_761 : vector<1024x128xf32>
    %sub3A_763 = arith.subf %reshape3A_751, %slice3A_759 : vector<1024x128xf32>
    %add3A_764 = arith.constant 9.99999974E-6 : f32
    %add3A_765 = vector.broadcast %add3A_764 : f32 to vector<1024x128xf32>
    %add3A_766 = arith.addf %sub3A_762, %add3A_765 : vector<1024x128xf32>
    %sqrt3A_767 = math.sqrt %add3A_766 : vector<1024x128xf32>
    %div3A_768 = arith.divf %sub3A_763, %sqrt3A_767 : vector<1024x128xf32>
    %mul3A_769 = vector.broadcast %reshape3A_153 : vector<1x128xf32> to vector<1024x128xf32>
    %mul3A_770 = arith.mulf %div3A_768, %mul3A_769 : vector<1024x128xf32>
    %add3A_771 = vector.broadcast %reshape3A_156 : vector<1x128xf32> to vector<1024x128xf32>
    %add3A_772 = arith.addf %mul3A_770, %add3A_771 : vector<1024x128xf32>
    %mul3A_773 = vector.broadcast %get3A_160 : f32 to vector<1024x128xf32>
    %mul3A_774 = arith.mulf %add3A_772, %mul3A_773 : vector<1024x128xf32>
    %reshape3A_775 = vector.shape_cast %mul3A_774 : vector<1024x128xf32> to vector<64x16x128xf32>
    %swap3A_776 = arith.constant 0 : index
    %swap3A_777 = arith.constant 0 : index
    %swap3A_778 = arith.constant 0 : index
    %swap3A_779 = vector.load %arg22[%swap3A_776, %swap3A_777, %swap3A_778] : memref<512x16x128xf32, #tpu.memory_space<vmem>>, vector<64x16x128xf32>
    tpu.vector_store %arg22[%swap3A_776, %swap3A_777, %swap3A_778], %reshape3A_775 {strides = array<i32>} : memref<512x16x128xf32, #tpu.memory_space<vmem>>, vector<64x16x128xf32>,
    %get3A_780 = arith.constant 64 : index
    %get3A_781 = arith.constant 0 : index
    %get3A_782 = arith.constant 0 : index
    %get3A_783 = vector.load %arg22[%get3A_780, %get3A_781, %get3A_782] : memref<512x16x128xf32, #tpu.memory_space<vmem>>, vector<64x16x128xf32>
    %broadcast_in_dim3A_784 = vector.shape_cast %add3A_740 : vector<16x128xf32> to vector<1x16x128xf32>
    %add3A_785 = vector.broadcast %broadcast_in_dim3A_784 : vector<1x16x128xf32> to vector<64x16x128xf32>
    %add3A_786 = arith.addf %get3A_783, %add3A_785 : vector<64x16x128xf32>
    %reshape3A_787 = vector.shape_cast %add3A_786 : vector<64x16x128xf32> to vector<1024x128xf32>
    %mul3A_788 = arith.mulf %reshape3A_787, %reshape3A_787 : vector<1024x128xf32>
    %concatenate3A_789 = tpu.concatenate %reshape3A_787, %mul3A_788 in 0 : vector<1024x128xf32>, vector<1024x128xf32> -> vector<2048x128xf32>
    %dot_general3A_790 = arith.constant dense<0.000000e+00> : vector<2048x128xf32>
    %dot_general3A_791 = tpu.matmul %concatenate3A_789, %broadcast_in_dim3A_0, %dot_general3A_790 {dimension_numbers = #tpu.dot_dimension_numbers<[1], [0], [0], [1], [0, 0, 1, 1], [], []>, transpose_lhs_hint = false} : vector<2048x128xf32>, vector<128x128xf32>, vector<2048x128xf32> -> vector<2048x128xf32>
    %mul3A_792 = arith.constant 7.812500e-03 : f32
    %mul3A_793 = vector.broadcast %mul3A_792 : f32 to vector<2048x128xf32>
    %mul3A_794 = arith.mulf %dot_general3A_791, %mul3A_793 : vector<2048x128xf32>
    %slice3A_795 = vector.extract_strided_slice %mul3A_794 {offsets = [0, 0], sizes = [1024, 128], strides = [1, 1]} : vector<2048x128xf32> to vector<1024x128xf32>
    %slice3A_796 = vector.extract_strided_slice %mul3A_794 {offsets = [1024, 0], sizes = [1024, 128], strides = [1, 1]} : vector<2048x128xf32> to vector<1024x128xf32>
    %mul3A_797 = arith.mulf %slice3A_795, %slice3A_795 : vector<1024x128xf32>
    %sub3A_798 = arith.subf %slice3A_796, %mul3A_797 : vector<1024x128xf32>
    %sub3A_799 = arith.subf %reshape3A_787, %slice3A_795 : vector<1024x128xf32>
    %add3A_800 = arith.constant 9.99999974E-6 : f32
    %add3A_801 = vector.broadcast %add3A_800 : f32 to vector<1024x128xf32>
    %add3A_802 = arith.addf %sub3A_798, %add3A_801 : vector<1024x128xf32>
    %sqrt3A_803 = math.sqrt %add3A_802 : vector<1024x128xf32>
    %div3A_804 = arith.divf %sub3A_799, %sqrt3A_803 : vector<1024x128xf32>
    %mul3A_805 = vector.broadcast %reshape3A_153 : vector<1x128xf32> to vector<1024x128xf32>
    %mul3A_806 = arith.mulf %div3A_804, %mul3A_805 : vector<1024x128xf32>
    %add3A_807 = vector.broadcast %reshape3A_156 : vector<1x128xf32> to vector<1024x128xf32>
    %add3A_808 = arith.addf %mul3A_806, %add3A_807 : vector<1024x128xf32>
    %mul3A_809 = vector.broadcast %get3A_160 : f32 to vector<1024x128xf32>
    %mul3A_810 = arith.mulf %add3A_808, %mul3A_809 : vector<1024x128xf32>
    %reshape3A_811 = vector.shape_cast %mul3A_810 : vector<1024x128xf32> to vector<64x16x128xf32>
    %swap3A_812 = arith.constant 64 : index
    %swap3A_813 = arith.constant 0 : index
    %swap3A_814 = arith.constant 0 : index
    %swap3A_815 = vector.load %arg22[%swap3A_812, %swap3A_813, %swap3A_814] : memref<512x16x128xf32, #tpu.memory_space<vmem>>, vector<64x16x128xf32>
    tpu.vector_store %arg22[%swap3A_812, %swap3A_813, %swap3A_814], %reshape3A_811 {strides = array<i32>} : memref<512x16x128xf32, #tpu.memory_space<vmem>>, vector<64x16x128xf32>,
    %get3A_816 = arith.constant 128 : index
    %get3A_817 = arith.constant 0 : index
    %get3A_818 = arith.constant 0 : index
    %get3A_819 = vector.load %arg22[%get3A_816, %get3A_817, %get3A_818] : memref<512x16x128xf32, #tpu.memory_space<vmem>>, vector<64x16x128xf32>
    %broadcast_in_dim3A_820 = vector.shape_cast %add3A_740 : vector<16x128xf32> to vector<1x16x128xf32>
    %add3A_821 = vector.broadcast %broadcast_in_dim3A_820 : vector<1x16x128xf32> to vector<64x16x128xf32>
    %add3A_822 = arith.addf %get3A_819, %add3A_821 : vector<64x16x128xf32>
    %reshape3A_823 = vector.shape_cast %add3A_822 : vector<64x16x128xf32> to vector<1024x128xf32>
    %mul3A_824 = arith.mulf %reshape3A_823, %reshape3A_823 : vector<1024x128xf32>
    %concatenate3A_825 = tpu.concatenate %reshape3A_823, %mul3A_824 in 0 : vector<1024x128xf32>, vector<1024x128xf32> -> vector<2048x128xf32>
    %dot_general3A_826 = arith.constant dense<0.000000e+00> : vector<2048x128xf32>
    %dot_general3A_827 = tpu.matmul %concatenate3A_825, %broadcast_in_dim3A_0, %dot_general3A_826 {dimension_numbers = #tpu.dot_dimension_numbers<[1], [0], [0], [1], [0, 0, 1, 1], [], []>, transpose_lhs_hint = false} : vector<2048x128xf32>, vector<128x128xf32>, vector<2048x128xf32> -> vector<2048x128xf32>
    %mul3A_828 = arith.constant 7.812500e-03 : f32
    %mul3A_829 = vector.broadcast %mul3A_828 : f32 to vector<2048x128xf32>
    %mul3A_830 = arith.mulf %dot_general3A_827, %mul3A_829 : vector<2048x128xf32>
    %slice3A_831 = vector.extract_strided_slice %mul3A_830 {offsets = [0, 0], sizes = [1024, 128], strides = [1, 1]} : vector<2048x128xf32> to vector<1024x128xf32>
    %slice3A_832 = vector.extract_strided_slice %mul3A_830 {offsets = [1024, 0], sizes = [1024, 128], strides = [1, 1]} : vector<2048x128xf32> to vector<1024x128xf32>
    %mul3A_833 = arith.mulf %slice3A_831, %slice3A_831 : vector<1024x128xf32>
    %sub3A_834 = arith.subf %slice3A_832, %mul3A_833 : vector<1024x128xf32>
    %sub3A_835 = arith.subf %reshape3A_823, %slice3A_831 : vector<1024x128xf32>
    %add3A_836 = arith.constant 9.99999974E-6 : f32
    %add3A_837 = vector.broadcast %add3A_836 : f32 to vector<1024x128xf32>
    %add3A_838 = arith.addf %sub3A_834, %add3A_837 : vector<1024x128xf32>
    %sqrt3A_839 = math.sqrt %add3A_838 : vector<1024x128xf32>
    %div3A_840 = arith.divf %sub3A_835, %sqrt3A_839 : vector<1024x128xf32>
    %mul3A_841 = vector.broadcast %reshape3A_153 : vector<1x128xf32> to vector<1024x128xf32>
    %mul3A_842 = arith.mulf %div3A_840, %mul3A_841 : vector<1024x128xf32>
    %add3A_843 = vector.broadcast %reshape3A_156 : vector<1x128xf32> to vector<1024x128xf32>
    %add3A_844 = arith.addf %mul3A_842, %add3A_843 : vector<1024x128xf32>
    %mul3A_845 = vector.broadcast %get3A_160 : f32 to vector<1024x128xf32>
    %mul3A_846 = arith.mulf %add3A_844, %mul3A_845 : vector<1024x128xf32>
    %reshape3A_847 = vector.shape_cast %mul3A_846 : vector<1024x128xf32> to vector<64x16x128xf32>
    %swap3A_848 = arith.constant 128 : index
    %swap3A_849 = arith.constant 0 : index
    %swap3A_850 = arith.constant 0 : index
    %swap3A_851 = vector.load %arg22[%swap3A_848, %swap3A_849, %swap3A_850] : memref<512x16x128xf32, #tpu.memory_space<vmem>>, vector<64x16x128xf32>
    tpu.vector_store %arg22[%swap3A_848, %swap3A_849, %swap3A_850], %reshape3A_847 {strides = array<i32>} : memref<512x16x128xf32, #tpu.memory_space<vmem>>, vector<64x16x128xf32>,
    %get3A_852 = arith.constant 192 : index
    %get3A_853 = arith.constant 0 : index
    %get3A_854 = arith.constant 0 : index
    %get3A_855 = vector.load %arg22[%get3A_852, %get3A_853, %get3A_854] : memref<512x16x128xf32, #tpu.memory_space<vmem>>, vector<64x16x128xf32>
    %broadcast_in_dim3A_856 = vector.shape_cast %add3A_740 : vector<16x128xf32> to vector<1x16x128xf32>
    %add3A_857 = vector.broadcast %broadcast_in_dim3A_856 : vector<1x16x128xf32> to vector<64x16x128xf32>
    %add3A_858 = arith.addf %get3A_855, %add3A_857 : vector<64x16x128xf32>
    %reshape3A_859 = vector.shape_cast %add3A_858 : vector<64x16x128xf32> to vector<1024x128xf32>
    %mul3A_860 = arith.mulf %reshape3A_859, %reshape3A_859 : vector<1024x128xf32>
    %concatenate3A_861 = tpu.concatenate %reshape3A_859, %mul3A_860 in 0 : vector<1024x128xf32>, vector<1024x128xf32> -> vector<2048x128xf32>
    %dot_general3A_862 = arith.constant dense<0.000000e+00> : vector<2048x128xf32>
    %dot_general3A_863 = tpu.matmul %concatenate3A_861, %broadcast_in_dim3A_0, %dot_general3A_862 {dimension_numbers = #tpu.dot_dimension_numbers<[1], [0], [0], [1], [0, 0, 1, 1], [], []>, transpose_lhs_hint = false} : vector<2048x128xf32>, vector<128x128xf32>, vector<2048x128xf32> -> vector<2048x128xf32>
    %mul3A_864 = arith.constant 7.812500e-03 : f32
    %mul3A_865 = vector.broadcast %mul3A_864 : f32 to vector<2048x128xf32>
    %mul3A_866 = arith.mulf %dot_general3A_863, %mul3A_865 : vector<2048x128xf32>
    %slice3A_867 = vector.extract_strided_slice %mul3A_866 {offsets = [0, 0], sizes = [1024, 128], strides = [1, 1]} : vector<2048x128xf32> to vector<1024x128xf32>
    %slice3A_868 = vector.extract_strided_slice %mul3A_866 {offsets = [1024, 0], sizes = [1024, 128], strides = [1, 1]} : vector<2048x128xf32> to vector<1024x128xf32>
    %mul3A_869 = arith.mulf %slice3A_867, %slice3A_867 : vector<1024x128xf32>
    %sub3A_870 = arith.subf %slice3A_868, %mul3A_869 : vector<1024x128xf32>
    %sub3A_871 = arith.subf %reshape3A_859, %slice3A_867 : vector<1024x128xf32>
    %add3A_872 = arith.constant 9.99999974E-6 : f32
    %add3A_873 = vector.broadcast %add3A_872 : f32 to vector<1024x128xf32>
    %add3A_874 = arith.addf %sub3A_870, %add3A_873 : vector<1024x128xf32>
    %sqrt3A_875 = math.sqrt %add3A_874 : vector<1024x128xf32>
    %div3A_876 = arith.divf %sub3A_871, %sqrt3A_875 : vector<1024x128xf32>
    %mul3A_877 = vector.broadcast %reshape3A_153 : vector<1x128xf32> to vector<1024x128xf32>
    %mul3A_878 = arith.mulf %div3A_876, %mul3A_877 : vector<1024x128xf32>
    %add3A_879 = vector.broadcast %reshape3A_156 : vector<1x128xf32> to vector<1024x128xf32>
    %add3A_880 = arith.addf %mul3A_878, %add3A_879 : vector<1024x128xf32>
    %mul3A_881 = vector.broadcast %get3A_160 : f32 to vector<1024x128xf32>
    %mul3A_882 = arith.mulf %add3A_880, %mul3A_881 : vector<1024x128xf32>
    %reshape3A_883 = vector.shape_cast %mul3A_882 : vector<1024x128xf32> to vector<64x16x128xf32>
    %swap3A_884 = arith.constant 192 : index
    %swap3A_885 = arith.constant 0 : index
    %swap3A_886 = arith.constant 0 : index
    %swap3A_887 = vector.load %arg22[%swap3A_884, %swap3A_885, %swap3A_886] : memref<512x16x128xf32, #tpu.memory_space<vmem>>, vector<64x16x128xf32>
    tpu.vector_store %arg22[%swap3A_884, %swap3A_885, %swap3A_886], %reshape3A_883 {strides = array<i32>} : memref<512x16x128xf32, #tpu.memory_space<vmem>>, vector<64x16x128xf32>,
    %get3A_888 = arith.constant 256 : index
    %get3A_889 = arith.constant 0 : index
    %get3A_890 = arith.constant 0 : index
    %get3A_891 = vector.load %arg22[%get3A_888, %get3A_889, %get3A_890] : memref<512x16x128xf32, #tpu.memory_space<vmem>>, vector<64x16x128xf32>
    %broadcast_in_dim3A_892 = vector.shape_cast %add3A_740 : vector<16x128xf32> to vector<1x16x128xf32>
    %add3A_893 = vector.broadcast %broadcast_in_dim3A_892 : vector<1x16x128xf32> to vector<64x16x128xf32>
    %add3A_894 = arith.addf %get3A_891, %add3A_893 : vector<64x16x128xf32>
    %reshape3A_895 = vector.shape_cast %add3A_894 : vector<64x16x128xf32> to vector<1024x128xf32>
    %mul3A_896 = arith.mulf %reshape3A_895, %reshape3A_895 : vector<1024x128xf32>
    %concatenate3A_897 = tpu.concatenate %reshape3A_895, %mul3A_896 in 0 : vector<1024x128xf32>, vector<1024x128xf32> -> vector<2048x128xf32>
    %dot_general3A_898 = arith.constant dense<0.000000e+00> : vector<2048x128xf32>
    %dot_general3A_899 = tpu.matmul %concatenate3A_897, %broadcast_in_dim3A_0, %dot_general3A_898 {dimension_numbers = #tpu.dot_dimension_numbers<[1], [0], [0], [1], [0, 0, 1, 1], [], []>, transpose_lhs_hint = false} : vector<2048x128xf32>, vector<128x128xf32>, vector<2048x128xf32> -> vector<2048x128xf32>
    %mul3A_900 = arith.constant 7.812500e-03 : f32
    %mul3A_901 = vector.broadcast %mul3A_900 : f32 to vector<2048x128xf32>
    %mul3A_902 = arith.mulf %dot_general3A_899, %mul3A_901 : vector<2048x128xf32>
    %slice3A_903 = vector.extract_strided_slice %mul3A_902 {offsets = [0, 0], sizes = [1024, 128], strides = [1, 1]} : vector<2048x128xf32> to vector<1024x128xf32>
    %slice3A_904 = vector.extract_strided_slice %mul3A_902 {offsets = [1024, 0], sizes = [1024, 128], strides = [1, 1]} : vector<2048x128xf32> to vector<1024x128xf32>
    %mul3A_905 = arith.mulf %slice3A_903, %slice3A_903 : vector<1024x128xf32>
    %sub3A_906 = arith.subf %slice3A_904, %mul3A_905 : vector<1024x128xf32>
    %sub3A_907 = arith.subf %reshape3A_895, %slice3A_903 : vector<1024x128xf32>
    %add3A_908 = arith.constant 9.99999974E-6 : f32
    %add3A_909 = vector.broadcast %add3A_908 : f32 to vector<1024x128xf32>
    %add3A_910 = arith.addf %sub3A_906, %add3A_909 : vector<1024x128xf32>
    %sqrt3A_911 = math.sqrt %add3A_910 : vector<1024x128xf32>
    %div3A_912 = arith.divf %sub3A_907, %sqrt3A_911 : vector<1024x128xf32>
    %mul3A_913 = vector.broadcast %reshape3A_153 : vector<1x128xf32> to vector<1024x128xf32>
    %mul3A_914 = arith.mulf %div3A_912, %mul3A_913 : vector<1024x128xf32>
    %add3A_915 = vector.broadcast %reshape3A_156 : vector<1x128xf32> to vector<1024x128xf32>
    %add3A_916 = arith.addf %mul3A_914, %add3A_915 : vector<1024x128xf32>
    %mul3A_917 = vector.broadcast %get3A_160 : f32 to vector<1024x128xf32>
    %mul3A_918 = arith.mulf %add3A_916, %mul3A_917 : vector<1024x128xf32>
    %reshape3A_919 = vector.shape_cast %mul3A_918 : vector<1024x128xf32> to vector<64x16x128xf32>
    %swap3A_920 = arith.constant 256 : index
    %swap3A_921 = arith.constant 0 : index
    %swap3A_922 = arith.constant 0 : index
    %swap3A_923 = vector.load %arg22[%swap3A_920, %swap3A_921, %swap3A_922] : memref<512x16x128xf32, #tpu.memory_space<vmem>>, vector<64x16x128xf32>
    tpu.vector_store %arg22[%swap3A_920, %swap3A_921, %swap3A_922], %reshape3A_919 {strides = array<i32>} : memref<512x16x128xf32, #tpu.memory_space<vmem>>, vector<64x16x128xf32>,
    %get3A_924 = arith.constant 320 : index
    %get3A_925 = arith.constant 0 : index
    %get3A_926 = arith.constant 0 : index
    %get3A_927 = vector.load %arg22[%get3A_924, %get3A_925, %get3A_926] : memref<512x16x128xf32, #tpu.memory_space<vmem>>, vector<64x16x128xf32>
    %broadcast_in_dim3A_928 = vector.shape_cast %add3A_740 : vector<16x128xf32> to vector<1x16x128xf32>
    %add3A_929 = vector.broadcast %broadcast_in_dim3A_928 : vector<1x16x128xf32> to vector<64x16x128xf32>
    %add3A_930 = arith.addf %get3A_927, %add3A_929 : vector<64x16x128xf32>
    %reshape3A_931 = vector.shape_cast %add3A_930 : vector<64x16x128xf32> to vector<1024x128xf32>
    %mul3A_932 = arith.mulf %reshape3A_931, %reshape3A_931 : vector<1024x128xf32>
    %concatenate3A_933 = tpu.concatenate %reshape3A_931, %mul3A_932 in 0 : vector<1024x128xf32>, vector<1024x128xf32> -> vector<2048x128xf32>
    %dot_general3A_934 = arith.constant dense<0.000000e+00> : vector<2048x128xf32>
    %dot_general3A_935 = tpu.matmul %concatenate3A_933, %broadcast_in_dim3A_0, %dot_general3A_934 {dimension_numbers = #tpu.dot_dimension_numbers<[1], [0], [0], [1], [0, 0, 1, 1], [], []>, transpose_lhs_hint = false} : vector<2048x128xf32>, vector<128x128xf32>, vector<2048x128xf32> -> vector<2048x128xf32>
    %mul3A_936 = arith.constant 7.812500e-03 : f32
    %mul3A_937 = vector.broadcast %mul3A_936 : f32 to vector<2048x128xf32>
    %mul3A_938 = arith.mulf %dot_general3A_935, %mul3A_937 : vector<2048x128xf32>
    %slice3A_939 = vector.extract_strided_slice %mul3A_938 {offsets = [0, 0], sizes = [1024, 128], strides = [1, 1]} : vector<2048x128xf32> to vector<1024x128xf32>
    %slice3A_940 = vector.extract_strided_slice %mul3A_938 {offsets = [1024, 0], sizes = [1024, 128], strides = [1, 1]} : vector<2048x128xf32> to vector<1024x128xf32>
    %mul3A_941 = arith.mulf %slice3A_939, %slice3A_939 : vector<1024x128xf32>
    %sub3A_942 = arith.subf %slice3A_940, %mul3A_941 : vector<1024x128xf32>
    %sub3A_943 = arith.subf %reshape3A_931, %slice3A_939 : vector<1024x128xf32>
    %add3A_944 = arith.constant 9.99999974E-6 : f32
    %add3A_945 = vector.broadcast %add3A_944 : f32 to vector<1024x128xf32>
    %add3A_946 = arith.addf %sub3A_942, %add3A_945 : vector<1024x128xf32>
    %sqrt3A_947 = math.sqrt %add3A_946 : vector<1024x128xf32>
    %div3A_948 = arith.divf %sub3A_943, %sqrt3A_947 : vector<1024x128xf32>
    %mul3A_949 = vector.broadcast %reshape3A_153 : vector<1x128xf32> to vector<1024x128xf32>
    %mul3A_950 = arith.mulf %div3A_948, %mul3A_949 : vector<1024x128xf32>
    %add3A_951 = vector.broadcast %reshape3A_156 : vector<1x128xf32> to vector<1024x128xf32>
    %add3A_952 = arith.addf %mul3A_950, %add3A_951 : vector<1024x128xf32>
    %mul3A_953 = vector.broadcast %get3A_160 : f32 to vector<1024x128xf32>
    %mul3A_954 = arith.mulf %add3A_952, %mul3A_953 : vector<1024x128xf32>
    %reshape3A_955 = vector.shape_cast %mul3A_954 : vector<1024x128xf32> to vector<64x16x128xf32>
    %swap3A_956 = arith.constant 320 : index
    %swap3A_957 = arith.constant 0 : index
    %swap3A_958 = arith.constant 0 : index
    %swap3A_959 = vector.load %arg22[%swap3A_956, %swap3A_957, %swap3A_958] : memref<512x16x128xf32, #tpu.memory_space<vmem>>, vector<64x16x128xf32>
    tpu.vector_store %arg22[%swap3A_956, %swap3A_957, %swap3A_958], %reshape3A_955 {strides = array<i32>} : memref<512x16x128xf32, #tpu.memory_space<vmem>>, vector<64x16x128xf32>,
    %get3A_960 = arith.constant 384 : index
    %get3A_961 = arith.constant 0 : index
    %get3A_962 = arith.constant 0 : index
    %get3A_963 = vector.load %arg22[%get3A_960, %get3A_961, %get3A_962] : memref<512x16x128xf32, #tpu.memory_space<vmem>>, vector<64x16x128xf32>
    %broadcast_in_dim3A_964 = vector.shape_cast %add3A_740 : vector<16x128xf32> to vector<1x16x128xf32>
    %add3A_965 = vector.broadcast %broadcast_in_dim3A_964 : vector<1x16x128xf32> to vector<64x16x128xf32>
    %add3A_966 = arith.addf %get3A_963, %add3A_965 : vector<64x16x128xf32>
    %reshape3A_967 = vector.shape_cast %add3A_966 : vector<64x16x128xf32> to vector<1024x128xf32>
    %mul3A_968 = arith.mulf %reshape3A_967, %reshape3A_967 : vector<1024x128xf32>
    %concatenate3A_969 = tpu.concatenate %reshape3A_967, %mul3A_968 in 0 : vector<1024x128xf32>, vector<1024x128xf32> -> vector<2048x128xf32>
    %dot_general3A_970 = arith.constant dense<0.000000e+00> : vector<2048x128xf32>
    %dot_general3A_971 = tpu.matmul %concatenate3A_969, %broadcast_in_dim3A_0, %dot_general3A_970 {dimension_numbers = #tpu.dot_dimension_numbers<[1], [0], [0], [1], [0, 0, 1, 1], [], []>, transpose_lhs_hint = false} : vector<2048x128xf32>, vector<128x128xf32>, vector<2048x128xf32> -> vector<2048x128xf32>
    %mul3A_972 = arith.constant 7.812500e-03 : f32
    %mul3A_973 = vector.broadcast %mul3A_972 : f32 to vector<2048x128xf32>
    %mul3A_974 = arith.mulf %dot_general3A_971, %mul3A_973 : vector<2048x128xf32>
    %slice3A_975 = vector.extract_strided_slice %mul3A_974 {offsets = [0, 0], sizes = [1024, 128], strides = [1, 1]} : vector<2048x128xf32> to vector<1024x128xf32>
    %slice3A_976 = vector.extract_strided_slice %mul3A_974 {offsets = [1024, 0], sizes = [1024, 128], strides = [1, 1]} : vector<2048x128xf32> to vector<1024x128xf32>
    %mul3A_977 = arith.mulf %slice3A_975, %slice3A_975 : vector<1024x128xf32>
    %sub3A_978 = arith.subf %slice3A_976, %mul3A_977 : vector<1024x128xf32>
    %sub3A_979 = arith.subf %reshape3A_967, %slice3A_975 : vector<1024x128xf32>
    %add3A_980 = arith.constant 9.99999974E-6 : f32
    %add3A_981 = vector.broadcast %add3A_980 : f32 to vector<1024x128xf32>
    %add3A_982 = arith.addf %sub3A_978, %add3A_981 : vector<1024x128xf32>
    %sqrt3A_983 = math.sqrt %add3A_982 : vector<1024x128xf32>
    %div3A_984 = arith.divf %sub3A_979, %sqrt3A_983 : vector<1024x128xf32>
    %mul3A_985 = vector.broadcast %reshape3A_153 : vector<1x128xf32> to vector<1024x128xf32>
    %mul3A_986 = arith.mulf %div3A_984, %mul3A_985 : vector<1024x128xf32>
    %add3A_987 = vector.broadcast %reshape3A_156 : vector<1x128xf32> to vector<1024x128xf32>
    %add3A_988 = arith.addf %mul3A_986, %add3A_987 : vector<1024x128xf32>
    %mul3A_989 = vector.broadcast %get3A_160 : f32 to vector<1024x128xf32>
    %mul3A_990 = arith.mulf %add3A_988, %mul3A_989 : vector<1024x128xf32>
    %reshape3A_991 = vector.shape_cast %mul3A_990 : vector<1024x128xf32> to vector<64x16x128xf32>
    %swap3A_992 = arith.constant 384 : index
    %swap3A_993 = arith.constant 0 : index
    %swap3A_994 = arith.constant 0 : index
    %swap3A_995 = vector.load %arg22[%swap3A_992, %swap3A_993, %swap3A_994] : memref<512x16x128xf32, #tpu.memory_space<vmem>>, vector<64x16x128xf32>
    tpu.vector_store %arg22[%swap3A_992, %swap3A_993, %swap3A_994], %reshape3A_991 {strides = array<i32>} : memref<512x16x128xf32, #tpu.memory_space<vmem>>, vector<64x16x128xf32>,
    %get3A_996 = arith.constant 448 : index
    %get3A_997 = arith.constant 0 : index
    %get3A_998 = arith.constant 0 : index
    %get3A_999 = vector.load %arg22[%get3A_996, %get3A_997, %get3A_998] : memref<512x16x128xf32, #tpu.memory_space<vmem>>, vector<64x16x128xf32>
    %broadcast_in_dim3A_1000 = vector.shape_cast %add3A_740 : vector<16x128xf32> to vector<1x16x128xf32>
    %add3A_1001 = vector.broadcast %broadcast_in_dim3A_1000 : vector<1x16x128xf32> to vector<64x16x128xf32>
    %add3A_1002 = arith.addf %get3A_999, %add3A_1001 : vector<64x16x128xf32>
    %reshape3A_1003 = vector.shape_cast %add3A_1002 : vector<64x16x128xf32> to vector<1024x128xf32>
    %mul3A_1004 = arith.mulf %reshape3A_1003, %reshape3A_1003 : vector<1024x128xf32>
    %concatenate3A_1005 = tpu.concatenate %reshape3A_1003, %mul3A_1004 in 0 : vector<1024x128xf32>, vector<1024x128xf32> -> vector<2048x128xf32>
    %dot_general3A_1006 = arith.constant dense<0.000000e+00> : vector<2048x128xf32>
    %dot_general3A_1007 = tpu.matmul %concatenate3A_1005, %broadcast_in_dim3A_0, %dot_general3A_1006 {dimension_numbers = #tpu.dot_dimension_numbers<[1], [0], [0], [1], [0, 0, 1, 1], [], []>, transpose_lhs_hint = false} : vector<2048x128xf32>, vector<128x128xf32>, vector<2048x128xf32> -> vector<2048x128xf32>
    %mul3A_1008 = arith.constant 7.812500e-03 : f32
    %mul3A_1009 = vector.broadcast %mul3A_1008 : f32 to vector<2048x128xf32>
    %mul3A_1010 = arith.mulf %dot_general3A_1007, %mul3A_1009 : vector<2048x128xf32>
    %slice3A_1011 = vector.extract_strided_slice %mul3A_1010 {offsets = [0, 0], sizes = [1024, 128], strides = [1, 1]} : vector<2048x128xf32> to vector<1024x128xf32>
    %slice3A_1012 = vector.extract_strided_slice %mul3A_1010 {offsets = [1024, 0], sizes = [1024, 128], strides = [1, 1]} : vector<2048x128xf32> to vector<1024x128xf32>
    %mul3A_1013 = arith.mulf %slice3A_1011, %slice3A_1011 : vector<1024x128xf32>
    %sub3A_1014 = arith.subf %slice3A_1012, %mul3A_1013 : vector<1024x128xf32>
    %sub3A_1015 = arith.subf %reshape3A_1003, %slice3A_1011 : vector<1024x128xf32>
    %add3A_1016 = arith.constant 9.99999974E-6 : f32
    %add3A_1017 = vector.broadcast %add3A_1016 : f32 to vector<1024x128xf32>
    %add3A_1018 = arith.addf %sub3A_1014, %add3A_1017 : vector<1024x128xf32>
    %sqrt3A_1019 = math.sqrt %add3A_1018 : vector<1024x128xf32>
    %div3A_1020 = arith.divf %sub3A_1015, %sqrt3A_1019 : vector<1024x128xf32>
    %mul3A_1021 = vector.broadcast %reshape3A_153 : vector<1x128xf32> to vector<1024x128xf32>
    %mul3A_1022 = arith.mulf %div3A_1020, %mul3A_1021 : vector<1024x128xf32>
    %add3A_1023 = vector.broadcast %reshape3A_156 : vector<1x128xf32> to vector<1024x128xf32>
    %add3A_1024 = arith.addf %mul3A_1022, %add3A_1023 : vector<1024x128xf32>
    %mul3A_1025 = vector.broadcast %get3A_160 : f32 to vector<1024x128xf32>
    %mul3A_1026 = arith.mulf %add3A_1024, %mul3A_1025 : vector<1024x128xf32>
    %reshape3A_1027 = vector.shape_cast %mul3A_1026 : vector<1024x128xf32> to vector<64x16x128xf32>
    %swap3A_1028 = arith.constant 448 : index
    %swap3A_1029 = arith.constant 0 : index
    %swap3A_1030 = arith.constant 0 : index
    %swap3A_1031 = vector.load %arg22[%swap3A_1028, %swap3A_1029, %swap3A_1030] : memref<512x16x128xf32, #tpu.memory_space<vmem>>, vector<64x16x128xf32>
    tpu.vector_store %arg22[%swap3A_1028, %swap3A_1029, %swap3A_1030], %reshape3A_1027 {strides = array<i32>} : memref<512x16x128xf32, #tpu.memory_space<vmem>>, vector<64x16x128xf32>,
    return
  }
}

</mosaic_0001>

<sc_bundles>
// kernel: kernel.5.cloned.1.call-start
scs
__scs_entry_jumppad:
0x0: {  	(pc) =	sbr.rel $0x88, $3  }
0x1: {  	(tag) =	ssettag $0x0;
	lr =	simm.s32 $0x1  }
0x2: {  	[smem:$0x3F8A] =	sst lr;
	_ =	strace $0xD0000000  }
0x3: {  	_ = 	snop  }
0x4: {  	_ = 	snop  }
0x5: {  	_ = 	snop  }
0x6: {  	_ = 	snop  }
0x7: {  	_ = 	snop  }
__scs_overlays_trampoline_lowered:
0x8: {  	[smem:$0x3F99] =	sst s0  }
0x9: {  	[smem:$0x3F9A] =	sst s1  }
0xa: {  	[smem:$0x3F9B] =	sst s2  }
0xb: {  	[smem:$0x3F9C] =	sst s3  }
0xc: {  	[smem:$0x3F9D] =	sst s4  }
0xd: {  	[smem:$0x3F9E] =	sst s5  }
0xe: {  	[smem:$0x3F9F] =	sst s6  }
0xf: {  	[smem:$0x3FA0] =	sst s7  }
0x10: {  	[smem:$0x3FA1] =	sst s8  }
0x11: {  	[smem:$0x3FA2] =	sst s9;
	s0 =	simm.s32 @!p0 $0x0  }
0x12: {  	s1 =	sld [smem:$0x3F88];
	s0 =	simm.s32 @p0 $0x1  }
0x13: {  	[smem:$0x3FA3] =	sst s0;
	s0 =	simm.s32 @!p1 $0x0  }
0x14: {  	s2 =	sld [smem:$0x3F87];
	s0 =	simm.s32 @p1 $0x1  }
0x15: {  	[smem:$0x3FA4] =	sst s0;
	s0 =	simm.s32 @!p2 $0x0  }
0x16: {  	s3 =	sld [smem:$0x3FDB];
	s0 =	simm.s32 @p2 $0x1  }
0x17: {  	s4 =	simm.s32 $0x1BF5;
	[smem:$0x3FA6] =	sst s0  }
0x18: {  	s0 =	sld [smem:$0x3F89];
	_ =	swait.ge [sflag:s4], $0x0  }
0x19: {  	s7 =	sld [smem:$0x3F8A]  }
0x1a: {  	s8 =	sadd.s32 $0xFFFFE003, lr  }
0x1b: {  	s9 =	sadd.s32 $0xFFFFFEF7, lr;
	s5 =	simm.s32 $0xFFFFFFFF;
	p2 =	slt.u32 s8, $0xFFFFF086  }
0x1c: {  	p1 =	slt.u32 s9, $0xF7A;
	s5 =	simm.s32 @!p2 $0x0  }
0x1d: {  	s5 =	simm.s32 @p1 $0x1;
	p0 =	seq.s32 s7, s2  }
0x1e: {  	s7 =	smul.u32 @!p0 $0xF7A, s2;
	p2 =	seq.s32 @!p0 s5, $0x0  }
0x1f: {  	s9 =	smul.u32 $0xF7A, s1;
	s8 =	simm.s32 @!p0 $0x1BF5;
	p2 =	por !p2, p0  }
0x20: {  	[sflag:s8] =	ssyncset.s32 @!p0 $0xFFFFF086;
	s6 =	sadd.s32 @!p0 s3, s7;
	s7 =	simm.s32 @!p0 $0x108  }
0x21: {  	s3 =	sadd.s32 s3, s9;
	s6 =	sadd.s32 @!p0 $0x88, s6;
	s7 =	simm.s32 @p2 $0x1082  }
0x22: {  	[simem:s7], [sflag:s8] =	dma.local @!p0 [hbm:s6], $0xF7A  }
0x23: {  	s9 =	sor.u32 $0xD0000000, s2;
	s6 =	simm.s32 $0x108;
	_ =	swait.ge @!p0 [sflag:s8], $0x0  }
0x24: {  	s3 =	sadd.s32 $0x88, s3;
	s6 =	simm.s32 @!p1 $0x1082;
	[sflag:s4] =	ssyncset.s32 $0xFFFFF086  }
0x25: {  	[simem:s6], [sflag:s4] =	dma.local [hbm:s3], $0xF7A  }
0x26: {  	[smem:$0x3F8A] =	sst s1;
	(tag) =	ssettag s2;
	_ =	strace s9  }
0x27: {  	s1 =	sld [smem:$0x3F9A]  }
0x28: {  	s2 =	sld [smem:$0x3F9B]  }
0x29: {  	s4 =	sld [smem:$0x3F9D]  }
0x2a: {  	p0 =	seq.s32 s5, $0x0;
	s5 =	sld [smem:$0x3F9E]  }
0x2b: {  	s6 =	sld [smem:$0x3F9F]  }
0x2c: {  	s7 =	sld [smem:$0x3FA0]  }
0x2d: {  	s3 =	simm.s32 $0x108;
	s8 =	sld [smem:$0x3FA1]  }
0x2e: {  	s3 =	simm.s32 @!p0 $0x1082;
	s9 =	sld [smem:$0x3FA2]  }
0x2f: {  	lr =	sadd.s32 s0, s3;
	s0 =	sld [smem:$0x3F99]  }
0x30: {  	s3 =	sld [smem:$0x3F9C]  }
0x31: {  	[smem:$0x3FA5] =	sst s10  }
0x32: {  	s10 =	sld [smem:$0x3FA3];
	_ =	sdelay $0x3  }
0x33: {  	p0 =	seq.s32 s10, $0x1;
	s10 =	sld [smem:$0x3FA5];
	_ =	sdelay $0x3  }
0x34: {  	[smem:$0x3FA5] =	sst s10  }
0x35: {  	s10 =	sld [smem:$0x3FA4];
	_ =	sdelay $0x3  }
0x36: {  	p1 =	seq.s32 s10, $0x1;
	s10 =	sld [smem:$0x3FA5];
	_ =	sdelay $0x3  }
0x37: {  	[smem:$0x3FA5] =	sst s10  }
0x38: {  	s10 =	sld [smem:$0x3FA6]  }
0x39: {  	_ = 	snop;
	(pc) =	sbr.ind lr, $3  }
0x3a: {  	_ = 	snop  }
0x3b: {  	_ = 	snop  }
0x3c: {  	p2 =	seq.s32 s10, $0x1;
	s10 =	sld [smem:$0x3FA5]  }
0x3d: {  	_ =	shalt  }
0x3e: {  	_ =	shalt  }
0x3f: {  	_ =	shalt  }
0x40: {  	_ =	shalt  }
0x41: {  	_ =	shalt  }
0x42: {  	_ =	shalt  }
0x43: {  	_ =	shalt  }
0x44: {  	_ =	shalt  }
0x45: {  	_ =	shalt  }
0x46: {  	_ =	shalt  }
0x47: {  	_ =	shalt  }
0x48: {  	_ =	shalt  }
0x49: {  	_ =	shalt  }
0x4a: {  	_ =	shalt  }
0x4b: {  	_ =	shalt  }
0x4c: {  	_ =	shalt  }
0x4d: {  	_ =	shalt  }
0x4e: {  	_ =	shalt  }
0x4f: {  	_ =	shalt  }
0x50: {  	_ =	shalt  }
0x51: {  	_ =	shalt  }
0x52: {  	_ =	shalt  }
0x53: {  	_ =	shalt  }
0x54: {  	_ =	shalt  }
0x55: {  	_ =	shalt  }
0x56: {  	_ =	shalt  }
0x57: {  	_ =	shalt  }
0x58: {  	_ =	shalt  }
0x59: {  	_ =	shalt  }
0x5a: {  	_ =	shalt  }
0x5b: {  	_ =	shalt  }
0x5c: {  	_ =	shalt  }
0x5d: {  	_ =	shalt  }
0x5e: {  	_ =	shalt  }
0x5f: {  	_ =	shalt  }
0x60: {  	_ =	shalt  }
0x61: {  	_ =	shalt  }
0x62: {  	_ =	shalt  }
0x63: {  	_ =	shalt  }
0x64: {  	_ =	shalt  }
0x65: {  	_ =	shalt  }
0x66: {  	_ =	shalt  }
0x67: {  	_ =	shalt  }
0x68: {  	_ =	shalt  }
0x69: {  	_ =	shalt  }
0x6a: {  	_ =	shalt  }
0x6b: {  	_ =	shalt  }
0x6c: {  	_ =	shalt  }
0x6d: {  	_ =	shalt  }
0x6e: {  	_ =	shalt  }
0x6f: {  	_ =	shalt  }
0x70: {  	_ =	shalt  }
0x71: {  	_ =	shalt  }
0x72: {  	_ =	shalt  }
0x73: {  	_ =	shalt  }
0x74: {  	_ =	shalt  }
0x75: {  	_ =	shalt  }
0x76: {  	_ =	shalt  }
0x77: {  	_ =	shalt  }
0x78: {  	_ =	shalt  }
0x79: {  	_ =	shalt  }
0x7a: {  	_ =	shalt  }
0x7b: {  	_ =	shalt  }
0x7c: {  	_ =	shalt  }
0x7d: {  	_ =	shalt  }
0x7e: {  	_ =	shalt  }
0x7f: {  	_ =	shalt  }
0x80: {  	_ =	shalt  }
0x81: {  	_ =	shalt  }
0x82: {  	_ =	shalt  }
0x83: {  	_ =	shalt  }
0x84: {  	_ =	shalt  }
0x85: {  	_ =	shalt  }
0x86: {  	_ =	shalt  }
0x87: {  	_ =	shalt  }
.Lfunc_end0:
.L_simem_size_0:
called_computation_lowered:
.L_overlay_start_0:
0x88: {  	s2 =	sld [smem:$0x3FD9]  }
0x89: {  	s3 =	sld [smem:$0x3FFE];
	_ =	sdelay $0x1  }
0x8a: {  	s1 =	srdreg.scid  }
0x8b: {  	s0 =	sand.u32 $0x1, s1  }
0x8c: {  	s14 =	sshll.u32 s0, $0xA;
	s2 =	sadd.s32 s3, s2  }
0x8d: {  	s2 =	sadd.s32 s2, s14  }
0x8e: {  	[smem:$0x3FB1] =	sst s2  }
0x8f: {  	_ = 	snop  }
0x90: {  	s2 =	sld [smem:$0x3FD0];
	_ =	sdelay $0x2  }
0x91: {  	s4 =	simm.s32 $0xA;
	s5 =	simm.s32 $0x10;
	s15 =	sld [smem:$0x3FC5]  }
0x92: {  	[smem:s5], [sflag:s4] =	dma.local [hbm:s2], $0x1  }
0x93: {  	_ =	swait.eq [sflag:s4], $0x1  }
0x94: {  	[sflag:s4] =	ssyncset.done $0x0  }
0x95: {  	[sflag:s4] =	ssyncadd.s32 $0xFFFFFFFF  }
0x96: {  	s16 =	sld [smem:$0x10];
	(tm) =	ssettm $0x1  }
0x97: {  	s17 =	sld [smem:$0x3FFB];
	_ =	sdelay $0x3  }
0x98: {  	_ =	strace s17  }
0x99: {  	s4 =	sld [smem:$0x3FFC];
	_ =	sdelay $0x3  }
0x9a: {  	_ =	strace s4  }
0x9b: {  	s4 =	sld [smem:$0x3FFD];
	_ =	sdelay $0x3  }
0x9c: {  	_ =	strace s4  }
0x9d: {  	_ =	strace $0x8FFFFFFF  }
0x9e: {  	s18 =	sld [smem:$0x3FDB];
	_ =	sdelay $0x1  }
0x9f: {  	s19 =	simm.s32 $_scs_section_size  }
0xa0: {  	s6 =	simm.s32 $_size__tile_overlayer_lowered;
	s7 =	simm.s32 $_tile_overlayer_lowered  }
0xa1: {  	s22 =	simm.s32 $0x1BFF;
	s21 =	sshll.u32 s7, $0x1;
	s4 =	sadd.s32 s19, s18  }
0xa2: {  	s8 =	simm.s32 $0x0;
	s20 =	sshll.u32 s6, $0x1;
	s6 =	sadd.s32 s21, s4  }
0xa3: {  	[timem:s8], [sflag:s22] =	dma.local [hbm:s6], s20  }
0xa4: {  	_ =	swait.ge [sflag:s22], s20  }
0xa5: {  	s5 =	ssub.s32 $0x0, s20;
	[sflag:s22] =	ssyncset.done $0x0  }
0xa6: {  	[sflag:s22] =	ssyncadd.s32 s5;
	_ =	sdelay $0x1  }
0xa7: {  	s23 =	simm.s32 $0x1B8B  }
0xa8: {  	_ =	swait.ge [sflag:s23], $0x1  }
0xa9: {  	[sflag:s23] =	ssyncset.done $0x0  }
0xaa: {  	s25 =	simm.s32 $0x1B8E;
	s24 =	sld [smem:$0x3FFE];
	[sflag:s23] =	ssyncadd.s32 $0xFFFFFFFF  }
0xab: {  	s26 =	simm.s32 $execute0_lowered;
	[smem:$0x3FD2] =	sst s25  }
0xac: {  	s6 =	sshll.u32 s26, $0x1;
	_ =	strace $0x80000046;
	[dreg:$0x1] =	wrdreg $0xFFFFFFFF  }
0xad: {  	s28 =	simm.s32 $_size_execute0_lowered;
	s4 =	sadd.s32 s4, s6;
	[dreg:$0x0] =	wrdreg $0x0  }
0xae: {  	s6 =	sshll.u32 s28, $0x1;
	[dreg:$0x2] =	wrdreg s4  }
0xaf: {  	[dreg:$0x3] =	wrdreg s6  }
0xb0: {  	[dreg:$0x4] =	wrdreg $0xC0  }
0xb1: {  	_ =	task [dreg:s8], $0x5FFFF  }
0xb2: {  	[dreg:$0x1] =	wrdreg $0xFFFFFFFF  }
0xb3: {  	[dreg:$0x0] =	wrdreg $0x60  }
0xb4: {  	[dreg:$0x2] =	wrdreg s15  }
0xb5: {  	[dreg:$0x3] =	wrdreg s24  }
0xb6: {  	[dreg:$0x4] =	wrdreg s16  }
0xb7: {  	[dreg:$0x5] =	wrdreg $0x9  }
0xb8: {  	_ =	task.clear_ibuf [dreg:s8], $0x6FFFF;
	_ =	strace $0x90000046  }
0xb9: {  	s29 =	simm.s32 $0x9;
	_ =	strace $0x80000048  }
0xba: {  	_ =	swait.ge [sflag:s29], $0x1  }
0xbb: {  	[sflag:s29] =	ssyncadd.s32 $0xFFFFFFFF  }
0xbc: {  	_ =	strace $0x90000048  }
0xbd: {  	_ =	sfence  }
0xbe: {  	s30 =	sld [smem:$0x0];
	_ =	sdelay $0x2  }
0xbf: {  	s31 =	sshll.u32 s1, $0xD;
	s1 =	sshrl.u32 s1, $0x2  }
0xc0: {  	s3 =	sand.u32 $0x4000, s31;
	s1 =	sadd.s32 s1, s30  }
0xc1: {  	s0 =	sor.u32 s3, s0;
	s1 =	sshll.u32 s1, $0x11  }
0xc2: {  	s0 =	sor.u32 s1, s0  }
0xc3: {  	s0 =	sadd.s32 $0x8F2B, s0  }
0xc4: {  	[sflag:s0] =	ssyncadd.remote.s32 $0x1  }
0xc5: {  	_ =	sfence.sel $0xFFFF  }
0xc6: {  	[dreg:$0x0] =	wrdreg $0xFFFFFFFF;
	(pc) =	sbr.abs _section_cstart, $3  }
0xc7: {  	[dreg:$0x1] =	wrdreg $0xFFFFFFFF  }
0xc8: {  	_ =	task.clear_ibuf [dreg:s8], $0x2FFFF;
	_ =	strace $0x9FFFFFFF  }
0xc9: {  	(tm) =	ssettm $0x7FFFFFFF  }
tec
execute0_lowered:
.L_overlay_start_1:
0x0: {  	(tag) =	ssettag $0x1  }
0x1: {  	s2 =	srdreg.scid  }
0x2: {  	s1 =	rddreg [dreg:$0x0];
	s0 =	stileid.u32;
	s6 =	sand.u32 $0x1, s2  }
0x3: {  	s4 =	rddreg [dreg:$0x1];
	s30 =	sshll.u32 s0, $0x8;
	s3 =	sshll.u32 s6, $0x7  }
0x4: {  	s8 =	rddreg [dreg:$0x2];
	s9 =	sor.u32 s3, s30  }
0x5: {  	s2 =	rddreg [dreg:$0x3];
	s3 =	simm.s32 $0x0;
	s5 =	sshrl.u32 s9, $0x3  }
0x6: {  	s10 =	ssub.s32 $0x2, s6;
	[smem:$0x7FF] =	sst s3;
	s4 =	sadd.s32 s5, s4  }
0x7: {  	_ =	strace $0x80000047;
	s5 =	sadd.s32 $0x3400, s4;
	s4 =	simm.s32 $0x2  }
0x8: {  	[tilespmem:s3], [sflag:$0x2] =	stream.linear.gather [hbm4b:s5+s3], $0x80, $0x38;
	[tilespmem:$0x4080] =	vst v63  }
0x9: {  	s11 =	sshrl.u32 s10, $0x1;
	_ =	swait.ge [sflag:s4], $0x80  }
0xa: {  	s7 =	simm.s32 $0x1;
	s10 =	ssub.s32 s10, s11;
	[sflag:s4] =	ssyncset.done $0x0  }
0xb: {  	s6 =	simm.s32 $0x80;
	s31 =	smax.u32 s10, $0x1;
	[sflag:s4] =	ssyncadd.s32 $0xFFFFFF80  }
0xc: {  	[tilespmem:s6], [sflag:$0x1] =	stream.indirect.gather [hbm4b:s1+s6], $0x80, s3, s6, $0xb8;
	[tilespmem:$0x4080] =	vst v63  }
0xd: {  	p0 =	sne.s32 s31, $0x1;
	_ =	swait.ge [sflag:s7], $0x4000  }
.Ltmp0:
0xe: {  	s9 =	sshll.u32 s9, $0x4;
	[sflag:s7] =	ssyncset.done $0x0;
	(pc) =	sbr.rel @!p0 .LBB2_2-.Ltmp0, $4  }
0xf: {  	s8 =	sadd.s32 s8, s9;
	[sflag:s7] =	ssyncadd.s32 $0xFFFFC000  }
0x10: {  	[hbm4b:s8+s3] =	stream.linear.scatter [tilespmem:s6], [sflag:$0x2], $0x4000, $0x38;
	[tilespmem:$0x4080] =	vst v63  }
0x11: {  	_ =	swait.ge [sflag:s4], $0x4000  }
0x12: {  	s9 =	sadd.s32 $0xFFFFFFFF, s31;
	[sflag:s4] =	ssyncset.done $0x0  }
.LBB2_1:
0x13: {  	p0 =	sne.s32 s9, $0x1;
	s9 =	sadd.s32 $0xFFFFFFFF, s9;
	[sflag:s4] =	ssyncadd.s32 $0xFFFFC000  }
0x14: {  	[tilespmem:s3], [sflag:$0x2] =	stream.linear.gather [hbm4b:s5+s3], $0x80, $0x38;
	[tilespmem:$0x4080] =	vst v63  }
0x15: {  	_ =	swait.ge [sflag:s4], $0x80  }
0x16: {  	[sflag:s4] =	ssyncset.done $0x0  }
0x17: {  	[sflag:s4] =	ssyncadd.s32 $0xFFFFFF80  }
0x18: {  	[tilespmem:s6], [sflag:$0x1] =	stream.indirect.gather [hbm4b:s1+s6], $0x80, s3, s6, $0xb8;
	[tilespmem:$0x4080] =	vst v63  }
0x19: {  	_ =	swait.ge [sflag:s7], $0x4000  }
.Ltmp1:
0x1a: {  	[sflag:s7] =	ssyncset.done $0x0;
	(pc) =	sbr.rel @p0 .LBB2_1-.Ltmp1, $4  }
0x1b: {  	[sflag:s7] =	ssyncadd.s32 $0xFFFFC000  }
0x1c: {  	[hbm4b:s8+s3] =	stream.linear.scatter [tilespmem:s6], [sflag:$0x2], $0x4000, $0x38;
	[tilespmem:$0x4080] =	vst v63  }
0x1d: {  	_ =	swait.ge [sflag:s4], $0x4000  }
0x1e: {  	[sflag:s4] =	ssyncset.done $0x0  }
.LBB2_2:
0x1f: {  	[sflag:s4] =	ssyncadd.s32 $0xFFFFC000  }
0x20: {  	_ =	sfence.sel $0x180000  }
0x21: {  	[bflag:$0x0] =	sbarrier.arrive $0xFFFF  }
0x22: {  	p0 =	sne.s32 s0, $0x0;
	_ =	strace $0x90000047  }
0x23: {  	s0 =	sadd.s32 @!p0 $0x100000, s2;
	[bflag:$0x2] =	sbarrier.arrive $0xFFFF  }
0x24: {  	[sflag:s0] =	ssyncadd.tile.s32 @!p0 $0x1;
	_ =	shalt  }
.Lfunc_end2:
_tile_overlayer_lowered:
.L_overlay_start_2:
0x25: {  	(tag) =	ssettag $0x2  }
0x26: {  	s0 =	rddreg [dreg:$0x0];
	s2 =	stileid.u32  }
0x27: {  	s1 =	rddreg [dreg:$0x1];
	p0 =	sne.s32 s2, $0x0  }
0x28: {  	s3 =	rddreg [dreg:$0x2];
	[bflag:$0x3] =	sbarrier.arrive $0xFFFF;
	s2 =	simm.s32 @!p0 $0x1C02  }
0x29: {  	[timem:s3], [sflag:s2] =	dma.local @!p0 [hbm:s0], s1  }
0x2a: {  	s0 =	simm.s32 @!p0 $0x2  }
0x2b: {  	_ =	swait.ge @!p0 [sflag:s0], s1  }
0x2c: {  	s1 =	ssub.s32 @!p0 $0x0, s1;
	[sflag:s0] =	ssyncset.done @!p0 $0x0  }
0x2d: {  	[sflag:s0] =	ssyncadd.s32 @!p0 s1  }
0x2e: {  	[bflag:$0x3] =	sbarrier.arrive $0xFFFF  }
0x2f: {  	_ =	shalt  }

</sc_bundles>
